<compile_context>
chip_gen: v7x
topology: tpu7x:2x2x1
jax: 0.10.2.dev20260603
libtpu: 0.0.44.dev20260713+nightly
codegen_flags: <defaults>
</compile_context>

<pallas_src>
import functools

import jax
import jax.numpy as jnp
from jax import lax
from jax.experimental import pallas as pl
from jax.experimental.pallas import tpu as pltpu
from jax.experimental.pallas import tpu_sc as plsc

N = 10000
E = 160000
NUM_NBR = 16
AF = 64
NF = 64
H = 128
NG = 256
EPS = 1e-5
F32 = jnp.float32

_NC = 2
_NS = 16
_NW = _NC * _NS
_CH = 128
E_PAD = 163840
_PT = E_PAD // _NW
_CHUNKS = _PT // _CH
_G = 4
_GR = _G * _CH
_NGRP = _CHUNKS // _G

_BE = 6400
_NBLK = E // _BE
_BN = _BE // NUM_NBR
_BD = 2000
_NDBLK = N // _BD


def _softplus(v):
  return jnp.maximum(v, 0.0) + jnp.log(1.0 + jnp.exp(-jnp.abs(v)))



def _sc_gather2(table, idx2d_a, idx2d_b):
  mesh = plsc.VectorSubcoreMesh(core_axis_name="c", subcore_axis_name="s")
  out_t = jax.ShapeDtypeStruct((E_PAD, 128), F32)

  @functools.partial(
      pl.kernel, mesh=mesh,
      out_type=out_t,
      compiler_params=pltpu.CompilerParams(use_tc_tiling_on_sc=False),
      scratch_types=[
          pltpu.VMEM((_CHUNKS, _CH), jnp.int32),
          pltpu.VMEM((_CHUNKS, _CH), jnp.int32),
          pltpu.VMEM((_GR, 64), F32),
          pltpu.VMEM((_GR, 64), F32),
          pltpu.VMEM_SHARED((N, 64), F32),
          pltpu.SemaphoreType.DMA,
          pltpu.SemaphoreType.DMA,
          pltpu.SemaphoreType.DMA,
          pltpu.SemaphoreType.DMA,
      ],
  )
  def k(hbm_tab, ia, ib, opair, ia_v, ib_v, buf0, buf1, tab, gs0, gs1, ss0, ss1):
    sid = lax.axis_index("s")
    wid = sid * _NC + lax.axis_index("c")
    rows_per = N // _NS
    pltpu.sync_copy(hbm_tab.at[pl.ds(sid * rows_per, rows_per)],
                    tab.at[pl.ds(sid * rows_per, rows_per)])
    pltpu.sync_copy(ia.at[pl.ds(wid * _CHUNKS, _CHUNKS)], ia_v)
    pltpu.sync_copy(ib.at[pl.ds(wid * _CHUNKS, _CHUNKS)], ib_v)
    plsc.subcore_barrier()
    base = wid * _PT
    bufs = (buf0, buf1)
    gsems = (gs0, gs1)
    ssems = (ss0, ss1)

    def run_stream(iv, col0):
      for g in range(2):
        for j in range(_G):
          pltpu.async_copy(tab.at[iv.at[g * _G + j]],
                           bufs[g].at[pl.ds(j * _CH, _CH)], gsems[g])

      def body(go, carry):
        for p in range(2):
          g = go * 2 + p
          buf, gsem, ssem = bufs[p], gsems[p], ssems[p]
          pltpu.make_async_copy(opair.at[pl.ds(0, _GR), pl.ds(0, 64)],
                                buf, gsem).wait()
          dst = opair.at[pl.ds(base + g * _GR, _GR), pl.ds(col0, 64)]
          pltpu.async_copy(buf, dst, ssem)
          pltpu.make_async_copy(buf, dst, ssem).wait()

          @pl.when(g + 2 < _NGRP)
          def _(iv=iv, buf=buf, gsem=gsem, g=g):
            for j in range(_G):
              pltpu.async_copy(tab.at[iv.at[(g + 2) * _G + j]],
                               buf.at[pl.ds(j * _CH, _CH)], gsem)
        return carry

      lax.fori_loop(0, _NGRP // 2, body, 0)

    run_stream(ia_v, 0)
    run_stream(ib_v, 64)

  return k(table, idx2d_a, idx2d_b)



def _embed_h0(x2d, atab_pad):
  def body(x_r, t_r, o_r):
    oh = (x_r[...] == lax.broadcasted_iota(jnp.int32, (_BD, 128), 1)).astype(F32)
    o_r[...] = jnp.dot(oh, t_r[...], preferred_element_type=F32)

  return pl.pallas_call(
      body,
      grid=(_NDBLK,),
      in_specs=[
          pl.BlockSpec((_BD, 1), lambda i: (i, 0)),
          pl.BlockSpec((128, 64), lambda i: (0, 0)),
      ],
      out_specs=pl.BlockSpec((_BD, 64), lambda i: (i, 0)),
      out_shape=jax.ShapeDtypeStruct((N, 64), F32),
  )(x2d, atab_pad)


def _embed_ew(ea2d, btab_pad):
  def body(e_r, t_r, o_r):
    oh = (e_r[...] == lax.broadcasted_iota(jnp.int32, (_BE, 64), 1)).astype(F32)
    o_r[...] = jnp.dot(oh, t_r[...], preferred_element_type=F32)

  return pl.pallas_call(
      body,
      grid=(_NBLK,),
      in_specs=[
          pl.BlockSpec((_BE, 1), lambda i: (i, 0)),
          pl.BlockSpec((64, 64), lambda i: (0, 0)),
      ],
      out_specs=pl.BlockSpec((_BE, 64), lambda i: (i, 0)),
      out_shape=jax.ShapeDtypeStruct((E, 64), F32),
  )(ea2d, btab_pad)


def _zmm(pair_r, ew_r, wni_r, we_r):
  return (jnp.dot(pair_r[...], wni_r[...], preferred_element_type=F32)
          + jnp.dot(ew_r[...], we_r[...], preferred_element_type=F32))


def _edge_specs():
  return [
      pl.BlockSpec((_BE, 128), lambda i: (i, 0)),
      pl.BlockSpec((_BE, 64), lambda i: (i, 0)),
      pl.BlockSpec((128, 192), lambda i: (0, 0)),
      pl.BlockSpec((64, 192), lambda i: (0, 0)),
  ]


def _pass1(pair, ew, Wni, We):
  def body(pair_r, ew_r, wni_r, we_r, out_r, acc):
    i = pl.program_id(0)
    z = _zmm(pair_r, ew_r, wni_r, we_r)

    @pl.when(i == 0)
    def _():
      acc[...] = jnp.zeros_like(acc)

    for row, val in ((0, jnp.sum(z, axis=0, keepdims=True)),
                     (1, jnp.sum(z * z, axis=0, keepdims=True))):
      comp = row + 2
      y = val - acc[comp:comp + 1, :]
      t = acc[row:row + 1, :] + y
      acc[comp:comp + 1, :] = (t - acc[row:row + 1, :]) - y
      acc[row:row + 1, :] = t

    @pl.when(i == _NBLK - 1)
    def _():
      out_r[...] = acc[...]

  return pl.pallas_call(
      body,
      grid=(_NBLK,),
      in_specs=_edge_specs(),
      out_specs=pl.BlockSpec((8, 192), lambda i: (0, 0)),
      out_shape=jax.ShapeDtypeStruct((8, 192), F32),
      scratch_shapes=[pltpu.VMEM((8, 192), F32)],
  )(pair, ew, Wni, We)


def _pass2(pair, ew, Wni, We, stats, gcat, bcat):
  def body(pair_r, ew_r, wni_r, we_r, st_r, g_r, b_r, ns_r, ew2_r):
    z = _zmm(pair_r, ew_r, wni_r, we_r)
    mean = st_r[0:1, :] * (1.0 / E)
    msq = st_r[1:2, :] * (1.0 / E)
    var = msq - mean * mean
    scale = g_r[...] * lax.rsqrt(var + EPS)
    shift = b_r[...] - mean * scale
    zn = z * scale + shift
    gate = 1.0 / (1.0 + jnp.exp(-zn[:, 0:64]))
    core = _softplus(zn[:, 64:128])
    pr = gate * core
    ns_r[...] = jnp.sum(pr.reshape(_BN, NUM_NBR, 64), axis=1)
    ew2_r[...] = _softplus(ew_r[...] + zn[:, 128:192])

  return pl.pallas_call(
      body,
      grid=(_NBLK,),
      in_specs=_edge_specs() + [
          pl.BlockSpec((8, 192), lambda i: (0, 0)),
          pl.BlockSpec((1, 192), lambda i: (0, 0)),
          pl.BlockSpec((1, 192), lambda i: (0, 0)),
      ],
      out_specs=[
          pl.BlockSpec((_BN, 64), lambda i: (i, 0)),
          pl.BlockSpec((_BE, 64), lambda i: (i, 0)),
      ],
      out_shape=[
          jax.ShapeDtypeStruct((N, 64), F32),
          jax.ShapeDtypeStruct((E, 64), F32),
      ],
  )(pair, ew, Wni, We, stats, gcat, bcat)


def _node_update(h, ns, g4, be4):
  def body(h_r, ns_r, g_r, b_r, o_r):
    ns = ns_r[...]
    m = jnp.mean(ns, axis=0, keepdims=True)
    v = jnp.mean(ns * ns, axis=0, keepdims=True) - m * m
    bn = (ns - m) * (g_r[...] * lax.rsqrt(v + EPS)) + b_r[...]
    o_r[...] = _softplus(h_r[...] + bn)

  return pl.pallas_call(
      body,
      grid=(1,),
      in_specs=[
          pl.BlockSpec((N, 64), lambda i: (0, 0)),
          pl.BlockSpec((N, 64), lambda i: (0, 0)),
          pl.BlockSpec((1, 64), lambda i: (0, 0)),
          pl.BlockSpec((1, 64), lambda i: (0, 0)),
      ],
      out_specs=pl.BlockSpec((N, 64), lambda i: (0, 0)),
      out_shape=jax.ShapeDtypeStruct((N, 64), F32),
  )(h, ns, g4, be4)


def _head(h0, h1, h2, h3, batT, W1a, W1b, W1c, W1d, b1, W2, b2, Wout, bout):
  def body(h0_r, h1_r, h2_r, h3_r, bt_r, wa, wb, wc, wd, b1_r, w2_r, b2_r,
           wo_r, bo_r, out_r, pool, cnt):
    i = pl.program_id(0)
    z = _softplus(jnp.dot(h0_r[...], wa[...], preferred_element_type=F32)
                  + jnp.dot(h1_r[...], wb[...], preferred_element_type=F32)
                  + jnp.dot(h2_r[...], wc[...], preferred_element_type=F32)
                  + jnp.dot(h3_r[...], wd[...], preferred_element_type=F32)
                  + b1_r[...])
    oh = (bt_r[...] == lax.broadcasted_iota(jnp.int32, (_BD, NG), 1)).astype(F32)

    @pl.when(i == 0)
    def _():
      pool[...] = jnp.zeros_like(pool)
      cnt[...] = jnp.zeros_like(cnt)

    dn = (((0,), (0,)), ((), ()))
    pool[...] += lax.dot_general(oh, z, dn, preferred_element_type=F32)
    cnt[...] += lax.dot_general(oh, jnp.ones((_BD, 1), F32), dn,
                                preferred_element_type=F32)

    @pl.when(i == _NDBLK - 1)
    def _():
      pooled = pool[...] / jnp.maximum(cnt[...], 1.0)
      z2 = _softplus(jnp.dot(pooled, w2_r[...], preferred_element_type=F32)
                     + b2_r[...])
      out_r[...] = jnp.dot(z2, wo_r[...], preferred_element_type=F32) + bo_r[...]

  node_spec = pl.BlockSpec((_BD, 64), lambda i: (i, 0))
  return pl.pallas_call(
      body,
      grid=(_NDBLK,),
      in_specs=[
          node_spec, node_spec, node_spec, node_spec,
          pl.BlockSpec((_BD, 1), lambda i: (i, 0)),
          pl.BlockSpec((64, H), lambda i: (0, 0)),
          pl.BlockSpec((64, H), lambda i: (0, 0)),
          pl.BlockSpec((64, H), lambda i: (0, 0)),
          pl.BlockSpec((64, H), lambda i: (0, 0)),
          pl.BlockSpec((1, H), lambda i: (0, 0)),
          pl.BlockSpec((H, H), lambda i: (0, 0)),
          pl.BlockSpec((1, H), lambda i: (0, 0)),
          pl.BlockSpec((H, 1), lambda i: (0, 0)),
          pl.BlockSpec((1, 1), lambda i: (0, 0)),
      ],
      out_specs=pl.BlockSpec((NG, 1), lambda i: (0, 0)),
      out_shape=jax.ShapeDtypeStruct((NG, 1), F32),
      scratch_shapes=[pltpu.VMEM((NG, H), F32), pltpu.VMEM((NG, 1), F32)],
  )(h0, h1, h2, h3, batT, W1a, W1b, W1c, W1d, b1, W2, b2, Wout, bout)



def kernel(x, edge_index, edge_attr, y, batch, atom_table, bond_table,
           Wc, bc, Wf, bf, Wb, bb, g1, be1, g2, be2, g3, be3, g4, be4,
           W1, b1, W2, b2, Wout, bout):
  del y, bc, bf, bb
  x2d = x.astype(jnp.int32).reshape(N, 1)
  ei = edge_index.astype(jnp.int32)
  ea = edge_attr.astype(jnp.int32)
  pad = E_PAD - E
  idx0 = jnp.pad(ei[0], (0, pad)).reshape(E_PAD // _CH, _CH)
  idx1 = jnp.pad(ei[1], (0, pad)).reshape(E_PAD // _CH, _CH)
  atab = jnp.pad(atom_table.astype(F32), ((0, 128 - atom_table.shape[0]), (0, 0)))
  btab = jnp.pad(bond_table.astype(F32), ((0, 64 - bond_table.shape[0]), (0, 0)))

  h = _embed_h0(x2d, atab)
  ew = _embed_ew(ea.reshape(E, 1), btab)

  hs = [h]
  for i in range(3):
    Wni = jnp.concatenate([Wc[i, 0:128], Wf[i, 0:128], Wb[i, 0:128]], axis=1)
    We_ = jnp.concatenate([Wc[i, 128:192], Wf[i, 128:192], Wb[i, 128:192]], axis=1)
    gcat = jnp.concatenate([g1[i], g2[i], g3[i]]).reshape(1, 192)
    bcat = jnp.concatenate([be1[i], be2[i], be3[i]]).reshape(1, 192)

    pair = _sc_gather2(h, idx1, idx0)
    stats = _pass1(pair, ew, Wni, We_)
    ns, ew = _pass2(pair, ew, Wni, We_, stats, gcat, bcat)
    h = _node_update(h, ns, g4[i].reshape(1, 64), be4[i].reshape(1, 64))
    hs.append(h)

  batT = batch.astype(jnp.int32).reshape(N, 1)
  out = _head(hs[0], hs[1], hs[2], hs[3], batT,
              W1[0:64], W1[64:128], W1[128:192], W1[192:256],
              b1.reshape(1, H), W2, b2.reshape(1, H), Wout, bout.reshape(1, 1))
  return out

# --- scband reference (transcript-rebuilt; emitter-appended) ---
"""Pipeline reference for scband-net-36653250904496 (READ-ONLY COPY).

The authoritative reference and input builder live on the scoring server;
editing this copy changes nothing except your own understanding.
"""

import jax, jax.numpy as jnp
import numpy as np

N = 10000
E = 160000
NUM_NBR = 16
AF = 64
NF = 64
H = 128
NG = 256
EPS = 1e-5


def _bn(z, g, b):
    m = jnp.mean(z, axis=0)
    v = jnp.var(z, axis=0)
    return (z - m) / jnp.sqrt(v + EPS) * g + b


def setup_inputs(seed: int = 0) -> dict:
    key = jax.random.key(seed)
    ks = jax.random.split(key, 16)
    zin = 2 * AF + NF
    inp = {}
    inp["x"] = jax.random.randint(ks[0], (N, 1), 0, 100)
    inp["edge_index"] = jax.random.randint(ks[1], (2, E), 0, N)
    inp["edge_attr"] = jax.random.randint(ks[2], (E,), 0, 51)
    inp["y"] = jax.random.normal(ks[3], (NG,), dtype=jnp.float32)
    inp["batch"] = jnp.sort(jax.random.randint(ks[4], (N,), 0, NG))
    inp["atom_table"] = jax.random.normal(ks[5], (100, AF), dtype=jnp.float32) * 0.1
    inp["bond_table"] = jax.random.normal(ks[6], (51, NF), dtype=jnp.float32) * 0.1
    inp["Wc"] = jax.random.normal(ks[7], (3, zin, AF), dtype=jnp.float32) * 0.05
    inp["bc"] = jnp.zeros((3, AF), dtype=jnp.float32)
    inp["Wf"] = jax.random.normal(ks[8], (3, zin, AF), dtype=jnp.float32) * 0.05
    inp["bf"] = jnp.zeros((3, AF), dtype=jnp.float32)
    inp["Wb"] = jax.random.normal(ks[9], (3, zin, NF), dtype=jnp.float32) * 0.05
    inp["bb"] = jnp.zeros((3, NF), dtype=jnp.float32)
    inp["g1"] = jnp.ones((3, AF), jnp.float32)
    inp["be1"] = jnp.zeros((3, AF), jnp.float32)
    inp["g2"] = jnp.ones((3, AF), jnp.float32)
    inp["be2"] = jnp.zeros((3, AF), jnp.float32)
    inp["g3"] = jnp.ones((3, NF), jnp.float32)
    inp["be3"] = jnp.zeros((3, NF), jnp.float32)
    inp["g4"] = jnp.ones((3, AF), jnp.float32)
    inp["be4"] = jnp.zeros((3, AF), jnp.float32)
    inp["W1"] = jax.random.normal(ks[10], (AF * 4, H), dtype=jnp.float32) * 0.05
    inp["b1"] = jnp.zeros((H,), jnp.float32)
    inp["W2"] = jax.random.normal(ks[11], (H, H), dtype=jnp.float32) * 0.05
    inp["b2"] = jnp.zeros((H,), jnp.float32)
    inp["Wout"] = jax.random.normal(ks[12], (H, 1), dtype=jnp.float32) * 0.05
    inp["bout"] = jnp.zeros((1,), jnp.float32)
    return inp


def reference(x, edge_index, edge_attr, y, batch, atom_table, bond_table, Wc, bc, Wf, bf, Wb, bb, g1, be1, g2, be2, g3, be3, g4, be4, W1, b1, W2, b2, Wout, bout):
    h = jnp.take(atom_table, x[:, 0], axis=0)
    ew = jnp.take(bond_table, edge_attr, axis=0)
    info = h
    for i in range(3):
        nbr = jnp.take(h, edge_index[1], axis=0)
        ini = jnp.take(h, edge_index[0], axis=0)
        Z = jnp.concatenate([nbr, ini, ew], axis=1)
        a_filter = _bn(Z @ Wc[i] + bc[i], g1[i], be1[i])
        a_core = _bn(Z @ Wf[i] + bf[i], g2[i], be2[i])
        bond = _bn(Z @ Wb[i] + bb[i], g3[i], be3[i])
        a_filter = jax.nn.sigmoid(a_filter)
        a_core = jax.nn.softplus(a_core)
        nbr_sumed = (a_filter * a_core).reshape(-1, NUM_NBR, AF).sum(axis=1)
        nbr_sumed = _bn(nbr_sumed, g4[i], be4[i])
        h = jax.nn.softplus(h + nbr_sumed)
        ew = jax.nn.softplus(ew + bond)
        info = jnp.concatenate([info, h], axis=1)
    z = jax.nn.softplus(info @ W1 + b1)
    sums = jax.ops.segment_sum(z, batch, num_segments=NG)
    cnt = jax.ops.segment_sum(jnp.ones((z.shape[0], 1), z.dtype), batch, num_segments=NG)
    pooled = sums / jnp.maximum(cnt, 1.0)
    z2 = jax.nn.softplus(pooled @ W2 + b2)
    out = z2 @ Wout + bout
    return out

if __name__ == "__main__":
    import jax
    _d = setup_inputs()
    print(jax.jit(kernel)(*tuple(_d.values())))

</pallas_src>

<mosaic_0001>
#map = affine_map<(d0, d1) -> (0, 0)>
module attributes {stable_mosaic.version = 14 : i64} {
  func.func @k(%arg0: i32, %arg1: i32, %arg2: memref<10000x64xf32, #tpu.memory_space<hbm>>, %arg3: memref<1280x128xi32, #tpu.memory_space<hbm>>, %arg4: memref<1280x128xi32, #tpu.memory_space<hbm>>, %arg5: memref<163840x128xf32, #tpu.memory_space<hbm>>, %arg6: memref<40x128xi32, #tpu.memory_space<vmem>>, %arg7: memref<40x128xi32, #tpu.memory_space<vmem>>, %arg8: memref<512x64xf32, #tpu.memory_space<vmem>>, %arg9: memref<512x64xf32, #tpu.memory_space<vmem>>, %arg10: memref<10000x64xf32, #tpu.memory_space<vmem_shared>>, %arg11: memref<!tpu.dma_semaphore, #tpu.memory_space<semaphore_mem>>, %arg12: memref<!tpu.dma_semaphore, #tpu.memory_space<semaphore_mem>>, %arg13: memref<!tpu.dma_semaphore, #tpu.memory_space<semaphore_mem>>, %arg14: memref<!tpu.dma_semaphore, #tpu.memory_space<semaphore_mem>>) attributes {dimension_semantics = [#tpu.dimension_semantics<core_parallel>, #tpu.dimension_semantics<subcore_parallel>], iteration_bounds = array<i64: 2, 16>, scalar_prefetch = 0 : i64, scratch_operands = 9 : i64, tpu.core_type = #tpu.core_type<sc_vector_subcore>, window_params = [{transform_indices = #map}, {transform_indices = #map}, {transform_indices = #map}, {transform_indices = #map}]} {
    %mul3A = arith.constant 2 : i32
    %mul3A_0 = arith.muli %arg1, %mul3A : i32
    %add3A = arith.addi %mul3A_0, %arg0 : i32
    %mul3A_1 = arith.constant 625 : i32
    %mul3A_2 = arith.muli %arg1, %mul3A_1 : i32
    %mul3A_3 = arith.constant 625 : i32
    %mul3A_4 = arith.muli %arg1, %mul3A_3 : i32
    "tpu.region"() ({
      %run_scoped3A = tpu.sem_alloc : memref<!tpu.dma_semaphore, #tpu.memory_space<semaphore_mem>>
      %dma_start3A_181 = arith.constant 0 : i32
      %dma_start3A_182 = tpu.memref_slice %arg10[%mul3A_4, %dma_start3A_181] : memref<10000x64xf32, #tpu.memory_space<vmem_shared>> -> memref<625x64xf32, #tpu.memory_space<vmem_shared>>
      %dma_start3A_183 = arith.constant 0 : i32
      %dma_start3A_184 = tpu.memref_slice %arg2[%mul3A_2, %dma_start3A_183] : memref<10000x64xf32, #tpu.memory_space<hbm>> -> memref<625x64xf32, #tpu.memory_space<hbm>>
      tpu.enqueue_dma source(%dma_start3A_184 : memref<625x64xf32, #tpu.memory_space<hbm>>) target(%dma_start3A_182 : memref<625x64xf32, #tpu.memory_space<vmem_shared>>) target_semaphore(%run_scoped3A : memref<!tpu.dma_semaphore, #tpu.memory_space<semaphore_mem>>)
      %dma_wait3A = arith.constant 0 : i32
      %dma_wait3A_185 = tpu.memref_slice %arg10[%mul3A_4, %dma_wait3A] : memref<10000x64xf32, #tpu.memory_space<vmem_shared>> -> memref<625x64xf32, #tpu.memory_space<vmem_shared>>
      %dma_wait3A_186 = arith.constant 0 : i32
      %dma_wait3A_187 = tpu.memref_slice %arg2[%mul3A_2, %dma_wait3A_186] : memref<10000x64xf32, #tpu.memory_space<hbm>> -> memref<625x64xf32, #tpu.memory_space<hbm>>
      tpu.wait_dma2 semaphore(%run_scoped3A : memref<!tpu.dma_semaphore, #tpu.memory_space<semaphore_mem>>) src(%dma_wait3A_187 : memref<625x64xf32, #tpu.memory_space<hbm>>) dst(%dma_wait3A_185 : memref<625x64xf32, #tpu.memory_space<vmem_shared>>)
      tpu.yield
    }) : () -> ()
    %mul3A_5 = arith.constant 40 : i32
    %mul3A_6 = arith.muli %add3A, %mul3A_5 : i32
    "tpu.region"() ({
      %run_scoped3A = tpu.sem_alloc : memref<!tpu.dma_semaphore, #tpu.memory_space<semaphore_mem>>
      %dma_start3A_181 = arith.constant 0 : i32
      %dma_start3A_182 = tpu.memref_slice %arg3[%mul3A_6, %dma_start3A_181] : memref<1280x128xi32, #tpu.memory_space<hbm>> -> memref<40x128xi32, #tpu.memory_space<hbm>>
      %dma_start3A_183 = arith.constant 0 : i32
      %dma_start3A_184 = tpu.memref_slice %arg3[%mul3A_6, %dma_start3A_183] : memref<1280x128xi32, #tpu.memory_space<hbm>> -> memref<40x128xi32, #tpu.memory_space<hbm>>
      tpu.enqueue_dma source(%dma_start3A_184 : memref<40x128xi32, #tpu.memory_space<hbm>>) target(%arg6 : memref<40x128xi32, #tpu.memory_space<vmem>>) target_semaphore(%run_scoped3A : memref<!tpu.dma_semaphore, #tpu.memory_space<semaphore_mem>>)
      %dma_wait3A = arith.constant 0 : i32
      %dma_wait3A_185 = tpu.memref_slice %arg3[%mul3A_6, %dma_wait3A] : memref<1280x128xi32, #tpu.memory_space<hbm>> -> memref<40x128xi32, #tpu.memory_space<hbm>>
      %dma_wait3A_186 = arith.constant 0 : i32
      %dma_wait3A_187 = tpu.memref_slice %arg3[%mul3A_6, %dma_wait3A_186] : memref<1280x128xi32, #tpu.memory_space<hbm>> -> memref<40x128xi32, #tpu.memory_space<hbm>>
      tpu.wait_dma2 semaphore(%run_scoped3A : memref<!tpu.dma_semaphore, #tpu.memory_space<semaphore_mem>>) src(%dma_wait3A_187 : memref<40x128xi32, #tpu.memory_space<hbm>>) dst(%arg6 : memref<40x128xi32, #tpu.memory_space<vmem>>)
      tpu.yield
    }) : () -> ()
    %mul3A_7 = arith.constant 40 : i32
    %mul3A_8 = arith.muli %add3A, %mul3A_7 : i32
    "tpu.region"() ({
      %run_scoped3A = tpu.sem_alloc : memref<!tpu.dma_semaphore, #tpu.memory_space<semaphore_mem>>
      %dma_start3A_181 = arith.constant 0 : i32
      %dma_start3A_182 = tpu.memref_slice %arg4[%mul3A_8, %dma_start3A_181] : memref<1280x128xi32, #tpu.memory_space<hbm>> -> memref<40x128xi32, #tpu.memory_space<hbm>>
      %dma_start3A_183 = arith.constant 0 : i32
      %dma_start3A_184 = tpu.memref_slice %arg4[%mul3A_8, %dma_start3A_183] : memref<1280x128xi32, #tpu.memory_space<hbm>> -> memref<40x128xi32, #tpu.memory_space<hbm>>
      tpu.enqueue_dma source(%dma_start3A_184 : memref<40x128xi32, #tpu.memory_space<hbm>>) target(%arg7 : memref<40x128xi32, #tpu.memory_space<vmem>>) target_semaphore(%run_scoped3A : memref<!tpu.dma_semaphore, #tpu.memory_space<semaphore_mem>>)
      %dma_wait3A = arith.constant 0 : i32
      %dma_wait3A_185 = tpu.memref_slice %arg4[%mul3A_8, %dma_wait3A] : memref<1280x128xi32, #tpu.memory_space<hbm>> -> memref<40x128xi32, #tpu.memory_space<hbm>>
      %dma_wait3A_186 = arith.constant 0 : i32
      %dma_wait3A_187 = tpu.memref_slice %arg4[%mul3A_8, %dma_wait3A_186] : memref<1280x128xi32, #tpu.memory_space<hbm>> -> memref<40x128xi32, #tpu.memory_space<hbm>>
      tpu.wait_dma2 semaphore(%run_scoped3A : memref<!tpu.dma_semaphore, #tpu.memory_space<semaphore_mem>>) src(%dma_wait3A_187 : memref<40x128xi32, #tpu.memory_space<hbm>>) dst(%arg7 : memref<40x128xi32, #tpu.memory_space<vmem>>)
      tpu.yield
    }) : () -> ()
    %barrier3A = arith.constant 0 : index
    tpu.barrier barrier_id(%barrier3A)
    %mul3A_9 = arith.constant 5120 : i32
    %mul3A_10 = arith.muli %add3A, %mul3A_9 : i32
    %dma_start3A = arith.constant 0 : i32
    %dma_start3A_11 = arith.constant 0 : i32
    %dma_start3A_12 = arith.constant 0 : i32
    %dma_start3A_13 = tpu.memref_slice %arg8[%dma_start3A_11, %dma_start3A_12] : memref<512x64xf32, #tpu.memory_space<vmem>> -> memref<128x64xf32, #tpu.memory_space<vmem>>
    %dma_start3A_14 = arith.constant 0 : i32
    %dma_start3A_15 = tpu.memref_slice %arg6[%dma_start3A, %dma_start3A_14] : memref<40x128xi32, #tpu.memory_space<vmem>> -> memref<1x128xi32, #tpu.memory_space<vmem>>
    %dma_start3A_16 = tpu.memref_squeeze %dma_start3A_15 : memref<1x128xi32, #tpu.memory_space<vmem>> -> memref<128xi32, #tpu.memory_space<vmem>>
    %dma_start3A_17 = arith.constant 0 : i32
    %dma_start3A_18 = arith.constant 0 : i32
    %dma_start3A_19 = tpu.memref_slice %arg10[%dma_start3A_17, %dma_start3A_18] : memref<10000x64xf32, #tpu.memory_space<vmem_shared>> -> memref<10000x64xf32, #tpu.memory_space<vmem_shared>>
    tpu.enqueue_indirect_dma source(%dma_start3A_19 : memref<10000x64xf32, #tpu.memory_space<vmem_shared>>) target(%dma_start3A_13 : memref<128x64xf32, #tpu.memory_space<vmem>>) offsets(%dma_start3A_16 : memref<128xi32, #tpu.memory_space<vmem>>) semaphore(%arg11 : memref<!tpu.dma_semaphore, #tpu.memory_space<semaphore_mem>>)
    %dma_start3A_20 = arith.constant 1 : i32
    %dma_start3A_21 = arith.constant 128 : i32
    %dma_start3A_22 = arith.constant 0 : i32
    %dma_start3A_23 = tpu.memref_slice %arg8[%dma_start3A_21, %dma_start3A_22] : memref<512x64xf32, #tpu.memory_space<vmem>> -> memref<128x64xf32, #tpu.memory_space<vmem>>
    %dma_start3A_24 = arith.constant 0 : i32
    %dma_start3A_25 = tpu.memref_slice %arg6[%dma_start3A_20, %dma_start3A_24] : memref<40x128xi32, #tpu.memory_space<vmem>> -> memref<1x128xi32, #tpu.memory_space<vmem>>
    %dma_start3A_26 = tpu.memref_squeeze %dma_start3A_25 : memref<1x128xi32, #tpu.memory_space<vmem>> -> memref<128xi32, #tpu.memory_space<vmem>>
    %dma_start3A_27 = arith.constant 0 : i32
    %dma_start3A_28 = arith.constant 0 : i32
    %dma_start3A_29 = tpu.memref_slice %arg10[%dma_start3A_27, %dma_start3A_28] : memref<10000x64xf32, #tpu.memory_space<vmem_shared>> -> memref<10000x64xf32, #tpu.memory_space<vmem_shared>>
    tpu.enqueue_indirect_dma source(%dma_start3A_29 : memref<10000x64xf32, #tpu.memory_space<vmem_shared>>) target(%dma_start3A_23 : memref<128x64xf32, #tpu.memory_space<vmem>>) offsets(%dma_start3A_26 : memref<128xi32, #tpu.memory_space<vmem>>) semaphore(%arg11 : memref<!tpu.dma_semaphore, #tpu.memory_space<semaphore_mem>>)
    %dma_start3A_30 = arith.constant 2 : i32
    %dma_start3A_31 = arith.constant 256 : i32
    %dma_start3A_32 = arith.constant 0 : i32
    %dma_start3A_33 = tpu.memref_slice %arg8[%dma_start3A_31, %dma_start3A_32] : memref<512x64xf32, #tpu.memory_space<vmem>> -> memref<128x64xf32, #tpu.memory_space<vmem>>
    %dma_start3A_34 = arith.constant 0 : i32
    %dma_start3A_35 = tpu.memref_slice %arg6[%dma_start3A_30, %dma_start3A_34] : memref<40x128xi32, #tpu.memory_space<vmem>> -> memref<1x128xi32, #tpu.memory_space<vmem>>
    %dma_start3A_36 = tpu.memref_squeeze %dma_start3A_35 : memref<1x128xi32, #tpu.memory_space<vmem>> -> memref<128xi32, #tpu.memory_space<vmem>>
    %dma_start3A_37 = arith.constant 0 : i32
    %dma_start3A_38 = arith.constant 0 : i32
    %dma_start3A_39 = tpu.memref_slice %arg10[%dma_start3A_37, %dma_start3A_38] : memref<10000x64xf32, #tpu.memory_space<vmem_shared>> -> memref<10000x64xf32, #tpu.memory_space<vmem_shared>>
    tpu.enqueue_indirect_dma source(%dma_start3A_39 : memref<10000x64xf32, #tpu.memory_space<vmem_shared>>) target(%dma_start3A_33 : memref<128x64xf32, #tpu.memory_space<vmem>>) offsets(%dma_start3A_36 : memref<128xi32, #tpu.memory_space<vmem>>) semaphore(%arg11 : memref<!tpu.dma_semaphore, #tpu.memory_space<semaphore_mem>>)
    %dma_start3A_40 = arith.constant 3 : i32
    %dma_start3A_41 = arith.constant 384 : i32
    %dma_start3A_42 = arith.constant 0 : i32
    %dma_start3A_43 = tpu.memref_slice %arg8[%dma_start3A_41, %dma_start3A_42] : memref<512x64xf32, #tpu.memory_space<vmem>> -> memref<128x64xf32, #tpu.memory_space<vmem>>
    %dma_start3A_44 = arith.constant 0 : i32
    %dma_start3A_45 = tpu.memref_slice %arg6[%dma_start3A_40, %dma_start3A_44] : memref<40x128xi32, #tpu.memory_space<vmem>> -> memref<1x128xi32, #tpu.memory_space<vmem>>
    %dma_start3A_46 = tpu.memref_squeeze %dma_start3A_45 : memref<1x128xi32, #tpu.memory_space<vmem>> -> memref<128xi32, #tpu.memory_space<vmem>>
    %dma_start3A_47 = arith.constant 0 : i32
    %dma_start3A_48 = arith.constant 0 : i32
    %dma_start3A_49 = tpu.memref_slice %arg10[%dma_start3A_47, %dma_start3A_48] : memref<10000x64xf32, #tpu.memory_space<vmem_shared>> -> memref<10000x64xf32, #tpu.memory_space<vmem_shared>>
    tpu.enqueue_indirect_dma source(%dma_start3A_49 : memref<10000x64xf32, #tpu.memory_space<vmem_shared>>) target(%dma_start3A_43 : memref<128x64xf32, #tpu.memory_space<vmem>>) offsets(%dma_start3A_46 : memref<128xi32, #tpu.memory_space<vmem>>) semaphore(%arg11 : memref<!tpu.dma_semaphore, #tpu.memory_space<semaphore_mem>>)
    %dma_start3A_50 = arith.constant 4 : i32
    %dma_start3A_51 = arith.constant 0 : i32
    %dma_start3A_52 = arith.constant 0 : i32
    %dma_start3A_53 = tpu.memref_slice %arg9[%dma_start3A_51, %dma_start3A_52] : memref<512x64xf32, #tpu.memory_space<vmem>> -> memref<128x64xf32, #tpu.memory_space<vmem>>
    %dma_start3A_54 = arith.constant 0 : i32
    %dma_start3A_55 = tpu.memref_slice %arg6[%dma_start3A_50, %dma_start3A_54] : memref<40x128xi32, #tpu.memory_space<vmem>> -> memref<1x128xi32, #tpu.memory_space<vmem>>
    %dma_start3A_56 = tpu.memref_squeeze %dma_start3A_55 : memref<1x128xi32, #tpu.memory_space<vmem>> -> memref<128xi32, #tpu.memory_space<vmem>>
    %dma_start3A_57 = arith.constant 0 : i32
    %dma_start3A_58 = arith.constant 0 : i32
    %dma_start3A_59 = tpu.memref_slice %arg10[%dma_start3A_57, %dma_start3A_58] : memref<10000x64xf32, #tpu.memory_space<vmem_shared>> -> memref<10000x64xf32, #tpu.memory_space<vmem_shared>>
    tpu.enqueue_indirect_dma source(%dma_start3A_59 : memref<10000x64xf32, #tpu.memory_space<vmem_shared>>) target(%dma_start3A_53 : memref<128x64xf32, #tpu.memory_space<vmem>>) offsets(%dma_start3A_56 : memref<128xi32, #tpu.memory_space<vmem>>) semaphore(%arg12 : memref<!tpu.dma_semaphore, #tpu.memory_space<semaphore_mem>>)
    %dma_start3A_60 = arith.constant 5 : i32
    %dma_start3A_61 = arith.constant 128 : i32
    %dma_start3A_62 = arith.constant 0 : i32
    %dma_start3A_63 = tpu.memref_slice %arg9[%dma_start3A_61, %dma_start3A_62] : memref<512x64xf32, #tpu.memory_space<vmem>> -> memref<128x64xf32, #tpu.memory_space<vmem>>
    %dma_start3A_64 = arith.constant 0 : i32
    %dma_start3A_65 = tpu.memref_slice %arg6[%dma_start3A_60, %dma_start3A_64] : memref<40x128xi32, #tpu.memory_space<vmem>> -> memref<1x128xi32, #tpu.memory_space<vmem>>
    %dma_start3A_66 = tpu.memref_squeeze %dma_start3A_65 : memref<1x128xi32, #tpu.memory_space<vmem>> -> memref<128xi32, #tpu.memory_space<vmem>>
    %dma_start3A_67 = arith.constant 0 : i32
    %dma_start3A_68 = arith.constant 0 : i32
    %dma_start3A_69 = tpu.memref_slice %arg10[%dma_start3A_67, %dma_start3A_68] : memref<10000x64xf32, #tpu.memory_space<vmem_shared>> -> memref<10000x64xf32, #tpu.memory_space<vmem_shared>>
    tpu.enqueue_indirect_dma source(%dma_start3A_69 : memref<10000x64xf32, #tpu.memory_space<vmem_shared>>) target(%dma_start3A_63 : memref<128x64xf32, #tpu.memory_space<vmem>>) offsets(%dma_start3A_66 : memref<128xi32, #tpu.memory_space<vmem>>) semaphore(%arg12 : memref<!tpu.dma_semaphore, #tpu.memory_space<semaphore_mem>>)
    %dma_start3A_70 = arith.constant 6 : i32
    %dma_start3A_71 = arith.constant 256 : i32
    %dma_start3A_72 = arith.constant 0 : i32
    %dma_start3A_73 = tpu.memref_slice %arg9[%dma_start3A_71, %dma_start3A_72] : memref<512x64xf32, #tpu.memory_space<vmem>> -> memref<128x64xf32, #tpu.memory_space<vmem>>
    %dma_start3A_74 = arith.constant 0 : i32
    %dma_start3A_75 = tpu.memref_slice %arg6[%dma_start3A_70, %dma_start3A_74] : memref<40x128xi32, #tpu.memory_space<vmem>> -> memref<1x128xi32, #tpu.memory_space<vmem>>
    %dma_start3A_76 = tpu.memref_squeeze %dma_start3A_75 : memref<1x128xi32, #tpu.memory_space<vmem>> -> memref<128xi32, #tpu.memory_space<vmem>>
    %dma_start3A_77 = arith.constant 0 : i32
    %dma_start3A_78 = arith.constant 0 : i32
    %dma_start3A_79 = tpu.memref_slice %arg10[%dma_start3A_77, %dma_start3A_78] : memref<10000x64xf32, #tpu.memory_space<vmem_shared>> -> memref<10000x64xf32, #tpu.memory_space<vmem_shared>>
    tpu.enqueue_indirect_dma source(%dma_start3A_79 : memref<10000x64xf32, #tpu.memory_space<vmem_shared>>) target(%dma_start3A_73 : memref<128x64xf32, #tpu.memory_space<vmem>>) offsets(%dma_start3A_76 : memref<128xi32, #tpu.memory_space<vmem>>) semaphore(%arg12 : memref<!tpu.dma_semaphore, #tpu.memory_space<semaphore_mem>>)
    %dma_start3A_80 = arith.constant 7 : i32
    %dma_start3A_81 = arith.constant 384 : i32
    %dma_start3A_82 = arith.constant 0 : i32
    %dma_start3A_83 = tpu.memref_slice %arg9[%dma_start3A_81, %dma_start3A_82] : memref<512x64xf32, #tpu.memory_space<vmem>> -> memref<128x64xf32, #tpu.memory_space<vmem>>
    %dma_start3A_84 = arith.constant 0 : i32
    %dma_start3A_85 = tpu.memref_slice %arg6[%dma_start3A_80, %dma_start3A_84] : memref<40x128xi32, #tpu.memory_space<vmem>> -> memref<1x128xi32, #tpu.memory_space<vmem>>
    %dma_start3A_86 = tpu.memref_squeeze %dma_start3A_85 : memref<1x128xi32, #tpu.memory_space<vmem>> -> memref<128xi32, #tpu.memory_space<vmem>>
    %dma_start3A_87 = arith.constant 0 : i32
    %dma_start3A_88 = arith.constant 0 : i32
    %dma_start3A_89 = tpu.memref_slice %arg10[%dma_start3A_87, %dma_start3A_88] : memref<10000x64xf32, #tpu.memory_space<vmem_shared>> -> memref<10000x64xf32, #tpu.memory_space<vmem_shared>>
    tpu.enqueue_indirect_dma source(%dma_start3A_89 : memref<10000x64xf32, #tpu.memory_space<vmem_shared>>) target(%dma_start3A_83 : memref<128x64xf32, #tpu.memory_space<vmem>>) offsets(%dma_start3A_86 : memref<128xi32, #tpu.memory_space<vmem>>) semaphore(%arg12 : memref<!tpu.dma_semaphore, #tpu.memory_space<semaphore_mem>>)
    %scan3A = arith.constant 0 : i32
    %scan3A_90 = arith.constant 0 : i32
    %scan3A_91 = arith.constant 5 : i32
    %scan3A_92 = arith.addi %scan3A_90, %scan3A_91 : i32
    %scan3A_93 = arith.constant 1 : i32
    scf.for %scan3A_181 = %scan3A_90 to %scan3A_92 step %scan3A_93  : i32 {
      %mul3A_182 = arith.constant 2 : i32
      %mul3A_183 = arith.muli %scan3A_181, %mul3A_182 : i32
      %add3A_184 = arith.constant 0 : i32
      %add3A_185 = arith.addi %mul3A_183, %add3A_184 : i32
      %dma_wait3A = arith.constant 0 : i32
      %dma_wait3A_186 = arith.constant 0 : i32
      %dma_wait3A_187 = tpu.memref_slice %arg5[%dma_wait3A, %dma_wait3A_186] : memref<163840x128xf32, #tpu.memory_space<hbm>> -> memref<512x64xf32, #tpu.memory_space<hbm>>
      %dma_wait3A_188 = arith.constant 0 : i32
      %dma_wait3A_189 = arith.constant 0 : i32
      %dma_wait3A_190 = tpu.memref_slice %arg5[%dma_wait3A_188, %dma_wait3A_189] : memref<163840x128xf32, #tpu.memory_space<hbm>> -> memref<512x64xf32, #tpu.memory_space<hbm>>
      tpu.wait_dma2 semaphore(%arg11 : memref<!tpu.dma_semaphore, #tpu.memory_space<semaphore_mem>>) src(%dma_wait3A_190 : memref<512x64xf32, #tpu.memory_space<hbm>>) dst(%arg8 : memref<512x64xf32, #tpu.memory_space<vmem>>)
      %mul3A_191 = arith.constant 512 : i32
      %mul3A_192 = arith.muli %add3A_185, %mul3A_191 : i32
      %add3A_193 = arith.addi %mul3A_10, %mul3A_192 : i32
      %dma_start3A_194 = arith.constant 0 : i32
      %dma_start3A_195 = tpu.memref_slice %arg5[%add3A_193, %dma_start3A_194] : memref<163840x128xf32, #tpu.memory_space<hbm>> -> memref<512x64xf32, #tpu.memory_space<hbm>>
      %dma_start3A_196 = arith.constant 0 : i32
      %dma_start3A_197 = tpu.memref_slice %arg5[%add3A_193, %dma_start3A_196] : memref<163840x128xf32, #tpu.memory_space<hbm>> -> memref<512x64xf32, #tpu.memory_space<hbm>>
      tpu.enqueue_dma source(%arg8 : memref<512x64xf32, #tpu.memory_space<vmem>>) target(%dma_start3A_197 : memref<512x64xf32, #tpu.memory_space<hbm>>) target_semaphore(%arg13 : memref<!tpu.dma_semaphore, #tpu.memory_space<semaphore_mem>>)
      %dma_wait3A_198 = arith.constant 0 : i32
      %dma_wait3A_199 = tpu.memref_slice %arg5[%add3A_193, %dma_wait3A_198] : memref<163840x128xf32, #tpu.memory_space<hbm>> -> memref<512x64xf32, #tpu.memory_space<hbm>>
      %dma_wait3A_200 = arith.constant 0 : i32
      %dma_wait3A_201 = tpu.memref_slice %arg5[%add3A_193, %dma_wait3A_200] : memref<163840x128xf32, #tpu.memory_space<hbm>> -> memref<512x64xf32, #tpu.memory_space<hbm>>
      tpu.wait_dma2 semaphore(%arg13 : memref<!tpu.dma_semaphore, #tpu.memory_space<semaphore_mem>>) src(%arg8 : memref<512x64xf32, #tpu.memory_space<vmem>>) dst(%dma_wait3A_201 : memref<512x64xf32, #tpu.memory_space<hbm>>)
      %add3A_202 = arith.constant 2 : i32
      %add3A_203 = arith.addi %add3A_185, %add3A_202 : i32
      %lt3A = arith.constant 10 : i32
      %lt3A_204 = arith.cmpi slt, %add3A_203, %lt3A : i32
      %convert_element_type3A = arith.extui %lt3A_204 : i1 to i32
      %cond3A = arith.constant 0 : i32
      %cond3A_205 = arith.cmpi ne, %convert_element_type3A, %cond3A : i32
      scf.if %cond3A_205 {
        %add3A_234 = arith.constant 2 : i32
        %add3A_235 = arith.addi %add3A_185, %add3A_234 : i32
        %mul3A_236 = arith.constant 4 : i32
        %mul3A_237 = arith.muli %add3A_235, %mul3A_236 : i32
        %add3A_238 = arith.constant 0 : i32
        %add3A_239 = arith.addi %mul3A_237, %add3A_238 : i32
        %dma_start3A_240 = arith.constant 0 : i32
        %dma_start3A_241 = arith.constant 0 : i32
        %dma_start3A_242 = tpu.memref_slice %arg8[%dma_start3A_240, %dma_start3A_241] : memref<512x64xf32, #tpu.memory_space<vmem>> -> memref<128x64xf32, #tpu.memory_space<vmem>>
        %dma_start3A_243 = arith.constant 0 : i32
        %dma_start3A_244 = tpu.memref_slice %arg6[%add3A_239, %dma_start3A_243] : memref<40x128xi32, #tpu.memory_space<vmem>> -> memref<1x128xi32, #tpu.memory_space<vmem>>
        %dma_start3A_245 = tpu.memref_squeeze %dma_start3A_244 : memref<1x128xi32, #tpu.memory_space<vmem>> -> memref<128xi32, #tpu.memory_space<vmem>>
        %dma_start3A_246 = arith.constant 0 : i32
        %dma_start3A_247 = arith.constant 0 : i32
        %dma_start3A_248 = tpu.memref_slice %arg10[%dma_start3A_246, %dma_start3A_247] : memref<10000x64xf32, #tpu.memory_space<vmem_shared>> -> memref<10000x64xf32, #tpu.memory_space<vmem_shared>>
        tpu.enqueue_indirect_dma source(%dma_start3A_248 : memref<10000x64xf32, #tpu.memory_space<vmem_shared>>) target(%dma_start3A_242 : memref<128x64xf32, #tpu.memory_space<vmem>>) offsets(%dma_start3A_245 : memref<128xi32, #tpu.memory_space<vmem>>) semaphore(%arg11 : memref<!tpu.dma_semaphore, #tpu.memory_space<semaphore_mem>>)
        %add3A_249 = arith.constant 2 : i32
        %add3A_250 = arith.addi %add3A_185, %add3A_249 : i32
        %mul3A_251 = arith.constant 4 : i32
        %mul3A_252 = arith.muli %add3A_250, %mul3A_251 : i32
        %add3A_253 = arith.constant 1 : i32
        %add3A_254 = arith.addi %mul3A_252, %add3A_253 : i32
        %dma_start3A_255 = arith.constant 128 : i32
        %dma_start3A_256 = arith.constant 0 : i32
        %dma_start3A_257 = tpu.memref_slice %arg8[%dma_start3A_255, %dma_start3A_256] : memref<512x64xf32, #tpu.memory_space<vmem>> -> memref<128x64xf32, #tpu.memory_space<vmem>>
        %dma_start3A_258 = arith.constant 0 : i32
        %dma_start3A_259 = tpu.memref_slice %arg6[%add3A_254, %dma_start3A_258] : memref<40x128xi32, #tpu.memory_space<vmem>> -> memref<1x128xi32, #tpu.memory_space<vmem>>
        %dma_start3A_260 = tpu.memref_squeeze %dma_start3A_259 : memref<1x128xi32, #tpu.memory_space<vmem>> -> memref<128xi32, #tpu.memory_space<vmem>>
        %dma_start3A_261 = arith.constant 0 : i32
        %dma_start3A_262 = arith.constant 0 : i32
        %dma_start3A_263 = tpu.memref_slice %arg10[%dma_start3A_261, %dma_start3A_262] : memref<10000x64xf32, #tpu.memory_space<vmem_shared>> -> memref<10000x64xf32, #tpu.memory_space<vmem_shared>>
        tpu.enqueue_indirect_dma source(%dma_start3A_263 : memref<10000x64xf32, #tpu.memory_space<vmem_shared>>) target(%dma_start3A_257 : memref<128x64xf32, #tpu.memory_space<vmem>>) offsets(%dma_start3A_260 : memref<128xi32, #tpu.memory_space<vmem>>) semaphore(%arg11 : memref<!tpu.dma_semaphore, #tpu.memory_space<semaphore_mem>>)
        %add3A_264 = arith.constant 2 : i32
        %add3A_265 = arith.addi %add3A_185, %add3A_264 : i32
        %mul3A_266 = arith.constant 4 : i32
        %mul3A_267 = arith.muli %add3A_265, %mul3A_266 : i32
        %add3A_268 = arith.constant 2 : i32
        %add3A_269 = arith.addi %mul3A_267, %add3A_268 : i32
        %dma_start3A_270 = arith.constant 256 : i32
        %dma_start3A_271 = arith.constant 0 : i32
        %dma_start3A_272 = tpu.memref_slice %arg8[%dma_start3A_270, %dma_start3A_271] : memref<512x64xf32, #tpu.memory_space<vmem>> -> memref<128x64xf32, #tpu.memory_space<vmem>>
        %dma_start3A_273 = arith.constant 0 : i32
        %dma_start3A_274 = tpu.memref_slice %arg6[%add3A_269, %dma_start3A_273] : memref<40x128xi32, #tpu.memory_space<vmem>> -> memref<1x128xi32, #tpu.memory_space<vmem>>
        %dma_start3A_275 = tpu.memref_squeeze %dma_start3A_274 : memref<1x128xi32, #tpu.memory_space<vmem>> -> memref<128xi32, #tpu.memory_space<vmem>>
        %dma_start3A_276 = arith.constant 0 : i32
        %dma_start3A_277 = arith.constant 0 : i32
        %dma_start3A_278 = tpu.memref_slice %arg10[%dma_start3A_276, %dma_start3A_277] : memref<10000x64xf32, #tpu.memory_space<vmem_shared>> -> memref<10000x64xf32, #tpu.memory_space<vmem_shared>>
        tpu.enqueue_indirect_dma source(%dma_start3A_278 : memref<10000x64xf32, #tpu.memory_space<vmem_shared>>) target(%dma_start3A_272 : memref<128x64xf32, #tpu.memory_space<vmem>>) offsets(%dma_start3A_275 : memref<128xi32, #tpu.memory_space<vmem>>) semaphore(%arg11 : memref<!tpu.dma_semaphore, #tpu.memory_space<semaphore_mem>>)
        %add3A_279 = arith.constant 2 : i32
        %add3A_280 = arith.addi %add3A_185, %add3A_279 : i32
        %mul3A_281 = arith.constant 4 : i32
        %mul3A_282 = arith.muli %add3A_280, %mul3A_281 : i32
        %add3A_283 = arith.constant 3 : i32
        %add3A_284 = arith.addi %mul3A_282, %add3A_283 : i32
        %dma_start3A_285 = arith.constant 384 : i32
        %dma_start3A_286 = arith.constant 0 : i32
        %dma_start3A_287 = tpu.memref_slice %arg8[%dma_start3A_285, %dma_start3A_286] : memref<512x64xf32, #tpu.memory_space<vmem>> -> memref<128x64xf32, #tpu.memory_space<vmem>>
        %dma_start3A_288 = arith.constant 0 : i32
        %dma_start3A_289 = tpu.memref_slice %arg6[%add3A_284, %dma_start3A_288] : memref<40x128xi32, #tpu.memory_space<vmem>> -> memref<1x128xi32, #tpu.memory_space<vmem>>
        %dma_start3A_290 = tpu.memref_squeeze %dma_start3A_289 : memref<1x128xi32, #tpu.memory_space<vmem>> -> memref<128xi32, #tpu.memory_space<vmem>>
        %dma_start3A_291 = arith.constant 0 : i32
        %dma_start3A_292 = arith.constant 0 : i32
        %dma_start3A_293 = tpu.memref_slice %arg10[%dma_start3A_291, %dma_start3A_292] : memref<10000x64xf32, #tpu.memory_space<vmem_shared>> -> memref<10000x64xf32, #tpu.memory_space<vmem_shared>>
        tpu.enqueue_indirect_dma source(%dma_start3A_293 : memref<10000x64xf32, #tpu.memory_space<vmem_shared>>) target(%dma_start3A_287 : memref<128x64xf32, #tpu.memory_space<vmem>>) offsets(%dma_start3A_290 : memref<128xi32, #tpu.memory_space<vmem>>) semaphore(%arg11 : memref<!tpu.dma_semaphore, #tpu.memory_space<semaphore_mem>>)
      } else {
      }
      %mul3A_206 = arith.constant 2 : i32
      %mul3A_207 = arith.muli %scan3A_181, %mul3A_206 : i32
      %add3A_208 = arith.constant 1 : i32
      %add3A_209 = arith.addi %mul3A_207, %add3A_208 : i32
      %dma_wait3A_210 = arith.constant 0 : i32
      %dma_wait3A_211 = arith.constant 0 : i32
      %dma_wait3A_212 = tpu.memref_slice %arg5[%dma_wait3A_210, %dma_wait3A_211] : memref<163840x128xf32, #tpu.memory_space<hbm>> -> memref<512x64xf32, #tpu.memory_space<hbm>>
      %dma_wait3A_213 = arith.constant 0 : i32
      %dma_wait3A_214 = arith.constant 0 : i32
      %dma_wait3A_215 = tpu.memref_slice %arg5[%dma_wait3A_213, %dma_wait3A_214] : memref<163840x128xf32, #tpu.memory_space<hbm>> -> memref<512x64xf32, #tpu.memory_space<hbm>>
      tpu.wait_dma2 semaphore(%arg12 : memref<!tpu.dma_semaphore, #tpu.memory_space<semaphore_mem>>) src(%dma_wait3A_215 : memref<512x64xf32, #tpu.memory_space<hbm>>) dst(%arg9 : memref<512x64xf32, #tpu.memory_space<vmem>>)
      %mul3A_216 = arith.constant 512 : i32
      %mul3A_217 = arith.muli %add3A_209, %mul3A_216 : i32
      %add3A_218 = arith.addi %mul3A_10, %mul3A_217 : i32
      %dma_start3A_219 = arith.constant 0 : i32
      %dma_start3A_220 = tpu.memref_slice %arg5[%add3A_218, %dma_start3A_219] : memref<163840x128xf32, #tpu.memory_space<hbm>> -> memref<512x64xf32, #tpu.memory_space<hbm>>
      %dma_start3A_221 = arith.constant 0 : i32
      %dma_start3A_222 = tpu.memref_slice %arg5[%add3A_218, %dma_start3A_221] : memref<163840x128xf32, #tpu.memory_space<hbm>> -> memref<512x64xf32, #tpu.memory_space<hbm>>
      tpu.enqueue_dma source(%arg9 : memref<512x64xf32, #tpu.memory_space<vmem>>) target(%dma_start3A_222 : memref<512x64xf32, #tpu.memory_space<hbm>>) target_semaphore(%arg14 : memref<!tpu.dma_semaphore, #tpu.memory_space<semaphore_mem>>)
      %dma_wait3A_223 = arith.constant 0 : i32
      %dma_wait3A_224 = tpu.memref_slice %arg5[%add3A_218, %dma_wait3A_223] : memref<163840x128xf32, #tpu.memory_space<hbm>> -> memref<512x64xf32, #tpu.memory_space<hbm>>
      %dma_wait3A_225 = arith.constant 0 : i32
      %dma_wait3A_226 = tpu.memref_slice %arg5[%add3A_218, %dma_wait3A_225] : memref<163840x128xf32, #tpu.memory_space<hbm>> -> memref<512x64xf32, #tpu.memory_space<hbm>>
      tpu.wait_dma2 semaphore(%arg14 : memref<!tpu.dma_semaphore, #tpu.memory_space<semaphore_mem>>) src(%arg9 : memref<512x64xf32, #tpu.memory_space<vmem>>) dst(%dma_wait3A_226 : memref<512x64xf32, #tpu.memory_space<hbm>>)
      %add3A_227 = arith.constant 2 : i32
      %add3A_228 = arith.addi %add3A_209, %add3A_227 : i32
      %lt3A_229 = arith.constant 10 : i32
      %lt3A_230 = arith.cmpi slt, %add3A_228, %lt3A_229 : i32
      %convert_element_type3A_231 = arith.extui %lt3A_230 : i1 to i32
      %cond3A_232 = arith.constant 0 : i32
      %cond3A_233 = arith.cmpi ne, %convert_element_type3A_231, %cond3A_232 : i32
      scf.if %cond3A_233 {
        %add3A_234 = arith.constant 2 : i32
        %add3A_235 = arith.addi %add3A_209, %add3A_234 : i32
        %mul3A_236 = arith.constant 4 : i32
        %mul3A_237 = arith.muli %add3A_235, %mul3A_236 : i32
        %add3A_238 = arith.constant 0 : i32
        %add3A_239 = arith.addi %mul3A_237, %add3A_238 : i32
        %dma_start3A_240 = arith.constant 0 : i32
        %dma_start3A_241 = arith.constant 0 : i32
        %dma_start3A_242 = tpu.memref_slice %arg9[%dma_start3A_240, %dma_start3A_241] : memref<512x64xf32, #tpu.memory_space<vmem>> -> memref<128x64xf32, #tpu.memory_space<vmem>>
        %dma_start3A_243 = arith.constant 0 : i32
        %dma_start3A_244 = tpu.memref_slice %arg6[%add3A_239, %dma_start3A_243] : memref<40x128xi32, #tpu.memory_space<vmem>> -> memref<1x128xi32, #tpu.memory_space<vmem>>
        %dma_start3A_245 = tpu.memref_squeeze %dma_start3A_244 : memref<1x128xi32, #tpu.memory_space<vmem>> -> memref<128xi32, #tpu.memory_space<vmem>>
        %dma_start3A_246 = arith.constant 0 : i32
        %dma_start3A_247 = arith.constant 0 : i32
        %dma_start3A_248 = tpu.memref_slice %arg10[%dma_start3A_246, %dma_start3A_247] : memref<10000x64xf32, #tpu.memory_space<vmem_shared>> -> memref<10000x64xf32, #tpu.memory_space<vmem_shared>>
        tpu.enqueue_indirect_dma source(%dma_start3A_248 : memref<10000x64xf32, #tpu.memory_space<vmem_shared>>) target(%dma_start3A_242 : memref<128x64xf32, #tpu.memory_space<vmem>>) offsets(%dma_start3A_245 : memref<128xi32, #tpu.memory_space<vmem>>) semaphore(%arg12 : memref<!tpu.dma_semaphore, #tpu.memory_space<semaphore_mem>>)
        %add3A_249 = arith.constant 2 : i32
        %add3A_250 = arith.addi %add3A_209, %add3A_249 : i32
        %mul3A_251 = arith.constant 4 : i32
        %mul3A_252 = arith.muli %add3A_250, %mul3A_251 : i32
        %add3A_253 = arith.constant 1 : i32
        %add3A_254 = arith.addi %mul3A_252, %add3A_253 : i32
        %dma_start3A_255 = arith.constant 128 : i32
        %dma_start3A_256 = arith.constant 0 : i32
        %dma_start3A_257 = tpu.memref_slice %arg9[%dma_start3A_255, %dma_start3A_256] : memref<512x64xf32, #tpu.memory_space<vmem>> -> memref<128x64xf32, #tpu.memory_space<vmem>>
        %dma_start3A_258 = arith.constant 0 : i32
        %dma_start3A_259 = tpu.memref_slice %arg6[%add3A_254, %dma_start3A_258] : memref<40x128xi32, #tpu.memory_space<vmem>> -> memref<1x128xi32, #tpu.memory_space<vmem>>
        %dma_start3A_260 = tpu.memref_squeeze %dma_start3A_259 : memref<1x128xi32, #tpu.memory_space<vmem>> -> memref<128xi32, #tpu.memory_space<vmem>>
        %dma_start3A_261 = arith.constant 0 : i32
        %dma_start3A_262 = arith.constant 0 : i32
        %dma_start3A_263 = tpu.memref_slice %arg10[%dma_start3A_261, %dma_start3A_262] : memref<10000x64xf32, #tpu.memory_space<vmem_shared>> -> memref<10000x64xf32, #tpu.memory_space<vmem_shared>>
        tpu.enqueue_indirect_dma source(%dma_start3A_263 : memref<10000x64xf32, #tpu.memory_space<vmem_shared>>) target(%dma_start3A_257 : memref<128x64xf32, #tpu.memory_space<vmem>>) offsets(%dma_start3A_260 : memref<128xi32, #tpu.memory_space<vmem>>) semaphore(%arg12 : memref<!tpu.dma_semaphore, #tpu.memory_space<semaphore_mem>>)
        %add3A_264 = arith.constant 2 : i32
        %add3A_265 = arith.addi %add3A_209, %add3A_264 : i32
        %mul3A_266 = arith.constant 4 : i32
        %mul3A_267 = arith.muli %add3A_265, %mul3A_266 : i32
        %add3A_268 = arith.constant 2 : i32
        %add3A_269 = arith.addi %mul3A_267, %add3A_268 : i32
        %dma_start3A_270 = arith.constant 256 : i32
        %dma_start3A_271 = arith.constant 0 : i32
        %dma_start3A_272 = tpu.memref_slice %arg9[%dma_start3A_270, %dma_start3A_271] : memref<512x64xf32, #tpu.memory_space<vmem>> -> memref<128x64xf32, #tpu.memory_space<vmem>>
        %dma_start3A_273 = arith.constant 0 : i32
        %dma_start3A_274 = tpu.memref_slice %arg6[%add3A_269, %dma_start3A_273] : memref<40x128xi32, #tpu.memory_space<vmem>> -> memref<1x128xi32, #tpu.memory_space<vmem>>
        %dma_start3A_275 = tpu.memref_squeeze %dma_start3A_274 : memref<1x128xi32, #tpu.memory_space<vmem>> -> memref<128xi32, #tpu.memory_space<vmem>>
        %dma_start3A_276 = arith.constant 0 : i32
        %dma_start3A_277 = arith.constant 0 : i32
        %dma_start3A_278 = tpu.memref_slice %arg10[%dma_start3A_276, %dma_start3A_277] : memref<10000x64xf32, #tpu.memory_space<vmem_shared>> -> memref<10000x64xf32, #tpu.memory_space<vmem_shared>>
        tpu.enqueue_indirect_dma source(%dma_start3A_278 : memref<10000x64xf32, #tpu.memory_space<vmem_shared>>) target(%dma_start3A_272 : memref<128x64xf32, #tpu.memory_space<vmem>>) offsets(%dma_start3A_275 : memref<128xi32, #tpu.memory_space<vmem>>) semaphore(%arg12 : memref<!tpu.dma_semaphore, #tpu.memory_space<semaphore_mem>>)
        %add3A_279 = arith.constant 2 : i32
        %add3A_280 = arith.addi %add3A_209, %add3A_279 : i32
        %mul3A_281 = arith.constant 4 : i32
        %mul3A_282 = arith.muli %add3A_280, %mul3A_281 : i32
        %add3A_283 = arith.constant 3 : i32
        %add3A_284 = arith.addi %mul3A_282, %add3A_283 : i32
        %dma_start3A_285 = arith.constant 384 : i32
        %dma_start3A_286 = arith.constant 0 : i32
        %dma_start3A_287 = tpu.memref_slice %arg9[%dma_start3A_285, %dma_start3A_286] : memref<512x64xf32, #tpu.memory_space<vmem>> -> memref<128x64xf32, #tpu.memory_space<vmem>>
        %dma_start3A_288 = arith.constant 0 : i32
        %dma_start3A_289 = tpu.memref_slice %arg6[%add3A_284, %dma_start3A_288] : memref<40x128xi32, #tpu.memory_space<vmem>> -> memref<1x128xi32, #tpu.memory_space<vmem>>
        %dma_start3A_290 = tpu.memref_squeeze %dma_start3A_289 : memref<1x128xi32, #tpu.memory_space<vmem>> -> memref<128xi32, #tpu.memory_space<vmem>>
        %dma_start3A_291 = arith.constant 0 : i32
        %dma_start3A_292 = arith.constant 0 : i32
        %dma_start3A_293 = tpu.memref_slice %arg10[%dma_start3A_291, %dma_start3A_292] : memref<10000x64xf32, #tpu.memory_space<vmem_shared>> -> memref<10000x64xf32, #tpu.memory_space<vmem_shared>>
        tpu.enqueue_indirect_dma source(%dma_start3A_293 : memref<10000x64xf32, #tpu.memory_space<vmem_shared>>) target(%dma_start3A_287 : memref<128x64xf32, #tpu.memory_space<vmem>>) offsets(%dma_start3A_290 : memref<128xi32, #tpu.memory_space<vmem>>) semaphore(%arg12 : memref<!tpu.dma_semaphore, #tpu.memory_space<semaphore_mem>>)
      } else {
      }
    }
    %scan3A_94 = arith.constant 5 : i32
    %dma_start3A_95 = arith.constant 0 : i32
    %dma_start3A_96 = arith.constant 0 : i32
    %dma_start3A_97 = arith.constant 0 : i32
    %dma_start3A_98 = tpu.memref_slice %arg8[%dma_start3A_96, %dma_start3A_97] : memref<512x64xf32, #tpu.memory_space<vmem>> -> memref<128x64xf32, #tpu.memory_space<vmem>>
    %dma_start3A_99 = arith.constant 0 : i32
    %dma_start3A_100 = tpu.memref_slice %arg7[%dma_start3A_95, %dma_start3A_99] : memref<40x128xi32, #tpu.memory_space<vmem>> -> memref<1x128xi32, #tpu.memory_space<vmem>>
    %dma_start3A_101 = tpu.memref_squeeze %dma_start3A_100 : memref<1x128xi32, #tpu.memory_space<vmem>> -> memref<128xi32, #tpu.memory_space<vmem>>
    %dma_start3A_102 = arith.constant 0 : i32
    %dma_start3A_103 = arith.constant 0 : i32
    %dma_start3A_104 = tpu.memref_slice %arg10[%dma_start3A_102, %dma_start3A_103] : memref<10000x64xf32, #tpu.memory_space<vmem_shared>> -> memref<10000x64xf32, #tpu.memory_space<vmem_shared>>
    tpu.enqueue_indirect_dma source(%dma_start3A_104 : memref<10000x64xf32, #tpu.memory_space<vmem_shared>>) target(%dma_start3A_98 : memref<128x64xf32, #tpu.memory_space<vmem>>) offsets(%dma_start3A_101 : memref<128xi32, #tpu.memory_space<vmem>>) semaphore(%arg11 : memref<!tpu.dma_semaphore, #tpu.memory_space<semaphore_mem>>)
    %dma_start3A_105 = arith.constant 1 : i32
    %dma_start3A_106 = arith.constant 128 : i32
    %dma_start3A_107 = arith.constant 0 : i32
    %dma_start3A_108 = tpu.memref_slice %arg8[%dma_start3A_106, %dma_start3A_107] : memref<512x64xf32, #tpu.memory_space<vmem>> -> memref<128x64xf32, #tpu.memory_space<vmem>>
    %dma_start3A_109 = arith.constant 0 : i32
    %dma_start3A_110 = tpu.memref_slice %arg7[%dma_start3A_105, %dma_start3A_109] : memref<40x128xi32, #tpu.memory_space<vmem>> -> memref<1x128xi32, #tpu.memory_space<vmem>>
    %dma_start3A_111 = tpu.memref_squeeze %dma_start3A_110 : memref<1x128xi32, #tpu.memory_space<vmem>> -> memref<128xi32, #tpu.memory_space<vmem>>
    %dma_start3A_112 = arith.constant 0 : i32
    %dma_start3A_113 = arith.constant 0 : i32
    %dma_start3A_114 = tpu.memref_slice %arg10[%dma_start3A_112, %dma_start3A_113] : memref<10000x64xf32, #tpu.memory_space<vmem_shared>> -> memref<10000x64xf32, #tpu.memory_space<vmem_shared>>
    tpu.enqueue_indirect_dma source(%dma_start3A_114 : memref<10000x64xf32, #tpu.memory_space<vmem_shared>>) target(%dma_start3A_108 : memref<128x64xf32, #tpu.memory_space<vmem>>) offsets(%dma_start3A_111 : memref<128xi32, #tpu.memory_space<vmem>>) semaphore(%arg11 : memref<!tpu.dma_semaphore, #tpu.memory_space<semaphore_mem>>)
    %dma_start3A_115 = arith.constant 2 : i32
    %dma_start3A_116 = arith.constant 256 : i32
    %dma_start3A_117 = arith.constant 0 : i32
    %dma_start3A_118 = tpu.memref_slice %arg8[%dma_start3A_116, %dma_start3A_117] : memref<512x64xf32, #tpu.memory_space<vmem>> -> memref<128x64xf32, #tpu.memory_space<vmem>>
    %dma_start3A_119 = arith.constant 0 : i32
    %dma_start3A_120 = tpu.memref_slice %arg7[%dma_start3A_115, %dma_start3A_119] : memref<40x128xi32, #tpu.memory_space<vmem>> -> memref<1x128xi32, #tpu.memory_space<vmem>>
    %dma_start3A_121 = tpu.memref_squeeze %dma_start3A_120 : memref<1x128xi32, #tpu.memory_space<vmem>> -> memref<128xi32, #tpu.memory_space<vmem>>
    %dma_start3A_122 = arith.constant 0 : i32
    %dma_start3A_123 = arith.constant 0 : i32
    %dma_start3A_124 = tpu.memref_slice %arg10[%dma_start3A_122, %dma_start3A_123] : memref<10000x64xf32, #tpu.memory_space<vmem_shared>> -> memref<10000x64xf32, #tpu.memory_space<vmem_shared>>
    tpu.enqueue_indirect_dma source(%dma_start3A_124 : memref<10000x64xf32, #tpu.memory_space<vmem_shared>>) target(%dma_start3A_118 : memref<128x64xf32, #tpu.memory_space<vmem>>) offsets(%dma_start3A_121 : memref<128xi32, #tpu.memory_space<vmem>>) semaphore(%arg11 : memref<!tpu.dma_semaphore, #tpu.memory_space<semaphore_mem>>)
    %dma_start3A_125 = arith.constant 3 : i32
    %dma_start3A_126 = arith.constant 384 : i32
    %dma_start3A_127 = arith.constant 0 : i32
    %dma_start3A_128 = tpu.memref_slice %arg8[%dma_start3A_126, %dma_start3A_127] : memref<512x64xf32, #tpu.memory_space<vmem>> -> memref<128x64xf32, #tpu.memory_space<vmem>>
    %dma_start3A_129 = arith.constant 0 : i32
    %dma_start3A_130 = tpu.memref_slice %arg7[%dma_start3A_125, %dma_start3A_129] : memref<40x128xi32, #tpu.memory_space<vmem>> -> memref<1x128xi32, #tpu.memory_space<vmem>>
    %dma_start3A_131 = tpu.memref_squeeze %dma_start3A_130 : memref<1x128xi32, #tpu.memory_space<vmem>> -> memref<128xi32, #tpu.memory_space<vmem>>
    %dma_start3A_132 = arith.constant 0 : i32
    %dma_start3A_133 = arith.constant 0 : i32
    %dma_start3A_134 = tpu.memref_slice %arg10[%dma_start3A_132, %dma_start3A_133] : memref<10000x64xf32, #tpu.memory_space<vmem_shared>> -> memref<10000x64xf32, #tpu.memory_space<vmem_shared>>
    tpu.enqueue_indirect_dma source(%dma_start3A_134 : memref<10000x64xf32, #tpu.memory_space<vmem_shared>>) target(%dma_start3A_128 : memref<128x64xf32, #tpu.memory_space<vmem>>) offsets(%dma_start3A_131 : memref<128xi32, #tpu.memory_space<vmem>>) semaphore(%arg11 : memref<!tpu.dma_semaphore, #tpu.memory_space<semaphore_mem>>)
    %dma_start3A_135 = arith.constant 4 : i32
    %dma_start3A_136 = arith.constant 0 : i32
    %dma_start3A_137 = arith.constant 0 : i32
    %dma_start3A_138 = tpu.memref_slice %arg9[%dma_start3A_136, %dma_start3A_137] : memref<512x64xf32, #tpu.memory_space<vmem>> -> memref<128x64xf32, #tpu.memory_space<vmem>>
    %dma_start3A_139 = arith.constant 0 : i32
    %dma_start3A_140 = tpu.memref_slice %arg7[%dma_start3A_135, %dma_start3A_139] : memref<40x128xi32, #tpu.memory_space<vmem>> -> memref<1x128xi32, #tpu.memory_space<vmem>>
    %dma_start3A_141 = tpu.memref_squeeze %dma_start3A_140 : memref<1x128xi32, #tpu.memory_space<vmem>> -> memref<128xi32, #tpu.memory_space<vmem>>
    %dma_start3A_142 = arith.constant 0 : i32
    %dma_start3A_143 = arith.constant 0 : i32
    %dma_start3A_144 = tpu.memref_slice %arg10[%dma_start3A_142, %dma_start3A_143] : memref<10000x64xf32, #tpu.memory_space<vmem_shared>> -> memref<10000x64xf32, #tpu.memory_space<vmem_shared>>
    tpu.enqueue_indirect_dma source(%dma_start3A_144 : memref<10000x64xf32, #tpu.memory_space<vmem_shared>>) target(%dma_start3A_138 : memref<128x64xf32, #tpu.memory_space<vmem>>) offsets(%dma_start3A_141 : memref<128xi32, #tpu.memory_space<vmem>>) semaphore(%arg12 : memref<!tpu.dma_semaphore, #tpu.memory_space<semaphore_mem>>)
    %dma_start3A_145 = arith.constant 5 : i32
    %dma_start3A_146 = arith.constant 128 : i32
    %dma_start3A_147 = arith.constant 0 : i32
    %dma_start3A_148 = tpu.memref_slice %arg9[%dma_start3A_146, %dma_start3A_147] : memref<512x64xf32, #tpu.memory_space<vmem>> -> memref<128x64xf32, #tpu.memory_space<vmem>>
    %dma_start3A_149 = arith.constant 0 : i32
    %dma_start3A_150 = tpu.memref_slice %arg7[%dma_start3A_145, %dma_start3A_149] : memref<40x128xi32, #tpu.memory_space<vmem>> -> memref<1x128xi32, #tpu.memory_space<vmem>>
    %dma_start3A_151 = tpu.memref_squeeze %dma_start3A_150 : memref<1x128xi32, #tpu.memory_space<vmem>> -> memref<128xi32, #tpu.memory_space<vmem>>
    %dma_start3A_152 = arith.constant 0 : i32
    %dma_start3A_153 = arith.constant 0 : i32
    %dma_start3A_154 = tpu.memref_slice %arg10[%dma_start3A_152, %dma_start3A_153] : memref<10000x64xf32, #tpu.memory_space<vmem_shared>> -> memref<10000x64xf32, #tpu.memory_space<vmem_shared>>
    tpu.enqueue_indirect_dma source(%dma_start3A_154 : memref<10000x64xf32, #tpu.memory_space<vmem_shared>>) target(%dma_start3A_148 : memref<128x64xf32, #tpu.memory_space<vmem>>) offsets(%dma_start3A_151 : memref<128xi32, #tpu.memory_space<vmem>>) semaphore(%arg12 : memref<!tpu.dma_semaphore, #tpu.memory_space<semaphore_mem>>)
    %dma_start3A_155 = arith.constant 6 : i32
    %dma_start3A_156 = arith.constant 256 : i32
    %dma_start3A_157 = arith.constant 0 : i32
    %dma_start3A_158 = tpu.memref_slice %arg9[%dma_start3A_156, %dma_start3A_157] : memref<512x64xf32, #tpu.memory_space<vmem>> -> memref<128x64xf32, #tpu.memory_space<vmem>>
    %dma_start3A_159 = arith.constant 0 : i32
    %dma_start3A_160 = tpu.memref_slice %arg7[%dma_start3A_155, %dma_start3A_159] : memref<40x128xi32, #tpu.memory_space<vmem>> -> memref<1x128xi32, #tpu.memory_space<vmem>>
    %dma_start3A_161 = tpu.memref_squeeze %dma_start3A_160 : memref<1x128xi32, #tpu.memory_space<vmem>> -> memref<128xi32, #tpu.memory_space<vmem>>
    %dma_start3A_162 = arith.constant 0 : i32
    %dma_start3A_163 = arith.constant 0 : i32
    %dma_start3A_164 = tpu.memref_slice %arg10[%dma_start3A_162, %dma_start3A_163] : memref<10000x64xf32, #tpu.memory_space<vmem_shared>> -> memref<10000x64xf32, #tpu.memory_space<vmem_shared>>
    tpu.enqueue_indirect_dma source(%dma_start3A_164 : memref<10000x64xf32, #tpu.memory_space<vmem_shared>>) target(%dma_start3A_158 : memref<128x64xf32, #tpu.memory_space<vmem>>) offsets(%dma_start3A_161 : memref<128xi32, #tpu.memory_space<vmem>>) semaphore(%arg12 : memref<!tpu.dma_semaphore, #tpu.memory_space<semaphore_mem>>)
    %dma_start3A_165 = arith.constant 7 : i32
    %dma_start3A_166 = arith.constant 384 : i32
    %dma_start3A_167 = arith.constant 0 : i32
    %dma_start3A_168 = tpu.memref_slice %arg9[%dma_start3A_166, %dma_start3A_167] : memref<512x64xf32, #tpu.memory_space<vmem>> -> memref<128x64xf32, #tpu.memory_space<vmem>>
    %dma_start3A_169 = arith.constant 0 : i32
    %dma_start3A_170 = tpu.memref_slice %arg7[%dma_start3A_165, %dma_start3A_169] : memref<40x128xi32, #tpu.memory_space<vmem>> -> memref<1x128xi32, #tpu.memory_space<vmem>>
    %dma_start3A_171 = tpu.memref_squeeze %dma_start3A_170 : memref<1x128xi32, #tpu.memory_space<vmem>> -> memref<128xi32, #tpu.memory_space<vmem>>
    %dma_start3A_172 = arith.constant 0 : i32
    %dma_start3A_173 = arith.constant 0 : i32
    %dma_start3A_174 = tpu.memref_slice %arg10[%dma_start3A_172, %dma_start3A_173] : memref<10000x64xf32, #tpu.memory_space<vmem_shared>> -> memref<10000x64xf32, #tpu.memory_space<vmem_shared>>
    tpu.enqueue_indirect_dma source(%dma_start3A_174 : memref<10000x64xf32, #tpu.memory_space<vmem_shared>>) target(%dma_start3A_168 : memref<128x64xf32, #tpu.memory_space<vmem>>) offsets(%dma_start3A_171 : memref<128xi32, #tpu.memory_space<vmem>>) semaphore(%arg12 : memref<!tpu.dma_semaphore, #tpu.memory_space<semaphore_mem>>)
    %scan3A_175 = arith.constant 0 : i32
    %scan3A_176 = arith.constant 0 : i32
    %scan3A_177 = arith.constant 5 : i32
    %scan3A_178 = arith.addi %scan3A_176, %scan3A_177 : i32
    %scan3A_179 = arith.constant 1 : i32
    scf.for %scan3A_181 = %scan3A_176 to %scan3A_178 step %scan3A_179  : i32 {
      %mul3A_182 = arith.constant 2 : i32
      %mul3A_183 = arith.muli %scan3A_181, %mul3A_182 : i32
      %add3A_184 = arith.constant 0 : i32
      %add3A_185 = arith.addi %mul3A_183, %add3A_184 : i32
      %dma_wait3A = arith.constant 0 : i32
      %dma_wait3A_186 = arith.constant 0 : i32
      %dma_wait3A_187 = tpu.memref_slice %arg5[%dma_wait3A, %dma_wait3A_186] : memref<163840x128xf32, #tpu.memory_space<hbm>> -> memref<512x64xf32, #tpu.memory_space<hbm>>
      %dma_wait3A_188 = arith.constant 0 : i32
      %dma_wait3A_189 = arith.constant 0 : i32
      %dma_wait3A_190 = tpu.memref_slice %arg5[%dma_wait3A_188, %dma_wait3A_189] : memref<163840x128xf32, #tpu.memory_space<hbm>> -> memref<512x64xf32, #tpu.memory_space<hbm>>
      tpu.wait_dma2 semaphore(%arg11 : memref<!tpu.dma_semaphore, #tpu.memory_space<semaphore_mem>>) src(%dma_wait3A_190 : memref<512x64xf32, #tpu.memory_space<hbm>>) dst(%arg8 : memref<512x64xf32, #tpu.memory_space<vmem>>)
      %mul3A_191 = arith.constant 512 : i32
      %mul3A_192 = arith.muli %add3A_185, %mul3A_191 : i32
      %add3A_193 = arith.addi %mul3A_10, %mul3A_192 : i32
      %dma_start3A_194 = arith.constant 64 : i32
      %dma_start3A_195 = tpu.memref_slice %arg5[%add3A_193, %dma_start3A_194] : memref<163840x128xf32, #tpu.memory_space<hbm>> -> memref<512x64xf32, #tpu.memory_space<hbm>>
      %dma_start3A_196 = arith.constant 64 : i32
      %dma_start3A_197 = tpu.memref_slice %arg5[%add3A_193, %dma_start3A_196] : memref<163840x128xf32, #tpu.memory_space<hbm>> -> memref<512x64xf32, #tpu.memory_space<hbm>>
      tpu.enqueue_dma source(%arg8 : memref<512x64xf32, #tpu.memory_space<vmem>>) target(%dma_start3A_197 : memref<512x64xf32, #tpu.memory_space<hbm>>) target_semaphore(%arg13 : memref<!tpu.dma_semaphore, #tpu.memory_space<semaphore_mem>>)
      %dma_wait3A_198 = arith.constant 64 : i32
      %dma_wait3A_199 = tpu.memref_slice %arg5[%add3A_193, %dma_wait3A_198] : memref<163840x128xf32, #tpu.memory_space<hbm>> -> memref<512x64xf32, #tpu.memory_space<hbm>>
      %dma_wait3A_200 = arith.constant 64 : i32
      %dma_wait3A_201 = tpu.memref_slice %arg5[%add3A_193, %dma_wait3A_200] : memref<163840x128xf32, #tpu.memory_space<hbm>> -> memref<512x64xf32, #tpu.memory_space<hbm>>
      tpu.wait_dma2 semaphore(%arg13 : memref<!tpu.dma_semaphore, #tpu.memory_space<semaphore_mem>>) src(%arg8 : memref<512x64xf32, #tpu.memory_space<vmem>>) dst(%dma_wait3A_201 : memref<512x64xf32, #tpu.memory_space<hbm>>)
      %add3A_202 = arith.constant 2 : i32
      %add3A_203 = arith.addi %add3A_185, %add3A_202 : i32
      %lt3A = arith.constant 10 : i32
      %lt3A_204 = arith.cmpi slt, %add3A_203, %lt3A : i32
      %convert_element_type3A = arith.extui %lt3A_204 : i1 to i32
      %cond3A = arith.constant 0 : i32
      %cond3A_205 = arith.cmpi ne, %convert_element_type3A, %cond3A : i32
      scf.if %cond3A_205 {
        %add3A_234 = arith.constant 2 : i32
        %add3A_235 = arith.addi %add3A_185, %add3A_234 : i32
        %mul3A_236 = arith.constant 4 : i32
        %mul3A_237 = arith.muli %add3A_235, %mul3A_236 : i32
        %add3A_238 = arith.constant 0 : i32
        %add3A_239 = arith.addi %mul3A_237, %add3A_238 : i32
        %dma_start3A_240 = arith.constant 0 : i32
        %dma_start3A_241 = arith.constant 0 : i32
        %dma_start3A_242 = tpu.memref_slice %arg8[%dma_start3A_240, %dma_start3A_241] : memref<512x64xf32, #tpu.memory_space<vmem>> -> memref<128x64xf32, #tpu.memory_space<vmem>>
        %dma_start3A_243 = arith.constant 0 : i32
        %dma_start3A_244 = tpu.memref_slice %arg7[%add3A_239, %dma_start3A_243] : memref<40x128xi32, #tpu.memory_space<vmem>> -> memref<1x128xi32, #tpu.memory_space<vmem>>
        %dma_start3A_245 = tpu.memref_squeeze %dma_start3A_244 : memref<1x128xi32, #tpu.memory_space<vmem>> -> memref<128xi32, #tpu.memory_space<vmem>>
        %dma_start3A_246 = arith.constant 0 : i32
        %dma_start3A_247 = arith.constant 0 : i32
        %dma_start3A_248 = tpu.memref_slice %arg10[%dma_start3A_246, %dma_start3A_247] : memref<10000x64xf32, #tpu.memory_space<vmem_shared>> -> memref<10000x64xf32, #tpu.memory_space<vmem_shared>>
        tpu.enqueue_indirect_dma source(%dma_start3A_248 : memref<10000x64xf32, #tpu.memory_space<vmem_shared>>) target(%dma_start3A_242 : memref<128x64xf32, #tpu.memory_space<vmem>>) offsets(%dma_start3A_245 : memref<128xi32, #tpu.memory_space<vmem>>) semaphore(%arg11 : memref<!tpu.dma_semaphore, #tpu.memory_space<semaphore_mem>>)
        %add3A_249 = arith.constant 2 : i32
        %add3A_250 = arith.addi %add3A_185, %add3A_249 : i32
        %mul3A_251 = arith.constant 4 : i32
        %mul3A_252 = arith.muli %add3A_250, %mul3A_251 : i32
        %add3A_253 = arith.constant 1 : i32
        %add3A_254 = arith.addi %mul3A_252, %add3A_253 : i32
        %dma_start3A_255 = arith.constant 128 : i32
        %dma_start3A_256 = arith.constant 0 : i32
        %dma_start3A_257 = tpu.memref_slice %arg8[%dma_start3A_255, %dma_start3A_256] : memref<512x64xf32, #tpu.memory_space<vmem>> -> memref<128x64xf32, #tpu.memory_space<vmem>>
        %dma_start3A_258 = arith.constant 0 : i32
        %dma_start3A_259 = tpu.memref_slice %arg7[%add3A_254, %dma_start3A_258] : memref<40x128xi32, #tpu.memory_space<vmem>> -> memref<1x128xi32, #tpu.memory_space<vmem>>
        %dma_start3A_260 = tpu.memref_squeeze %dma_start3A_259 : memref<1x128xi32, #tpu.memory_space<vmem>> -> memref<128xi32, #tpu.memory_space<vmem>>
        %dma_start3A_261 = arith.constant 0 : i32
        %dma_start3A_262 = arith.constant 0 : i32
        %dma_start3A_263 = tpu.memref_slice %arg10[%dma_start3A_261, %dma_start3A_262] : memref<10000x64xf32, #tpu.memory_space<vmem_shared>> -> memref<10000x64xf32, #tpu.memory_space<vmem_shared>>
        tpu.enqueue_indirect_dma source(%dma_start3A_263 : memref<10000x64xf32, #tpu.memory_space<vmem_shared>>) target(%dma_start3A_257 : memref<128x64xf32, #tpu.memory_space<vmem>>) offsets(%dma_start3A_260 : memref<128xi32, #tpu.memory_space<vmem>>) semaphore(%arg11 : memref<!tpu.dma_semaphore, #tpu.memory_space<semaphore_mem>>)
        %add3A_264 = arith.constant 2 : i32
        %add3A_265 = arith.addi %add3A_185, %add3A_264 : i32
        %mul3A_266 = arith.constant 4 : i32
        %mul3A_267 = arith.muli %add3A_265, %mul3A_266 : i32
        %add3A_268 = arith.constant 2 : i32
        %add3A_269 = arith.addi %mul3A_267, %add3A_268 : i32
        %dma_start3A_270 = arith.constant 256 : i32
        %dma_start3A_271 = arith.constant 0 : i32
        %dma_start3A_272 = tpu.memref_slice %arg8[%dma_start3A_270, %dma_start3A_271] : memref<512x64xf32, #tpu.memory_space<vmem>> -> memref<128x64xf32, #tpu.memory_space<vmem>>
        %dma_start3A_273 = arith.constant 0 : i32
        %dma_start3A_274 = tpu.memref_slice %arg7[%add3A_269, %dma_start3A_273] : memref<40x128xi32, #tpu.memory_space<vmem>> -> memref<1x128xi32, #tpu.memory_space<vmem>>
        %dma_start3A_275 = tpu.memref_squeeze %dma_start3A_274 : memref<1x128xi32, #tpu.memory_space<vmem>> -> memref<128xi32, #tpu.memory_space<vmem>>
        %dma_start3A_276 = arith.constant 0 : i32
        %dma_start3A_277 = arith.constant 0 : i32
        %dma_start3A_278 = tpu.memref_slice %arg10[%dma_start3A_276, %dma_start3A_277] : memref<10000x64xf32, #tpu.memory_space<vmem_shared>> -> memref<10000x64xf32, #tpu.memory_space<vmem_shared>>
        tpu.enqueue_indirect_dma source(%dma_start3A_278 : memref<10000x64xf32, #tpu.memory_space<vmem_shared>>) target(%dma_start3A_272 : memref<128x64xf32, #tpu.memory_space<vmem>>) offsets(%dma_start3A_275 : memref<128xi32, #tpu.memory_space<vmem>>) semaphore(%arg11 : memref<!tpu.dma_semaphore, #tpu.memory_space<semaphore_mem>>)
        %add3A_279 = arith.constant 2 : i32
        %add3A_280 = arith.addi %add3A_185, %add3A_279 : i32
        %mul3A_281 = arith.constant 4 : i32
        %mul3A_282 = arith.muli %add3A_280, %mul3A_281 : i32
        %add3A_283 = arith.constant 3 : i32
        %add3A_284 = arith.addi %mul3A_282, %add3A_283 : i32
        %dma_start3A_285 = arith.constant 384 : i32
        %dma_start3A_286 = arith.constant 0 : i32
        %dma_start3A_287 = tpu.memref_slice %arg8[%dma_start3A_285, %dma_start3A_286] : memref<512x64xf32, #tpu.memory_space<vmem>> -> memref<128x64xf32, #tpu.memory_space<vmem>>
        %dma_start3A_288 = arith.constant 0 : i32
        %dma_start3A_289 = tpu.memref_slice %arg7[%add3A_284, %dma_start3A_288] : memref<40x128xi32, #tpu.memory_space<vmem>> -> memref<1x128xi32, #tpu.memory_space<vmem>>
        %dma_start3A_290 = tpu.memref_squeeze %dma_start3A_289 : memref<1x128xi32, #tpu.memory_space<vmem>> -> memref<128xi32, #tpu.memory_space<vmem>>
        %dma_start3A_291 = arith.constant 0 : i32
        %dma_start3A_292 = arith.constant 0 : i32
        %dma_start3A_293 = tpu.memref_slice %arg10[%dma_start3A_291, %dma_start3A_292] : memref<10000x64xf32, #tpu.memory_space<vmem_shared>> -> memref<10000x64xf32, #tpu.memory_space<vmem_shared>>
        tpu.enqueue_indirect_dma source(%dma_start3A_293 : memref<10000x64xf32, #tpu.memory_space<vmem_shared>>) target(%dma_start3A_287 : memref<128x64xf32, #tpu.memory_space<vmem>>) offsets(%dma_start3A_290 : memref<128xi32, #tpu.memory_space<vmem>>) semaphore(%arg11 : memref<!tpu.dma_semaphore, #tpu.memory_space<semaphore_mem>>)
      } else {
      }
      %mul3A_206 = arith.constant 2 : i32
      %mul3A_207 = arith.muli %scan3A_181, %mul3A_206 : i32
      %add3A_208 = arith.constant 1 : i32
      %add3A_209 = arith.addi %mul3A_207, %add3A_208 : i32
      %dma_wait3A_210 = arith.constant 0 : i32
      %dma_wait3A_211 = arith.constant 0 : i32
      %dma_wait3A_212 = tpu.memref_slice %arg5[%dma_wait3A_210, %dma_wait3A_211] : memref<163840x128xf32, #tpu.memory_space<hbm>> -> memref<512x64xf32, #tpu.memory_space<hbm>>
      %dma_wait3A_213 = arith.constant 0 : i32
      %dma_wait3A_214 = arith.constant 0 : i32
      %dma_wait3A_215 = tpu.memref_slice %arg5[%dma_wait3A_213, %dma_wait3A_214] : memref<163840x128xf32, #tpu.memory_space<hbm>> -> memref<512x64xf32, #tpu.memory_space<hbm>>
      tpu.wait_dma2 semaphore(%arg12 : memref<!tpu.dma_semaphore, #tpu.memory_space<semaphore_mem>>) src(%dma_wait3A_215 : memref<512x64xf32, #tpu.memory_space<hbm>>) dst(%arg9 : memref<512x64xf32, #tpu.memory_space<vmem>>)
      %mul3A_216 = arith.constant 512 : i32
      %mul3A_217 = arith.muli %add3A_209, %mul3A_216 : i32
      %add3A_218 = arith.addi %mul3A_10, %mul3A_217 : i32
      %dma_start3A_219 = arith.constant 64 : i32
      %dma_start3A_220 = tpu.memref_slice %arg5[%add3A_218, %dma_start3A_219] : memref<163840x128xf32, #tpu.memory_space<hbm>> -> memref<512x64xf32, #tpu.memory_space<hbm>>
      %dma_start3A_221 = arith.constant 64 : i32
      %dma_start3A_222 = tpu.memref_slice %arg5[%add3A_218, %dma_start3A_221] : memref<163840x128xf32, #tpu.memory_space<hbm>> -> memref<512x64xf32, #tpu.memory_space<hbm>>
      tpu.enqueue_dma source(%arg9 : memref<512x64xf32, #tpu.memory_space<vmem>>) target(%dma_start3A_222 : memref<512x64xf32, #tpu.memory_space<hbm>>) target_semaphore(%arg14 : memref<!tpu.dma_semaphore, #tpu.memory_space<semaphore_mem>>)
      %dma_wait3A_223 = arith.constant 64 : i32
      %dma_wait3A_224 = tpu.memref_slice %arg5[%add3A_218, %dma_wait3A_223] : memref<163840x128xf32, #tpu.memory_space<hbm>> -> memref<512x64xf32, #tpu.memory_space<hbm>>
      %dma_wait3A_225 = arith.constant 64 : i32
      %dma_wait3A_226 = tpu.memref_slice %arg5[%add3A_218, %dma_wait3A_225] : memref<163840x128xf32, #tpu.memory_space<hbm>> -> memref<512x64xf32, #tpu.memory_space<hbm>>
      tpu.wait_dma2 semaphore(%arg14 : memref<!tpu.dma_semaphore, #tpu.memory_space<semaphore_mem>>) src(%arg9 : memref<512x64xf32, #tpu.memory_space<vmem>>) dst(%dma_wait3A_226 : memref<512x64xf32, #tpu.memory_space<hbm>>)
      %add3A_227 = arith.constant 2 : i32
      %add3A_228 = arith.addi %add3A_209, %add3A_227 : i32
      %lt3A_229 = arith.constant 10 : i32
      %lt3A_230 = arith.cmpi slt, %add3A_228, %lt3A_229 : i32
      %convert_element_type3A_231 = arith.extui %lt3A_230 : i1 to i32
      %cond3A_232 = arith.constant 0 : i32
      %cond3A_233 = arith.cmpi ne, %convert_element_type3A_231, %cond3A_232 : i32
      scf.if %cond3A_233 {
        %add3A_234 = arith.constant 2 : i32
        %add3A_235 = arith.addi %add3A_209, %add3A_234 : i32
        %mul3A_236 = arith.constant 4 : i32
        %mul3A_237 = arith.muli %add3A_235, %mul3A_236 : i32
        %add3A_238 = arith.constant 0 : i32
        %add3A_239 = arith.addi %mul3A_237, %add3A_238 : i32
        %dma_start3A_240 = arith.constant 0 : i32
        %dma_start3A_241 = arith.constant 0 : i32
        %dma_start3A_242 = tpu.memref_slice %arg9[%dma_start3A_240, %dma_start3A_241] : memref<512x64xf32, #tpu.memory_space<vmem>> -> memref<128x64xf32, #tpu.memory_space<vmem>>
        %dma_start3A_243 = arith.constant 0 : i32
        %dma_start3A_244 = tpu.memref_slice %arg7[%add3A_239, %dma_start3A_243] : memref<40x128xi32, #tpu.memory_space<vmem>> -> memref<1x128xi32, #tpu.memory_space<vmem>>
        %dma_start3A_245 = tpu.memref_squeeze %dma_start3A_244 : memref<1x128xi32, #tpu.memory_space<vmem>> -> memref<128xi32, #tpu.memory_space<vmem>>
        %dma_start3A_246 = arith.constant 0 : i32
        %dma_start3A_247 = arith.constant 0 : i32
        %dma_start3A_248 = tpu.memref_slice %arg10[%dma_start3A_246, %dma_start3A_247] : memref<10000x64xf32, #tpu.memory_space<vmem_shared>> -> memref<10000x64xf32, #tpu.memory_space<vmem_shared>>
        tpu.enqueue_indirect_dma source(%dma_start3A_248 : memref<10000x64xf32, #tpu.memory_space<vmem_shared>>) target(%dma_start3A_242 : memref<128x64xf32, #tpu.memory_space<vmem>>) offsets(%dma_start3A_245 : memref<128xi32, #tpu.memory_space<vmem>>) semaphore(%arg12 : memref<!tpu.dma_semaphore, #tpu.memory_space<semaphore_mem>>)
        %add3A_249 = arith.constant 2 : i32
        %add3A_250 = arith.addi %add3A_209, %add3A_249 : i32
        %mul3A_251 = arith.constant 4 : i32
        %mul3A_252 = arith.muli %add3A_250, %mul3A_251 : i32
        %add3A_253 = arith.constant 1 : i32
        %add3A_254 = arith.addi %mul3A_252, %add3A_253 : i32
        %dma_start3A_255 = arith.constant 128 : i32
        %dma_start3A_256 = arith.constant 0 : i32
        %dma_start3A_257 = tpu.memref_slice %arg9[%dma_start3A_255, %dma_start3A_256] : memref<512x64xf32, #tpu.memory_space<vmem>> -> memref<128x64xf32, #tpu.memory_space<vmem>>
        %dma_start3A_258 = arith.constant 0 : i32
        %dma_start3A_259 = tpu.memref_slice %arg7[%add3A_254, %dma_start3A_258] : memref<40x128xi32, #tpu.memory_space<vmem>> -> memref<1x128xi32, #tpu.memory_space<vmem>>
        %dma_start3A_260 = tpu.memref_squeeze %dma_start3A_259 : memref<1x128xi32, #tpu.memory_space<vmem>> -> memref<128xi32, #tpu.memory_space<vmem>>
        %dma_start3A_261 = arith.constant 0 : i32
        %dma_start3A_262 = arith.constant 0 : i32
        %dma_start3A_263 = tpu.memref_slice %arg10[%dma_start3A_261, %dma_start3A_262] : memref<10000x64xf32, #tpu.memory_space<vmem_shared>> -> memref<10000x64xf32, #tpu.memory_space<vmem_shared>>
        tpu.enqueue_indirect_dma source(%dma_start3A_263 : memref<10000x64xf32, #tpu.memory_space<vmem_shared>>) target(%dma_start3A_257 : memref<128x64xf32, #tpu.memory_space<vmem>>) offsets(%dma_start3A_260 : memref<128xi32, #tpu.memory_space<vmem>>) semaphore(%arg12 : memref<!tpu.dma_semaphore, #tpu.memory_space<semaphore_mem>>)
        %add3A_264 = arith.constant 2 : i32
        %add3A_265 = arith.addi %add3A_209, %add3A_264 : i32
        %mul3A_266 = arith.constant 4 : i32
        %mul3A_267 = arith.muli %add3A_265, %mul3A_266 : i32
        %add3A_268 = arith.constant 2 : i32
        %add3A_269 = arith.addi %mul3A_267, %add3A_268 : i32
        %dma_start3A_270 = arith.constant 256 : i32
        %dma_start3A_271 = arith.constant 0 : i32
        %dma_start3A_272 = tpu.memref_slice %arg9[%dma_start3A_270, %dma_start3A_271] : memref<512x64xf32, #tpu.memory_space<vmem>> -> memref<128x64xf32, #tpu.memory_space<vmem>>
        %dma_start3A_273 = arith.constant 0 : i32
        %dma_start3A_274 = tpu.memref_slice %arg7[%add3A_269, %dma_start3A_273] : memref<40x128xi32, #tpu.memory_space<vmem>> -> memref<1x128xi32, #tpu.memory_space<vmem>>
        %dma_start3A_275 = tpu.memref_squeeze %dma_start3A_274 : memref<1x128xi32, #tpu.memory_space<vmem>> -> memref<128xi32, #tpu.memory_space<vmem>>
        %dma_start3A_276 = arith.constant 0 : i32
        %dma_start3A_277 = arith.constant 0 : i32
        %dma_start3A_278 = tpu.memref_slice %arg10[%dma_start3A_276, %dma_start3A_277] : memref<10000x64xf32, #tpu.memory_space<vmem_shared>> -> memref<10000x64xf32, #tpu.memory_space<vmem_shared>>
        tpu.enqueue_indirect_dma source(%dma_start3A_278 : memref<10000x64xf32, #tpu.memory_space<vmem_shared>>) target(%dma_start3A_272 : memref<128x64xf32, #tpu.memory_space<vmem>>) offsets(%dma_start3A_275 : memref<128xi32, #tpu.memory_space<vmem>>) semaphore(%arg12 : memref<!tpu.dma_semaphore, #tpu.memory_space<semaphore_mem>>)
        %add3A_279 = arith.constant 2 : i32
        %add3A_280 = arith.addi %add3A_209, %add3A_279 : i32
        %mul3A_281 = arith.constant 4 : i32
        %mul3A_282 = arith.muli %add3A_280, %mul3A_281 : i32
        %add3A_283 = arith.constant 3 : i32
        %add3A_284 = arith.addi %mul3A_282, %add3A_283 : i32
        %dma_start3A_285 = arith.constant 384 : i32
        %dma_start3A_286 = arith.constant 0 : i32
        %dma_start3A_287 = tpu.memref_slice %arg9[%dma_start3A_285, %dma_start3A_286] : memref<512x64xf32, #tpu.memory_space<vmem>> -> memref<128x64xf32, #tpu.memory_space<vmem>>
        %dma_start3A_288 = arith.constant 0 : i32
        %dma_start3A_289 = tpu.memref_slice %arg7[%add3A_284, %dma_start3A_288] : memref<40x128xi32, #tpu.memory_space<vmem>> -> memref<1x128xi32, #tpu.memory_space<vmem>>
        %dma_start3A_290 = tpu.memref_squeeze %dma_start3A_289 : memref<1x128xi32, #tpu.memory_space<vmem>> -> memref<128xi32, #tpu.memory_space<vmem>>
        %dma_start3A_291 = arith.constant 0 : i32
        %dma_start3A_292 = arith.constant 0 : i32
        %dma_start3A_293 = tpu.memref_slice %arg10[%dma_start3A_291, %dma_start3A_292] : memref<10000x64xf32, #tpu.memory_space<vmem_shared>> -> memref<10000x64xf32, #tpu.memory_space<vmem_shared>>
        tpu.enqueue_indirect_dma source(%dma_start3A_293 : memref<10000x64xf32, #tpu.memory_space<vmem_shared>>) target(%dma_start3A_287 : memref<128x64xf32, #tpu.memory_space<vmem>>) offsets(%dma_start3A_290 : memref<128xi32, #tpu.memory_space<vmem>>) semaphore(%arg12 : memref<!tpu.dma_semaphore, #tpu.memory_space<semaphore_mem>>)
      } else {
      }
    }
    %scan3A_180 = arith.constant 5 : i32
    return
  }
}

#map = affine_map<(d0, d1) -> (0, 0)>
module attributes {stable_mosaic.version = 14 : i64} {
  func.func @k(%arg0: i32, %arg1: i32, %arg2: memref<10000x64xf32, #tpu.memory_space<hbm>>, %arg3: memref<1280x128xi32, #tpu.memory_space<hbm>>, %arg4: memref<1280x128xi32, #tpu.memory_space<hbm>>, %arg5: memref<163840x128xf32, #tpu.memory_space<hbm>>, %arg6: memref<40x128xi32, #tpu.memory_space<vmem>>, %arg7: memref<40x128xi32, #tpu.memory_space<vmem>>, %arg8: memref<512x64xf32, #tpu.memory_space<vmem>>, %arg9: memref<512x64xf32, #tpu.memory_space<vmem>>, %arg10: memref<10000x64xf32, #tpu.memory_space<vmem_shared>>, %arg11: memref<!tpu.dma_semaphore, #tpu.memory_space<semaphore_mem>>, %arg12: memref<!tpu.dma_semaphore, #tpu.memory_space<semaphore_mem>>, %arg13: memref<!tpu.dma_semaphore, #tpu.memory_space<semaphore_mem>>, %arg14: memref<!tpu.dma_semaphore, #tpu.memory_space<semaphore_mem>>) attributes {dimension_semantics = [#tpu.dimension_semantics<core_parallel>, #tpu.dimension_semantics<subcore_parallel>], iteration_bounds = array<i64: 2, 16>, scalar_prefetch = 0 : i64, scratch_operands = 9 : i64, tpu.core_type = #tpu.core_type<sc_vector_subcore>, window_params = [{transform_indices = #map}, {transform_indices = #map}, {transform_indices = #map}, {transform_indices = #map}]} {
    %mul3A = arith.constant 2 : i32
    %mul3A_0 = arith.muli %arg1, %mul3A : i32
    %add3A = arith.addi %mul3A_0, %arg0 : i32
    %mul3A_1 = arith.constant 625 : i32
    %mul3A_2 = arith.muli %arg1, %mul3A_1 : i32
    %mul3A_3 = arith.constant 625 : i32
    %mul3A_4 = arith.muli %arg1, %mul3A_3 : i32
    "tpu.region"() ({
      %run_scoped3A = tpu.sem_alloc : memref<!tpu.dma_semaphore, #tpu.memory_space<semaphore_mem>>
      %dma_start3A_181 = arith.constant 0 : i32
      %dma_start3A_182 = tpu.memref_slice %arg10[%mul3A_4, %dma_start3A_181] : memref<10000x64xf32, #tpu.memory_space<vmem_shared>> -> memref<625x64xf32, #tpu.memory_space<vmem_shared>>
      %dma_start3A_183 = arith.constant 0 : i32
      %dma_start3A_184 = tpu.memref_slice %arg2[%mul3A_2, %dma_start3A_183] : memref<10000x64xf32, #tpu.memory_space<hbm>> -> memref<625x64xf32, #tpu.memory_space<hbm>>
      tpu.enqueue_dma source(%dma_start3A_184 : memref<625x64xf32, #tpu.memory_space<hbm>>) target(%dma_start3A_182 : memref<625x64xf32, #tpu.memory_space<vmem_shared>>) target_semaphore(%run_scoped3A : memref<!tpu.dma_semaphore, #tpu.memory_space<semaphore_mem>>)
      %dma_wait3A = arith.constant 0 : i32
      %dma_wait3A_185 = tpu.memref_slice %arg10[%mul3A_4, %dma_wait3A] : memref<10000x64xf32, #tpu.memory_space<vmem_shared>> -> memref<625x64xf32, #tpu.memory_space<vmem_shared>>
      %dma_wait3A_186 = arith.constant 0 : i32
      %dma_wait3A_187 = tpu.memref_slice %arg2[%mul3A_2, %dma_wait3A_186] : memref<10000x64xf32, #tpu.memory_space<hbm>> -> memref<625x64xf32, #tpu.memory_space<hbm>>
      tpu.wait_dma2 semaphore(%run_scoped3A : memref<!tpu.dma_semaphore, #tpu.memory_space<semaphore_mem>>) src(%dma_wait3A_187 : memref<625x64xf32, #tpu.memory_space<hbm>>) dst(%dma_wait3A_185 : memref<625x64xf32, #tpu.memory_space<vmem_shared>>)
      tpu.yield
    }) : () -> ()
    %mul3A_5 = arith.constant 40 : i32
    %mul3A_6 = arith.muli %add3A, %mul3A_5 : i32
    "tpu.region"() ({
      %run_scoped3A = tpu.sem_alloc : memref<!tpu.dma_semaphore, #tpu.memory_space<semaphore_mem>>
      %dma_start3A_181 = arith.constant 0 : i32
      %dma_start3A_182 = tpu.memref_slice %arg3[%mul3A_6, %dma_start3A_181] : memref<1280x128xi32, #tpu.memory_space<hbm>> -> memref<40x128xi32, #tpu.memory_space<hbm>>
      %dma_start3A_183 = arith.constant 0 : i32
      %dma_start3A_184 = tpu.memref_slice %arg3[%mul3A_6, %dma_start3A_183] : memref<1280x128xi32, #tpu.memory_space<hbm>> -> memref<40x128xi32, #tpu.memory_space<hbm>>
      tpu.enqueue_dma source(%dma_start3A_184 : memref<40x128xi32, #tpu.memory_space<hbm>>) target(%arg6 : memref<40x128xi32, #tpu.memory_space<vmem>>) target_semaphore(%run_scoped3A : memref<!tpu.dma_semaphore, #tpu.memory_space<semaphore_mem>>)
      %dma_wait3A = arith.constant 0 : i32
      %dma_wait3A_185 = tpu.memref_slice %arg3[%mul3A_6, %dma_wait3A] : memref<1280x128xi32, #tpu.memory_space<hbm>> -> memref<40x128xi32, #tpu.memory_space<hbm>>
      %dma_wait3A_186 = arith.constant 0 : i32
      %dma_wait3A_187 = tpu.memref_slice %arg3[%mul3A_6, %dma_wait3A_186] : memref<1280x128xi32, #tpu.memory_space<hbm>> -> memref<40x128xi32, #tpu.memory_space<hbm>>
      tpu.wait_dma2 semaphore(%run_scoped3A : memref<!tpu.dma_semaphore, #tpu.memory_space<semaphore_mem>>) src(%dma_wait3A_187 : memref<40x128xi32, #tpu.memory_space<hbm>>) dst(%arg6 : memref<40x128xi32, #tpu.memory_space<vmem>>)
      tpu.yield
    }) : () -> ()
    %mul3A_7 = arith.constant 40 : i32
    %mul3A_8 = arith.muli %add3A, %mul3A_7 : i32
    "tpu.region"() ({
      %run_scoped3A = tpu.sem_alloc : memref<!tpu.dma_semaphore, #tpu.memory_space<semaphore_mem>>
      %dma_start3A_181 = arith.constant 0 : i32
      %dma_start3A_182 = tpu.memref_slice %arg4[%mul3A_8, %dma_start3A_181] : memref<1280x128xi32, #tpu.memory_space<hbm>> -> memref<40x128xi32, #tpu.memory_space<hbm>>
      %dma_start3A_183 = arith.constant 0 : i32
      %dma_start3A_184 = tpu.memref_slice %arg4[%mul3A_8, %dma_start3A_183] : memref<1280x128xi32, #tpu.memory_space<hbm>> -> memref<40x128xi32, #tpu.memory_space<hbm>>
      tpu.enqueue_dma source(%dma_start3A_184 : memref<40x128xi32, #tpu.memory_space<hbm>>) target(%arg7 : memref<40x128xi32, #tpu.memory_space<vmem>>) target_semaphore(%run_scoped3A : memref<!tpu.dma_semaphore, #tpu.memory_space<semaphore_mem>>)
      %dma_wait3A = arith.constant 0 : i32
      %dma_wait3A_185 = tpu.memref_slice %arg4[%mul3A_8, %dma_wait3A] : memref<1280x128xi32, #tpu.memory_space<hbm>> -> memref<40x128xi32, #tpu.memory_space<hbm>>
      %dma_wait3A_186 = arith.constant 0 : i32
      %dma_wait3A_187 = tpu.memref_slice %arg4[%mul3A_8, %dma_wait3A_186] : memref<1280x128xi32, #tpu.memory_space<hbm>> -> memref<40x128xi32, #tpu.memory_space<hbm>>
      tpu.wait_dma2 semaphore(%run_scoped3A : memref<!tpu.dma_semaphore, #tpu.memory_space<semaphore_mem>>) src(%dma_wait3A_187 : memref<40x128xi32, #tpu.memory_space<hbm>>) dst(%arg7 : memref<40x128xi32, #tpu.memory_space<vmem>>)
      tpu.yield
    }) : () -> ()
    %barrier3A = arith.constant 0 : index
    tpu.barrier barrier_id(%barrier3A)
    %mul3A_9 = arith.constant 5120 : i32
    %mul3A_10 = arith.muli %add3A, %mul3A_9 : i32
    %dma_start3A = arith.constant 0 : i32
    %dma_start3A_11 = arith.constant 0 : i32
    %dma_start3A_12 = arith.constant 0 : i32
    %dma_start3A_13 = tpu.memref_slice %arg8[%dma_start3A_11, %dma_start3A_12] : memref<512x64xf32, #tpu.memory_space<vmem>> -> memref<128x64xf32, #tpu.memory_space<vmem>>
    %dma_start3A_14 = arith.constant 0 : i32
    %dma_start3A_15 = tpu.memref_slice %arg6[%dma_start3A, %dma_start3A_14] : memref<40x128xi32, #tpu.memory_space<vmem>> -> memref<1x128xi32, #tpu.memory_space<vmem>>
    %dma_start3A_16 = tpu.memref_squeeze %dma_start3A_15 : memref<1x128xi32, #tpu.memory_space<vmem>> -> memref<128xi32, #tpu.memory_space<vmem>>
    %dma_start3A_17 = arith.constant 0 : i32
    %dma_start3A_18 = arith.constant 0 : i32
    %dma_start3A_19 = tpu.memref_slice %arg10[%dma_start3A_17, %dma_start3A_18] : memref<10000x64xf32, #tpu.memory_space<vmem_shared>> -> memref<10000x64xf32, #tpu.memory_space<vmem_shared>>
    tpu.enqueue_indirect_dma source(%dma_start3A_19 : memref<10000x64xf32, #tpu.memory_space<vmem_shared>>) target(%dma_start3A_13 : memref<128x64xf32, #tpu.memory_space<vmem>>) offsets(%dma_start3A_16 : memref<128xi32, #tpu.memory_space<vmem>>) semaphore(%arg11 : memref<!tpu.dma_semaphore, #tpu.memory_space<semaphore_mem>>)
    %dma_start3A_20 = arith.constant 1 : i32
    %dma_start3A_21 = arith.constant 128 : i32
    %dma_start3A_22 = arith.constant 0 : i32
    %dma_start3A_23 = tpu.memref_slice %arg8[%dma_start3A_21, %dma_start3A_22] : memref<512x64xf32, #tpu.memory_space<vmem>> -> memref<128x64xf32, #tpu.memory_space<vmem>>
    %dma_start3A_24 = arith.constant 0 : i32
    %dma_start3A_25 = tpu.memref_slice %arg6[%dma_start3A_20, %dma_start3A_24] : memref<40x128xi32, #tpu.memory_space<vmem>> -> memref<1x128xi32, #tpu.memory_space<vmem>>
    %dma_start3A_26 = tpu.memref_squeeze %dma_start3A_25 : memref<1x128xi32, #tpu.memory_space<vmem>> -> memref<128xi32, #tpu.memory_space<vmem>>
    %dma_start3A_27 = arith.constant 0 : i32
    %dma_start3A_28 = arith.constant 0 : i32
    %dma_start3A_29 = tpu.memref_slice %arg10[%dma_start3A_27, %dma_start3A_28] : memref<10000x64xf32, #tpu.memory_space<vmem_shared>> -> memref<10000x64xf32, #tpu.memory_space<vmem_shared>>
    tpu.enqueue_indirect_dma source(%dma_start3A_29 : memref<10000x64xf32, #tpu.memory_space<vmem_shared>>) target(%dma_start3A_23 : memref<128x64xf32, #tpu.memory_space<vmem>>) offsets(%dma_start3A_26 : memref<128xi32, #tpu.memory_space<vmem>>) semaphore(%arg11 : memref<!tpu.dma_semaphore, #tpu.memory_space<semaphore_mem>>)
    %dma_start3A_30 = arith.constant 2 : i32
    %dma_start3A_31 = arith.constant 256 : i32
    %dma_start3A_32 = arith.constant 0 : i32
    %dma_start3A_33 = tpu.memref_slice %arg8[%dma_start3A_31, %dma_start3A_32] : memref<512x64xf32, #tpu.memory_space<vmem>> -> memref<128x64xf32, #tpu.memory_space<vmem>>
    %dma_start3A_34 = arith.constant 0 : i32
    %dma_start3A_35 = tpu.memref_slice %arg6[%dma_start3A_30, %dma_start3A_34] : memref<40x128xi32, #tpu.memory_space<vmem>> -> memref<1x128xi32, #tpu.memory_space<vmem>>
    %dma_start3A_36 = tpu.memref_squeeze %dma_start3A_35 : memref<1x128xi32, #tpu.memory_space<vmem>> -> memref<128xi32, #tpu.memory_space<vmem>>
    %dma_start3A_37 = arith.constant 0 : i32
    %dma_start3A_38 = arith.constant 0 : i32
    %dma_start3A_39 = tpu.memref_slice %arg10[%dma_start3A_37, %dma_start3A_38] : memref<10000x64xf32, #tpu.memory_space<vmem_shared>> -> memref<10000x64xf32, #tpu.memory_space<vmem_shared>>
    tpu.enqueue_indirect_dma source(%dma_start3A_39 : memref<10000x64xf32, #tpu.memory_space<vmem_shared>>) target(%dma_start3A_33 : memref<128x64xf32, #tpu.memory_space<vmem>>) offsets(%dma_start3A_36 : memref<128xi32, #tpu.memory_space<vmem>>) semaphore(%arg11 : memref<!tpu.dma_semaphore, #tpu.memory_space<semaphore_mem>>)
    %dma_start3A_40 = arith.constant 3 : i32
    %dma_start3A_41 = arith.constant 384 : i32
    %dma_start3A_42 = arith.constant 0 : i32
    %dma_start3A_43 = tpu.memref_slice %arg8[%dma_start3A_41, %dma_start3A_42] : memref<512x64xf32, #tpu.memory_space<vmem>> -> memref<128x64xf32, #tpu.memory_space<vmem>>
    %dma_start3A_44 = arith.constant 0 : i32
    %dma_start3A_45 = tpu.memref_slice %arg6[%dma_start3A_40, %dma_start3A_44] : memref<40x128xi32, #tpu.memory_space<vmem>> -> memref<1x128xi32, #tpu.memory_space<vmem>>
    %dma_start3A_46 = tpu.memref_squeeze %dma_start3A_45 : memref<1x128xi32, #tpu.memory_space<vmem>> -> memref<128xi32, #tpu.memory_space<vmem>>
    %dma_start3A_47 = arith.constant 0 : i32
    %dma_start3A_48 = arith.constant 0 : i32
    %dma_start3A_49 = tpu.memref_slice %arg10[%dma_start3A_47, %dma_start3A_48] : memref<10000x64xf32, #tpu.memory_space<vmem_shared>> -> memref<10000x64xf32, #tpu.memory_space<vmem_shared>>
    tpu.enqueue_indirect_dma source(%dma_start3A_49 : memref<10000x64xf32, #tpu.memory_space<vmem_shared>>) target(%dma_start3A_43 : memref<128x64xf32, #tpu.memory_space<vmem>>) offsets(%dma_start3A_46 : memref<128xi32, #tpu.memory_space<vmem>>) semaphore(%arg11 : memref<!tpu.dma_semaphore, #tpu.memory_space<semaphore_mem>>)
    %dma_start3A_50 = arith.constant 4 : i32
    %dma_start3A_51 = arith.constant 0 : i32
    %dma_start3A_52 = arith.constant 0 : i32
    %dma_start3A_53 = tpu.memref_slice %arg9[%dma_start3A_51, %dma_start3A_52] : memref<512x64xf32, #tpu.memory_space<vmem>> -> memref<128x64xf32, #tpu.memory_space<vmem>>
    %dma_start3A_54 = arith.constant 0 : i32
    %dma_start3A_55 = tpu.memref_slice %arg6[%dma_start3A_50, %dma_start3A_54] : memref<40x128xi32, #tpu.memory_space<vmem>> -> memref<1x128xi32, #tpu.memory_space<vmem>>
    %dma_start3A_56 = tpu.memref_squeeze %dma_start3A_55 : memref<1x128xi32, #tpu.memory_space<vmem>> -> memref<128xi32, #tpu.memory_space<vmem>>
    %dma_start3A_57 = arith.constant 0 : i32
    %dma_start3A_58 = arith.constant 0 : i32
    %dma_start3A_59 = tpu.memref_slice %arg10[%dma_start3A_57, %dma_start3A_58] : memref<10000x64xf32, #tpu.memory_space<vmem_shared>> -> memref<10000x64xf32, #tpu.memory_space<vmem_shared>>
    tpu.enqueue_indirect_dma source(%dma_start3A_59 : memref<10000x64xf32, #tpu.memory_space<vmem_shared>>) target(%dma_start3A_53 : memref<128x64xf32, #tpu.memory_space<vmem>>) offsets(%dma_start3A_56 : memref<128xi32, #tpu.memory_space<vmem>>) semaphore(%arg12 : memref<!tpu.dma_semaphore, #tpu.memory_space<semaphore_mem>>)
    %dma_start3A_60 = arith.constant 5 : i32
    %dma_start3A_61 = arith.constant 128 : i32
    %dma_start3A_62 = arith.constant 0 : i32
    %dma_start3A_63 = tpu.memref_slice %arg9[%dma_start3A_61, %dma_start3A_62] : memref<512x64xf32, #tpu.memory_space<vmem>> -> memref<128x64xf32, #tpu.memory_space<vmem>>
    %dma_start3A_64 = arith.constant 0 : i32
    %dma_start3A_65 = tpu.memref_slice %arg6[%dma_start3A_60, %dma_start3A_64] : memref<40x128xi32, #tpu.memory_space<vmem>> -> memref<1x128xi32, #tpu.memory_space<vmem>>
    %dma_start3A_66 = tpu.memref_squeeze %dma_start3A_65 : memref<1x128xi32, #tpu.memory_space<vmem>> -> memref<128xi32, #tpu.memory_space<vmem>>
    %dma_start3A_67 = arith.constant 0 : i32
    %dma_start3A_68 = arith.constant 0 : i32
    %dma_start3A_69 = tpu.memref_slice %arg10[%dma_start3A_67, %dma_start3A_68] : memref<10000x64xf32, #tpu.memory_space<vmem_shared>> -> memref<10000x64xf32, #tpu.memory_space<vmem_shared>>
    tpu.enqueue_indirect_dma source(%dma_start3A_69 : memref<10000x64xf32, #tpu.memory_space<vmem_shared>>) target(%dma_start3A_63 : memref<128x64xf32, #tpu.memory_space<vmem>>) offsets(%dma_start3A_66 : memref<128xi32, #tpu.memory_space<vmem>>) semaphore(%arg12 : memref<!tpu.dma_semaphore, #tpu.memory_space<semaphore_mem>>)
    %dma_start3A_70 = arith.constant 6 : i32
    %dma_start3A_71 = arith.constant 256 : i32
    %dma_start3A_72 = arith.constant 0 : i32
    %dma_start3A_73 = tpu.memref_slice %arg9[%dma_start3A_71, %dma_start3A_72] : memref<512x64xf32, #tpu.memory_space<vmem>> -> memref<128x64xf32, #tpu.memory_space<vmem>>
    %dma_start3A_74 = arith.constant 0 : i32
    %dma_start3A_75 = tpu.memref_slice %arg6[%dma_start3A_70, %dma_start3A_74] : memref<40x128xi32, #tpu.memory_space<vmem>> -> memref<1x128xi32, #tpu.memory_space<vmem>>
    %dma_start3A_76 = tpu.memref_squeeze %dma_start3A_75 : memref<1x128xi32, #tpu.memory_space<vmem>> -> memref<128xi32, #tpu.memory_space<vmem>>
    %dma_start3A_77 = arith.constant 0 : i32
    %dma_start3A_78 = arith.constant 0 : i32
    %dma_start3A_79 = tpu.memref_slice %arg10[%dma_start3A_77, %dma_start3A_78] : memref<10000x64xf32, #tpu.memory_space<vmem_shared>> -> memref<10000x64xf32, #tpu.memory_space<vmem_shared>>
    tpu.enqueue_indirect_dma source(%dma_start3A_79 : memref<10000x64xf32, #tpu.memory_space<vmem_shared>>) target(%dma_start3A_73 : memref<128x64xf32, #tpu.memory_space<vmem>>) offsets(%dma_start3A_76 : memref<128xi32, #tpu.memory_space<vmem>>) semaphore(%arg12 : memref<!tpu.dma_semaphore, #tpu.memory_space<semaphore_mem>>)
    %dma_start3A_80 = arith.constant 7 : i32
    %dma_start3A_81 = arith.constant 384 : i32
    %dma_start3A_82 = arith.constant 0 : i32
    %dma_start3A_83 = tpu.memref_slice %arg9[%dma_start3A_81, %dma_start3A_82] : memref<512x64xf32, #tpu.memory_space<vmem>> -> memref<128x64xf32, #tpu.memory_space<vmem>>
    %dma_start3A_84 = arith.constant 0 : i32
    %dma_start3A_85 = tpu.memref_slice %arg6[%dma_start3A_80, %dma_start3A_84] : memref<40x128xi32, #tpu.memory_space<vmem>> -> memref<1x128xi32, #tpu.memory_space<vmem>>
    %dma_start3A_86 = tpu.memref_squeeze %dma_start3A_85 : memref<1x128xi32, #tpu.memory_space<vmem>> -> memref<128xi32, #tpu.memory_space<vmem>>
    %dma_start3A_87 = arith.constant 0 : i32
    %dma_start3A_88 = arith.constant 0 : i32
    %dma_start3A_89 = tpu.memref_slice %arg10[%dma_start3A_87, %dma_start3A_88] : memref<10000x64xf32, #tpu.memory_space<vmem_shared>> -> memref<10000x64xf32, #tpu.memory_space<vmem_shared>>
    tpu.enqueue_indirect_dma source(%dma_start3A_89 : memref<10000x64xf32, #tpu.memory_space<vmem_shared>>) target(%dma_start3A_83 : memref<128x64xf32, #tpu.memory_space<vmem>>) offsets(%dma_start3A_86 : memref<128xi32, #tpu.memory_space<vmem>>) semaphore(%arg12 : memref<!tpu.dma_semaphore, #tpu.memory_space<semaphore_mem>>)
    %scan3A = arith.constant 0 : i32
    %scan3A_90 = arith.constant 0 : i32
    %scan3A_91 = arith.constant 5 : i32
    %scan3A_92 = arith.addi %scan3A_90, %scan3A_91 : i32
    %scan3A_93 = arith.constant 1 : i32
    scf.for %scan3A_181 = %scan3A_90 to %scan3A_92 step %scan3A_93  : i32 {
      %mul3A_182 = arith.constant 2 : i32
      %mul3A_183 = arith.muli %scan3A_181, %mul3A_182 : i32
      %add3A_184 = arith.constant 0 : i32
      %add3A_185 = arith.addi %mul3A_183, %add3A_184 : i32
      %dma_wait3A = arith.constant 0 : i32
      %dma_wait3A_186 = arith.constant 0 : i32
      %dma_wait3A_187 = tpu.memref_slice %arg5[%dma_wait3A, %dma_wait3A_186] : memref<163840x128xf32, #tpu.memory_space<hbm>> -> memref<512x64xf32, #tpu.memory_space<hbm>>
      %dma_wait3A_188 = arith.constant 0 : i32
      %dma_wait3A_189 = arith.constant 0 : i32
      %dma_wait3A_190 = tpu.memref_slice %arg5[%dma_wait3A_188, %dma_wait3A_189] : memref<163840x128xf32, #tpu.memory_space<hbm>> -> memref<512x64xf32, #tpu.memory_space<hbm>>
      tpu.wait_dma2 semaphore(%arg11 : memref<!tpu.dma_semaphore, #tpu.memory_space<semaphore_mem>>) src(%dma_wait3A_190 : memref<512x64xf32, #tpu.memory_space<hbm>>) dst(%arg8 : memref<512x64xf32, #tpu.memory_space<vmem>>)
      %mul3A_191 = arith.constant 512 : i32
      %mul3A_192 = arith.muli %add3A_185, %mul3A_191 : i32
      %add3A_193 = arith.addi %mul3A_10, %mul3A_192 : i32
      %dma_start3A_194 = arith.constant 0 : i32
      %dma_start3A_195 = tpu.memref_slice %arg5[%add3A_193, %dma_start3A_194] : memref<163840x128xf32, #tpu.memory_space<hbm>> -> memref<512x64xf32, #tpu.memory_space<hbm>>
      %dma_start3A_196 = arith.constant 0 : i32
      %dma_start3A_197 = tpu.memref_slice %arg5[%add3A_193, %dma_start3A_196] : memref<163840x128xf32, #tpu.memory_space<hbm>> -> memref<512x64xf32, #tpu.memory_space<hbm>>
      tpu.enqueue_dma source(%arg8 : memref<512x64xf32, #tpu.memory_space<vmem>>) target(%dma_start3A_197 : memref<512x64xf32, #tpu.memory_space<hbm>>) target_semaphore(%arg13 : memref<!tpu.dma_semaphore, #tpu.memory_space<semaphore_mem>>)
      %dma_wait3A_198 = arith.constant 0 : i32
      %dma_wait3A_199 = tpu.memref_slice %arg5[%add3A_193, %dma_wait3A_198] : memref<163840x128xf32, #tpu.memory_space<hbm>> -> memref<512x64xf32, #tpu.memory_space<hbm>>
      %dma_wait3A_200 = arith.constant 0 : i32
      %dma_wait3A_201 = tpu.memref_slice %arg5[%add3A_193, %dma_wait3A_200] : memref<163840x128xf32, #tpu.memory_space<hbm>> -> memref<512x64xf32, #tpu.memory_space<hbm>>
      tpu.wait_dma2 semaphore(%arg13 : memref<!tpu.dma_semaphore, #tpu.memory_space<semaphore_mem>>) src(%arg8 : memref<512x64xf32, #tpu.memory_space<vmem>>) dst(%dma_wait3A_201 : memref<512x64xf32, #tpu.memory_space<hbm>>)
      %add3A_202 = arith.constant 2 : i32
      %add3A_203 = arith.addi %add3A_185, %add3A_202 : i32
      %lt3A = arith.constant 10 : i32
      %lt3A_204 = arith.cmpi slt, %add3A_203, %lt3A : i32
      %convert_element_type3A = arith.extui %lt3A_204 : i1 to i32
      %cond3A = arith.constant 0 : i32
      %cond3A_205 = arith.cmpi ne, %convert_element_type3A, %cond3A : i32
      scf.if %cond3A_205 {
        %add3A_234 = arith.constant 2 : i32
        %add3A_235 = arith.addi %add3A_185, %add3A_234 : i32
        %mul3A_236 = arith.constant 4 : i32
        %mul3A_237 = arith.muli %add3A_235, %mul3A_236 : i32
        %add3A_238 = arith.constant 0 : i32
        %add3A_239 = arith.addi %mul3A_237, %add3A_238 : i32
        %dma_start3A_240 = arith.constant 0 : i32
        %dma_start3A_241 = arith.constant 0 : i32
        %dma_start3A_242 = tpu.memref_slice %arg8[%dma_start3A_240, %dma_start3A_241] : memref<512x64xf32, #tpu.memory_space<vmem>> -> memref<128x64xf32, #tpu.memory_space<vmem>>
        %dma_start3A_243 = arith.constant 0 : i32
        %dma_start3A_244 = tpu.memref_slice %arg6[%add3A_239, %dma_start3A_243] : memref<40x128xi32, #tpu.memory_space<vmem>> -> memref<1x128xi32, #tpu.memory_space<vmem>>
        %dma_start3A_245 = tpu.memref_squeeze %dma_start3A_244 : memref<1x128xi32, #tpu.memory_space<vmem>> -> memref<128xi32, #tpu.memory_space<vmem>>
        %dma_start3A_246 = arith.constant 0 : i32
        %dma_start3A_247 = arith.constant 0 : i32
        %dma_start3A_248 = tpu.memref_slice %arg10[%dma_start3A_246, %dma_start3A_247] : memref<10000x64xf32, #tpu.memory_space<vmem_shared>> -> memref<10000x64xf32, #tpu.memory_space<vmem_shared>>
        tpu.enqueue_indirect_dma source(%dma_start3A_248 : memref<10000x64xf32, #tpu.memory_space<vmem_shared>>) target(%dma_start3A_242 : memref<128x64xf32, #tpu.memory_space<vmem>>) offsets(%dma_start3A_245 : memref<128xi32, #tpu.memory_space<vmem>>) semaphore(%arg11 : memref<!tpu.dma_semaphore, #tpu.memory_space<semaphore_mem>>)
        %add3A_249 = arith.constant 2 : i32
        %add3A_250 = arith.addi %add3A_185, %add3A_249 : i32
        %mul3A_251 = arith.constant 4 : i32
        %mul3A_252 = arith.muli %add3A_250, %mul3A_251 : i32
        %add3A_253 = arith.constant 1 : i32
        %add3A_254 = arith.addi %mul3A_252, %add3A_253 : i32
        %dma_start3A_255 = arith.constant 128 : i32
        %dma_start3A_256 = arith.constant 0 : i32
        %dma_start3A_257 = tpu.memref_slice %arg8[%dma_start3A_255, %dma_start3A_256] : memref<512x64xf32, #tpu.memory_space<vmem>> -> memref<128x64xf32, #tpu.memory_space<vmem>>
        %dma_start3A_258 = arith.constant 0 : i32
        %dma_start3A_259 = tpu.memref_slice %arg6[%add3A_254, %dma_start3A_258] : memref<40x128xi32, #tpu.memory_space<vmem>> -> memref<1x128xi32, #tpu.memory_space<vmem>>
        %dma_start3A_260 = tpu.memref_squeeze %dma_start3A_259 : memref<1x128xi32, #tpu.memory_space<vmem>> -> memref<128xi32, #tpu.memory_space<vmem>>
        %dma_start3A_261 = arith.constant 0 : i32
        %dma_start3A_262 = arith.constant 0 : i32
        %dma_start3A_263 = tpu.memref_slice %arg10[%dma_start3A_261, %dma_start3A_262] : memref<10000x64xf32, #tpu.memory_space<vmem_shared>> -> memref<10000x64xf32, #tpu.memory_space<vmem_shared>>
        tpu.enqueue_indirect_dma source(%dma_start3A_263 : memref<10000x64xf32, #tpu.memory_space<vmem_shared>>) target(%dma_start3A_257 : memref<128x64xf32, #tpu.memory_space<vmem>>) offsets(%dma_start3A_260 : memref<128xi32, #tpu.memory_space<vmem>>) semaphore(%arg11 : memref<!tpu.dma_semaphore, #tpu.memory_space<semaphore_mem>>)
        %add3A_264 = arith.constant 2 : i32
        %add3A_265 = arith.addi %add3A_185, %add3A_264 : i32
        %mul3A_266 = arith.constant 4 : i32
        %mul3A_267 = arith.muli %add3A_265, %mul3A_266 : i32
        %add3A_268 = arith.constant 2 : i32
        %add3A_269 = arith.addi %mul3A_267, %add3A_268 : i32
        %dma_start3A_270 = arith.constant 256 : i32
        %dma_start3A_271 = arith.constant 0 : i32
        %dma_start3A_272 = tpu.memref_slice %arg8[%dma_start3A_270, %dma_start3A_271] : memref<512x64xf32, #tpu.memory_space<vmem>> -> memref<128x64xf32, #tpu.memory_space<vmem>>
        %dma_start3A_273 = arith.constant 0 : i32
        %dma_start3A_274 = tpu.memref_slice %arg6[%add3A_269, %dma_start3A_273] : memref<40x128xi32, #tpu.memory_space<vmem>> -> memref<1x128xi32, #tpu.memory_space<vmem>>
        %dma_start3A_275 = tpu.memref_squeeze %dma_start3A_274 : memref<1x128xi32, #tpu.memory_space<vmem>> -> memref<128xi32, #tpu.memory_space<vmem>>
        %dma_start3A_276 = arith.constant 0 : i32
        %dma_start3A_277 = arith.constant 0 : i32
        %dma_start3A_278 = tpu.memref_slice %arg10[%dma_start3A_276, %dma_start3A_277] : memref<10000x64xf32, #tpu.memory_space<vmem_shared>> -> memref<10000x64xf32, #tpu.memory_space<vmem_shared>>
        tpu.enqueue_indirect_dma source(%dma_start3A_278 : memref<10000x64xf32, #tpu.memory_space<vmem_shared>>) target(%dma_start3A_272 : memref<128x64xf32, #tpu.memory_space<vmem>>) offsets(%dma_start3A_275 : memref<128xi32, #tpu.memory_space<vmem>>) semaphore(%arg11 : memref<!tpu.dma_semaphore, #tpu.memory_space<semaphore_mem>>)
        %add3A_279 = arith.constant 2 : i32
        %add3A_280 = arith.addi %add3A_185, %add3A_279 : i32
        %mul3A_281 = arith.constant 4 : i32
        %mul3A_282 = arith.muli %add3A_280, %mul3A_281 : i32
        %add3A_283 = arith.constant 3 : i32
        %add3A_284 = arith.addi %mul3A_282, %add3A_283 : i32
        %dma_start3A_285 = arith.constant 384 : i32
        %dma_start3A_286 = arith.constant 0 : i32
        %dma_start3A_287 = tpu.memref_slice %arg8[%dma_start3A_285, %dma_start3A_286] : memref<512x64xf32, #tpu.memory_space<vmem>> -> memref<128x64xf32, #tpu.memory_space<vmem>>
        %dma_start3A_288 = arith.constant 0 : i32
        %dma_start3A_289 = tpu.memref_slice %arg6[%add3A_284, %dma_start3A_288] : memref<40x128xi32, #tpu.memory_space<vmem>> -> memref<1x128xi32, #tpu.memory_space<vmem>>
        %dma_start3A_290 = tpu.memref_squeeze %dma_start3A_289 : memref<1x128xi32, #tpu.memory_space<vmem>> -> memref<128xi32, #tpu.memory_space<vmem>>
        %dma_start3A_291 = arith.constant 0 : i32
        %dma_start3A_292 = arith.constant 0 : i32
        %dma_start3A_293 = tpu.memref_slice %arg10[%dma_start3A_291, %dma_start3A_292] : memref<10000x64xf32, #tpu.memory_space<vmem_shared>> -> memref<10000x64xf32, #tpu.memory_space<vmem_shared>>
        tpu.enqueue_indirect_dma source(%dma_start3A_293 : memref<10000x64xf32, #tpu.memory_space<vmem_shared>>) target(%dma_start3A_287 : memref<128x64xf32, #tpu.memory_space<vmem>>) offsets(%dma_start3A_290 : memref<128xi32, #tpu.memory_space<vmem>>) semaphore(%arg11 : memref<!tpu.dma_semaphore, #tpu.memory_space<semaphore_mem>>)
      } else {
      }
      %mul3A_206 = arith.constant 2 : i32
      %mul3A_207 = arith.muli %scan3A_181, %mul3A_206 : i32
      %add3A_208 = arith.constant 1 : i32
      %add3A_209 = arith.addi %mul3A_207, %add3A_208 : i32
      %dma_wait3A_210 = arith.constant 0 : i32
      %dma_wait3A_211 = arith.constant 0 : i32
      %dma_wait3A_212 = tpu.memref_slice %arg5[%dma_wait3A_210, %dma_wait3A_211] : memref<163840x128xf32, #tpu.memory_space<hbm>> -> memref<512x64xf32, #tpu.memory_space<hbm>>
      %dma_wait3A_213 = arith.constant 0 : i32
      %dma_wait3A_214 = arith.constant 0 : i32
      %dma_wait3A_215 = tpu.memref_slice %arg5[%dma_wait3A_213, %dma_wait3A_214] : memref<163840x128xf32, #tpu.memory_space<hbm>> -> memref<512x64xf32, #tpu.memory_space<hbm>>
      tpu.wait_dma2 semaphore(%arg12 : memref<!tpu.dma_semaphore, #tpu.memory_space<semaphore_mem>>) src(%dma_wait3A_215 : memref<512x64xf32, #tpu.memory_space<hbm>>) dst(%arg9 : memref<512x64xf32, #tpu.memory_space<vmem>>)
      %mul3A_216 = arith.constant 512 : i32
      %mul3A_217 = arith.muli %add3A_209, %mul3A_216 : i32
      %add3A_218 = arith.addi %mul3A_10, %mul3A_217 : i32
      %dma_start3A_219 = arith.constant 0 : i32
      %dma_start3A_220 = tpu.memref_slice %arg5[%add3A_218, %dma_start3A_219] : memref<163840x128xf32, #tpu.memory_space<hbm>> -> memref<512x64xf32, #tpu.memory_space<hbm>>
      %dma_start3A_221 = arith.constant 0 : i32
      %dma_start3A_222 = tpu.memref_slice %arg5[%add3A_218, %dma_start3A_221] : memref<163840x128xf32, #tpu.memory_space<hbm>> -> memref<512x64xf32, #tpu.memory_space<hbm>>
      tpu.enqueue_dma source(%arg9 : memref<512x64xf32, #tpu.memory_space<vmem>>) target(%dma_start3A_222 : memref<512x64xf32, #tpu.memory_space<hbm>>) target_semaphore(%arg14 : memref<!tpu.dma_semaphore, #tpu.memory_space<semaphore_mem>>)
      %dma_wait3A_223 = arith.constant 0 : i32
      %dma_wait3A_224 = tpu.memref_slice %arg5[%add3A_218, %dma_wait3A_223] : memref<163840x128xf32, #tpu.memory_space<hbm>> -> memref<512x64xf32, #tpu.memory_space<hbm>>
      %dma_wait3A_225 = arith.constant 0 : i32
      %dma_wait3A_226 = tpu.memref_slice %arg5[%add3A_218, %dma_wait3A_225] : memref<163840x128xf32, #tpu.memory_space<hbm>> -> memref<512x64xf32, #tpu.memory_space<hbm>>
      tpu.wait_dma2 semaphore(%arg14 : memref<!tpu.dma_semaphore, #tpu.memory_space<semaphore_mem>>) src(%arg9 : memref<512x64xf32, #tpu.memory_space<vmem>>) dst(%dma_wait3A_226 : memref<512x64xf32, #tpu.memory_space<hbm>>)
      %add3A_227 = arith.constant 2 : i32
      %add3A_228 = arith.addi %add3A_209, %add3A_227 : i32
      %lt3A_229 = arith.constant 10 : i32
      %lt3A_230 = arith.cmpi slt, %add3A_228, %lt3A_229 : i32
      %convert_element_type3A_231 = arith.extui %lt3A_230 : i1 to i32
      %cond3A_232 = arith.constant 0 : i32
      %cond3A_233 = arith.cmpi ne, %convert_element_type3A_231, %cond3A_232 : i32
      scf.if %cond3A_233 {
        %add3A_234 = arith.constant 2 : i32
        %add3A_235 = arith.addi %add3A_209, %add3A_234 : i32
        %mul3A_236 = arith.constant 4 : i32
        %mul3A_237 = arith.muli %add3A_235, %mul3A_236 : i32
        %add3A_238 = arith.constant 0 : i32
        %add3A_239 = arith.addi %mul3A_237, %add3A_238 : i32
        %dma_start3A_240 = arith.constant 0 : i32
        %dma_start3A_241 = arith.constant 0 : i32
        %dma_start3A_242 = tpu.memref_slice %arg9[%dma_start3A_240, %dma_start3A_241] : memref<512x64xf32, #tpu.memory_space<vmem>> -> memref<128x64xf32, #tpu.memory_space<vmem>>
        %dma_start3A_243 = arith.constant 0 : i32
        %dma_start3A_244 = tpu.memref_slice %arg6[%add3A_239, %dma_start3A_243] : memref<40x128xi32, #tpu.memory_space<vmem>> -> memref<1x128xi32, #tpu.memory_space<vmem>>
        %dma_start3A_245 = tpu.memref_squeeze %dma_start3A_244 : memref<1x128xi32, #tpu.memory_space<vmem>> -> memref<128xi32, #tpu.memory_space<vmem>>
        %dma_start3A_246 = arith.constant 0 : i32
        %dma_start3A_247 = arith.constant 0 : i32
        %dma_start3A_248 = tpu.memref_slice %arg10[%dma_start3A_246, %dma_start3A_247] : memref<10000x64xf32, #tpu.memory_space<vmem_shared>> -> memref<10000x64xf32, #tpu.memory_space<vmem_shared>>
        tpu.enqueue_indirect_dma source(%dma_start3A_248 : memref<10000x64xf32, #tpu.memory_space<vmem_shared>>) target(%dma_start3A_242 : memref<128x64xf32, #tpu.memory_space<vmem>>) offsets(%dma_start3A_245 : memref<128xi32, #tpu.memory_space<vmem>>) semaphore(%arg12 : memref<!tpu.dma_semaphore, #tpu.memory_space<semaphore_mem>>)
        %add3A_249 = arith.constant 2 : i32
        %add3A_250 = arith.addi %add3A_209, %add3A_249 : i32
        %mul3A_251 = arith.constant 4 : i32
        %mul3A_252 = arith.muli %add3A_250, %mul3A_251 : i32
        %add3A_253 = arith.constant 1 : i32
        %add3A_254 = arith.addi %mul3A_252, %add3A_253 : i32
        %dma_start3A_255 = arith.constant 128 : i32
        %dma_start3A_256 = arith.constant 0 : i32
        %dma_start3A_257 = tpu.memref_slice %arg9[%dma_start3A_255, %dma_start3A_256] : memref<512x64xf32, #tpu.memory_space<vmem>> -> memref<128x64xf32, #tpu.memory_space<vmem>>
        %dma_start3A_258 = arith.constant 0 : i32
        %dma_start3A_259 = tpu.memref_slice %arg6[%add3A_254, %dma_start3A_258] : memref<40x128xi32, #tpu.memory_space<vmem>> -> memref<1x128xi32, #tpu.memory_space<vmem>>
        %dma_start3A_260 = tpu.memref_squeeze %dma_start3A_259 : memref<1x128xi32, #tpu.memory_space<vmem>> -> memref<128xi32, #tpu.memory_space<vmem>>
        %dma_start3A_261 = arith.constant 0 : i32
        %dma_start3A_262 = arith.constant 0 : i32
        %dma_start3A_263 = tpu.memref_slice %arg10[%dma_start3A_261, %dma_start3A_262] : memref<10000x64xf32, #tpu.memory_space<vmem_shared>> -> memref<10000x64xf32, #tpu.memory_space<vmem_shared>>
        tpu.enqueue_indirect_dma source(%dma_start3A_263 : memref<10000x64xf32, #tpu.memory_space<vmem_shared>>) target(%dma_start3A_257 : memref<128x64xf32, #tpu.memory_space<vmem>>) offsets(%dma_start3A_260 : memref<128xi32, #tpu.memory_space<vmem>>) semaphore(%arg12 : memref<!tpu.dma_semaphore, #tpu.memory_space<semaphore_mem>>)
        %add3A_264 = arith.constant 2 : i32
        %add3A_265 = arith.addi %add3A_209, %add3A_264 : i32
        %mul3A_266 = arith.constant 4 : i32
        %mul3A_267 = arith.muli %add3A_265, %mul3A_266 : i32
        %add3A_268 = arith.constant 2 : i32
        %add3A_269 = arith.addi %mul3A_267, %add3A_268 : i32
        %dma_start3A_270 = arith.constant 256 : i32
        %dma_start3A_271 = arith.constant 0 : i32
        %dma_start3A_272 = tpu.memref_slice %arg9[%dma_start3A_270, %dma_start3A_271] : memref<512x64xf32, #tpu.memory_space<vmem>> -> memref<128x64xf32, #tpu.memory_space<vmem>>
        %dma_start3A_273 = arith.constant 0 : i32
        %dma_start3A_274 = tpu.memref_slice %arg6[%add3A_269, %dma_start3A_273] : memref<40x128xi32, #tpu.memory_space<vmem>> -> memref<1x128xi32, #tpu.memory_space<vmem>>
        %dma_start3A_275 = tpu.memref_squeeze %dma_start3A_274 : memref<1x128xi32, #tpu.memory_space<vmem>> -> memref<128xi32, #tpu.memory_space<vmem>>
        %dma_start3A_276 = arith.constant 0 : i32
        %dma_start3A_277 = arith.constant 0 : i32
        %dma_start3A_278 = tpu.memref_slice %arg10[%dma_start3A_276, %dma_start3A_277] : memref<10000x64xf32, #tpu.memory_space<vmem_shared>> -> memref<10000x64xf32, #tpu.memory_space<vmem_shared>>
        tpu.enqueue_indirect_dma source(%dma_start3A_278 : memref<10000x64xf32, #tpu.memory_space<vmem_shared>>) target(%dma_start3A_272 : memref<128x64xf32, #tpu.memory_space<vmem>>) offsets(%dma_start3A_275 : memref<128xi32, #tpu.memory_space<vmem>>) semaphore(%arg12 : memref<!tpu.dma_semaphore, #tpu.memory_space<semaphore_mem>>)
        %add3A_279 = arith.constant 2 : i32
        %add3A_280 = arith.addi %add3A_209, %add3A_279 : i32
        %mul3A_281 = arith.constant 4 : i32
        %mul3A_282 = arith.muli %add3A_280, %mul3A_281 : i32
        %add3A_283 = arith.constant 3 : i32
        %add3A_284 = arith.addi %mul3A_282, %add3A_283 : i32
        %dma_start3A_285 = arith.constant 384 : i32
        %dma_start3A_286 = arith.constant 0 : i32
        %dma_start3A_287 = tpu.memref_slice %arg9[%dma_start3A_285, %dma_start3A_286] : memref<512x64xf32, #tpu.memory_space<vmem>> -> memref<128x64xf32, #tpu.memory_space<vmem>>
        %dma_start3A_288 = arith.constant 0 : i32
        %dma_start3A_289 = tpu.memref_slice %arg6[%add3A_284, %dma_start3A_288] : memref<40x128xi32, #tpu.memory_space<vmem>> -> memref<1x128xi32, #tpu.memory_space<vmem>>
        %dma_start3A_290 = tpu.memref_squeeze %dma_start3A_289 : memref<1x128xi32, #tpu.memory_space<vmem>> -> memref<128xi32, #tpu.memory_space<vmem>>
        %dma_start3A_291 = arith.constant 0 : i32
        %dma_start3A_292 = arith.constant 0 : i32
        %dma_start3A_293 = tpu.memref_slice %arg10[%dma_start3A_291, %dma_start3A_292] : memref<10000x64xf32, #tpu.memory_space<vmem_shared>> -> memref<10000x64xf32, #tpu.memory_space<vmem_shared>>
        tpu.enqueue_indirect_dma source(%dma_start3A_293 : memref<10000x64xf32, #tpu.memory_space<vmem_shared>>) target(%dma_start3A_287 : memref<128x64xf32, #tpu.memory_space<vmem>>) offsets(%dma_start3A_290 : memref<128xi32, #tpu.memory_space<vmem>>) semaphore(%arg12 : memref<!tpu.dma_semaphore, #tpu.memory_space<semaphore_mem>>)
      } else {
      }
    }
    %scan3A_94 = arith.constant 5 : i32
    %dma_start3A_95 = arith.constant 0 : i32
    %dma_start3A_96 = arith.constant 0 : i32
    %dma_start3A_97 = arith.constant 0 : i32
    %dma_start3A_98 = tpu.memref_slice %arg8[%dma_start3A_96, %dma_start3A_97] : memref<512x64xf32, #tpu.memory_space<vmem>> -> memref<128x64xf32, #tpu.memory_space<vmem>>
    %dma_start3A_99 = arith.constant 0 : i32
    %dma_start3A_100 = tpu.memref_slice %arg7[%dma_start3A_95, %dma_start3A_99] : memref<40x128xi32, #tpu.memory_space<vmem>> -> memref<1x128xi32, #tpu.memory_space<vmem>>
    %dma_start3A_101 = tpu.memref_squeeze %dma_start3A_100 : memref<1x128xi32, #tpu.memory_space<vmem>> -> memref<128xi32, #tpu.memory_space<vmem>>
    %dma_start3A_102 = arith.constant 0 : i32
    %dma_start3A_103 = arith.constant 0 : i32
    %dma_start3A_104 = tpu.memref_slice %arg10[%dma_start3A_102, %dma_start3A_103] : memref<10000x64xf32, #tpu.memory_space<vmem_shared>> -> memref<10000x64xf32, #tpu.memory_space<vmem_shared>>
    tpu.enqueue_indirect_dma source(%dma_start3A_104 : memref<10000x64xf32, #tpu.memory_space<vmem_shared>>) target(%dma_start3A_98 : memref<128x64xf32, #tpu.memory_space<vmem>>) offsets(%dma_start3A_101 : memref<128xi32, #tpu.memory_space<vmem>>) semaphore(%arg11 : memref<!tpu.dma_semaphore, #tpu.memory_space<semaphore_mem>>)
    %dma_start3A_105 = arith.constant 1 : i32
    %dma_start3A_106 = arith.constant 128 : i32
    %dma_start3A_107 = arith.constant 0 : i32
    %dma_start3A_108 = tpu.memref_slice %arg8[%dma_start3A_106, %dma_start3A_107] : memref<512x64xf32, #tpu.memory_space<vmem>> -> memref<128x64xf32, #tpu.memory_space<vmem>>
    %dma_start3A_109 = arith.constant 0 : i32
    %dma_start3A_110 = tpu.memref_slice %arg7[%dma_start3A_105, %dma_start3A_109] : memref<40x128xi32, #tpu.memory_space<vmem>> -> memref<1x128xi32, #tpu.memory_space<vmem>>
    %dma_start3A_111 = tpu.memref_squeeze %dma_start3A_110 : memref<1x128xi32, #tpu.memory_space<vmem>> -> memref<128xi32, #tpu.memory_space<vmem>>
    %dma_start3A_112 = arith.constant 0 : i32
    %dma_start3A_113 = arith.constant 0 : i32
    %dma_start3A_114 = tpu.memref_slice %arg10[%dma_start3A_112, %dma_start3A_113] : memref<10000x64xf32, #tpu.memory_space<vmem_shared>> -> memref<10000x64xf32, #tpu.memory_space<vmem_shared>>
    tpu.enqueue_indirect_dma source(%dma_start3A_114 : memref<10000x64xf32, #tpu.memory_space<vmem_shared>>) target(%dma_start3A_108 : memref<128x64xf32, #tpu.memory_space<vmem>>) offsets(%dma_start3A_111 : memref<128xi32, #tpu.memory_space<vmem>>) semaphore(%arg11 : memref<!tpu.dma_semaphore, #tpu.memory_space<semaphore_mem>>)
    %dma_start3A_115 = arith.constant 2 : i32
    %dma_start3A_116 = arith.constant 256 : i32
    %dma_start3A_117 = arith.constant 0 : i32
    %dma_start3A_118 = tpu.memref_slice %arg8[%dma_start3A_116, %dma_start3A_117] : memref<512x64xf32, #tpu.memory_space<vmem>> -> memref<128x64xf32, #tpu.memory_space<vmem>>
    %dma_start3A_119 = arith.constant 0 : i32
    %dma_start3A_120 = tpu.memref_slice %arg7[%dma_start3A_115, %dma_start3A_119] : memref<40x128xi32, #tpu.memory_space<vmem>> -> memref<1x128xi32, #tpu.memory_space<vmem>>
    %dma_start3A_121 = tpu.memref_squeeze %dma_start3A_120 : memref<1x128xi32, #tpu.memory_space<vmem>> -> memref<128xi32, #tpu.memory_space<vmem>>
    %dma_start3A_122 = arith.constant 0 : i32
    %dma_start3A_123 = arith.constant 0 : i32
    %dma_start3A_124 = tpu.memref_slice %arg10[%dma_start3A_122, %dma_start3A_123] : memref<10000x64xf32, #tpu.memory_space<vmem_shared>> -> memref<10000x64xf32, #tpu.memory_space<vmem_shared>>
    tpu.enqueue_indirect_dma source(%dma_start3A_124 : memref<10000x64xf32, #tpu.memory_space<vmem_shared>>) target(%dma_start3A_118 : memref<128x64xf32, #tpu.memory_space<vmem>>) offsets(%dma_start3A_121 : memref<128xi32, #tpu.memory_space<vmem>>) semaphore(%arg11 : memref<!tpu.dma_semaphore, #tpu.memory_space<semaphore_mem>>)
    %dma_start3A_125 = arith.constant 3 : i32
    %dma_start3A_126 = arith.constant 384 : i32
    %dma_start3A_127 = arith.constant 0 : i32
    %dma_start3A_128 = tpu.memref_slice %arg8[%dma_start3A_126, %dma_start3A_127] : memref<512x64xf32, #tpu.memory_space<vmem>> -> memref<128x64xf32, #tpu.memory_space<vmem>>
    %dma_start3A_129 = arith.constant 0 : i32
    %dma_start3A_130 = tpu.memref_slice %arg7[%dma_start3A_125, %dma_start3A_129] : memref<40x128xi32, #tpu.memory_space<vmem>> -> memref<1x128xi32, #tpu.memory_space<vmem>>
    %dma_start3A_131 = tpu.memref_squeeze %dma_start3A_130 : memref<1x128xi32, #tpu.memory_space<vmem>> -> memref<128xi32, #tpu.memory_space<vmem>>
    %dma_start3A_132 = arith.constant 0 : i32
    %dma_start3A_133 = arith.constant 0 : i32
    %dma_start3A_134 = tpu.memref_slice %arg10[%dma_start3A_132, %dma_start3A_133] : memref<10000x64xf32, #tpu.memory_space<vmem_shared>> -> memref<10000x64xf32, #tpu.memory_space<vmem_shared>>
    tpu.enqueue_indirect_dma source(%dma_start3A_134 : memref<10000x64xf32, #tpu.memory_space<vmem_shared>>) target(%dma_start3A_128 : memref<128x64xf32, #tpu.memory_space<vmem>>) offsets(%dma_start3A_131 : memref<128xi32, #tpu.memory_space<vmem>>) semaphore(%arg11 : memref<!tpu.dma_semaphore, #tpu.memory_space<semaphore_mem>>)
    %dma_start3A_135 = arith.constant 4 : i32
    %dma_start3A_136 = arith.constant 0 : i32
    %dma_start3A_137 = arith.constant 0 : i32
    %dma_start3A_138 = tpu.memref_slice %arg9[%dma_start3A_136, %dma_start3A_137] : memref<512x64xf32, #tpu.memory_space<vmem>> -> memref<128x64xf32, #tpu.memory_space<vmem>>
    %dma_start3A_139 = arith.constant 0 : i32
    %dma_start3A_140 = tpu.memref_slice %arg7[%dma_start3A_135, %dma_start3A_139] : memref<40x128xi32, #tpu.memory_space<vmem>> -> memref<1x128xi32, #tpu.memory_space<vmem>>
    %dma_start3A_141 = tpu.memref_squeeze %dma_start3A_140 : memref<1x128xi32, #tpu.memory_space<vmem>> -> memref<128xi32, #tpu.memory_space<vmem>>
    %dma_start3A_142 = arith.constant 0 : i32
    %dma_start3A_143 = arith.constant 0 : i32
    %dma_start3A_144 = tpu.memref_slice %arg10[%dma_start3A_142, %dma_start3A_143] : memref<10000x64xf32, #tpu.memory_space<vmem_shared>> -> memref<10000x64xf32, #tpu.memory_space<vmem_shared>>
    tpu.enqueue_indirect_dma source(%dma_start3A_144 : memref<10000x64xf32, #tpu.memory_space<vmem_shared>>) target(%dma_start3A_138 : memref<128x64xf32, #tpu.memory_space<vmem>>) offsets(%dma_start3A_141 : memref<128xi32, #tpu.memory_space<vmem>>) semaphore(%arg12 : memref<!tpu.dma_semaphore, #tpu.memory_space<semaphore_mem>>)
    %dma_start3A_145 = arith.constant 5 : i32
    %dma_start3A_146 = arith.constant 128 : i32
    %dma_start3A_147 = arith.constant 0 : i32
    %dma_start3A_148 = tpu.memref_slice %arg9[%dma_start3A_146, %dma_start3A_147] : memref<512x64xf32, #tpu.memory_space<vmem>> -> memref<128x64xf32, #tpu.memory_space<vmem>>
    %dma_start3A_149 = arith.constant 0 : i32
    %dma_start3A_150 = tpu.memref_slice %arg7[%dma_start3A_145, %dma_start3A_149] : memref<40x128xi32, #tpu.memory_space<vmem>> -> memref<1x128xi32, #tpu.memory_space<vmem>>
    %dma_start3A_151 = tpu.memref_squeeze %dma_start3A_150 : memref<1x128xi32, #tpu.memory_space<vmem>> -> memref<128xi32, #tpu.memory_space<vmem>>
    %dma_start3A_152 = arith.constant 0 : i32
    %dma_start3A_153 = arith.constant 0 : i32
    %dma_start3A_154 = tpu.memref_slice %arg10[%dma_start3A_152, %dma_start3A_153] : memref<10000x64xf32, #tpu.memory_space<vmem_shared>> -> memref<10000x64xf32, #tpu.memory_space<vmem_shared>>
    tpu.enqueue_indirect_dma source(%dma_start3A_154 : memref<10000x64xf32, #tpu.memory_space<vmem_shared>>) target(%dma_start3A_148 : memref<128x64xf32, #tpu.memory_space<vmem>>) offsets(%dma_start3A_151 : memref<128xi32, #tpu.memory_space<vmem>>) semaphore(%arg12 : memref<!tpu.dma_semaphore, #tpu.memory_space<semaphore_mem>>)
    %dma_start3A_155 = arith.constant 6 : i32
    %dma_start3A_156 = arith.constant 256 : i32
    %dma_start3A_157 = arith.constant 0 : i32
    %dma_start3A_158 = tpu.memref_slice %arg9[%dma_start3A_156, %dma_start3A_157] : memref<512x64xf32, #tpu.memory_space<vmem>> -> memref<128x64xf32, #tpu.memory_space<vmem>>
    %dma_start3A_159 = arith.constant 0 : i32
    %dma_start3A_160 = tpu.memref_slice %arg7[%dma_start3A_155, %dma_start3A_159] : memref<40x128xi32, #tpu.memory_space<vmem>> -> memref<1x128xi32, #tpu.memory_space<vmem>>
    %dma_start3A_161 = tpu.memref_squeeze %dma_start3A_160 : memref<1x128xi32, #tpu.memory_space<vmem>> -> memref<128xi32, #tpu.memory_space<vmem>>
    %dma_start3A_162 = arith.constant 0 : i32
    %dma_start3A_163 = arith.constant 0 : i32
    %dma_start3A_164 = tpu.memref_slice %arg10[%dma_start3A_162, %dma_start3A_163] : memref<10000x64xf32, #tpu.memory_space<vmem_shared>> -> memref<10000x64xf32, #tpu.memory_space<vmem_shared>>
    tpu.enqueue_indirect_dma source(%dma_start3A_164 : memref<10000x64xf32, #tpu.memory_space<vmem_shared>>) target(%dma_start3A_158 : memref<128x64xf32, #tpu.memory_space<vmem>>) offsets(%dma_start3A_161 : memref<128xi32, #tpu.memory_space<vmem>>) semaphore(%arg12 : memref<!tpu.dma_semaphore, #tpu.memory_space<semaphore_mem>>)
    %dma_start3A_165 = arith.constant 7 : i32
    %dma_start3A_166 = arith.constant 384 : i32
    %dma_start3A_167 = arith.constant 0 : i32
    %dma_start3A_168 = tpu.memref_slice %arg9[%dma_start3A_166, %dma_start3A_167] : memref<512x64xf32, #tpu.memory_space<vmem>> -> memref<128x64xf32, #tpu.memory_space<vmem>>
    %dma_start3A_169 = arith.constant 0 : i32
    %dma_start3A_170 = tpu.memref_slice %arg7[%dma_start3A_165, %dma_start3A_169] : memref<40x128xi32, #tpu.memory_space<vmem>> -> memref<1x128xi32, #tpu.memory_space<vmem>>
    %dma_start3A_171 = tpu.memref_squeeze %dma_start3A_170 : memref<1x128xi32, #tpu.memory_space<vmem>> -> memref<128xi32, #tpu.memory_space<vmem>>
    %dma_start3A_172 = arith.constant 0 : i32
    %dma_start3A_173 = arith.constant 0 : i32
    %dma_start3A_174 = tpu.memref_slice %arg10[%dma_start3A_172, %dma_start3A_173] : memref<10000x64xf32, #tpu.memory_space<vmem_shared>> -> memref<10000x64xf32, #tpu.memory_space<vmem_shared>>
    tpu.enqueue_indirect_dma source(%dma_start3A_174 : memref<10000x64xf32, #tpu.memory_space<vmem_shared>>) target(%dma_start3A_168 : memref<128x64xf32, #tpu.memory_space<vmem>>) offsets(%dma_start3A_171 : memref<128xi32, #tpu.memory_space<vmem>>) semaphore(%arg12 : memref<!tpu.dma_semaphore, #tpu.memory_space<semaphore_mem>>)
    %scan3A_175 = arith.constant 0 : i32
    %scan3A_176 = arith.constant 0 : i32
    %scan3A_177 = arith.constant 5 : i32
    %scan3A_178 = arith.addi %scan3A_176, %scan3A_177 : i32
    %scan3A_179 = arith.constant 1 : i32
    scf.for %scan3A_181 = %scan3A_176 to %scan3A_178 step %scan3A_179  : i32 {
      %mul3A_182 = arith.constant 2 : i32
      %mul3A_183 = arith.muli %scan3A_181, %mul3A_182 : i32
      %add3A_184 = arith.constant 0 : i32
      %add3A_185 = arith.addi %mul3A_183, %add3A_184 : i32
      %dma_wait3A = arith.constant 0 : i32
      %dma_wait3A_186 = arith.constant 0 : i32
      %dma_wait3A_187 = tpu.memref_slice %arg5[%dma_wait3A, %dma_wait3A_186] : memref<163840x128xf32, #tpu.memory_space<hbm>> -> memref<512x64xf32, #tpu.memory_space<hbm>>
      %dma_wait3A_188 = arith.constant 0 : i32
      %dma_wait3A_189 = arith.constant 0 : i32
      %dma_wait3A_190 = tpu.memref_slice %arg5[%dma_wait3A_188, %dma_wait3A_189] : memref<163840x128xf32, #tpu.memory_space<hbm>> -> memref<512x64xf32, #tpu.memory_space<hbm>>
      tpu.wait_dma2 semaphore(%arg11 : memref<!tpu.dma_semaphore, #tpu.memory_space<semaphore_mem>>) src(%dma_wait3A_190 : memref<512x64xf32, #tpu.memory_space<hbm>>) dst(%arg8 : memref<512x64xf32, #tpu.memory_space<vmem>>)
      %mul3A_191 = arith.constant 512 : i32
      %mul3A_192 = arith.muli %add3A_185, %mul3A_191 : i32
      %add3A_193 = arith.addi %mul3A_10, %mul3A_192 : i32
      %dma_start3A_194 = arith.constant 64 : i32
      %dma_start3A_195 = tpu.memref_slice %arg5[%add3A_193, %dma_start3A_194] : memref<163840x128xf32, #tpu.memory_space<hbm>> -> memref<512x64xf32, #tpu.memory_space<hbm>>
      %dma_start3A_196 = arith.constant 64 : i32
      %dma_start3A_197 = tpu.memref_slice %arg5[%add3A_193, %dma_start3A_196] : memref<163840x128xf32, #tpu.memory_space<hbm>> -> memref<512x64xf32, #tpu.memory_space<hbm>>
      tpu.enqueue_dma source(%arg8 : memref<512x64xf32, #tpu.memory_space<vmem>>) target(%dma_start3A_197 : memref<512x64xf32, #tpu.memory_space<hbm>>) target_semaphore(%arg13 : memref<!tpu.dma_semaphore, #tpu.memory_space<semaphore_mem>>)
      %dma_wait3A_198 = arith.constant 64 : i32
      %dma_wait3A_199 = tpu.memref_slice %arg5[%add3A_193, %dma_wait3A_198] : memref<163840x128xf32, #tpu.memory_space<hbm>> -> memref<512x64xf32, #tpu.memory_space<hbm>>
      %dma_wait3A_200 = arith.constant 64 : i32
      %dma_wait3A_201 = tpu.memref_slice %arg5[%add3A_193, %dma_wait3A_200] : memref<163840x128xf32, #tpu.memory_space<hbm>> -> memref<512x64xf32, #tpu.memory_space<hbm>>
      tpu.wait_dma2 semaphore(%arg13 : memref<!tpu.dma_semaphore, #tpu.memory_space<semaphore_mem>>) src(%arg8 : memref<512x64xf32, #tpu.memory_space<vmem>>) dst(%dma_wait3A_201 : memref<512x64xf32, #tpu.memory_space<hbm>>)
      %add3A_202 = arith.constant 2 : i32
      %add3A_203 = arith.addi %add3A_185, %add3A_202 : i32
      %lt3A = arith.constant 10 : i32
      %lt3A_204 = arith.cmpi slt, %add3A_203, %lt3A : i32
      %convert_element_type3A = arith.extui %lt3A_204 : i1 to i32
      %cond3A = arith.constant 0 : i32
      %cond3A_205 = arith.cmpi ne, %convert_element_type3A, %cond3A : i32
      scf.if %cond3A_205 {
        %add3A_234 = arith.constant 2 : i32
        %add3A_235 = arith.addi %add3A_185, %add3A_234 : i32
        %mul3A_236 = arith.constant 4 : i32
        %mul3A_237 = arith.muli %add3A_235, %mul3A_236 : i32
        %add3A_238 = arith.constant 0 : i32
        %add3A_239 = arith.addi %mul3A_237, %add3A_238 : i32
        %dma_start3A_240 = arith.constant 0 : i32
        %dma_start3A_241 = arith.constant 0 : i32
        %dma_start3A_242 = tpu.memref_slice %arg8[%dma_start3A_240, %dma_start3A_241] : memref<512x64xf32, #tpu.memory_space<vmem>> -> memref<128x64xf32, #tpu.memory_space<vmem>>
        %dma_start3A_243 = arith.constant 0 : i32
        %dma_start3A_244 = tpu.memref_slice %arg7[%add3A_239, %dma_start3A_243] : memref<40x128xi32, #tpu.memory_space<vmem>> -> memref<1x128xi32, #tpu.memory_space<vmem>>
        %dma_start3A_245 = tpu.memref_squeeze %dma_start3A_244 : memref<1x128xi32, #tpu.memory_space<vmem>> -> memref<128xi32, #tpu.memory_space<vmem>>
        %dma_start3A_246 = arith.constant 0 : i32
        %dma_start3A_247 = arith.constant 0 : i32
        %dma_start3A_248 = tpu.memref_slice %arg10[%dma_start3A_246, %dma_start3A_247] : memref<10000x64xf32, #tpu.memory_space<vmem_shared>> -> memref<10000x64xf32, #tpu.memory_space<vmem_shared>>
        tpu.enqueue_indirect_dma source(%dma_start3A_248 : memref<10000x64xf32, #tpu.memory_space<vmem_shared>>) target(%dma_start3A_242 : memref<128x64xf32, #tpu.memory_space<vmem>>) offsets(%dma_start3A_245 : memref<128xi32, #tpu.memory_space<vmem>>) semaphore(%arg11 : memref<!tpu.dma_semaphore, #tpu.memory_space<semaphore_mem>>)
        %add3A_249 = arith.constant 2 : i32
        %add3A_250 = arith.addi %add3A_185, %add3A_249 : i32
        %mul3A_251 = arith.constant 4 : i32
        %mul3A_252 = arith.muli %add3A_250, %mul3A_251 : i32
        %add3A_253 = arith.constant 1 : i32
        %add3A_254 = arith.addi %mul3A_252, %add3A_253 : i32
        %dma_start3A_255 = arith.constant 128 : i32
        %dma_start3A_256 = arith.constant 0 : i32
        %dma_start3A_257 = tpu.memref_slice %arg8[%dma_start3A_255, %dma_start3A_256] : memref<512x64xf32, #tpu.memory_space<vmem>> -> memref<128x64xf32, #tpu.memory_space<vmem>>
        %dma_start3A_258 = arith.constant 0 : i32
        %dma_start3A_259 = tpu.memref_slice %arg7[%add3A_254, %dma_start3A_258] : memref<40x128xi32, #tpu.memory_space<vmem>> -> memref<1x128xi32, #tpu.memory_space<vmem>>
        %dma_start3A_260 = tpu.memref_squeeze %dma_start3A_259 : memref<1x128xi32, #tpu.memory_space<vmem>> -> memref<128xi32, #tpu.memory_space<vmem>>
        %dma_start3A_261 = arith.constant 0 : i32
        %dma_start3A_262 = arith.constant 0 : i32
        %dma_start3A_263 = tpu.memref_slice %arg10[%dma_start3A_261, %dma_start3A_262] : memref<10000x64xf32, #tpu.memory_space<vmem_shared>> -> memref<10000x64xf32, #tpu.memory_space<vmem_shared>>
        tpu.enqueue_indirect_dma source(%dma_start3A_263 : memref<10000x64xf32, #tpu.memory_space<vmem_shared>>) target(%dma_start3A_257 : memref<128x64xf32, #tpu.memory_space<vmem>>) offsets(%dma_start3A_260 : memref<128xi32, #tpu.memory_space<vmem>>) semaphore(%arg11 : memref<!tpu.dma_semaphore, #tpu.memory_space<semaphore_mem>>)
        %add3A_264 = arith.constant 2 : i32
        %add3A_265 = arith.addi %add3A_185, %add3A_264 : i32
        %mul3A_266 = arith.constant 4 : i32
        %mul3A_267 = arith.muli %add3A_265, %mul3A_266 : i32
        %add3A_268 = arith.constant 2 : i32
        %add3A_269 = arith.addi %mul3A_267, %add3A_268 : i32
        %dma_start3A_270 = arith.constant 256 : i32
        %dma_start3A_271 = arith.constant 0 : i32
        %dma_start3A_272 = tpu.memref_slice %arg8[%dma_start3A_270, %dma_start3A_271] : memref<512x64xf32, #tpu.memory_space<vmem>> -> memref<128x64xf32, #tpu.memory_space<vmem>>
        %dma_start3A_273 = arith.constant 0 : i32
        %dma_start3A_274 = tpu.memref_slice %arg7[%add3A_269, %dma_start3A_273] : memref<40x128xi32, #tpu.memory_space<vmem>> -> memref<1x128xi32, #tpu.memory_space<vmem>>
        %dma_start3A_275 = tpu.memref_squeeze %dma_start3A_274 : memref<1x128xi32, #tpu.memory_space<vmem>> -> memref<128xi32, #tpu.memory_space<vmem>>
        %dma_start3A_276 = arith.constant 0 : i32
        %dma_start3A_277 = arith.constant 0 : i32
        %dma_start3A_278 = tpu.memref_slice %arg10[%dma_start3A_276, %dma_start3A_277] : memref<10000x64xf32, #tpu.memory_space<vmem_shared>> -> memref<10000x64xf32, #tpu.memory_space<vmem_shared>>
        tpu.enqueue_indirect_dma source(%dma_start3A_278 : memref<10000x64xf32, #tpu.memory_space<vmem_shared>>) target(%dma_start3A_272 : memref<128x64xf32, #tpu.memory_space<vmem>>) offsets(%dma_start3A_275 : memref<128xi32, #tpu.memory_space<vmem>>) semaphore(%arg11 : memref<!tpu.dma_semaphore, #tpu.memory_space<semaphore_mem>>)
        %add3A_279 = arith.constant 2 : i32
        %add3A_280 = arith.addi %add3A_185, %add3A_279 : i32
        %mul3A_281 = arith.constant 4 : i32
        %mul3A_282 = arith.muli %add3A_280, %mul3A_281 : i32
        %add3A_283 = arith.constant 3 : i32
        %add3A_284 = arith.addi %mul3A_282, %add3A_283 : i32
        %dma_start3A_285 = arith.constant 384 : i32
        %dma_start3A_286 = arith.constant 0 : i32
        %dma_start3A_287 = tpu.memref_slice %arg8[%dma_start3A_285, %dma_start3A_286] : memref<512x64xf32, #tpu.memory_space<vmem>> -> memref<128x64xf32, #tpu.memory_space<vmem>>
        %dma_start3A_288 = arith.constant 0 : i32
        %dma_start3A_289 = tpu.memref_slice %arg7[%add3A_284, %dma_start3A_288] : memref<40x128xi32, #tpu.memory_space<vmem>> -> memref<1x128xi32, #tpu.memory_space<vmem>>
        %dma_start3A_290 = tpu.memref_squeeze %dma_start3A_289 : memref<1x128xi32, #tpu.memory_space<vmem>> -> memref<128xi32, #tpu.memory_space<vmem>>
        %dma_start3A_291 = arith.constant 0 : i32
        %dma_start3A_292 = arith.constant 0 : i32
        %dma_start3A_293 = tpu.memref_slice %arg10[%dma_start3A_291, %dma_start3A_292] : memref<10000x64xf32, #tpu.memory_space<vmem_shared>> -> memref<10000x64xf32, #tpu.memory_space<vmem_shared>>
        tpu.enqueue_indirect_dma source(%dma_start3A_293 : memref<10000x64xf32, #tpu.memory_space<vmem_shared>>) target(%dma_start3A_287 : memref<128x64xf32, #tpu.memory_space<vmem>>) offsets(%dma_start3A_290 : memref<128xi32, #tpu.memory_space<vmem>>) semaphore(%arg11 : memref<!tpu.dma_semaphore, #tpu.memory_space<semaphore_mem>>)
      } else {
      }
      %mul3A_206 = arith.constant 2 : i32
      %mul3A_207 = arith.muli %scan3A_181, %mul3A_206 : i32
      %add3A_208 = arith.constant 1 : i32
      %add3A_209 = arith.addi %mul3A_207, %add3A_208 : i32
      %dma_wait3A_210 = arith.constant 0 : i32
      %dma_wait3A_211 = arith.constant 0 : i32
      %dma_wait3A_212 = tpu.memref_slice %arg5[%dma_wait3A_210, %dma_wait3A_211] : memref<163840x128xf32, #tpu.memory_space<hbm>> -> memref<512x64xf32, #tpu.memory_space<hbm>>
      %dma_wait3A_213 = arith.constant 0 : i32
      %dma_wait3A_214 = arith.constant 0 : i32
      %dma_wait3A_215 = tpu.memref_slice %arg5[%dma_wait3A_213, %dma_wait3A_214] : memref<163840x128xf32, #tpu.memory_space<hbm>> -> memref<512x64xf32, #tpu.memory_space<hbm>>
      tpu.wait_dma2 semaphore(%arg12 : memref<!tpu.dma_semaphore, #tpu.memory_space<semaphore_mem>>) src(%dma_wait3A_215 : memref<512x64xf32, #tpu.memory_space<hbm>>) dst(%arg9 : memref<512x64xf32, #tpu.memory_space<vmem>>)
      %mul3A_216 = arith.constant 512 : i32
      %mul3A_217 = arith.muli %add3A_209, %mul3A_216 : i32
      %add3A_218 = arith.addi %mul3A_10, %mul3A_217 : i32
      %dma_start3A_219 = arith.constant 64 : i32
      %dma_start3A_220 = tpu.memref_slice %arg5[%add3A_218, %dma_start3A_219] : memref<163840x128xf32, #tpu.memory_space<hbm>> -> memref<512x64xf32, #tpu.memory_space<hbm>>
      %dma_start3A_221 = arith.constant 64 : i32
      %dma_start3A_222 = tpu.memref_slice %arg5[%add3A_218, %dma_start3A_221] : memref<163840x128xf32, #tpu.memory_space<hbm>> -> memref<512x64xf32, #tpu.memory_space<hbm>>
      tpu.enqueue_dma source(%arg9 : memref<512x64xf32, #tpu.memory_space<vmem>>) target(%dma_start3A_222 : memref<512x64xf32, #tpu.memory_space<hbm>>) target_semaphore(%arg14 : memref<!tpu.dma_semaphore, #tpu.memory_space<semaphore_mem>>)
      %dma_wait3A_223 = arith.constant 64 : i32
      %dma_wait3A_224 = tpu.memref_slice %arg5[%add3A_218, %dma_wait3A_223] : memref<163840x128xf32, #tpu.memory_space<hbm>> -> memref<512x64xf32, #tpu.memory_space<hbm>>
      %dma_wait3A_225 = arith.constant 64 : i32
      %dma_wait3A_226 = tpu.memref_slice %arg5[%add3A_218, %dma_wait3A_225] : memref<163840x128xf32, #tpu.memory_space<hbm>> -> memref<512x64xf32, #tpu.memory_space<hbm>>
      tpu.wait_dma2 semaphore(%arg14 : memref<!tpu.dma_semaphore, #tpu.memory_space<semaphore_mem>>) src(%arg9 : memref<512x64xf32, #tpu.memory_space<vmem>>) dst(%dma_wait3A_226 : memref<512x64xf32, #tpu.memory_space<hbm>>)
      %add3A_227 = arith.constant 2 : i32
      %add3A_228 = arith.addi %add3A_209, %add3A_227 : i32
      %lt3A_229 = arith.constant 10 : i32
      %lt3A_230 = arith.cmpi slt, %add3A_228, %lt3A_229 : i32
      %convert_element_type3A_231 = arith.extui %lt3A_230 : i1 to i32
      %cond3A_232 = arith.constant 0 : i32
      %cond3A_233 = arith.cmpi ne, %convert_element_type3A_231, %cond3A_232 : i32
      scf.if %cond3A_233 {
        %add3A_234 = arith.constant 2 : i32
        %add3A_235 = arith.addi %add3A_209, %add3A_234 : i32
        %mul3A_236 = arith.constant 4 : i32
        %mul3A_237 = arith.muli %add3A_235, %mul3A_236 : i32
        %add3A_238 = arith.constant 0 : i32
        %add3A_239 = arith.addi %mul3A_237, %add3A_238 : i32
        %dma_start3A_240 = arith.constant 0 : i32
        %dma_start3A_241 = arith.constant 0 : i32
        %dma_start3A_242 = tpu.memref_slice %arg9[%dma_start3A_240, %dma_start3A_241] : memref<512x64xf32, #tpu.memory_space<vmem>> -> memref<128x64xf32, #tpu.memory_space<vmem>>
        %dma_start3A_243 = arith.constant 0 : i32
        %dma_start3A_244 = tpu.memref_slice %arg7[%add3A_239, %dma_start3A_243] : memref<40x128xi32, #tpu.memory_space<vmem>> -> memref<1x128xi32, #tpu.memory_space<vmem>>
        %dma_start3A_245 = tpu.memref_squeeze %dma_start3A_244 : memref<1x128xi32, #tpu.memory_space<vmem>> -> memref<128xi32, #tpu.memory_space<vmem>>
        %dma_start3A_246 = arith.constant 0 : i32
        %dma_start3A_247 = arith.constant 0 : i32
        %dma_start3A_248 = tpu.memref_slice %arg10[%dma_start3A_246, %dma_start3A_247] : memref<10000x64xf32, #tpu.memory_space<vmem_shared>> -> memref<10000x64xf32, #tpu.memory_space<vmem_shared>>
        tpu.enqueue_indirect_dma source(%dma_start3A_248 : memref<10000x64xf32, #tpu.memory_space<vmem_shared>>) target(%dma_start3A_242 : memref<128x64xf32, #tpu.memory_space<vmem>>) offsets(%dma_start3A_245 : memref<128xi32, #tpu.memory_space<vmem>>) semaphore(%arg12 : memref<!tpu.dma_semaphore, #tpu.memory_space<semaphore_mem>>)
        %add3A_249 = arith.constant 2 : i32
        %add3A_250 = arith.addi %add3A_209, %add3A_249 : i32
        %mul3A_251 = arith.constant 4 : i32
        %mul3A_252 = arith.muli %add3A_250, %mul3A_251 : i32
        %add3A_253 = arith.constant 1 : i32
        %add3A_254 = arith.addi %mul3A_252, %add3A_253 : i32
        %dma_start3A_255 = arith.constant 128 : i32
        %dma_start3A_256 = arith.constant 0 : i32
        %dma_start3A_257 = tpu.memref_slice %arg9[%dma_start3A_255, %dma_start3A_256] : memref<512x64xf32, #tpu.memory_space<vmem>> -> memref<128x64xf32, #tpu.memory_space<vmem>>
        %dma_start3A_258 = arith.constant 0 : i32
        %dma_start3A_259 = tpu.memref_slice %arg7[%add3A_254, %dma_start3A_258] : memref<40x128xi32, #tpu.memory_space<vmem>> -> memref<1x128xi32, #tpu.memory_space<vmem>>
        %dma_start3A_260 = tpu.memref_squeeze %dma_start3A_259 : memref<1x128xi32, #tpu.memory_space<vmem>> -> memref<128xi32, #tpu.memory_space<vmem>>
        %dma_start3A_261 = arith.constant 0 : i32
        %dma_start3A_262 = arith.constant 0 : i32
        %dma_start3A_263 = tpu.memref_slice %arg10[%dma_start3A_261, %dma_start3A_262] : memref<10000x64xf32, #tpu.memory_space<vmem_shared>> -> memref<10000x64xf32, #tpu.memory_space<vmem_shared>>
        tpu.enqueue_indirect_dma source(%dma_start3A_263 : memref<10000x64xf32, #tpu.memory_space<vmem_shared>>) target(%dma_start3A_257 : memref<128x64xf32, #tpu.memory_space<vmem>>) offsets(%dma_start3A_260 : memref<128xi32, #tpu.memory_space<vmem>>) semaphore(%arg12 : memref<!tpu.dma_semaphore, #tpu.memory_space<semaphore_mem>>)
        %add3A_264 = arith.constant 2 : i32
        %add3A_265 = arith.addi %add3A_209, %add3A_264 : i32
        %mul3A_266 = arith.constant 4 : i32
        %mul3A_267 = arith.muli %add3A_265, %mul3A_266 : i32
        %add3A_268 = arith.constant 2 : i32
        %add3A_269 = arith.addi %mul3A_267, %add3A_268 : i32
        %dma_start3A_270 = arith.constant 256 : i32
        %dma_start3A_271 = arith.constant 0 : i32
        %dma_start3A_272 = tpu.memref_slice %arg9[%dma_start3A_270, %dma_start3A_271] : memref<512x64xf32, #tpu.memory_space<vmem>> -> memref<128x64xf32, #tpu.memory_space<vmem>>
        %dma_start3A_273 = arith.constant 0 : i32
        %dma_start3A_274 = tpu.memref_slice %arg7[%add3A_269, %dma_start3A_273] : memref<40x128xi32, #tpu.memory_space<vmem>> -> memref<1x128xi32, #tpu.memory_space<vmem>>
        %dma_start3A_275 = tpu.memref_squeeze %dma_start3A_274 : memref<1x128xi32, #tpu.memory_space<vmem>> -> memref<128xi32, #tpu.memory_space<vmem>>
        %dma_start3A_276 = arith.constant 0 : i32
        %dma_start3A_277 = arith.constant 0 : i32
        %dma_start3A_278 = tpu.memref_slice %arg10[%dma_start3A_276, %dma_start3A_277] : memref<10000x64xf32, #tpu.memory_space<vmem_shared>> -> memref<10000x64xf32, #tpu.memory_space<vmem_shared>>
        tpu.enqueue_indirect_dma source(%dma_start3A_278 : memref<10000x64xf32, #tpu.memory_space<vmem_shared>>) target(%dma_start3A_272 : memref<128x64xf32, #tpu.memory_space<vmem>>) offsets(%dma_start3A_275 : memref<128xi32, #tpu.memory_space<vmem>>) semaphore(%arg12 : memref<!tpu.dma_semaphore, #tpu.memory_space<semaphore_mem>>)
        %add3A_279 = arith.constant 2 : i32
        %add3A_280 = arith.addi %add3A_209, %add3A_279 : i32
        %mul3A_281 = arith.constant 4 : i32
        %mul3A_282 = arith.muli %add3A_280, %mul3A_281 : i32
        %add3A_283 = arith.constant 3 : i32
        %add3A_284 = arith.addi %mul3A_282, %add3A_283 : i32
        %dma_start3A_285 = arith.constant 384 : i32
        %dma_start3A_286 = arith.constant 0 : i32
        %dma_start3A_287 = tpu.memref_slice %arg9[%dma_start3A_285, %dma_start3A_286] : memref<512x64xf32, #tpu.memory_space<vmem>> -> memref<128x64xf32, #tpu.memory_space<vmem>>
        %dma_start3A_288 = arith.constant 0 : i32
        %dma_start3A_289 = tpu.memref_slice %arg7[%add3A_284, %dma_start3A_288] : memref<40x128xi32, #tpu.memory_space<vmem>> -> memref<1x128xi32, #tpu.memory_space<vmem>>
        %dma_start3A_290 = tpu.memref_squeeze %dma_start3A_289 : memref<1x128xi32, #tpu.memory_space<vmem>> -> memref<128xi32, #tpu.memory_space<vmem>>
        %dma_start3A_291 = arith.constant 0 : i32
        %dma_start3A_292 = arith.constant 0 : i32
        %dma_start3A_293 = tpu.memref_slice %arg10[%dma_start3A_291, %dma_start3A_292] : memref<10000x64xf32, #tpu.memory_space<vmem_shared>> -> memref<10000x64xf32, #tpu.memory_space<vmem_shared>>
        tpu.enqueue_indirect_dma source(%dma_start3A_293 : memref<10000x64xf32, #tpu.memory_space<vmem_shared>>) target(%dma_start3A_287 : memref<128x64xf32, #tpu.memory_space<vmem>>) offsets(%dma_start3A_290 : memref<128xi32, #tpu.memory_space<vmem>>) semaphore(%arg12 : memref<!tpu.dma_semaphore, #tpu.memory_space<semaphore_mem>>)
      } else {
      }
    }
    %scan3A_180 = arith.constant 5 : i32
    return
  }
}

#map = affine_map<(d0, d1) -> (0, 0)>
module attributes {stable_mosaic.version = 14 : i64} {
  func.func @k(%arg0: i32, %arg1: i32, %arg2: memref<10000x64xf32, #tpu.memory_space<hbm>>, %arg3: memref<1280x128xi32, #tpu.memory_space<hbm>>, %arg4: memref<1280x128xi32, #tpu.memory_space<hbm>>, %arg5: memref<163840x128xf32, #tpu.memory_space<hbm>>, %arg6: memref<40x128xi32, #tpu.memory_space<vmem>>, %arg7: memref<40x128xi32, #tpu.memory_space<vmem>>, %arg8: memref<512x64xf32, #tpu.memory_space<vmem>>, %arg9: memref<512x64xf32, #tpu.memory_space<vmem>>, %arg10: memref<10000x64xf32, #tpu.memory_space<vmem_shared>>, %arg11: memref<!tpu.dma_semaphore, #tpu.memory_space<semaphore_mem>>, %arg12: memref<!tpu.dma_semaphore, #tpu.memory_space<semaphore_mem>>, %arg13: memref<!tpu.dma_semaphore, #tpu.memory_space<semaphore_mem>>, %arg14: memref<!tpu.dma_semaphore, #tpu.memory_space<semaphore_mem>>) attributes {dimension_semantics = [#tpu.dimension_semantics<core_parallel>, #tpu.dimension_semantics<subcore_parallel>], iteration_bounds = array<i64: 2, 16>, scalar_prefetch = 0 : i64, scratch_operands = 9 : i64, tpu.core_type = #tpu.core_type<sc_vector_subcore>, window_params = [{transform_indices = #map}, {transform_indices = #map}, {transform_indices = #map}, {transform_indices = #map}]} {
    %mul3A = arith.constant 2 : i32
    %mul3A_0 = arith.muli %arg1, %mul3A : i32
    %add3A = arith.addi %mul3A_0, %arg0 : i32
    %mul3A_1 = arith.constant 625 : i32
    %mul3A_2 = arith.muli %arg1, %mul3A_1 : i32
    %mul3A_3 = arith.constant 625 : i32
    %mul3A_4 = arith.muli %arg1, %mul3A_3 : i32
    "tpu.region"() ({
      %run_scoped3A = tpu.sem_alloc : memref<!tpu.dma_semaphore, #tpu.memory_space<semaphore_mem>>
      %dma_start3A_181 = arith.constant 0 : i32
      %dma_start3A_182 = tpu.memref_slice %arg10[%mul3A_4, %dma_start3A_181] : memref<10000x64xf32, #tpu.memory_space<vmem_shared>> -> memref<625x64xf32, #tpu.memory_space<vmem_shared>>
      %dma_start3A_183 = arith.constant 0 : i32
      %dma_start3A_184 = tpu.memref_slice %arg2[%mul3A_2, %dma_start3A_183] : memref<10000x64xf32, #tpu.memory_space<hbm>> -> memref<625x64xf32, #tpu.memory_space<hbm>>
      tpu.enqueue_dma source(%dma_start3A_184 : memref<625x64xf32, #tpu.memory_space<hbm>>) target(%dma_start3A_182 : memref<625x64xf32, #tpu.memory_space<vmem_shared>>) target_semaphore(%run_scoped3A : memref<!tpu.dma_semaphore, #tpu.memory_space<semaphore_mem>>)
      %dma_wait3A = arith.constant 0 : i32
      %dma_wait3A_185 = tpu.memref_slice %arg10[%mul3A_4, %dma_wait3A] : memref<10000x64xf32, #tpu.memory_space<vmem_shared>> -> memref<625x64xf32, #tpu.memory_space<vmem_shared>>
      %dma_wait3A_186 = arith.constant 0 : i32
      %dma_wait3A_187 = tpu.memref_slice %arg2[%mul3A_2, %dma_wait3A_186] : memref<10000x64xf32, #tpu.memory_space<hbm>> -> memref<625x64xf32, #tpu.memory_space<hbm>>
      tpu.wait_dma2 semaphore(%run_scoped3A : memref<!tpu.dma_semaphore, #tpu.memory_space<semaphore_mem>>) src(%dma_wait3A_187 : memref<625x64xf32, #tpu.memory_space<hbm>>) dst(%dma_wait3A_185 : memref<625x64xf32, #tpu.memory_space<vmem_shared>>)
      tpu.yield
    }) : () -> ()
    %mul3A_5 = arith.constant 40 : i32
    %mul3A_6 = arith.muli %add3A, %mul3A_5 : i32
    "tpu.region"() ({
      %run_scoped3A = tpu.sem_alloc : memref<!tpu.dma_semaphore, #tpu.memory_space<semaphore_mem>>
      %dma_start3A_181 = arith.constant 0 : i32
      %dma_start3A_182 = tpu.memref_slice %arg3[%mul3A_6, %dma_start3A_181] : memref<1280x128xi32, #tpu.memory_space<hbm>> -> memref<40x128xi32, #tpu.memory_space<hbm>>
      %dma_start3A_183 = arith.constant 0 : i32
      %dma_start3A_184 = tpu.memref_slice %arg3[%mul3A_6, %dma_start3A_183] : memref<1280x128xi32, #tpu.memory_space<hbm>> -> memref<40x128xi32, #tpu.memory_space<hbm>>
      tpu.enqueue_dma source(%dma_start3A_184 : memref<40x128xi32, #tpu.memory_space<hbm>>) target(%arg6 : memref<40x128xi32, #tpu.memory_space<vmem>>) target_semaphore(%run_scoped3A : memref<!tpu.dma_semaphore, #tpu.memory_space<semaphore_mem>>)
      %dma_wait3A = arith.constant 0 : i32
      %dma_wait3A_185 = tpu.memref_slice %arg3[%mul3A_6, %dma_wait3A] : memref<1280x128xi32, #tpu.memory_space<hbm>> -> memref<40x128xi32, #tpu.memory_space<hbm>>
      %dma_wait3A_186 = arith.constant 0 : i32
      %dma_wait3A_187 = tpu.memref_slice %arg3[%mul3A_6, %dma_wait3A_186] : memref<1280x128xi32, #tpu.memory_space<hbm>> -> memref<40x128xi32, #tpu.memory_space<hbm>>
      tpu.wait_dma2 semaphore(%run_scoped3A : memref<!tpu.dma_semaphore, #tpu.memory_space<semaphore_mem>>) src(%dma_wait3A_187 : memref<40x128xi32, #tpu.memory_space<hbm>>) dst(%arg6 : memref<40x128xi32, #tpu.memory_space<vmem>>)
      tpu.yield
    }) : () -> ()
    %mul3A_7 = arith.constant 40 : i32
    %mul3A_8 = arith.muli %add3A, %mul3A_7 : i32
    "tpu.region"() ({
      %run_scoped3A = tpu.sem_alloc : memref<!tpu.dma_semaphore, #tpu.memory_space<semaphore_mem>>
      %dma_start3A_181 = arith.constant 0 : i32
      %dma_start3A_182 = tpu.memref_slice %arg4[%mul3A_8, %dma_start3A_181] : memref<1280x128xi32, #tpu.memory_space<hbm>> -> memref<40x128xi32, #tpu.memory_space<hbm>>
      %dma_start3A_183 = arith.constant 0 : i32
      %dma_start3A_184 = tpu.memref_slice %arg4[%mul3A_8, %dma_start3A_183] : memref<1280x128xi32, #tpu.memory_space<hbm>> -> memref<40x128xi32, #tpu.memory_space<hbm>>
      tpu.enqueue_dma source(%dma_start3A_184 : memref<40x128xi32, #tpu.memory_space<hbm>>) target(%arg7 : memref<40x128xi32, #tpu.memory_space<vmem>>) target_semaphore(%run_scoped3A : memref<!tpu.dma_semaphore, #tpu.memory_space<semaphore_mem>>)
      %dma_wait3A = arith.constant 0 : i32
      %dma_wait3A_185 = tpu.memref_slice %arg4[%mul3A_8, %dma_wait3A] : memref<1280x128xi32, #tpu.memory_space<hbm>> -> memref<40x128xi32, #tpu.memory_space<hbm>>
      %dma_wait3A_186 = arith.constant 0 : i32
      %dma_wait3A_187 = tpu.memref_slice %arg4[%mul3A_8, %dma_wait3A_186] : memref<1280x128xi32, #tpu.memory_space<hbm>> -> memref<40x128xi32, #tpu.memory_space<hbm>>
      tpu.wait_dma2 semaphore(%run_scoped3A : memref<!tpu.dma_semaphore, #tpu.memory_space<semaphore_mem>>) src(%dma_wait3A_187 : memref<40x128xi32, #tpu.memory_space<hbm>>) dst(%arg7 : memref<40x128xi32, #tpu.memory_space<vmem>>)
      tpu.yield
    }) : () -> ()
    %barrier3A = arith.constant 0 : index
    tpu.barrier barrier_id(%barrier3A)
    %mul3A_9 = arith.constant 5120 : i32
    %mul3A_10 = arith.muli %add3A, %mul3A_9 : i32
    %dma_start3A = arith.constant 0 : i32
    %dma_start3A_11 = arith.constant 0 : i32
    %dma_start3A_12 = arith.constant 0 : i32
    %dma_start3A_13 = tpu.memref_slice %arg8[%dma_start3A_11, %dma_start3A_12] : memref<512x64xf32, #tpu.memory_space<vmem>> -> memref<128x64xf32, #tpu.memory_space<vmem>>
    %dma_start3A_14 = arith.constant 0 : i32
    %dma_start3A_15 = tpu.memref_slice %arg6[%dma_start3A, %dma_start3A_14] : memref<40x128xi32, #tpu.memory_space<vmem>> -> memref<1x128xi32, #tpu.memory_space<vmem>>
    %dma_start3A_16 = tpu.memref_squeeze %dma_start3A_15 : memref<1x128xi32, #tpu.memory_space<vmem>> -> memref<128xi32, #tpu.memory_space<vmem>>
    %dma_start3A_17 = arith.constant 0 : i32
    %dma_start3A_18 = arith.constant 0 : i32
    %dma_start3A_19 = tpu.memref_slice %arg10[%dma_start3A_17, %dma_start3A_18] : memref<10000x64xf32, #tpu.memory_space<vmem_shared>> -> memref<10000x64xf32, #tpu.memory_space<vmem_shared>>
    tpu.enqueue_indirect_dma source(%dma_start3A_19 : memref<10000x64xf32, #tpu.memory_space<vmem_shared>>) target(%dma_start3A_13 : memref<128x64xf32, #tpu.memory_space<vmem>>) offsets(%dma_start3A_16 : memref<128xi32, #tpu.memory_space<vmem>>) semaphore(%arg11 : memref<!tpu.dma_semaphore, #tpu.memory_space<semaphore_mem>>)
    %dma_start3A_20 = arith.constant 1 : i32
    %dma_start3A_21 = arith.constant 128 : i32
    %dma_start3A_22 = arith.constant 0 : i32
    %dma_start3A_23 = tpu.memref_slice %arg8[%dma_start3A_21, %dma_start3A_22] : memref<512x64xf32, #tpu.memory_space<vmem>> -> memref<128x64xf32, #tpu.memory_space<vmem>>
    %dma_start3A_24 = arith.constant 0 : i32
    %dma_start3A_25 = tpu.memref_slice %arg6[%dma_start3A_20, %dma_start3A_24] : memref<40x128xi32, #tpu.memory_space<vmem>> -> memref<1x128xi32, #tpu.memory_space<vmem>>
    %dma_start3A_26 = tpu.memref_squeeze %dma_start3A_25 : memref<1x128xi32, #tpu.memory_space<vmem>> -> memref<128xi32, #tpu.memory_space<vmem>>
    %dma_start3A_27 = arith.constant 0 : i32
    %dma_start3A_28 = arith.constant 0 : i32
    %dma_start3A_29 = tpu.memref_slice %arg10[%dma_start3A_27, %dma_start3A_28] : memref<10000x64xf32, #tpu.memory_space<vmem_shared>> -> memref<10000x64xf32, #tpu.memory_space<vmem_shared>>
    tpu.enqueue_indirect_dma source(%dma_start3A_29 : memref<10000x64xf32, #tpu.memory_space<vmem_shared>>) target(%dma_start3A_23 : memref<128x64xf32, #tpu.memory_space<vmem>>) offsets(%dma_start3A_26 : memref<128xi32, #tpu.memory_space<vmem>>) semaphore(%arg11 : memref<!tpu.dma_semaphore, #tpu.memory_space<semaphore_mem>>)
    %dma_start3A_30 = arith.constant 2 : i32
    %dma_start3A_31 = arith.constant 256 : i32
    %dma_start3A_32 = arith.constant 0 : i32
    %dma_start3A_33 = tpu.memref_slice %arg8[%dma_start3A_31, %dma_start3A_32] : memref<512x64xf32, #tpu.memory_space<vmem>> -> memref<128x64xf32, #tpu.memory_space<vmem>>
    %dma_start3A_34 = arith.constant 0 : i32
    %dma_start3A_35 = tpu.memref_slice %arg6[%dma_start3A_30, %dma_start3A_34] : memref<40x128xi32, #tpu.memory_space<vmem>> -> memref<1x128xi32, #tpu.memory_space<vmem>>
    %dma_start3A_36 = tpu.memref_squeeze %dma_start3A_35 : memref<1x128xi32, #tpu.memory_space<vmem>> -> memref<128xi32, #tpu.memory_space<vmem>>
    %dma_start3A_37 = arith.constant 0 : i32
    %dma_start3A_38 = arith.constant 0 : i32
    %dma_start3A_39 = tpu.memref_slice %arg10[%dma_start3A_37, %dma_start3A_38] : memref<10000x64xf32, #tpu.memory_space<vmem_shared>> -> memref<10000x64xf32, #tpu.memory_space<vmem_shared>>
    tpu.enqueue_indirect_dma source(%dma_start3A_39 : memref<10000x64xf32, #tpu.memory_space<vmem_shared>>) target(%dma_start3A_33 : memref<128x64xf32, #tpu.memory_space<vmem>>) offsets(%dma_start3A_36 : memref<128xi32, #tpu.memory_space<vmem>>) semaphore(%arg11 : memref<!tpu.dma_semaphore, #tpu.memory_space<semaphore_mem>>)
    %dma_start3A_40 = arith.constant 3 : i32
    %dma_start3A_41 = arith.constant 384 : i32
    %dma_start3A_42 = arith.constant 0 : i32
    %dma_start3A_43 = tpu.memref_slice %arg8[%dma_start3A_41, %dma_start3A_42] : memref<512x64xf32, #tpu.memory_space<vmem>> -> memref<128x64xf32, #tpu.memory_space<vmem>>
    %dma_start3A_44 = arith.constant 0 : i32
    %dma_start3A_45 = tpu.memref_slice %arg6[%dma_start3A_40, %dma_start3A_44] : memref<40x128xi32, #tpu.memory_space<vmem>> -> memref<1x128xi32, #tpu.memory_space<vmem>>
    %dma_start3A_46 = tpu.memref_squeeze %dma_start3A_45 : memref<1x128xi32, #tpu.memory_space<vmem>> -> memref<128xi32, #tpu.memory_space<vmem>>
    %dma_start3A_47 = arith.constant 0 : i32
    %dma_start3A_48 = arith.constant 0 : i32
    %dma_start3A_49 = tpu.memref_slice %arg10[%dma_start3A_47, %dma_start3A_48] : memref<10000x64xf32, #tpu.memory_space<vmem_shared>> -> memref<10000x64xf32, #tpu.memory_space<vmem_shared>>
    tpu.enqueue_indirect_dma source(%dma_start3A_49 : memref<10000x64xf32, #tpu.memory_space<vmem_shared>>) target(%dma_start3A_43 : memref<128x64xf32, #tpu.memory_space<vmem>>) offsets(%dma_start3A_46 : memref<128xi32, #tpu.memory_space<vmem>>) semaphore(%arg11 : memref<!tpu.dma_semaphore, #tpu.memory_space<semaphore_mem>>)
    %dma_start3A_50 = arith.constant 4 : i32
    %dma_start3A_51 = arith.constant 0 : i32
    %dma_start3A_52 = arith.constant 0 : i32
    %dma_start3A_53 = tpu.memref_slice %arg9[%dma_start3A_51, %dma_start3A_52] : memref<512x64xf32, #tpu.memory_space<vmem>> -> memref<128x64xf32, #tpu.memory_space<vmem>>
    %dma_start3A_54 = arith.constant 0 : i32
    %dma_start3A_55 = tpu.memref_slice %arg6[%dma_start3A_50, %dma_start3A_54] : memref<40x128xi32, #tpu.memory_space<vmem>> -> memref<1x128xi32, #tpu.memory_space<vmem>>
    %dma_start3A_56 = tpu.memref_squeeze %dma_start3A_55 : memref<1x128xi32, #tpu.memory_space<vmem>> -> memref<128xi32, #tpu.memory_space<vmem>>
    %dma_start3A_57 = arith.constant 0 : i32
    %dma_start3A_58 = arith.constant 0 : i32
    %dma_start3A_59 = tpu.memref_slice %arg10[%dma_start3A_57, %dma_start3A_58] : memref<10000x64xf32, #tpu.memory_space<vmem_shared>> -> memref<10000x64xf32, #tpu.memory_space<vmem_shared>>
    tpu.enqueue_indirect_dma source(%dma_start3A_59 : memref<10000x64xf32, #tpu.memory_space<vmem_shared>>) target(%dma_start3A_53 : memref<128x64xf32, #tpu.memory_space<vmem>>) offsets(%dma_start3A_56 : memref<128xi32, #tpu.memory_space<vmem>>) semaphore(%arg12 : memref<!tpu.dma_semaphore, #tpu.memory_space<semaphore_mem>>)
    %dma_start3A_60 = arith.constant 5 : i32
    %dma_start3A_61 = arith.constant 128 : i32
    %dma_start3A_62 = arith.constant 0 : i32
    %dma_start3A_63 = tpu.memref_slice %arg9[%dma_start3A_61, %dma_start3A_62] : memref<512x64xf32, #tpu.memory_space<vmem>> -> memref<128x64xf32, #tpu.memory_space<vmem>>
    %dma_start3A_64 = arith.constant 0 : i32
    %dma_start3A_65 = tpu.memref_slice %arg6[%dma_start3A_60, %dma_start3A_64] : memref<40x128xi32, #tpu.memory_space<vmem>> -> memref<1x128xi32, #tpu.memory_space<vmem>>
    %dma_start3A_66 = tpu.memref_squeeze %dma_start3A_65 : memref<1x128xi32, #tpu.memory_space<vmem>> -> memref<128xi32, #tpu.memory_space<vmem>>
    %dma_start3A_67 = arith.constant 0 : i32
    %dma_start3A_68 = arith.constant 0 : i32
    %dma_start3A_69 = tpu.memref_slice %arg10[%dma_start3A_67, %dma_start3A_68] : memref<10000x64xf32, #tpu.memory_space<vmem_shared>> -> memref<10000x64xf32, #tpu.memory_space<vmem_shared>>
    tpu.enqueue_indirect_dma source(%dma_start3A_69 : memref<10000x64xf32, #tpu.memory_space<vmem_shared>>) target(%dma_start3A_63 : memref<128x64xf32, #tpu.memory_space<vmem>>) offsets(%dma_start3A_66 : memref<128xi32, #tpu.memory_space<vmem>>) semaphore(%arg12 : memref<!tpu.dma_semaphore, #tpu.memory_space<semaphore_mem>>)
    %dma_start3A_70 = arith.constant 6 : i32
    %dma_start3A_71 = arith.constant 256 : i32
    %dma_start3A_72 = arith.constant 0 : i32
    %dma_start3A_73 = tpu.memref_slice %arg9[%dma_start3A_71, %dma_start3A_72] : memref<512x64xf32, #tpu.memory_space<vmem>> -> memref<128x64xf32, #tpu.memory_space<vmem>>
    %dma_start3A_74 = arith.constant 0 : i32
    %dma_start3A_75 = tpu.memref_slice %arg6[%dma_start3A_70, %dma_start3A_74] : memref<40x128xi32, #tpu.memory_space<vmem>> -> memref<1x128xi32, #tpu.memory_space<vmem>>
    %dma_start3A_76 = tpu.memref_squeeze %dma_start3A_75 : memref<1x128xi32, #tpu.memory_space<vmem>> -> memref<128xi32, #tpu.memory_space<vmem>>
    %dma_start3A_77 = arith.constant 0 : i32
    %dma_start3A_78 = arith.constant 0 : i32
    %dma_start3A_79 = tpu.memref_slice %arg10[%dma_start3A_77, %dma_start3A_78] : memref<10000x64xf32, #tpu.memory_space<vmem_shared>> -> memref<10000x64xf32, #tpu.memory_space<vmem_shared>>
    tpu.enqueue_indirect_dma source(%dma_start3A_79 : memref<10000x64xf32, #tpu.memory_space<vmem_shared>>) target(%dma_start3A_73 : memref<128x64xf32, #tpu.memory_space<vmem>>) offsets(%dma_start3A_76 : memref<128xi32, #tpu.memory_space<vmem>>) semaphore(%arg12 : memref<!tpu.dma_semaphore, #tpu.memory_space<semaphore_mem>>)
    %dma_start3A_80 = arith.constant 7 : i32
    %dma_start3A_81 = arith.constant 384 : i32
    %dma_start3A_82 = arith.constant 0 : i32
    %dma_start3A_83 = tpu.memref_slice %arg9[%dma_start3A_81, %dma_start3A_82] : memref<512x64xf32, #tpu.memory_space<vmem>> -> memref<128x64xf32, #tpu.memory_space<vmem>>
    %dma_start3A_84 = arith.constant 0 : i32
    %dma_start3A_85 = tpu.memref_slice %arg6[%dma_start3A_80, %dma_start3A_84] : memref<40x128xi32, #tpu.memory_space<vmem>> -> memref<1x128xi32, #tpu.memory_space<vmem>>
    %dma_start3A_86 = tpu.memref_squeeze %dma_start3A_85 : memref<1x128xi32, #tpu.memory_space<vmem>> -> memref<128xi32, #tpu.memory_space<vmem>>
    %dma_start3A_87 = arith.constant 0 : i32
    %dma_start3A_88 = arith.constant 0 : i32
    %dma_start3A_89 = tpu.memref_slice %arg10[%dma_start3A_87, %dma_start3A_88] : memref<10000x64xf32, #tpu.memory_space<vmem_shared>> -> memref<10000x64xf32, #tpu.memory_space<vmem_shared>>
    tpu.enqueue_indirect_dma source(%dma_start3A_89 : memref<10000x64xf32, #tpu.memory_space<vmem_shared>>) target(%dma_start3A_83 : memref<128x64xf32, #tpu.memory_space<vmem>>) offsets(%dma_start3A_86 : memref<128xi32, #tpu.memory_space<vmem>>) semaphore(%arg12 : memref<!tpu.dma_semaphore, #tpu.memory_space<semaphore_mem>>)
    %scan3A = arith.constant 0 : i32
    %scan3A_90 = arith.constant 0 : i32
    %scan3A_91 = arith.constant 5 : i32
    %scan3A_92 = arith.addi %scan3A_90, %scan3A_91 : i32
    %scan3A_93 = arith.constant 1 : i32
    scf.for %scan3A_181 = %scan3A_90 to %scan3A_92 step %scan3A_93  : i32 {
      %mul3A_182 = arith.constant 2 : i32
      %mul3A_183 = arith.muli %scan3A_181, %mul3A_182 : i32
      %add3A_184 = arith.constant 0 : i32
      %add3A_185 = arith.addi %mul3A_183, %add3A_184 : i32
      %dma_wait3A = arith.constant 0 : i32
      %dma_wait3A_186 = arith.constant 0 : i32
      %dma_wait3A_187 = tpu.memref_slice %arg5[%dma_wait3A, %dma_wait3A_186] : memref<163840x128xf32, #tpu.memory_space<hbm>> -> memref<512x64xf32, #tpu.memory_space<hbm>>
      %dma_wait3A_188 = arith.constant 0 : i32
      %dma_wait3A_189 = arith.constant 0 : i32
      %dma_wait3A_190 = tpu.memref_slice %arg5[%dma_wait3A_188, %dma_wait3A_189] : memref<163840x128xf32, #tpu.memory_space<hbm>> -> memref<512x64xf32, #tpu.memory_space<hbm>>
      tpu.wait_dma2 semaphore(%arg11 : memref<!tpu.dma_semaphore, #tpu.memory_space<semaphore_mem>>) src(%dma_wait3A_190 : memref<512x64xf32, #tpu.memory_space<hbm>>) dst(%arg8 : memref<512x64xf32, #tpu.memory_space<vmem>>)
      %mul3A_191 = arith.constant 512 : i32
      %mul3A_192 = arith.muli %add3A_185, %mul3A_191 : i32
      %add3A_193 = arith.addi %mul3A_10, %mul3A_192 : i32
      %dma_start3A_194 = arith.constant 0 : i32
      %dma_start3A_195 = tpu.memref_slice %arg5[%add3A_193, %dma_start3A_194] : memref<163840x128xf32, #tpu.memory_space<hbm>> -> memref<512x64xf32, #tpu.memory_space<hbm>>
      %dma_start3A_196 = arith.constant 0 : i32
      %dma_start3A_197 = tpu.memref_slice %arg5[%add3A_193, %dma_start3A_196] : memref<163840x128xf32, #tpu.memory_space<hbm>> -> memref<512x64xf32, #tpu.memory_space<hbm>>
      tpu.enqueue_dma source(%arg8 : memref<512x64xf32, #tpu.memory_space<vmem>>) target(%dma_start3A_197 : memref<512x64xf32, #tpu.memory_space<hbm>>) target_semaphore(%arg13 : memref<!tpu.dma_semaphore, #tpu.memory_space<semaphore_mem>>)
      %dma_wait3A_198 = arith.constant 0 : i32
      %dma_wait3A_199 = tpu.memref_slice %arg5[%add3A_193, %dma_wait3A_198] : memref<163840x128xf32, #tpu.memory_space<hbm>> -> memref<512x64xf32, #tpu.memory_space<hbm>>
      %dma_wait3A_200 = arith.constant 0 : i32
      %dma_wait3A_201 = tpu.memref_slice %arg5[%add3A_193, %dma_wait3A_200] : memref<163840x128xf32, #tpu.memory_space<hbm>> -> memref<512x64xf32, #tpu.memory_space<hbm>>
      tpu.wait_dma2 semaphore(%arg13 : memref<!tpu.dma_semaphore, #tpu.memory_space<semaphore_mem>>) src(%arg8 : memref<512x64xf32, #tpu.memory_space<vmem>>) dst(%dma_wait3A_201 : memref<512x64xf32, #tpu.memory_space<hbm>>)
      %add3A_202 = arith.constant 2 : i32
      %add3A_203 = arith.addi %add3A_185, %add3A_202 : i32
      %lt3A = arith.constant 10 : i32
      %lt3A_204 = arith.cmpi slt, %add3A_203, %lt3A : i32
      %convert_element_type3A = arith.extui %lt3A_204 : i1 to i32
      %cond3A = arith.constant 0 : i32
      %cond3A_205 = arith.cmpi ne, %convert_element_type3A, %cond3A : i32
      scf.if %cond3A_205 {
        %add3A_234 = arith.constant 2 : i32
        %add3A_235 = arith.addi %add3A_185, %add3A_234 : i32
        %mul3A_236 = arith.constant 4 : i32
        %mul3A_237 = arith.muli %add3A_235, %mul3A_236 : i32
        %add3A_238 = arith.constant 0 : i32
        %add3A_239 = arith.addi %mul3A_237, %add3A_238 : i32
        %dma_start3A_240 = arith.constant 0 : i32
        %dma_start3A_241 = arith.constant 0 : i32
        %dma_start3A_242 = tpu.memref_slice %arg8[%dma_start3A_240, %dma_start3A_241] : memref<512x64xf32, #tpu.memory_space<vmem>> -> memref<128x64xf32, #tpu.memory_space<vmem>>
        %dma_start3A_243 = arith.constant 0 : i32
        %dma_start3A_244 = tpu.memref_slice %arg6[%add3A_239, %dma_start3A_243] : memref<40x128xi32, #tpu.memory_space<vmem>> -> memref<1x128xi32, #tpu.memory_space<vmem>>
        %dma_start3A_245 = tpu.memref_squeeze %dma_start3A_244 : memref<1x128xi32, #tpu.memory_space<vmem>> -> memref<128xi32, #tpu.memory_space<vmem>>
        %dma_start3A_246 = arith.constant 0 : i32
        %dma_start3A_247 = arith.constant 0 : i32
        %dma_start3A_248 = tpu.memref_slice %arg10[%dma_start3A_246, %dma_start3A_247] : memref<10000x64xf32, #tpu.memory_space<vmem_shared>> -> memref<10000x64xf32, #tpu.memory_space<vmem_shared>>
        tpu.enqueue_indirect_dma source(%dma_start3A_248 : memref<10000x64xf32, #tpu.memory_space<vmem_shared>>) target(%dma_start3A_242 : memref<128x64xf32, #tpu.memory_space<vmem>>) offsets(%dma_start3A_245 : memref<128xi32, #tpu.memory_space<vmem>>) semaphore(%arg11 : memref<!tpu.dma_semaphore, #tpu.memory_space<semaphore_mem>>)
        %add3A_249 = arith.constant 2 : i32
        %add3A_250 = arith.addi %add3A_185, %add3A_249 : i32
        %mul3A_251 = arith.constant 4 : i32
        %mul3A_252 = arith.muli %add3A_250, %mul3A_251 : i32
        %add3A_253 = arith.constant 1 : i32
        %add3A_254 = arith.addi %mul3A_252, %add3A_253 : i32
        %dma_start3A_255 = arith.constant 128 : i32
        %dma_start3A_256 = arith.constant 0 : i32
        %dma_start3A_257 = tpu.memref_slice %arg8[%dma_start3A_255, %dma_start3A_256] : memref<512x64xf32, #tpu.memory_space<vmem>> -> memref<128x64xf32, #tpu.memory_space<vmem>>
        %dma_start3A_258 = arith.constant 0 : i32
        %dma_start3A_259 = tpu.memref_slice %arg6[%add3A_254, %dma_start3A_258] : memref<40x128xi32, #tpu.memory_space<vmem>> -> memref<1x128xi32, #tpu.memory_space<vmem>>
        %dma_start3A_260 = tpu.memref_squeeze %dma_start3A_259 : memref<1x128xi32, #tpu.memory_space<vmem>> -> memref<128xi32, #tpu.memory_space<vmem>>
        %dma_start3A_261 = arith.constant 0 : i32
        %dma_start3A_262 = arith.constant 0 : i32
        %dma_start3A_263 = tpu.memref_slice %arg10[%dma_start3A_261, %dma_start3A_262] : memref<10000x64xf32, #tpu.memory_space<vmem_shared>> -> memref<10000x64xf32, #tpu.memory_space<vmem_shared>>
        tpu.enqueue_indirect_dma source(%dma_start3A_263 : memref<10000x64xf32, #tpu.memory_space<vmem_shared>>) target(%dma_start3A_257 : memref<128x64xf32, #tpu.memory_space<vmem>>) offsets(%dma_start3A_260 : memref<128xi32, #tpu.memory_space<vmem>>) semaphore(%arg11 : memref<!tpu.dma_semaphore, #tpu.memory_space<semaphore_mem>>)
        %add3A_264 = arith.constant 2 : i32
        %add3A_265 = arith.addi %add3A_185, %add3A_264 : i32
        %mul3A_266 = arith.constant 4 : i32
        %mul3A_267 = arith.muli %add3A_265, %mul3A_266 : i32
        %add3A_268 = arith.constant 2 : i32
        %add3A_269 = arith.addi %mul3A_267, %add3A_268 : i32
        %dma_start3A_270 = arith.constant 256 : i32
        %dma_start3A_271 = arith.constant 0 : i32
        %dma_start3A_272 = tpu.memref_slice %arg8[%dma_start3A_270, %dma_start3A_271] : memref<512x64xf32, #tpu.memory_space<vmem>> -> memref<128x64xf32, #tpu.memory_space<vmem>>
        %dma_start3A_273 = arith.constant 0 : i32
        %dma_start3A_274 = tpu.memref_slice %arg6[%add3A_269, %dma_start3A_273] : memref<40x128xi32, #tpu.memory_space<vmem>> -> memref<1x128xi32, #tpu.memory_space<vmem>>
        %dma_start3A_275 = tpu.memref_squeeze %dma_start3A_274 : memref<1x128xi32, #tpu.memory_space<vmem>> -> memref<128xi32, #tpu.memory_space<vmem>>
        %dma_start3A_276 = arith.constant 0 : i32
        %dma_start3A_277 = arith.constant 0 : i32
        %dma_start3A_278 = tpu.memref_slice %arg10[%dma_start3A_276, %dma_start3A_277] : memref<10000x64xf32, #tpu.memory_space<vmem_shared>> -> memref<10000x64xf32, #tpu.memory_space<vmem_shared>>
        tpu.enqueue_indirect_dma source(%dma_start3A_278 : memref<10000x64xf32, #tpu.memory_space<vmem_shared>>) target(%dma_start3A_272 : memref<128x64xf32, #tpu.memory_space<vmem>>) offsets(%dma_start3A_275 : memref<128xi32, #tpu.memory_space<vmem>>) semaphore(%arg11 : memref<!tpu.dma_semaphore, #tpu.memory_space<semaphore_mem>>)
        %add3A_279 = arith.constant 2 : i32
        %add3A_280 = arith.addi %add3A_185, %add3A_279 : i32
        %mul3A_281 = arith.constant 4 : i32
        %mul3A_282 = arith.muli %add3A_280, %mul3A_281 : i32
        %add3A_283 = arith.constant 3 : i32
        %add3A_284 = arith.addi %mul3A_282, %add3A_283 : i32
        %dma_start3A_285 = arith.constant 384 : i32
        %dma_start3A_286 = arith.constant 0 : i32
        %dma_start3A_287 = tpu.memref_slice %arg8[%dma_start3A_285, %dma_start3A_286] : memref<512x64xf32, #tpu.memory_space<vmem>> -> memref<128x64xf32, #tpu.memory_space<vmem>>
        %dma_start3A_288 = arith.constant 0 : i32
        %dma_start3A_289 = tpu.memref_slice %arg6[%add3A_284, %dma_start3A_288] : memref<40x128xi32, #tpu.memory_space<vmem>> -> memref<1x128xi32, #tpu.memory_space<vmem>>
        %dma_start3A_290 = tpu.memref_squeeze %dma_start3A_289 : memref<1x128xi32, #tpu.memory_space<vmem>> -> memref<128xi32, #tpu.memory_space<vmem>>
        %dma_start3A_291 = arith.constant 0 : i32
        %dma_start3A_292 = arith.constant 0 : i32
        %dma_start3A_293 = tpu.memref_slice %arg10[%dma_start3A_291, %dma_start3A_292] : memref<10000x64xf32, #tpu.memory_space<vmem_shared>> -> memref<10000x64xf32, #tpu.memory_space<vmem_shared>>
        tpu.enqueue_indirect_dma source(%dma_start3A_293 : memref<10000x64xf32, #tpu.memory_space<vmem_shared>>) target(%dma_start3A_287 : memref<128x64xf32, #tpu.memory_space<vmem>>) offsets(%dma_start3A_290 : memref<128xi32, #tpu.memory_space<vmem>>) semaphore(%arg11 : memref<!tpu.dma_semaphore, #tpu.memory_space<semaphore_mem>>)
      } else {
      }
      %mul3A_206 = arith.constant 2 : i32
      %mul3A_207 = arith.muli %scan3A_181, %mul3A_206 : i32
      %add3A_208 = arith.constant 1 : i32
      %add3A_209 = arith.addi %mul3A_207, %add3A_208 : i32
      %dma_wait3A_210 = arith.constant 0 : i32
      %dma_wait3A_211 = arith.constant 0 : i32
      %dma_wait3A_212 = tpu.memref_slice %arg5[%dma_wait3A_210, %dma_wait3A_211] : memref<163840x128xf32, #tpu.memory_space<hbm>> -> memref<512x64xf32, #tpu.memory_space<hbm>>
      %dma_wait3A_213 = arith.constant 0 : i32
      %dma_wait3A_214 = arith.constant 0 : i32
      %dma_wait3A_215 = tpu.memref_slice %arg5[%dma_wait3A_213, %dma_wait3A_214] : memref<163840x128xf32, #tpu.memory_space<hbm>> -> memref<512x64xf32, #tpu.memory_space<hbm>>
      tpu.wait_dma2 semaphore(%arg12 : memref<!tpu.dma_semaphore, #tpu.memory_space<semaphore_mem>>) src(%dma_wait3A_215 : memref<512x64xf32, #tpu.memory_space<hbm>>) dst(%arg9 : memref<512x64xf32, #tpu.memory_space<vmem>>)
      %mul3A_216 = arith.constant 512 : i32
      %mul3A_217 = arith.muli %add3A_209, %mul3A_216 : i32
      %add3A_218 = arith.addi %mul3A_10, %mul3A_217 : i32
      %dma_start3A_219 = arith.constant 0 : i32
      %dma_start3A_220 = tpu.memref_slice %arg5[%add3A_218, %dma_start3A_219] : memref<163840x128xf32, #tpu.memory_space<hbm>> -> memref<512x64xf32, #tpu.memory_space<hbm>>
      %dma_start3A_221 = arith.constant 0 : i32
      %dma_start3A_222 = tpu.memref_slice %arg5[%add3A_218, %dma_start3A_221] : memref<163840x128xf32, #tpu.memory_space<hbm>> -> memref<512x64xf32, #tpu.memory_space<hbm>>
      tpu.enqueue_dma source(%arg9 : memref<512x64xf32, #tpu.memory_space<vmem>>) target(%dma_start3A_222 : memref<512x64xf32, #tpu.memory_space<hbm>>) target_semaphore(%arg14 : memref<!tpu.dma_semaphore, #tpu.memory_space<semaphore_mem>>)
      %dma_wait3A_223 = arith.constant 0 : i32
      %dma_wait3A_224 = tpu.memref_slice %arg5[%add3A_218, %dma_wait3A_223] : memref<163840x128xf32, #tpu.memory_space<hbm>> -> memref<512x64xf32, #tpu.memory_space<hbm>>
      %dma_wait3A_225 = arith.constant 0 : i32
      %dma_wait3A_226 = tpu.memref_slice %arg5[%add3A_218, %dma_wait3A_225] : memref<163840x128xf32, #tpu.memory_space<hbm>> -> memref<512x64xf32, #tpu.memory_space<hbm>>
      tpu.wait_dma2 semaphore(%arg14 : memref<!tpu.dma_semaphore, #tpu.memory_space<semaphore_mem>>) src(%arg9 : memref<512x64xf32, #tpu.memory_space<vmem>>) dst(%dma_wait3A_226 : memref<512x64xf32, #tpu.memory_space<hbm>>)
      %add3A_227 = arith.constant 2 : i32
      %add3A_228 = arith.addi %add3A_209, %add3A_227 : i32
      %lt3A_229 = arith.constant 10 : i32
      %lt3A_230 = arith.cmpi slt, %add3A_228, %lt3A_229 : i32
      %convert_element_type3A_231 = arith.extui %lt3A_230 : i1 to i32
      %cond3A_232 = arith.constant 0 : i32
      %cond3A_233 = arith.cmpi ne, %convert_element_type3A_231, %cond3A_232 : i32
      scf.if %cond3A_233 {
        %add3A_234 = arith.constant 2 : i32
        %add3A_235 = arith.addi %add3A_209, %add3A_234 : i32
        %mul3A_236 = arith.constant 4 : i32
        %mul3A_237 = arith.muli %add3A_235, %mul3A_236 : i32
        %add3A_238 = arith.constant 0 : i32
        %add3A_239 = arith.addi %mul3A_237, %add3A_238 : i32
        %dma_start3A_240 = arith.constant 0 : i32
        %dma_start3A_241 = arith.constant 0 : i32
        %dma_start3A_242 = tpu.memref_slice %arg9[%dma_start3A_240, %dma_start3A_241] : memref<512x64xf32, #tpu.memory_space<vmem>> -> memref<128x64xf32, #tpu.memory_space<vmem>>
        %dma_start3A_243 = arith.constant 0 : i32
        %dma_start3A_244 = tpu.memref_slice %arg6[%add3A_239, %dma_start3A_243] : memref<40x128xi32, #tpu.memory_space<vmem>> -> memref<1x128xi32, #tpu.memory_space<vmem>>
        %dma_start3A_245 = tpu.memref_squeeze %dma_start3A_244 : memref<1x128xi32, #tpu.memory_space<vmem>> -> memref<128xi32, #tpu.memory_space<vmem>>
        %dma_start3A_246 = arith.constant 0 : i32
        %dma_start3A_247 = arith.constant 0 : i32
        %dma_start3A_248 = tpu.memref_slice %arg10[%dma_start3A_246, %dma_start3A_247] : memref<10000x64xf32, #tpu.memory_space<vmem_shared>> -> memref<10000x64xf32, #tpu.memory_space<vmem_shared>>
        tpu.enqueue_indirect_dma source(%dma_start3A_248 : memref<10000x64xf32, #tpu.memory_space<vmem_shared>>) target(%dma_start3A_242 : memref<128x64xf32, #tpu.memory_space<vmem>>) offsets(%dma_start3A_245 : memref<128xi32, #tpu.memory_space<vmem>>) semaphore(%arg12 : memref<!tpu.dma_semaphore, #tpu.memory_space<semaphore_mem>>)
        %add3A_249 = arith.constant 2 : i32
        %add3A_250 = arith.addi %add3A_209, %add3A_249 : i32
        %mul3A_251 = arith.constant 4 : i32
        %mul3A_252 = arith.muli %add3A_250, %mul3A_251 : i32
        %add3A_253 = arith.constant 1 : i32
        %add3A_254 = arith.addi %mul3A_252, %add3A_253 : i32
        %dma_start3A_255 = arith.constant 128 : i32
        %dma_start3A_256 = arith.constant 0 : i32
        %dma_start3A_257 = tpu.memref_slice %arg9[%dma_start3A_255, %dma_start3A_256] : memref<512x64xf32, #tpu.memory_space<vmem>> -> memref<128x64xf32, #tpu.memory_space<vmem>>
        %dma_start3A_258 = arith.constant 0 : i32
        %dma_start3A_259 = tpu.memref_slice %arg6[%add3A_254, %dma_start3A_258] : memref<40x128xi32, #tpu.memory_space<vmem>> -> memref<1x128xi32, #tpu.memory_space<vmem>>
        %dma_start3A_260 = tpu.memref_squeeze %dma_start3A_259 : memref<1x128xi32, #tpu.memory_space<vmem>> -> memref<128xi32, #tpu.memory_space<vmem>>
        %dma_start3A_261 = arith.constant 0 : i32
        %dma_start3A_262 = arith.constant 0 : i32
        %dma_start3A_263 = tpu.memref_slice %arg10[%dma_start3A_261, %dma_start3A_262] : memref<10000x64xf32, #tpu.memory_space<vmem_shared>> -> memref<10000x64xf32, #tpu.memory_space<vmem_shared>>
        tpu.enqueue_indirect_dma source(%dma_start3A_263 : memref<10000x64xf32, #tpu.memory_space<vmem_shared>>) target(%dma_start3A_257 : memref<128x64xf32, #tpu.memory_space<vmem>>) offsets(%dma_start3A_260 : memref<128xi32, #tpu.memory_space<vmem>>) semaphore(%arg12 : memref<!tpu.dma_semaphore, #tpu.memory_space<semaphore_mem>>)
        %add3A_264 = arith.constant 2 : i32
        %add3A_265 = arith.addi %add3A_209, %add3A_264 : i32
        %mul3A_266 = arith.constant 4 : i32
        %mul3A_267 = arith.muli %add3A_265, %mul3A_266 : i32
        %add3A_268 = arith.constant 2 : i32
        %add3A_269 = arith.addi %mul3A_267, %add3A_268 : i32
        %dma_start3A_270 = arith.constant 256 : i32
        %dma_start3A_271 = arith.constant 0 : i32
        %dma_start3A_272 = tpu.memref_slice %arg9[%dma_start3A_270, %dma_start3A_271] : memref<512x64xf32, #tpu.memory_space<vmem>> -> memref<128x64xf32, #tpu.memory_space<vmem>>
        %dma_start3A_273 = arith.constant 0 : i32
        %dma_start3A_274 = tpu.memref_slice %arg6[%add3A_269, %dma_start3A_273] : memref<40x128xi32, #tpu.memory_space<vmem>> -> memref<1x128xi32, #tpu.memory_space<vmem>>
        %dma_start3A_275 = tpu.memref_squeeze %dma_start3A_274 : memref<1x128xi32, #tpu.memory_space<vmem>> -> memref<128xi32, #tpu.memory_space<vmem>>
        %dma_start3A_276 = arith.constant 0 : i32
        %dma_start3A_277 = arith.constant 0 : i32
        %dma_start3A_278 = tpu.memref_slice %arg10[%dma_start3A_276, %dma_start3A_277] : memref<10000x64xf32, #tpu.memory_space<vmem_shared>> -> memref<10000x64xf32, #tpu.memory_space<vmem_shared>>
        tpu.enqueue_indirect_dma source(%dma_start3A_278 : memref<10000x64xf32, #tpu.memory_space<vmem_shared>>) target(%dma_start3A_272 : memref<128x64xf32, #tpu.memory_space<vmem>>) offsets(%dma_start3A_275 : memref<128xi32, #tpu.memory_space<vmem>>) semaphore(%arg12 : memref<!tpu.dma_semaphore, #tpu.memory_space<semaphore_mem>>)
        %add3A_279 = arith.constant 2 : i32
        %add3A_280 = arith.addi %add3A_209, %add3A_279 : i32
        %mul3A_281 = arith.constant 4 : i32
        %mul3A_282 = arith.muli %add3A_280, %mul3A_281 : i32
        %add3A_283 = arith.constant 3 : i32
        %add3A_284 = arith.addi %mul3A_282, %add3A_283 : i32
        %dma_start3A_285 = arith.constant 384 : i32
        %dma_start3A_286 = arith.constant 0 : i32
        %dma_start3A_287 = tpu.memref_slice %arg9[%dma_start3A_285, %dma_start3A_286] : memref<512x64xf32, #tpu.memory_space<vmem>> -> memref<128x64xf32, #tpu.memory_space<vmem>>
        %dma_start3A_288 = arith.constant 0 : i32
        %dma_start3A_289 = tpu.memref_slice %arg6[%add3A_284, %dma_start3A_288] : memref<40x128xi32, #tpu.memory_space<vmem>> -> memref<1x128xi32, #tpu.memory_space<vmem>>
        %dma_start3A_290 = tpu.memref_squeeze %dma_start3A_289 : memref<1x128xi32, #tpu.memory_space<vmem>> -> memref<128xi32, #tpu.memory_space<vmem>>
        %dma_start3A_291 = arith.constant 0 : i32
        %dma_start3A_292 = arith.constant 0 : i32
        %dma_start3A_293 = tpu.memref_slice %arg10[%dma_start3A_291, %dma_start3A_292] : memref<10000x64xf32, #tpu.memory_space<vmem_shared>> -> memref<10000x64xf32, #tpu.memory_space<vmem_shared>>
        tpu.enqueue_indirect_dma source(%dma_start3A_293 : memref<10000x64xf32, #tpu.memory_space<vmem_shared>>) target(%dma_start3A_287 : memref<128x64xf32, #tpu.memory_space<vmem>>) offsets(%dma_start3A_290 : memref<128xi32, #tpu.memory_space<vmem>>) semaphore(%arg12 : memref<!tpu.dma_semaphore, #tpu.memory_space<semaphore_mem>>)
      } else {
      }
    }
    %scan3A_94 = arith.constant 5 : i32
    %dma_start3A_95 = arith.constant 0 : i32
    %dma_start3A_96 = arith.constant 0 : i32
    %dma_start3A_97 = arith.constant 0 : i32
    %dma_start3A_98 = tpu.memref_slice %arg8[%dma_start3A_96, %dma_start3A_97] : memref<512x64xf32, #tpu.memory_space<vmem>> -> memref<128x64xf32, #tpu.memory_space<vmem>>
    %dma_start3A_99 = arith.constant 0 : i32
    %dma_start3A_100 = tpu.memref_slice %arg7[%dma_start3A_95, %dma_start3A_99] : memref<40x128xi32, #tpu.memory_space<vmem>> -> memref<1x128xi32, #tpu.memory_space<vmem>>
    %dma_start3A_101 = tpu.memref_squeeze %dma_start3A_100 : memref<1x128xi32, #tpu.memory_space<vmem>> -> memref<128xi32, #tpu.memory_space<vmem>>
    %dma_start3A_102 = arith.constant 0 : i32
    %dma_start3A_103 = arith.constant 0 : i32
    %dma_start3A_104 = tpu.memref_slice %arg10[%dma_start3A_102, %dma_start3A_103] : memref<10000x64xf32, #tpu.memory_space<vmem_shared>> -> memref<10000x64xf32, #tpu.memory_space<vmem_shared>>
    tpu.enqueue_indirect_dma source(%dma_start3A_104 : memref<10000x64xf32, #tpu.memory_space<vmem_shared>>) target(%dma_start3A_98 : memref<128x64xf32, #tpu.memory_space<vmem>>) offsets(%dma_start3A_101 : memref<128xi32, #tpu.memory_space<vmem>>) semaphore(%arg11 : memref<!tpu.dma_semaphore, #tpu.memory_space<semaphore_mem>>)
    %dma_start3A_105 = arith.constant 1 : i32
    %dma_start3A_106 = arith.constant 128 : i32
    %dma_start3A_107 = arith.constant 0 : i32
    %dma_start3A_108 = tpu.memref_slice %arg8[%dma_start3A_106, %dma_start3A_107] : memref<512x64xf32, #tpu.memory_space<vmem>> -> memref<128x64xf32, #tpu.memory_space<vmem>>
    %dma_start3A_109 = arith.constant 0 : i32
    %dma_start3A_110 = tpu.memref_slice %arg7[%dma_start3A_105, %dma_start3A_109] : memref<40x128xi32, #tpu.memory_space<vmem>> -> memref<1x128xi32, #tpu.memory_space<vmem>>
    %dma_start3A_111 = tpu.memref_squeeze %dma_start3A_110 : memref<1x128xi32, #tpu.memory_space<vmem>> -> memref<128xi32, #tpu.memory_space<vmem>>
    %dma_start3A_112 = arith.constant 0 : i32
    %dma_start3A_113 = arith.constant 0 : i32
    %dma_start3A_114 = tpu.memref_slice %arg10[%dma_start3A_112, %dma_start3A_113] : memref<10000x64xf32, #tpu.memory_space<vmem_shared>> -> memref<10000x64xf32, #tpu.memory_space<vmem_shared>>
    tpu.enqueue_indirect_dma source(%dma_start3A_114 : memref<10000x64xf32, #tpu.memory_space<vmem_shared>>) target(%dma_start3A_108 : memref<128x64xf32, #tpu.memory_space<vmem>>) offsets(%dma_start3A_111 : memref<128xi32, #tpu.memory_space<vmem>>) semaphore(%arg11 : memref<!tpu.dma_semaphore, #tpu.memory_space<semaphore_mem>>)
    %dma_start3A_115 = arith.constant 2 : i32
    %dma_start3A_116 = arith.constant 256 : i32
    %dma_start3A_117 = arith.constant 0 : i32
    %dma_start3A_118 = tpu.memref_slice %arg8[%dma_start3A_116, %dma_start3A_117] : memref<512x64xf32, #tpu.memory_space<vmem>> -> memref<128x64xf32, #tpu.memory_space<vmem>>
    %dma_start3A_119 = arith.constant 0 : i32
    %dma_start3A_120 = tpu.memref_slice %arg7[%dma_start3A_115, %dma_start3A_119] : memref<40x128xi32, #tpu.memory_space<vmem>> -> memref<1x128xi32, #tpu.memory_space<vmem>>
    %dma_start3A_121 = tpu.memref_squeeze %dma_start3A_120 : memref<1x128xi32, #tpu.memory_space<vmem>> -> memref<128xi32, #tpu.memory_space<vmem>>
    %dma_start3A_122 = arith.constant 0 : i32
    %dma_start3A_123 = arith.constant 0 : i32
    %dma_start3A_124 = tpu.memref_slice %arg10[%dma_start3A_122, %dma_start3A_123] : memref<10000x64xf32, #tpu.memory_space<vmem_shared>> -> memref<10000x64xf32, #tpu.memory_space<vmem_shared>>
    tpu.enqueue_indirect_dma source(%dma_start3A_124 : memref<10000x64xf32, #tpu.memory_space<vmem_shared>>) target(%dma_start3A_118 : memref<128x64xf32, #tpu.memory_space<vmem>>) offsets(%dma_start3A_121 : memref<128xi32, #tpu.memory_space<vmem>>) semaphore(%arg11 : memref<!tpu.dma_semaphore, #tpu.memory_space<semaphore_mem>>)
    %dma_start3A_125 = arith.constant 3 : i32
    %dma_start3A_126 = arith.constant 384 : i32
    %dma_start3A_127 = arith.constant 0 : i32
    %dma_start3A_128 = tpu.memref_slice %arg8[%dma_start3A_126, %dma_start3A_127] : memref<512x64xf32, #tpu.memory_space<vmem>> -> memref<128x64xf32, #tpu.memory_space<vmem>>
    %dma_start3A_129 = arith.constant 0 : i32
    %dma_start3A_130 = tpu.memref_slice %arg7[%dma_start3A_125, %dma_start3A_129] : memref<40x128xi32, #tpu.memory_space<vmem>> -> memref<1x128xi32, #tpu.memory_space<vmem>>
    %dma_start3A_131 = tpu.memref_squeeze %dma_start3A_130 : memref<1x128xi32, #tpu.memory_space<vmem>> -> memref<128xi32, #tpu.memory_space<vmem>>
    %dma_start3A_132 = arith.constant 0 : i32
    %dma_start3A_133 = arith.constant 0 : i32
    %dma_start3A_134 = tpu.memref_slice %arg10[%dma_start3A_132, %dma_start3A_133] : memref<10000x64xf32, #tpu.memory_space<vmem_shared>> -> memref<10000x64xf32, #tpu.memory_space<vmem_shared>>
    tpu.enqueue_indirect_dma source(%dma_start3A_134 : memref<10000x64xf32, #tpu.memory_space<vmem_shared>>) target(%dma_start3A_128 : memref<128x64xf32, #tpu.memory_space<vmem>>) offsets(%dma_start3A_131 : memref<128xi32, #tpu.memory_space<vmem>>) semaphore(%arg11 : memref<!tpu.dma_semaphore, #tpu.memory_space<semaphore_mem>>)
    %dma_start3A_135 = arith.constant 4 : i32
    %dma_start3A_136 = arith.constant 0 : i32
    %dma_start3A_137 = arith.constant 0 : i32
    %dma_start3A_138 = tpu.memref_slice %arg9[%dma_start3A_136, %dma_start3A_137] : memref<512x64xf32, #tpu.memory_space<vmem>> -> memref<128x64xf32, #tpu.memory_space<vmem>>
    %dma_start3A_139 = arith.constant 0 : i32
    %dma_start3A_140 = tpu.memref_slice %arg7[%dma_start3A_135, %dma_start3A_139] : memref<40x128xi32, #tpu.memory_space<vmem>> -> memref<1x128xi32, #tpu.memory_space<vmem>>
    %dma_start3A_141 = tpu.memref_squeeze %dma_start3A_140 : memref<1x128xi32, #tpu.memory_space<vmem>> -> memref<128xi32, #tpu.memory_space<vmem>>
    %dma_start3A_142 = arith.constant 0 : i32
    %dma_start3A_143 = arith.constant 0 : i32
    %dma_start3A_144 = tpu.memref_slice %arg10[%dma_start3A_142, %dma_start3A_143] : memref<10000x64xf32, #tpu.memory_space<vmem_shared>> -> memref<10000x64xf32, #tpu.memory_space<vmem_shared>>
    tpu.enqueue_indirect_dma source(%dma_start3A_144 : memref<10000x64xf32, #tpu.memory_space<vmem_shared>>) target(%dma_start3A_138 : memref<128x64xf32, #tpu.memory_space<vmem>>) offsets(%dma_start3A_141 : memref<128xi32, #tpu.memory_space<vmem>>) semaphore(%arg12 : memref<!tpu.dma_semaphore, #tpu.memory_space<semaphore_mem>>)
    %dma_start3A_145 = arith.constant 5 : i32
    %dma_start3A_146 = arith.constant 128 : i32
    %dma_start3A_147 = arith.constant 0 : i32
    %dma_start3A_148 = tpu.memref_slice %arg9[%dma_start3A_146, %dma_start3A_147] : memref<512x64xf32, #tpu.memory_space<vmem>> -> memref<128x64xf32, #tpu.memory_space<vmem>>
    %dma_start3A_149 = arith.constant 0 : i32
    %dma_start3A_150 = tpu.memref_slice %arg7[%dma_start3A_145, %dma_start3A_149] : memref<40x128xi32, #tpu.memory_space<vmem>> -> memref<1x128xi32, #tpu.memory_space<vmem>>
    %dma_start3A_151 = tpu.memref_squeeze %dma_start3A_150 : memref<1x128xi32, #tpu.memory_space<vmem>> -> memref<128xi32, #tpu.memory_space<vmem>>
    %dma_start3A_152 = arith.constant 0 : i32
    %dma_start3A_153 = arith.constant 0 : i32
    %dma_start3A_154 = tpu.memref_slice %arg10[%dma_start3A_152, %dma_start3A_153] : memref<10000x64xf32, #tpu.memory_space<vmem_shared>> -> memref<10000x64xf32, #tpu.memory_space<vmem_shared>>
    tpu.enqueue_indirect_dma source(%dma_start3A_154 : memref<10000x64xf32, #tpu.memory_space<vmem_shared>>) target(%dma_start3A_148 : memref<128x64xf32, #tpu.memory_space<vmem>>) offsets(%dma_start3A_151 : memref<128xi32, #tpu.memory_space<vmem>>) semaphore(%arg12 : memref<!tpu.dma_semaphore, #tpu.memory_space<semaphore_mem>>)
    %dma_start3A_155 = arith.constant 6 : i32
    %dma_start3A_156 = arith.constant 256 : i32
    %dma_start3A_157 = arith.constant 0 : i32
    %dma_start3A_158 = tpu.memref_slice %arg9[%dma_start3A_156, %dma_start3A_157] : memref<512x64xf32, #tpu.memory_space<vmem>> -> memref<128x64xf32, #tpu.memory_space<vmem>>
    %dma_start3A_159 = arith.constant 0 : i32
    %dma_start3A_160 = tpu.memref_slice %arg7[%dma_start3A_155, %dma_start3A_159] : memref<40x128xi32, #tpu.memory_space<vmem>> -> memref<1x128xi32, #tpu.memory_space<vmem>>
    %dma_start3A_161 = tpu.memref_squeeze %dma_start3A_160 : memref<1x128xi32, #tpu.memory_space<vmem>> -> memref<128xi32, #tpu.memory_space<vmem>>
    %dma_start3A_162 = arith.constant 0 : i32
    %dma_start3A_163 = arith.constant 0 : i32
    %dma_start3A_164 = tpu.memref_slice %arg10[%dma_start3A_162, %dma_start3A_163] : memref<10000x64xf32, #tpu.memory_space<vmem_shared>> -> memref<10000x64xf32, #tpu.memory_space<vmem_shared>>
    tpu.enqueue_indirect_dma source(%dma_start3A_164 : memref<10000x64xf32, #tpu.memory_space<vmem_shared>>) target(%dma_start3A_158 : memref<128x64xf32, #tpu.memory_space<vmem>>) offsets(%dma_start3A_161 : memref<128xi32, #tpu.memory_space<vmem>>) semaphore(%arg12 : memref<!tpu.dma_semaphore, #tpu.memory_space<semaphore_mem>>)
    %dma_start3A_165 = arith.constant 7 : i32
    %dma_start3A_166 = arith.constant 384 : i32
    %dma_start3A_167 = arith.constant 0 : i32
    %dma_start3A_168 = tpu.memref_slice %arg9[%dma_start3A_166, %dma_start3A_167] : memref<512x64xf32, #tpu.memory_space<vmem>> -> memref<128x64xf32, #tpu.memory_space<vmem>>
    %dma_start3A_169 = arith.constant 0 : i32
    %dma_start3A_170 = tpu.memref_slice %arg7[%dma_start3A_165, %dma_start3A_169] : memref<40x128xi32, #tpu.memory_space<vmem>> -> memref<1x128xi32, #tpu.memory_space<vmem>>
    %dma_start3A_171 = tpu.memref_squeeze %dma_start3A_170 : memref<1x128xi32, #tpu.memory_space<vmem>> -> memref<128xi32, #tpu.memory_space<vmem>>
    %dma_start3A_172 = arith.constant 0 : i32
    %dma_start3A_173 = arith.constant 0 : i32
    %dma_start3A_174 = tpu.memref_slice %arg10[%dma_start3A_172, %dma_start3A_173] : memref<10000x64xf32, #tpu.memory_space<vmem_shared>> -> memref<10000x64xf32, #tpu.memory_space<vmem_shared>>
    tpu.enqueue_indirect_dma source(%dma_start3A_174 : memref<10000x64xf32, #tpu.memory_space<vmem_shared>>) target(%dma_start3A_168 : memref<128x64xf32, #tpu.memory_space<vmem>>) offsets(%dma_start3A_171 : memref<128xi32, #tpu.memory_space<vmem>>) semaphore(%arg12 : memref<!tpu.dma_semaphore, #tpu.memory_space<semaphore_mem>>)
    %scan3A_175 = arith.constant 0 : i32
    %scan3A_176 = arith.constant 0 : i32
    %scan3A_177 = arith.constant 5 : i32
    %scan3A_178 = arith.addi %scan3A_176, %scan3A_177 : i32
    %scan3A_179 = arith.constant 1 : i32
    scf.for %scan3A_181 = %scan3A_176 to %scan3A_178 step %scan3A_179  : i32 {
      %mul3A_182 = arith.constant 2 : i32
      %mul3A_183 = arith.muli %scan3A_181, %mul3A_182 : i32
      %add3A_184 = arith.constant 0 : i32
      %add3A_185 = arith.addi %mul3A_183, %add3A_184 : i32
      %dma_wait3A = arith.constant 0 : i32
      %dma_wait3A_186 = arith.constant 0 : i32
      %dma_wait3A_187 = tpu.memref_slice %arg5[%dma_wait3A, %dma_wait3A_186] : memref<163840x128xf32, #tpu.memory_space<hbm>> -> memref<512x64xf32, #tpu.memory_space<hbm>>
      %dma_wait3A_188 = arith.constant 0 : i32
      %dma_wait3A_189 = arith.constant 0 : i32
      %dma_wait3A_190 = tpu.memref_slice %arg5[%dma_wait3A_188, %dma_wait3A_189] : memref<163840x128xf32, #tpu.memory_space<hbm>> -> memref<512x64xf32, #tpu.memory_space<hbm>>
      tpu.wait_dma2 semaphore(%arg11 : memref<!tpu.dma_semaphore, #tpu.memory_space<semaphore_mem>>) src(%dma_wait3A_190 : memref<512x64xf32, #tpu.memory_space<hbm>>) dst(%arg8 : memref<512x64xf32, #tpu.memory_space<vmem>>)
      %mul3A_191 = arith.constant 512 : i32
      %mul3A_192 = arith.muli %add3A_185, %mul3A_191 : i32
      %add3A_193 = arith.addi %mul3A_10, %mul3A_192 : i32
      %dma_start3A_194 = arith.constant 64 : i32
      %dma_start3A_195 = tpu.memref_slice %arg5[%add3A_193, %dma_start3A_194] : memref<163840x128xf32, #tpu.memory_space<hbm>> -> memref<512x64xf32, #tpu.memory_space<hbm>>
      %dma_start3A_196 = arith.constant 64 : i32
      %dma_start3A_197 = tpu.memref_slice %arg5[%add3A_193, %dma_start3A_196] : memref<163840x128xf32, #tpu.memory_space<hbm>> -> memref<512x64xf32, #tpu.memory_space<hbm>>
      tpu.enqueue_dma source(%arg8 : memref<512x64xf32, #tpu.memory_space<vmem>>) target(%dma_start3A_197 : memref<512x64xf32, #tpu.memory_space<hbm>>) target_semaphore(%arg13 : memref<!tpu.dma_semaphore, #tpu.memory_space<semaphore_mem>>)
      %dma_wait3A_198 = arith.constant 64 : i32
      %dma_wait3A_199 = tpu.memref_slice %arg5[%add3A_193, %dma_wait3A_198] : memref<163840x128xf32, #tpu.memory_space<hbm>> -> memref<512x64xf32, #tpu.memory_space<hbm>>
      %dma_wait3A_200 = arith.constant 64 : i32
      %dma_wait3A_201 = tpu.memref_slice %arg5[%add3A_193, %dma_wait3A_200] : memref<163840x128xf32, #tpu.memory_space<hbm>> -> memref<512x64xf32, #tpu.memory_space<hbm>>
      tpu.wait_dma2 semaphore(%arg13 : memref<!tpu.dma_semaphore, #tpu.memory_space<semaphore_mem>>) src(%arg8 : memref<512x64xf32, #tpu.memory_space<vmem>>) dst(%dma_wait3A_201 : memref<512x64xf32, #tpu.memory_space<hbm>>)
      %add3A_202 = arith.constant 2 : i32
      %add3A_203 = arith.addi %add3A_185, %add3A_202 : i32
      %lt3A = arith.constant 10 : i32
      %lt3A_204 = arith.cmpi slt, %add3A_203, %lt3A : i32
      %convert_element_type3A = arith.extui %lt3A_204 : i1 to i32
      %cond3A = arith.constant 0 : i32
      %cond3A_205 = arith.cmpi ne, %convert_element_type3A, %cond3A : i32
      scf.if %cond3A_205 {
        %add3A_234 = arith.constant 2 : i32
        %add3A_235 = arith.addi %add3A_185, %add3A_234 : i32
        %mul3A_236 = arith.constant 4 : i32
        %mul3A_237 = arith.muli %add3A_235, %mul3A_236 : i32
        %add3A_238 = arith.constant 0 : i32
        %add3A_239 = arith.addi %mul3A_237, %add3A_238 : i32
        %dma_start3A_240 = arith.constant 0 : i32
        %dma_start3A_241 = arith.constant 0 : i32
        %dma_start3A_242 = tpu.memref_slice %arg8[%dma_start3A_240, %dma_start3A_241] : memref<512x64xf32, #tpu.memory_space<vmem>> -> memref<128x64xf32, #tpu.memory_space<vmem>>
        %dma_start3A_243 = arith.constant 0 : i32
        %dma_start3A_244 = tpu.memref_slice %arg7[%add3A_239, %dma_start3A_243] : memref<40x128xi32, #tpu.memory_space<vmem>> -> memref<1x128xi32, #tpu.memory_space<vmem>>
        %dma_start3A_245 = tpu.memref_squeeze %dma_start3A_244 : memref<1x128xi32, #tpu.memory_space<vmem>> -> memref<128xi32, #tpu.memory_space<vmem>>
        %dma_start3A_246 = arith.constant 0 : i32
        %dma_start3A_247 = arith.constant 0 : i32
        %dma_start3A_248 = tpu.memref_slice %arg10[%dma_start3A_246, %dma_start3A_247] : memref<10000x64xf32, #tpu.memory_space<vmem_shared>> -> memref<10000x64xf32, #tpu.memory_space<vmem_shared>>
        tpu.enqueue_indirect_dma source(%dma_start3A_248 : memref<10000x64xf32, #tpu.memory_space<vmem_shared>>) target(%dma_start3A_242 : memref<128x64xf32, #tpu.memory_space<vmem>>) offsets(%dma_start3A_245 : memref<128xi32, #tpu.memory_space<vmem>>) semaphore(%arg11 : memref<!tpu.dma_semaphore, #tpu.memory_space<semaphore_mem>>)
        %add3A_249 = arith.constant 2 : i32
        %add3A_250 = arith.addi %add3A_185, %add3A_249 : i32
        %mul3A_251 = arith.constant 4 : i32
        %mul3A_252 = arith.muli %add3A_250, %mul3A_251 : i32
        %add3A_253 = arith.constant 1 : i32
        %add3A_254 = arith.addi %mul3A_252, %add3A_253 : i32
        %dma_start3A_255 = arith.constant 128 : i32
        %dma_start3A_256 = arith.constant 0 : i32
        %dma_start3A_257 = tpu.memref_slice %arg8[%dma_start3A_255, %dma_start3A_256] : memref<512x64xf32, #tpu.memory_space<vmem>> -> memref<128x64xf32, #tpu.memory_space<vmem>>
        %dma_start3A_258 = arith.constant 0 : i32
        %dma_start3A_259 = tpu.memref_slice %arg7[%add3A_254, %dma_start3A_258] : memref<40x128xi32, #tpu.memory_space<vmem>> -> memref<1x128xi32, #tpu.memory_space<vmem>>
        %dma_start3A_260 = tpu.memref_squeeze %dma_start3A_259 : memref<1x128xi32, #tpu.memory_space<vmem>> -> memref<128xi32, #tpu.memory_space<vmem>>
        %dma_start3A_261 = arith.constant 0 : i32
        %dma_start3A_262 = arith.constant 0 : i32
        %dma_start3A_263 = tpu.memref_slice %arg10[%dma_start3A_261, %dma_start3A_262] : memref<10000x64xf32, #tpu.memory_space<vmem_shared>> -> memref<10000x64xf32, #tpu.memory_space<vmem_shared>>
        tpu.enqueue_indirect_dma source(%dma_start3A_263 : memref<10000x64xf32, #tpu.memory_space<vmem_shared>>) target(%dma_start3A_257 : memref<128x64xf32, #tpu.memory_space<vmem>>) offsets(%dma_start3A_260 : memref<128xi32, #tpu.memory_space<vmem>>) semaphore(%arg11 : memref<!tpu.dma_semaphore, #tpu.memory_space<semaphore_mem>>)
        %add3A_264 = arith.constant 2 : i32
        %add3A_265 = arith.addi %add3A_185, %add3A_264 : i32
        %mul3A_266 = arith.constant 4 : i32
        %mul3A_267 = arith.muli %add3A_265, %mul3A_266 : i32
        %add3A_268 = arith.constant 2 : i32
        %add3A_269 = arith.addi %mul3A_267, %add3A_268 : i32
        %dma_start3A_270 = arith.constant 256 : i32
        %dma_start3A_271 = arith.constant 0 : i32
        %dma_start3A_272 = tpu.memref_slice %arg8[%dma_start3A_270, %dma_start3A_271] : memref<512x64xf32, #tpu.memory_space<vmem>> -> memref<128x64xf32, #tpu.memory_space<vmem>>
        %dma_start3A_273 = arith.constant 0 : i32
        %dma_start3A_274 = tpu.memref_slice %arg7[%add3A_269, %dma_start3A_273] : memref<40x128xi32, #tpu.memory_space<vmem>> -> memref<1x128xi32, #tpu.memory_space<vmem>>
        %dma_start3A_275 = tpu.memref_squeeze %dma_start3A_274 : memref<1x128xi32, #tpu.memory_space<vmem>> -> memref<128xi32, #tpu.memory_space<vmem>>
        %dma_start3A_276 = arith.constant 0 : i32
        %dma_start3A_277 = arith.constant 0 : i32
        %dma_start3A_278 = tpu.memref_slice %arg10[%dma_start3A_276, %dma_start3A_277] : memref<10000x64xf32, #tpu.memory_space<vmem_shared>> -> memref<10000x64xf32, #tpu.memory_space<vmem_shared>>
        tpu.enqueue_indirect_dma source(%dma_start3A_278 : memref<10000x64xf32, #tpu.memory_space<vmem_shared>>) target(%dma_start3A_272 : memref<128x64xf32, #tpu.memory_space<vmem>>) offsets(%dma_start3A_275 : memref<128xi32, #tpu.memory_space<vmem>>) semaphore(%arg11 : memref<!tpu.dma_semaphore, #tpu.memory_space<semaphore_mem>>)
        %add3A_279 = arith.constant 2 : i32
        %add3A_280 = arith.addi %add3A_185, %add3A_279 : i32
        %mul3A_281 = arith.constant 4 : i32
        %mul3A_282 = arith.muli %add3A_280, %mul3A_281 : i32
        %add3A_283 = arith.constant 3 : i32
        %add3A_284 = arith.addi %mul3A_282, %add3A_283 : i32
        %dma_start3A_285 = arith.constant 384 : i32
        %dma_start3A_286 = arith.constant 0 : i32
        %dma_start3A_287 = tpu.memref_slice %arg8[%dma_start3A_285, %dma_start3A_286] : memref<512x64xf32, #tpu.memory_space<vmem>> -> memref<128x64xf32, #tpu.memory_space<vmem>>
        %dma_start3A_288 = arith.constant 0 : i32
        %dma_start3A_289 = tpu.memref_slice %arg7[%add3A_284, %dma_start3A_288] : memref<40x128xi32, #tpu.memory_space<vmem>> -> memref<1x128xi32, #tpu.memory_space<vmem>>
        %dma_start3A_290 = tpu.memref_squeeze %dma_start3A_289 : memref<1x128xi32, #tpu.memory_space<vmem>> -> memref<128xi32, #tpu.memory_space<vmem>>
        %dma_start3A_291 = arith.constant 0 : i32
        %dma_start3A_292 = arith.constant 0 : i32
        %dma_start3A_293 = tpu.memref_slice %arg10[%dma_start3A_291, %dma_start3A_292] : memref<10000x64xf32, #tpu.memory_space<vmem_shared>> -> memref<10000x64xf32, #tpu.memory_space<vmem_shared>>
        tpu.enqueue_indirect_dma source(%dma_start3A_293 : memref<10000x64xf32, #tpu.memory_space<vmem_shared>>) target(%dma_start3A_287 : memref<128x64xf32, #tpu.memory_space<vmem>>) offsets(%dma_start3A_290 : memref<128xi32, #tpu.memory_space<vmem>>) semaphore(%arg11 : memref<!tpu.dma_semaphore, #tpu.memory_space<semaphore_mem>>)
      } else {
      }
      %mul3A_206 = arith.constant 2 : i32
      %mul3A_207 = arith.muli %scan3A_181, %mul3A_206 : i32
      %add3A_208 = arith.constant 1 : i32
      %add3A_209 = arith.addi %mul3A_207, %add3A_208 : i32
      %dma_wait3A_210 = arith.constant 0 : i32
      %dma_wait3A_211 = arith.constant 0 : i32
      %dma_wait3A_212 = tpu.memref_slice %arg5[%dma_wait3A_210, %dma_wait3A_211] : memref<163840x128xf32, #tpu.memory_space<hbm>> -> memref<512x64xf32, #tpu.memory_space<hbm>>
      %dma_wait3A_213 = arith.constant 0 : i32
      %dma_wait3A_214 = arith.constant 0 : i32
      %dma_wait3A_215 = tpu.memref_slice %arg5[%dma_wait3A_213, %dma_wait3A_214] : memref<163840x128xf32, #tpu.memory_space<hbm>> -> memref<512x64xf32, #tpu.memory_space<hbm>>
      tpu.wait_dma2 semaphore(%arg12 : memref<!tpu.dma_semaphore, #tpu.memory_space<semaphore_mem>>) src(%dma_wait3A_215 : memref<512x64xf32, #tpu.memory_space<hbm>>) dst(%arg9 : memref<512x64xf32, #tpu.memory_space<vmem>>)
      %mul3A_216 = arith.constant 512 : i32
      %mul3A_217 = arith.muli %add3A_209, %mul3A_216 : i32
      %add3A_218 = arith.addi %mul3A_10, %mul3A_217 : i32
      %dma_start3A_219 = arith.constant 64 : i32
      %dma_start3A_220 = tpu.memref_slice %arg5[%add3A_218, %dma_start3A_219] : memref<163840x128xf32, #tpu.memory_space<hbm>> -> memref<512x64xf32, #tpu.memory_space<hbm>>
      %dma_start3A_221 = arith.constant 64 : i32
      %dma_start3A_222 = tpu.memref_slice %arg5[%add3A_218, %dma_start3A_221] : memref<163840x128xf32, #tpu.memory_space<hbm>> -> memref<512x64xf32, #tpu.memory_space<hbm>>
      tpu.enqueue_dma source(%arg9 : memref<512x64xf32, #tpu.memory_space<vmem>>) target(%dma_start3A_222 : memref<512x64xf32, #tpu.memory_space<hbm>>) target_semaphore(%arg14 : memref<!tpu.dma_semaphore, #tpu.memory_space<semaphore_mem>>)
      %dma_wait3A_223 = arith.constant 64 : i32
      %dma_wait3A_224 = tpu.memref_slice %arg5[%add3A_218, %dma_wait3A_223] : memref<163840x128xf32, #tpu.memory_space<hbm>> -> memref<512x64xf32, #tpu.memory_space<hbm>>
      %dma_wait3A_225 = arith.constant 64 : i32
      %dma_wait3A_226 = tpu.memref_slice %arg5[%add3A_218, %dma_wait3A_225] : memref<163840x128xf32, #tpu.memory_space<hbm>> -> memref<512x64xf32, #tpu.memory_space<hbm>>
      tpu.wait_dma2 semaphore(%arg14 : memref<!tpu.dma_semaphore, #tpu.memory_space<semaphore_mem>>) src(%arg9 : memref<512x64xf32, #tpu.memory_space<vmem>>) dst(%dma_wait3A_226 : memref<512x64xf32, #tpu.memory_space<hbm>>)
      %add3A_227 = arith.constant 2 : i32
      %add3A_228 = arith.addi %add3A_209, %add3A_227 : i32
      %lt3A_229 = arith.constant 10 : i32
      %lt3A_230 = arith.cmpi slt, %add3A_228, %lt3A_229 : i32
      %convert_element_type3A_231 = arith.extui %lt3A_230 : i1 to i32
      %cond3A_232 = arith.constant 0 : i32
      %cond3A_233 = arith.cmpi ne, %convert_element_type3A_231, %cond3A_232 : i32
      scf.if %cond3A_233 {
        %add3A_234 = arith.constant 2 : i32
        %add3A_235 = arith.addi %add3A_209, %add3A_234 : i32
        %mul3A_236 = arith.constant 4 : i32
        %mul3A_237 = arith.muli %add3A_235, %mul3A_236 : i32
        %add3A_238 = arith.constant 0 : i32
        %add3A_239 = arith.addi %mul3A_237, %add3A_238 : i32
        %dma_start3A_240 = arith.constant 0 : i32
        %dma_start3A_241 = arith.constant 0 : i32
        %dma_start3A_242 = tpu.memref_slice %arg9[%dma_start3A_240, %dma_start3A_241] : memref<512x64xf32, #tpu.memory_space<vmem>> -> memref<128x64xf32, #tpu.memory_space<vmem>>
        %dma_start3A_243 = arith.constant 0 : i32
        %dma_start3A_244 = tpu.memref_slice %arg7[%add3A_239, %dma_start3A_243] : memref<40x128xi32, #tpu.memory_space<vmem>> -> memref<1x128xi32, #tpu.memory_space<vmem>>
        %dma_start3A_245 = tpu.memref_squeeze %dma_start3A_244 : memref<1x128xi32, #tpu.memory_space<vmem>> -> memref<128xi32, #tpu.memory_space<vmem>>
        %dma_start3A_246 = arith.constant 0 : i32
        %dma_start3A_247 = arith.constant 0 : i32
        %dma_start3A_248 = tpu.memref_slice %arg10[%dma_start3A_246, %dma_start3A_247] : memref<10000x64xf32, #tpu.memory_space<vmem_shared>> -> memref<10000x64xf32, #tpu.memory_space<vmem_shared>>
        tpu.enqueue_indirect_dma source(%dma_start3A_248 : memref<10000x64xf32, #tpu.memory_space<vmem_shared>>) target(%dma_start3A_242 : memref<128x64xf32, #tpu.memory_space<vmem>>) offsets(%dma_start3A_245 : memref<128xi32, #tpu.memory_space<vmem>>) semaphore(%arg12 : memref<!tpu.dma_semaphore, #tpu.memory_space<semaphore_mem>>)
        %add3A_249 = arith.constant 2 : i32
        %add3A_250 = arith.addi %add3A_209, %add3A_249 : i32
        %mul3A_251 = arith.constant 4 : i32
        %mul3A_252 = arith.muli %add3A_250, %mul3A_251 : i32
        %add3A_253 = arith.constant 1 : i32
        %add3A_254 = arith.addi %mul3A_252, %add3A_253 : i32
        %dma_start3A_255 = arith.constant 128 : i32
        %dma_start3A_256 = arith.constant 0 : i32
        %dma_start3A_257 = tpu.memref_slice %arg9[%dma_start3A_255, %dma_start3A_256] : memref<512x64xf32, #tpu.memory_space<vmem>> -> memref<128x64xf32, #tpu.memory_space<vmem>>
        %dma_start3A_258 = arith.constant 0 : i32
        %dma_start3A_259 = tpu.memref_slice %arg7[%add3A_254, %dma_start3A_258] : memref<40x128xi32, #tpu.memory_space<vmem>> -> memref<1x128xi32, #tpu.memory_space<vmem>>
        %dma_start3A_260 = tpu.memref_squeeze %dma_start3A_259 : memref<1x128xi32, #tpu.memory_space<vmem>> -> memref<128xi32, #tpu.memory_space<vmem>>
        %dma_start3A_261 = arith.constant 0 : i32
        %dma_start3A_262 = arith.constant 0 : i32
        %dma_start3A_263 = tpu.memref_slice %arg10[%dma_start3A_261, %dma_start3A_262] : memref<10000x64xf32, #tpu.memory_space<vmem_shared>> -> memref<10000x64xf32, #tpu.memory_space<vmem_shared>>
        tpu.enqueue_indirect_dma source(%dma_start3A_263 : memref<10000x64xf32, #tpu.memory_space<vmem_shared>>) target(%dma_start3A_257 : memref<128x64xf32, #tpu.memory_space<vmem>>) offsets(%dma_start3A_260 : memref<128xi32, #tpu.memory_space<vmem>>) semaphore(%arg12 : memref<!tpu.dma_semaphore, #tpu.memory_space<semaphore_mem>>)
        %add3A_264 = arith.constant 2 : i32
        %add3A_265 = arith.addi %add3A_209, %add3A_264 : i32
        %mul3A_266 = arith.constant 4 : i32
        %mul3A_267 = arith.muli %add3A_265, %mul3A_266 : i32
        %add3A_268 = arith.constant 2 : i32
        %add3A_269 = arith.addi %mul3A_267, %add3A_268 : i32
        %dma_start3A_270 = arith.constant 256 : i32
        %dma_start3A_271 = arith.constant 0 : i32
        %dma_start3A_272 = tpu.memref_slice %arg9[%dma_start3A_270, %dma_start3A_271] : memref<512x64xf32, #tpu.memory_space<vmem>> -> memref<128x64xf32, #tpu.memory_space<vmem>>
        %dma_start3A_273 = arith.constant 0 : i32
        %dma_start3A_274 = tpu.memref_slice %arg7[%add3A_269, %dma_start3A_273] : memref<40x128xi32, #tpu.memory_space<vmem>> -> memref<1x128xi32, #tpu.memory_space<vmem>>
        %dma_start3A_275 = tpu.memref_squeeze %dma_start3A_274 : memref<1x128xi32, #tpu.memory_space<vmem>> -> memref<128xi32, #tpu.memory_space<vmem>>
        %dma_start3A_276 = arith.constant 0 : i32
        %dma_start3A_277 = arith.constant 0 : i32
        %dma_start3A_278 = tpu.memref_slice %arg10[%dma_start3A_276, %dma_start3A_277] : memref<10000x64xf32, #tpu.memory_space<vmem_shared>> -> memref<10000x64xf32, #tpu.memory_space<vmem_shared>>
        tpu.enqueue_indirect_dma source(%dma_start3A_278 : memref<10000x64xf32, #tpu.memory_space<vmem_shared>>) target(%dma_start3A_272 : memref<128x64xf32, #tpu.memory_space<vmem>>) offsets(%dma_start3A_275 : memref<128xi32, #tpu.memory_space<vmem>>) semaphore(%arg12 : memref<!tpu.dma_semaphore, #tpu.memory_space<semaphore_mem>>)
        %add3A_279 = arith.constant 2 : i32
        %add3A_280 = arith.addi %add3A_209, %add3A_279 : i32
        %mul3A_281 = arith.constant 4 : i32
        %mul3A_282 = arith.muli %add3A_280, %mul3A_281 : i32
        %add3A_283 = arith.constant 3 : i32
        %add3A_284 = arith.addi %mul3A_282, %add3A_283 : i32
        %dma_start3A_285 = arith.constant 384 : i32
        %dma_start3A_286 = arith.constant 0 : i32
        %dma_start3A_287 = tpu.memref_slice %arg9[%dma_start3A_285, %dma_start3A_286] : memref<512x64xf32, #tpu.memory_space<vmem>> -> memref<128x64xf32, #tpu.memory_space<vmem>>
        %dma_start3A_288 = arith.constant 0 : i32
        %dma_start3A_289 = tpu.memref_slice %arg7[%add3A_284, %dma_start3A_288] : memref<40x128xi32, #tpu.memory_space<vmem>> -> memref<1x128xi32, #tpu.memory_space<vmem>>
        %dma_start3A_290 = tpu.memref_squeeze %dma_start3A_289 : memref<1x128xi32, #tpu.memory_space<vmem>> -> memref<128xi32, #tpu.memory_space<vmem>>
        %dma_start3A_291 = arith.constant 0 : i32
        %dma_start3A_292 = arith.constant 0 : i32
        %dma_start3A_293 = tpu.memref_slice %arg10[%dma_start3A_291, %dma_start3A_292] : memref<10000x64xf32, #tpu.memory_space<vmem_shared>> -> memref<10000x64xf32, #tpu.memory_space<vmem_shared>>
        tpu.enqueue_indirect_dma source(%dma_start3A_293 : memref<10000x64xf32, #tpu.memory_space<vmem_shared>>) target(%dma_start3A_287 : memref<128x64xf32, #tpu.memory_space<vmem>>) offsets(%dma_start3A_290 : memref<128xi32, #tpu.memory_space<vmem>>) semaphore(%arg12 : memref<!tpu.dma_semaphore, #tpu.memory_space<semaphore_mem>>)
      } else {
      }
    }
    %scan3A_180 = arith.constant 5 : i32
    return
  }
}

module attributes {stable_mosaic.version = 14 : i64} {
  func.func @body(%arg0: i32, %arg1: memref<2000x1xi32, #tpu.memory_space<vmem>>, %arg2: memref<128x64xf32, #tpu.memory_space<vmem>>, %arg3: memref<2000x64xf32, #tpu.memory_space<vmem>>) attributes {dimension_semantics = [#tpu.dimension_semantics<arbitrary>], iteration_bounds = array<i64: 5>, scalar_prefetch = 0 : i64, scratch_operands = 0 : i64, tpu.core_type = #tpu.core_type<tc>, window_params = [{transform_indices = @transform_0, window_bounds = array<i64: 2000, 1>}, {pipeline_mode = #tpu.pipeline_mode<synchronous>, transform_indices = @transform_1, window_bounds = array<i64: 128, 64>}, {transform_indices = @transform_2, window_bounds = array<i64: 2000, 64>}]} {
    %get3A = arith.constant 0 : index
    %get3A_0 = arith.constant 0 : index
    %get3A_1 = vector.load %arg1[%get3A, %get3A_0] : memref<2000x1xi32, #tpu.memory_space<vmem>>, vector<2000x1xi32>
    %iota3A = tpu.iota {dimensions = array<i32: 1>} : vector<2000x128xi32>
    %eq3A = vector.broadcast %get3A_1 : vector<2000x1xi32> to vector<2000x128xi32>
    %eq3A_2 = arith.cmpi eq, %eq3A, %iota3A : vector<2000x128xi32>
    %convert_element_type3A = arith.extui %eq3A_2 : vector<2000x128xi1> to vector<2000x128xi32>
    %convert_element_type3A_3 = arith.sitofp %convert_element_type3A : vector<2000x128xi32> to vector<2000x128xf32>
    %get3A_4 = arith.constant 0 : index
    %get3A_5 = arith.constant 0 : index
    %get3A_6 = vector.load %arg2[%get3A_4, %get3A_5] : memref<128x64xf32, #tpu.memory_space<vmem>>, vector<128x64xf32>
    %dot_general3A = arith.constant dense<0.000000e+00> : vector<2000x64xf32>
    %dot_general3A_7 = tpu.matmul %convert_element_type3A_3, %get3A_6, %dot_general3A {dimension_numbers = #tpu.dot_dimension_numbers<[1], [0], [0], [1], [0, 0, 1, 1], [], []>, transpose_lhs_hint = false} : vector<2000x128xf32>, vector<128x64xf32>, vector<2000x64xf32> -> vector<2000x64xf32>
    %swap3A = arith.constant 0 : index
    %swap3A_8 = arith.constant 0 : index
    %swap3A_9 = vector.load %arg3[%swap3A, %swap3A_8] : memref<2000x64xf32, #tpu.memory_space<vmem>>, vector<2000x64xf32>
    tpu.vector_store %arg3[%swap3A, %swap3A_8], %dot_general3A_7 {strides = array<i32>} : memref<2000x64xf32, #tpu.memory_space<vmem>>, vector<2000x64xf32>,
    return
  }
  func.func @transform_0(%arg0: i32) -> (i32, i32) {
    %c0_i32 = arith.constant 0 : i32
    %c0_i32_0 = arith.constant 0 : i32
    return %arg0, %c0_i32 : i32, i32
  }
  func.func @transform_1(%arg0: i32) -> (i32, i32) {
    %c0_i32 = arith.constant 0 : i32
    %c0_i32_0 = arith.constant 0 : i32
    %c0_i32_1 = arith.constant 0 : i32
    return %c0_i32, %c0_i32_0 : i32, i32
  }
  func.func @transform_2(%arg0: i32) -> (i32, i32) {
    %c0_i32 = arith.constant 0 : i32
    %c0_i32_0 = arith.constant 0 : i32
    return %arg0, %c0_i32 : i32, i32
  }
}

module attributes {stable_mosaic.version = 14 : i64} {
  func.func @body(%arg0: i32, %arg1: memref<6400x1xi32, #tpu.memory_space<vmem>>, %arg2: memref<64x64xf32, #tpu.memory_space<vmem>>, %arg3: memref<6400x64xf32, #tpu.memory_space<vmem>>) attributes {dimension_semantics = [#tpu.dimension_semantics<arbitrary>], iteration_bounds = array<i64: 25>, scalar_prefetch = 0 : i64, scratch_operands = 0 : i64, tpu.core_type = #tpu.core_type<tc>, window_params = [{transform_indices = @transform_0, window_bounds = array<i64: 6400, 1>}, {pipeline_mode = #tpu.pipeline_mode<synchronous>, transform_indices = @transform_1, window_bounds = array<i64: 64, 64>}, {transform_indices = @transform_2, window_bounds = array<i64: 6400, 64>}]} {
    %get3A = arith.constant 0 : index
    %get3A_0 = arith.constant 0 : index
    %get3A_1 = vector.load %arg1[%get3A, %get3A_0] : memref<6400x1xi32, #tpu.memory_space<vmem>>, vector<6400x1xi32>
    %iota3A = tpu.iota {dimensions = array<i32: 1>} : vector<6400x64xi32>
    %eq3A = vector.broadcast %get3A_1 : vector<6400x1xi32> to vector<6400x64xi32>
    %eq3A_2 = arith.cmpi eq, %eq3A, %iota3A : vector<6400x64xi32>
    %convert_element_type3A = arith.extui %eq3A_2 : vector<6400x64xi1> to vector<6400x64xi32>
    %convert_element_type3A_3 = arith.sitofp %convert_element_type3A : vector<6400x64xi32> to vector<6400x64xf32>
    %get3A_4 = arith.constant 0 : index
    %get3A_5 = arith.constant 0 : index
    %get3A_6 = vector.load %arg2[%get3A_4, %get3A_5] : memref<64x64xf32, #tpu.memory_space<vmem>>, vector<64x64xf32>
    %dot_general3A = arith.constant dense<0.000000e+00> : vector<6400x64xf32>
    %dot_general3A_7 = tpu.matmul %convert_element_type3A_3, %get3A_6, %dot_general3A {dimension_numbers = #tpu.dot_dimension_numbers<[1], [0], [0], [1], [0, 0, 1, 1], [], []>, transpose_lhs_hint = false} : vector<6400x64xf32>, vector<64x64xf32>, vector<6400x64xf32> -> vector<6400x64xf32>
    %swap3A = arith.constant 0 : index
    %swap3A_8 = arith.constant 0 : index
    %swap3A_9 = vector.load %arg3[%swap3A, %swap3A_8] : memref<6400x64xf32, #tpu.memory_space<vmem>>, vector<6400x64xf32>
    tpu.vector_store %arg3[%swap3A, %swap3A_8], %dot_general3A_7 {strides = array<i32>} : memref<6400x64xf32, #tpu.memory_space<vmem>>, vector<6400x64xf32>,
    return
  }
  func.func @transform_0(%arg0: i32) -> (i32, i32) {
    %c0_i32 = arith.constant 0 : i32
    %c0_i32_0 = arith.constant 0 : i32
    return %arg0, %c0_i32 : i32, i32
  }
  func.func @transform_1(%arg0: i32) -> (i32, i32) {
    %c0_i32 = arith.constant 0 : i32
    %c0_i32_0 = arith.constant 0 : i32
    %c0_i32_1 = arith.constant 0 : i32
    return %c0_i32, %c0_i32_0 : i32, i32
  }
  func.func @transform_2(%arg0: i32) -> (i32, i32) {
    %c0_i32 = arith.constant 0 : i32
    %c0_i32_0 = arith.constant 0 : i32
    return %arg0, %c0_i32 : i32, i32
  }
}

module attributes {stable_mosaic.version = 14 : i64} {
  func.func @body(%arg0: i32, %arg1: memref<6400x128xf32, #tpu.memory_space<vmem>>, %arg2: memref<6400x64xf32, #tpu.memory_space<vmem>>, %arg3: memref<128x192xf32, #tpu.memory_space<vmem>>, %arg4: memref<64x192xf32, #tpu.memory_space<vmem>>, %arg5: memref<8x192xf32, #tpu.memory_space<vmem>>, %arg6: memref<8x192xf32, #tpu.memory_space<vmem>>) attributes {dimension_semantics = [#tpu.dimension_semantics<arbitrary>], iteration_bounds = array<i64: 25>, scalar_prefetch = 0 : i64, scratch_operands = 1 : i64, tpu.core_type = #tpu.core_type<tc>, window_params = [{transform_indices = @transform_0, window_bounds = array<i64: 6400, 128>}, {transform_indices = @transform_1, window_bounds = array<i64: 6400, 64>}, {pipeline_mode = #tpu.pipeline_mode<synchronous>, transform_indices = @transform_2, window_bounds = array<i64: 128, 192>}, {pipeline_mode = #tpu.pipeline_mode<synchronous>, transform_indices = @transform_3, window_bounds = array<i64: 64, 192>}, {pipeline_mode = #tpu.pipeline_mode<synchronous>, transform_indices = @transform_4, window_bounds = array<i64: 8, 192>}]} {
    %get3A = arith.constant 0 : index
    %get3A_0 = arith.constant 0 : index
    %get3A_1 = vector.load %arg1[%get3A, %get3A_0] : memref<6400x128xf32, #tpu.memory_space<vmem>>, vector<6400x128xf32>
    %get3A_2 = arith.constant 0 : index
    %get3A_3 = arith.constant 0 : index
    %get3A_4 = vector.load %arg3[%get3A_2, %get3A_3] : memref<128x192xf32, #tpu.memory_space<vmem>>, vector<128x192xf32>
    %dot_general3A = arith.constant dense<0.000000e+00> : vector<6400x192xf32>
    %dot_general3A_5 = tpu.matmul %get3A_1, %get3A_4, %dot_general3A {dimension_numbers = #tpu.dot_dimension_numbers<[1], [0], [0], [1], [0, 0, 1, 1], [], []>, transpose_lhs_hint = false} : vector<6400x128xf32>, vector<128x192xf32>, vector<6400x192xf32> -> vector<6400x192xf32>
    %get3A_6 = arith.constant 0 : index
    %get3A_7 = arith.constant 0 : index
    %get3A_8 = vector.load %arg2[%get3A_6, %get3A_7] : memref<6400x64xf32, #tpu.memory_space<vmem>>, vector<6400x64xf32>
    %get3A_9 = arith.constant 0 : index
    %get3A_10 = arith.constant 0 : index
    %get3A_11 = vector.load %arg4[%get3A_9, %get3A_10] : memref<64x192xf32, #tpu.memory_space<vmem>>, vector<64x192xf32>
    %dot_general3A_12 = arith.constant dense<0.000000e+00> : vector<6400x192xf32>
    %dot_general3A_13 = tpu.matmul %get3A_8, %get3A_11, %dot_general3A_12 {dimension_numbers = #tpu.dot_dimension_numbers<[1], [0], [0], [1], [0, 0, 1, 1], [], []>, transpose_lhs_hint = false} : vector<6400x64xf32>, vector<64x192xf32>, vector<6400x192xf32> -> vector<6400x192xf32>
    %add3A = arith.addf %dot_general3A_5, %dot_general3A_13 : vector<6400x192xf32>
    %eq3A = arith.constant 0 : i32
    %eq3A_14 = arith.cmpi eq, %arg0, %eq3A : i32
    %convert_element_type3A = arith.extui %eq3A_14 : i1 to i32
    %cond3A = arith.constant 0 : i32
    %cond3A_15 = arith.cmpi ne, %convert_element_type3A, %cond3A : i32
    scf.if %cond3A_15 {
      %broadcast_in_dim3A_61 = arith.constant 0.000000e+00 : f32
      %broadcast_in_dim3A_62 = vector.broadcast %broadcast_in_dim3A_61 : f32 to vector<8x192xf32>
      %swap3A_63 = arith.constant 0 : index
      %swap3A_64 = arith.constant 0 : index
      %swap3A_65 = vector.load %arg6[%swap3A_63, %swap3A_64] : memref<8x192xf32, #tpu.memory_space<vmem>>, vector<8x192xf32>
      tpu.vector_store %arg6[%swap3A_63, %swap3A_64], %broadcast_in_dim3A_62 {strides = array<i32>} : memref<8x192xf32, #tpu.memory_space<vmem>>, vector<8x192xf32>,
    } else {
    }
    %reduce_sum3A = arith.constant dense<0.000000e+00> : vector<192xf32>
    %reduce_sum3A_16 = vector.multi_reduction <add>, %add3A, %reduce_sum3A [0] : vector<6400x192xf32> to vector<192xf32>
    %broadcast_in_dim3A = vector.shape_cast %reduce_sum3A_16 : vector<192xf32> to vector<1x192xf32>
    %mul3A = arith.mulf %add3A, %add3A : vector<6400x192xf32>
    %reduce_sum3A_17 = arith.constant dense<0.000000e+00> : vector<192xf32>
    %reduce_sum3A_18 = vector.multi_reduction <add>, %mul3A, %reduce_sum3A_17 [0] : vector<6400x192xf32> to vector<192xf32>
    %broadcast_in_dim3A_19 = vector.shape_cast %reduce_sum3A_18 : vector<192xf32> to vector<1x192xf32>
    %get3A_20 = arith.constant 2 : index
    %get3A_21 = arith.constant 0 : index
    %get3A_22 = vector.load %arg6[%get3A_20, %get3A_21] : memref<8x192xf32, #tpu.memory_space<vmem>>, vector<1x192xf32>
    %sub3A = arith.subf %broadcast_in_dim3A, %get3A_22 : vector<1x192xf32>
    %get3A_23 = arith.constant 0 : index
    %get3A_24 = arith.constant 0 : index
    %get3A_25 = vector.load %arg6[%get3A_23, %get3A_24] : memref<8x192xf32, #tpu.memory_space<vmem>>, vector<1x192xf32>
    %add3A_26 = arith.addf %get3A_25, %sub3A : vector<1x192xf32>
    %get3A_27 = arith.constant 0 : index
    %get3A_28 = arith.constant 0 : index
    %get3A_29 = vector.load %arg6[%get3A_27, %get3A_28] : memref<8x192xf32, #tpu.memory_space<vmem>>, vector<1x192xf32>
    %sub3A_30 = arith.subf %add3A_26, %get3A_29 : vector<1x192xf32>
    %sub3A_31 = arith.subf %sub3A_30, %sub3A : vector<1x192xf32>
    %swap3A = arith.constant 2 : index
    %swap3A_32 = arith.constant 0 : index
    %swap3A_33 = vector.load %arg6[%swap3A, %swap3A_32] : memref<8x192xf32, #tpu.memory_space<vmem>>, vector<1x192xf32>
    tpu.vector_store %arg6[%swap3A, %swap3A_32], %sub3A_31 {strides = array<i32>} : memref<8x192xf32, #tpu.memory_space<vmem>>, vector<1x192xf32>,
    %swap3A_34 = arith.constant 0 : index
    %swap3A_35 = arith.constant 0 : index
    %swap3A_36 = vector.load %arg6[%swap3A_34, %swap3A_35] : memref<8x192xf32, #tpu.memory_space<vmem>>, vector<1x192xf32>
    tpu.vector_store %arg6[%swap3A_34, %swap3A_35], %add3A_26 {strides = array<i32>} : memref<8x192xf32, #tpu.memory_space<vmem>>, vector<1x192xf32>,
    %get3A_37 = arith.constant 3 : index
    %get3A_38 = arith.constant 0 : index
    %get3A_39 = vector.load %arg6[%get3A_37, %get3A_38] : memref<8x192xf32, #tpu.memory_space<vmem>>, vector<1x192xf32>
    %sub3A_40 = arith.subf %broadcast_in_dim3A_19, %get3A_39 : vector<1x192xf32>
    %get3A_41 = arith.constant 1 : index
    %get3A_42 = arith.constant 0 : index
    %get3A_43 = vector.load %arg6[%get3A_41, %get3A_42] : memref<8x192xf32, #tpu.memory_space<vmem>>, vector<1x192xf32>
    %add3A_44 = arith.addf %get3A_43, %sub3A_40 : vector<1x192xf32>
    %get3A_45 = arith.constant 1 : index
    %get3A_46 = arith.constant 0 : index
    %get3A_47 = vector.load %arg6[%get3A_45, %get3A_46] : memref<8x192xf32, #tpu.memory_space<vmem>>, vector<1x192xf32>
    %sub3A_48 = arith.subf %add3A_44, %get3A_47 : vector<1x192xf32>
    %sub3A_49 = arith.subf %sub3A_48, %sub3A_40 : vector<1x192xf32>
    %swap3A_50 = arith.constant 3 : index
    %swap3A_51 = arith.constant 0 : index
    %swap3A_52 = vector.load %arg6[%swap3A_50, %swap3A_51] : memref<8x192xf32, #tpu.memory_space<vmem>>, vector<1x192xf32>
    tpu.vector_store %arg6[%swap3A_50, %swap3A_51], %sub3A_49 {strides = array<i32>} : memref<8x192xf32, #tpu.memory_space<vmem>>, vector<1x192xf32>,
    %swap3A_53 = arith.constant 1 : index
    %swap3A_54 = arith.constant 0 : index
    %swap3A_55 = vector.load %arg6[%swap3A_53, %swap3A_54] : memref<8x192xf32, #tpu.memory_space<vmem>>, vector<1x192xf32>
    tpu.vector_store %arg6[%swap3A_53, %swap3A_54], %add3A_44 {strides = array<i32>} : memref<8x192xf32, #tpu.memory_space<vmem>>, vector<1x192xf32>,
    %eq3A_56 = arith.constant 24 : i32
    %eq3A_57 = arith.cmpi eq, %arg0, %eq3A_56 : i32
    %convert_element_type3A_58 = arith.extui %eq3A_57 : i1 to i32
    %cond3A_59 = arith.constant 0 : i32
    %cond3A_60 = arith.cmpi ne, %convert_element_type3A_58, %cond3A_59 : i32
    scf.if %cond3A_60 {
      %get3A_61 = arith.constant 0 : index
      %get3A_62 = arith.constant 0 : index
      %get3A_63 = vector.load %arg6[%get3A_61, %get3A_62] : memref<8x192xf32, #tpu.memory_space<vmem>>, vector<8x192xf32>
      %swap3A_64 = arith.constant 0 : index
      %swap3A_65 = arith.constant 0 : index
      %swap3A_66 = vector.load %arg5[%swap3A_64, %swap3A_65] : memref<8x192xf32, #tpu.memory_space<vmem>>, vector<8x192xf32>
      tpu.vector_store %arg5[%swap3A_64, %swap3A_65], %get3A_63 {strides = array<i32>} : memref<8x192xf32, #tpu.memory_space<vmem>>, vector<8x192xf32>,
    } else {
    }
    return
  }
  func.func @transform_0(%arg0: i32) -> (i32, i32) {
    %c0_i32 = arith.constant 0 : i32
    %c0_i32_0 = arith.constant 0 : i32
    return %arg0, %c0_i32 : i32, i32
  }
  func.func @transform_1(%arg0: i32) -> (i32, i32) {
    %c0_i32 = arith.constant 0 : i32
    %c0_i32_0 = arith.constant 0 : i32
    return %arg0, %c0_i32 : i32, i32
  }
  func.func @transform_2(%arg0: i32) -> (i32, i32) {
    %c0_i32 = arith.constant 0 : i32
    %c0_i32_0 = arith.constant 0 : i32
    %c0_i32_1 = arith.constant 0 : i32
    return %c0_i32, %c0_i32_0 : i32, i32
  }
  func.func @transform_3(%arg0: i32) -> (i32, i32) {
    %c0_i32 = arith.constant 0 : i32
    %c0_i32_0 = arith.constant 0 : i32
    %c0_i32_1 = arith.constant 0 : i32
    return %c0_i32, %c0_i32_0 : i32, i32
  }
  func.func @transform_4(%arg0: i32) -> (i32, i32) {
    %c0_i32 = arith.constant 0 : i32
    %c0_i32_0 = arith.constant 0 : i32
    %c0_i32_1 = arith.constant 0 : i32
    return %c0_i32, %c0_i32_0 : i32, i32
  }
}

module attributes {stable_mosaic.version = 14 : i64} {
  func.func @body(%arg0: i32, %arg1: memref<6400x128xf32, #tpu.memory_space<vmem>>, %arg2: memref<6400x64xf32, #tpu.memory_space<vmem>>, %arg3: memref<128x192xf32, #tpu.memory_space<vmem>>, %arg4: memref<64x192xf32, #tpu.memory_space<vmem>>, %arg5: memref<8x192xf32, #tpu.memory_space<vmem>>, %arg6: memref<1x192xf32, #tpu.memory_space<vmem>>, %arg7: memref<1x192xf32, #tpu.memory_space<vmem>>, %arg8: memref<400x64xf32, #tpu.memory_space<vmem>>, %arg9: memref<6400x64xf32, #tpu.memory_space<vmem>>) attributes {dimension_semantics = [#tpu.dimension_semantics<arbitrary>], iteration_bounds = array<i64: 25>, scalar_prefetch = 0 : i64, scratch_operands = 0 : i64, tpu.core_type = #tpu.core_type<tc>, window_params = [{transform_indices = @transform_0, window_bounds = array<i64: 6400, 128>}, {transform_indices = @transform_1, window_bounds = array<i64: 6400, 64>}, {pipeline_mode = #tpu.pipeline_mode<synchronous>, transform_indices = @transform_2, window_bounds = array<i64: 128, 192>}, {pipeline_mode = #tpu.pipeline_mode<synchronous>, transform_indices = @transform_3, window_bounds = array<i64: 64, 192>}, {pipeline_mode = #tpu.pipeline_mode<synchronous>, transform_indices = @transform_4, window_bounds = array<i64: 8, 192>}, {pipeline_mode = #tpu.pipeline_mode<synchronous>, transform_indices = @transform_5, window_bounds = array<i64: 1, 192>}, {pipeline_mode = #tpu.pipeline_mode<synchronous>, transform_indices = @transform_6, window_bounds = array<i64: 1, 192>}, {transform_indices = @transform_7, window_bounds = array<i64: 400, 64>}, {transform_indices = @transform_8, window_bounds = array<i64: 6400, 64>}]} {
    %get3A = arith.constant 0 : index
    %get3A_0 = arith.constant 0 : index
    %get3A_1 = vector.load %arg1[%get3A, %get3A_0] : memref<6400x128xf32, #tpu.memory_space<vmem>>, vector<6400x128xf32>
    %get3A_2 = arith.constant 0 : index
    %get3A_3 = arith.constant 0 : index
    %get3A_4 = vector.load %arg3[%get3A_2, %get3A_3] : memref<128x192xf32, #tpu.memory_space<vmem>>, vector<128x192xf32>
    %dot_general3A = arith.constant dense<0.000000e+00> : vector<6400x192xf32>
    %dot_general3A_5 = tpu.matmul %get3A_1, %get3A_4, %dot_general3A {dimension_numbers = #tpu.dot_dimension_numbers<[1], [0], [0], [1], [0, 0, 1, 1], [], []>, transpose_lhs_hint = false} : vector<6400x128xf32>, vector<128x192xf32>, vector<6400x192xf32> -> vector<6400x192xf32>
    %get3A_6 = arith.constant 0 : index
    %get3A_7 = arith.constant 0 : index
    %get3A_8 = vector.load %arg2[%get3A_6, %get3A_7] : memref<6400x64xf32, #tpu.memory_space<vmem>>, vector<6400x64xf32>
    %get3A_9 = arith.constant 0 : index
    %get3A_10 = arith.constant 0 : index
    %get3A_11 = vector.load %arg4[%get3A_9, %get3A_10] : memref<64x192xf32, #tpu.memory_space<vmem>>, vector<64x192xf32>
    %dot_general3A_12 = arith.constant dense<0.000000e+00> : vector<6400x192xf32>
    %dot_general3A_13 = tpu.matmul %get3A_8, %get3A_11, %dot_general3A_12 {dimension_numbers = #tpu.dot_dimension_numbers<[1], [0], [0], [1], [0, 0, 1, 1], [], []>, transpose_lhs_hint = false} : vector<6400x64xf32>, vector<64x192xf32>, vector<6400x192xf32> -> vector<6400x192xf32>
    %add3A = arith.addf %dot_general3A_5, %dot_general3A_13 : vector<6400x192xf32>
    %get3A_14 = arith.constant 0 : index
    %get3A_15 = arith.constant 0 : index
    %get3A_16 = vector.load %arg5[%get3A_14, %get3A_15] : memref<8x192xf32, #tpu.memory_space<vmem>>, vector<1x192xf32>
    %mul3A = arith.constant 6.250000e-06 : f32
    %mul3A_17 = vector.broadcast %mul3A : f32 to vector<1x192xf32>
    %mul3A_18 = arith.mulf %get3A_16, %mul3A_17 : vector<1x192xf32>
    %get3A_19 = arith.constant 1 : index
    %get3A_20 = arith.constant 0 : index
    %get3A_21 = vector.load %arg5[%get3A_19, %get3A_20] : memref<8x192xf32, #tpu.memory_space<vmem>>, vector<1x192xf32>
    %mul3A_22 = arith.constant 6.250000e-06 : f32
    %mul3A_23 = vector.broadcast %mul3A_22 : f32 to vector<1x192xf32>
    %mul3A_24 = arith.mulf %get3A_21, %mul3A_23 : vector<1x192xf32>
    %mul3A_25 = arith.mulf %mul3A_18, %mul3A_18 : vector<1x192xf32>
    %sub3A = arith.subf %mul3A_24, %mul3A_25 : vector<1x192xf32>
    %get3A_26 = arith.constant 0 : index
    %get3A_27 = arith.constant 0 : index
    %get3A_28 = vector.load %arg6[%get3A_26, %get3A_27] : memref<1x192xf32, #tpu.memory_space<vmem>>, vector<1x192xf32>
    %add3A_29 = arith.constant 9.99999974E-6 : f32
    %add3A_30 = vector.broadcast %add3A_29 : f32 to vector<1x192xf32>
    %add3A_31 = arith.addf %sub3A, %add3A_30 : vector<1x192xf32>
    %rsqrt3A = math.rsqrt %add3A_31 : vector<1x192xf32>
    %mul3A_32 = arith.mulf %get3A_28, %rsqrt3A : vector<1x192xf32>
    %get3A_33 = arith.constant 0 : index
    %get3A_34 = arith.constant 0 : index
    %get3A_35 = vector.load %arg7[%get3A_33, %get3A_34] : memref<1x192xf32, #tpu.memory_space<vmem>>, vector<1x192xf32>
    %mul3A_36 = arith.mulf %mul3A_18, %mul3A_32 : vector<1x192xf32>
    %sub3A_37 = arith.subf %get3A_35, %mul3A_36 : vector<1x192xf32>
    %mul3A_38 = vector.broadcast %mul3A_32 : vector<1x192xf32> to vector<6400x192xf32>
    %mul3A_39 = arith.mulf %add3A, %mul3A_38 : vector<6400x192xf32>
    %add3A_40 = vector.broadcast %sub3A_37 : vector<1x192xf32> to vector<6400x192xf32>
    %add3A_41 = arith.addf %mul3A_39, %add3A_40 : vector<6400x192xf32>
    %slice3A = vector.extract_strided_slice %add3A_41 {offsets = [0, 0], sizes = [6400, 64], strides = [1, 1]} : vector<6400x192xf32> to vector<6400x64xf32>
    %neg3A = arith.constant 0.000000e+00 : f32
    %neg3A_42 = vector.broadcast %neg3A : f32 to vector<6400x64xf32>
    %neg3A_43 = arith.subf %neg3A_42, %slice3A : vector<6400x64xf32>
    %exp3A = math.exp %neg3A_43 : vector<6400x64xf32>
    %add3A_44 = arith.constant 1.000000e+00 : f32
    %add3A_45 = vector.broadcast %add3A_44 : f32 to vector<6400x64xf32>
    %add3A_46 = arith.addf %add3A_45, %exp3A : vector<6400x64xf32>
    %div3A = arith.constant 1.000000e+00 : f32
    %div3A_47 = vector.broadcast %div3A : f32 to vector<6400x64xf32>
    %div3A_48 = arith.divf %div3A_47, %add3A_46 : vector<6400x64xf32>
    %slice3A_49 = vector.extract_strided_slice %add3A_41 {offsets = [0, 64], sizes = [6400, 64], strides = [1, 1]} : vector<6400x192xf32> to vector<6400x64xf32>
    %max3A = arith.constant 0.000000e+00 : f32
    %max3A_50 = vector.broadcast %max3A : f32 to vector<6400x64xf32>
    %max3A_51 = arith.maximumf %slice3A_49, %max3A_50 : vector<6400x64xf32>
    %abs3A = math.absf %slice3A_49 : vector<6400x64xf32>
    %neg3A_52 = arith.constant 0.000000e+00 : f32
    %neg3A_53 = vector.broadcast %neg3A_52 : f32 to vector<6400x64xf32>
    %neg3A_54 = arith.subf %neg3A_53, %abs3A : vector<6400x64xf32>
    %exp3A_55 = math.exp %neg3A_54 : vector<6400x64xf32>
    %add3A_56 = arith.constant 1.000000e+00 : f32
    %add3A_57 = vector.broadcast %add3A_56 : f32 to vector<6400x64xf32>
    %add3A_58 = arith.addf %add3A_57, %exp3A_55 : vector<6400x64xf32>
    %log3A = math.log %add3A_58 : vector<6400x64xf32>
    %add3A_59 = arith.addf %max3A_51, %log3A : vector<6400x64xf32>
    %mul3A_60 = arith.mulf %div3A_48, %add3A_59 : vector<6400x64xf32>
    %reshape3A = vector.shape_cast %mul3A_60 : vector<6400x64xf32> to vector<400x16x64xf32>
    %reduce_sum3A = arith.constant dense<0.000000e+00> : vector<400x64xf32>
    %reduce_sum3A_61 = vector.multi_reduction <add>, %reshape3A, %reduce_sum3A [1] : vector<400x16x64xf32> to vector<400x64xf32>
    %swap3A = arith.constant 0 : index
    %swap3A_62 = arith.constant 0 : index
    %swap3A_63 = vector.load %arg8[%swap3A, %swap3A_62] : memref<400x64xf32, #tpu.memory_space<vmem>>, vector<400x64xf32>
    tpu.vector_store %arg8[%swap3A, %swap3A_62], %reduce_sum3A_61 {strides = array<i32>} : memref<400x64xf32, #tpu.memory_space<vmem>>, vector<400x64xf32>,
    %get3A_64 = arith.constant 0 : index
    %get3A_65 = arith.constant 0 : index
    %get3A_66 = vector.load %arg2[%get3A_64, %get3A_65] : memref<6400x64xf32, #tpu.memory_space<vmem>>, vector<6400x64xf32>
    %slice3A_67 = vector.extract_strided_slice %add3A_41 {offsets = [0, 128], sizes = [6400, 64], strides = [1, 1]} : vector<6400x192xf32> to vector<6400x64xf32>
    %add3A_68 = arith.addf %get3A_66, %slice3A_67 : vector<6400x64xf32>
    %max3A_69 = arith.constant 0.000000e+00 : f32
    %max3A_70 = vector.broadcast %max3A_69 : f32 to vector<6400x64xf32>
    %max3A_71 = arith.maximumf %add3A_68, %max3A_70 : vector<6400x64xf32>
    %abs3A_72 = math.absf %add3A_68 : vector<6400x64xf32>
    %neg3A_73 = arith.constant 0.000000e+00 : f32
    %neg3A_74 = vector.broadcast %neg3A_73 : f32 to vector<6400x64xf32>
    %neg3A_75 = arith.subf %neg3A_74, %abs3A_72 : vector<6400x64xf32>
    %exp3A_76 = math.exp %neg3A_75 : vector<6400x64xf32>
    %add3A_77 = arith.constant 1.000000e+00 : f32
    %add3A_78 = vector.broadcast %add3A_77 : f32 to vector<6400x64xf32>
    %add3A_79 = arith.addf %add3A_78, %exp3A_76 : vector<6400x64xf32>
    %log3A_80 = math.log %add3A_79 : vector<6400x64xf32>
    %add3A_81 = arith.addf %max3A_71, %log3A_80 : vector<6400x64xf32>
    %swap3A_82 = arith.constant 0 : index
    %swap3A_83 = arith.constant 0 : index
    %swap3A_84 = vector.load %arg9[%swap3A_82, %swap3A_83] : memref<6400x64xf32, #tpu.memory_space<vmem>>, vector<6400x64xf32>
    tpu.vector_store %arg9[%swap3A_82, %swap3A_83], %add3A_81 {strides = array<i32>} : memref<6400x64xf32, #tpu.memory_space<vmem>>, vector<6400x64xf32>,
    return
  }
  func.func @transform_0(%arg0: i32) -> (i32, i32) {
    %c0_i32 = arith.constant 0 : i32
    %c0_i32_0 = arith.constant 0 : i32
    return %arg0, %c0_i32 : i32, i32
  }
  func.func @transform_1(%arg0: i32) -> (i32, i32) {
    %c0_i32 = arith.constant 0 : i32
    %c0_i32_0 = arith.constant 0 : i32
    return %arg0, %c0_i32 : i32, i32
  }
  func.func @transform_2(%arg0: i32) -> (i32, i32) {
    %c0_i32 = arith.constant 0 : i32
    %c0_i32_0 = arith.constant 0 : i32
    %c0_i32_1 = arith.constant 0 : i32
    return %c0_i32, %c0_i32_0 : i32, i32
  }
  func.func @transform_3(%arg0: i32) -> (i32, i32) {
    %c0_i32 = arith.constant 0 : i32
    %c0_i32_0 = arith.constant 0 : i32
    %c0_i32_1 = arith.constant 0 : i32
    return %c0_i32, %c0_i32_0 : i32, i32
  }
  func.func @transform_4(%arg0: i32) -> (i32, i32) {
    %c0_i32 = arith.constant 0 : i32
    %c0_i32_0 = arith.constant 0 : i32
    %c0_i32_1 = arith.constant 0 : i32
    return %c0_i32, %c0_i32_0 : i32, i32
  }
  func.func @transform_5(%arg0: i32) -> (i32, i32) {
    %c0_i32 = arith.constant 0 : i32
    %c0_i32_0 = arith.constant 0 : i32
    %c0_i32_1 = arith.constant 0 : i32
    return %c0_i32, %c0_i32_0 : i32, i32
  }
  func.func @transform_6(%arg0: i32) -> (i32, i32) {
    %c0_i32 = arith.constant 0 : i32
    %c0_i32_0 = arith.constant 0 : i32
    %c0_i32_1 = arith.constant 0 : i32
    return %c0_i32, %c0_i32_0 : i32, i32
  }
  func.func @transform_7(%arg0: i32) -> (i32, i32) {
    %c0_i32 = arith.constant 0 : i32
    %c0_i32_0 = arith.constant 0 : i32
    return %arg0, %c0_i32 : i32, i32
  }
  func.func @transform_8(%arg0: i32) -> (i32, i32) {
    %c0_i32 = arith.constant 0 : i32
    %c0_i32_0 = arith.constant 0 : i32
    return %arg0, %c0_i32 : i32, i32
  }
}

module attributes {stable_mosaic.version = 14 : i64} {
  func.func @body(%arg0: i32, %arg1: memref<10000x64xf32, #tpu.memory_space<vmem>>, %arg2: memref<10000x64xf32, #tpu.memory_space<vmem>>, %arg3: memref<1x64xf32, #tpu.memory_space<vmem>>, %arg4: memref<1x64xf32, #tpu.memory_space<vmem>>, %arg5: memref<10000x64xf32, #tpu.memory_space<vmem>>) attributes {dimension_semantics = [#tpu.dimension_semantics<arbitrary>], iteration_bounds = array<i64: 1>, scalar_prefetch = 0 : i64, scratch_operands = 0 : i64, tpu.core_type = #tpu.core_type<tc>, window_params = [{pipeline_mode = #tpu.pipeline_mode<synchronous>, transform_indices = @transform_0, window_bounds = array<i64: 10000, 64>}, {pipeline_mode = #tpu.pipeline_mode<synchronous>, transform_indices = @transform_1, window_bounds = array<i64: 10000, 64>}, {pipeline_mode = #tpu.pipeline_mode<synchronous>, transform_indices = @transform_2, window_bounds = array<i64: 1, 64>}, {pipeline_mode = #tpu.pipeline_mode<synchronous>, transform_indices = @transform_3, window_bounds = array<i64: 1, 64>}, {pipeline_mode = #tpu.pipeline_mode<synchronous>, transform_indices = @transform_4, window_bounds = array<i64: 10000, 64>}]} {
    %get3A = arith.constant 0 : index
    %get3A_0 = arith.constant 0 : index
    %get3A_1 = vector.load %arg2[%get3A, %get3A_0] : memref<10000x64xf32, #tpu.memory_space<vmem>>, vector<10000x64xf32>
    %reduce_sum3A = arith.constant dense<0.000000e+00> : vector<64xf32>
    %reduce_sum3A_2 = vector.multi_reduction <add>, %get3A_1, %reduce_sum3A [0] : vector<10000x64xf32> to vector<64xf32>
    %broadcast_in_dim3A = vector.shape_cast %reduce_sum3A_2 : vector<64xf32> to vector<1x64xf32>
    %div3A = arith.constant 1.000000e+04 : f32
    %div3A_3 = vector.broadcast %div3A : f32 to vector<1x64xf32>
    %div3A_4 = arith.divf %broadcast_in_dim3A, %div3A_3 : vector<1x64xf32>
    %mul3A = arith.mulf %get3A_1, %get3A_1 : vector<10000x64xf32>
    %reduce_sum3A_5 = arith.constant dense<0.000000e+00> : vector<64xf32>
    %reduce_sum3A_6 = vector.multi_reduction <add>, %mul3A, %reduce_sum3A_5 [0] : vector<10000x64xf32> to vector<64xf32>
    %broadcast_in_dim3A_7 = vector.shape_cast %reduce_sum3A_6 : vector<64xf32> to vector<1x64xf32>
    %div3A_8 = arith.constant 1.000000e+04 : f32
    %div3A_9 = vector.broadcast %div3A_8 : f32 to vector<1x64xf32>
    %div3A_10 = arith.divf %broadcast_in_dim3A_7, %div3A_9 : vector<1x64xf32>
    %mul3A_11 = arith.mulf %div3A_4, %div3A_4 : vector<1x64xf32>
    %sub3A = arith.subf %div3A_10, %mul3A_11 : vector<1x64xf32>
    %sub3A_12 = vector.broadcast %div3A_4 : vector<1x64xf32> to vector<10000x64xf32>
    %sub3A_13 = arith.subf %get3A_1, %sub3A_12 : vector<10000x64xf32>
    %get3A_14 = arith.constant 0 : index
    %get3A_15 = arith.constant 0 : index
    %get3A_16 = vector.load %arg3[%get3A_14, %get3A_15] : memref<1x64xf32, #tpu.memory_space<vmem>>, vector<1x64xf32>
    %add3A = arith.constant 9.99999974E-6 : f32
    %add3A_17 = vector.broadcast %add3A : f32 to vector<1x64xf32>
    %add3A_18 = arith.addf %sub3A, %add3A_17 : vector<1x64xf32>
    %rsqrt3A = math.rsqrt %add3A_18 : vector<1x64xf32>
    %mul3A_19 = arith.mulf %get3A_16, %rsqrt3A : vector<1x64xf32>
    %mul3A_20 = vector.broadcast %mul3A_19 : vector<1x64xf32> to vector<10000x64xf32>
    %mul3A_21 = arith.mulf %sub3A_13, %mul3A_20 : vector<10000x64xf32>
    %get3A_22 = arith.constant 0 : index
    %get3A_23 = arith.constant 0 : index
    %get3A_24 = vector.load %arg4[%get3A_22, %get3A_23] : memref<1x64xf32, #tpu.memory_space<vmem>>, vector<1x64xf32>
    %add3A_25 = vector.broadcast %get3A_24 : vector<1x64xf32> to vector<10000x64xf32>
    %add3A_26 = arith.addf %mul3A_21, %add3A_25 : vector<10000x64xf32>
    %get3A_27 = arith.constant 0 : index
    %get3A_28 = arith.constant 0 : index
    %get3A_29 = vector.load %arg1[%get3A_27, %get3A_28] : memref<10000x64xf32, #tpu.memory_space<vmem>>, vector<10000x64xf32>
    %add3A_30 = arith.addf %get3A_29, %add3A_26 : vector<10000x64xf32>
    %max3A = arith.constant 0.000000e+00 : f32
    %max3A_31 = vector.broadcast %max3A : f32 to vector<10000x64xf32>
    %max3A_32 = arith.maximumf %add3A_30, %max3A_31 : vector<10000x64xf32>
    %abs3A = math.absf %add3A_30 : vector<10000x64xf32>
    %neg3A = arith.constant 0.000000e+00 : f32
    %neg3A_33 = vector.broadcast %neg3A : f32 to vector<10000x64xf32>
    %neg3A_34 = arith.subf %neg3A_33, %abs3A : vector<10000x64xf32>
    %exp3A = math.exp %neg3A_34 : vector<10000x64xf32>
    %add3A_35 = arith.constant 1.000000e+00 : f32
    %add3A_36 = vector.broadcast %add3A_35 : f32 to vector<10000x64xf32>
    %add3A_37 = arith.addf %add3A_36, %exp3A : vector<10000x64xf32>
    %log3A = math.log %add3A_37 : vector<10000x64xf32>
    %add3A_38 = arith.addf %max3A_32, %log3A : vector<10000x64xf32>
    %swap3A = arith.constant 0 : index
    %swap3A_39 = arith.constant 0 : index
    %swap3A_40 = vector.load %arg5[%swap3A, %swap3A_39] : memref<10000x64xf32, #tpu.memory_space<vmem>>, vector<10000x64xf32>
    tpu.vector_store %arg5[%swap3A, %swap3A_39], %add3A_38 {strides = array<i32>} : memref<10000x64xf32, #tpu.memory_space<vmem>>, vector<10000x64xf32>,
    return
  }
  func.func @transform_0(%arg0: i32) -> (i32, i32) {
    %c0_i32 = arith.constant 0 : i32
    %c0_i32_0 = arith.constant 0 : i32
    %c0_i32_1 = arith.constant 0 : i32
    return %c0_i32, %c0_i32_0 : i32, i32
  }
  func.func @transform_1(%arg0: i32) -> (i32, i32) {
    %c0_i32 = arith.constant 0 : i32
    %c0_i32_0 = arith.constant 0 : i32
    %c0_i32_1 = arith.constant 0 : i32
    return %c0_i32, %c0_i32_0 : i32, i32
  }
  func.func @transform_2(%arg0: i32) -> (i32, i32) {
    %c0_i32 = arith.constant 0 : i32
    %c0_i32_0 = arith.constant 0 : i32
    %c0_i32_1 = arith.constant 0 : i32
    return %c0_i32, %c0_i32_0 : i32, i32
  }
  func.func @transform_3(%arg0: i32) -> (i32, i32) {
    %c0_i32 = arith.constant 0 : i32
    %c0_i32_0 = arith.constant 0 : i32
    %c0_i32_1 = arith.constant 0 : i32
    return %c0_i32, %c0_i32_0 : i32, i32
  }
  func.func @transform_4(%arg0: i32) -> (i32, i32) {
    %c0_i32 = arith.constant 0 : i32
    %c0_i32_0 = arith.constant 0 : i32
    %c0_i32_1 = arith.constant 0 : i32
    return %c0_i32, %c0_i32_0 : i32, i32
  }
}

module attributes {stable_mosaic.version = 14 : i64} {
  func.func @body(%arg0: i32, %arg1: memref<2000x64xf32, #tpu.memory_space<vmem>>, %arg2: memref<2000x64xf32, #tpu.memory_space<vmem>>, %arg3: memref<2000x64xf32, #tpu.memory_space<vmem>>, %arg4: memref<2000x64xf32, #tpu.memory_space<vmem>>, %arg5: memref<2000x1xi32, #tpu.memory_space<vmem>>, %arg6: memref<64x128xf32, #tpu.memory_space<vmem>>, %arg7: memref<64x128xf32, #tpu.memory_space<vmem>>, %arg8: memref<64x128xf32, #tpu.memory_space<vmem>>, %arg9: memref<64x128xf32, #tpu.memory_space<vmem>>, %arg10: memref<1x128xf32, #tpu.memory_space<vmem>>, %arg11: memref<128x128xf32, #tpu.memory_space<vmem>>, %arg12: memref<1x128xf32, #tpu.memory_space<vmem>>, %arg13: memref<128x1xf32, #tpu.memory_space<vmem>>, %arg14: memref<1x1xf32, #tpu.memory_space<vmem>>, %arg15: memref<256x1xf32, #tpu.memory_space<vmem>>, %arg16: memref<256x128xf32, #tpu.memory_space<vmem>>, %arg17: memref<256x1xf32, #tpu.memory_space<vmem>>) attributes {dimension_semantics = [#tpu.dimension_semantics<arbitrary>], iteration_bounds = array<i64: 5>, scalar_prefetch = 0 : i64, scratch_operands = 2 : i64, tpu.core_type = #tpu.core_type<tc>, window_params = [{transform_indices = @transform_0, window_bounds = array<i64: 2000, 64>}, {transform_indices = @transform_1, window_bounds = array<i64: 2000, 64>}, {transform_indices = @transform_2, window_bounds = array<i64: 2000, 64>}, {transform_indices = @transform_3, window_bounds = array<i64: 2000, 64>}, {transform_indices = @transform_4, window_bounds = array<i64: 2000, 1>}, {pipeline_mode = #tpu.pipeline_mode<synchronous>, transform_indices = @transform_5, window_bounds = array<i64: 64, 128>}, {pipeline_mode = #tpu.pipeline_mode<synchronous>, transform_indices = @transform_6, window_bounds = array<i64: 64, 128>}, {pipeline_mode = #tpu.pipeline_mode<synchronous>, transform_indices = @transform_7, window_bounds = array<i64: 64, 128>}, {pipeline_mode = #tpu.pipeline_mode<synchronous>, transform_indices = @transform_8, window_bounds = array<i64: 64, 128>}, {pipeline_mode = #tpu.pipeline_mode<synchronous>, transform_indices = @transform_9, window_bounds = array<i64: 1, 128>}, {pipeline_mode = #tpu.pipeline_mode<synchronous>, transform_indices = @transform_10, window_bounds = array<i64: 128, 128>}, {pipeline_mode = #tpu.pipeline_mode<synchronous>, transform_indices = @transform_11, window_bounds = array<i64: 1, 128>}, {pipeline_mode = #tpu.pipeline_mode<synchronous>, transform_indices = @transform_12, window_bounds = array<i64: 128, 1>}, {pipeline_mode = #tpu.pipeline_mode<synchronous>, transform_indices = @transform_13, window_bounds = array<i64: 1, 1>}, {pipeline_mode = #tpu.pipeline_mode<synchronous>, transform_indices = @transform_14, window_bounds = array<i64: 256, 1>}]} {
    %get3A = arith.constant 0 : index
    %get3A_0 = arith.constant 0 : index
    %get3A_1 = vector.load %arg1[%get3A, %get3A_0] : memref<2000x64xf32, #tpu.memory_space<vmem>>, vector<2000x64xf32>
    %get3A_2 = arith.constant 0 : index
    %get3A_3 = arith.constant 0 : index
    %get3A_4 = vector.load %arg6[%get3A_2, %get3A_3] : memref<64x128xf32, #tpu.memory_space<vmem>>, vector<64x128xf32>
    %dot_general3A = arith.constant dense<0.000000e+00> : vector<2000x128xf32>
    %dot_general3A_5 = tpu.matmul %get3A_1, %get3A_4, %dot_general3A {dimension_numbers = #tpu.dot_dimension_numbers<[1], [0], [0], [1], [0, 0, 1, 1], [], []>, transpose_lhs_hint = false} : vector<2000x64xf32>, vector<64x128xf32>, vector<2000x128xf32> -> vector<2000x128xf32>
    %get3A_6 = arith.constant 0 : index
    %get3A_7 = arith.constant 0 : index
    %get3A_8 = vector.load %arg2[%get3A_6, %get3A_7] : memref<2000x64xf32, #tpu.memory_space<vmem>>, vector<2000x64xf32>
    %get3A_9 = arith.constant 0 : index
    %get3A_10 = arith.constant 0 : index
    %get3A_11 = vector.load %arg7[%get3A_9, %get3A_10] : memref<64x128xf32, #tpu.memory_space<vmem>>, vector<64x128xf32>
    %dot_general3A_12 = arith.constant dense<0.000000e+00> : vector<2000x128xf32>
    %dot_general3A_13 = tpu.matmul %get3A_8, %get3A_11, %dot_general3A_12 {dimension_numbers = #tpu.dot_dimension_numbers<[1], [0], [0], [1], [0, 0, 1, 1], [], []>, transpose_lhs_hint = false} : vector<2000x64xf32>, vector<64x128xf32>, vector<2000x128xf32> -> vector<2000x128xf32>
    %add3A = arith.addf %dot_general3A_5, %dot_general3A_13 : vector<2000x128xf32>
    %get3A_14 = arith.constant 0 : index
    %get3A_15 = arith.constant 0 : index
    %get3A_16 = vector.load %arg3[%get3A_14, %get3A_15] : memref<2000x64xf32, #tpu.memory_space<vmem>>, vector<2000x64xf32>
    %get3A_17 = arith.constant 0 : index
    %get3A_18 = arith.constant 0 : index
    %get3A_19 = vector.load %arg8[%get3A_17, %get3A_18] : memref<64x128xf32, #tpu.memory_space<vmem>>, vector<64x128xf32>
    %dot_general3A_20 = arith.constant dense<0.000000e+00> : vector<2000x128xf32>
    %dot_general3A_21 = tpu.matmul %get3A_16, %get3A_19, %dot_general3A_20 {dimension_numbers = #tpu.dot_dimension_numbers<[1], [0], [0], [1], [0, 0, 1, 1], [], []>, transpose_lhs_hint = false} : vector<2000x64xf32>, vector<64x128xf32>, vector<2000x128xf32> -> vector<2000x128xf32>
    %add3A_22 = arith.addf %add3A, %dot_general3A_21 : vector<2000x128xf32>
    %get3A_23 = arith.constant 0 : index
    %get3A_24 = arith.constant 0 : index
    %get3A_25 = vector.load %arg4[%get3A_23, %get3A_24] : memref<2000x64xf32, #tpu.memory_space<vmem>>, vector<2000x64xf32>
    %get3A_26 = arith.constant 0 : index
    %get3A_27 = arith.constant 0 : index
    %get3A_28 = vector.load %arg9[%get3A_26, %get3A_27] : memref<64x128xf32, #tpu.memory_space<vmem>>, vector<64x128xf32>
    %dot_general3A_29 = arith.constant dense<0.000000e+00> : vector<2000x128xf32>
    %dot_general3A_30 = tpu.matmul %get3A_25, %get3A_28, %dot_general3A_29 {dimension_numbers = #tpu.dot_dimension_numbers<[1], [0], [0], [1], [0, 0, 1, 1], [], []>, transpose_lhs_hint = false} : vector<2000x64xf32>, vector<64x128xf32>, vector<2000x128xf32> -> vector<2000x128xf32>
    %add3A_31 = arith.addf %add3A_22, %dot_general3A_30 : vector<2000x128xf32>
    %get3A_32 = arith.constant 0 : index
    %get3A_33 = arith.constant 0 : index
    %get3A_34 = vector.load %arg10[%get3A_32, %get3A_33] : memref<1x128xf32, #tpu.memory_space<vmem>>, vector<1x128xf32>
    %add3A_35 = vector.broadcast %get3A_34 : vector<1x128xf32> to vector<2000x128xf32>
    %add3A_36 = arith.addf %add3A_31, %add3A_35 : vector<2000x128xf32>
    %max3A = arith.constant 0.000000e+00 : f32
    %max3A_37 = vector.broadcast %max3A : f32 to vector<2000x128xf32>
    %max3A_38 = arith.maximumf %add3A_36, %max3A_37 : vector<2000x128xf32>
    %abs3A = math.absf %add3A_36 : vector<2000x128xf32>
    %neg3A = arith.constant 0.000000e+00 : f32
    %neg3A_39 = vector.broadcast %neg3A : f32 to vector<2000x128xf32>
    %neg3A_40 = arith.subf %neg3A_39, %abs3A : vector<2000x128xf32>
    %exp3A = math.exp %neg3A_40 : vector<2000x128xf32>
    %add3A_41 = arith.constant 1.000000e+00 : f32
    %add3A_42 = vector.broadcast %add3A_41 : f32 to vector<2000x128xf32>
    %add3A_43 = arith.addf %add3A_42, %exp3A : vector<2000x128xf32>
    %log3A = math.log %add3A_43 : vector<2000x128xf32>
    %add3A_44 = arith.addf %max3A_38, %log3A : vector<2000x128xf32>
    %get3A_45 = arith.constant 0 : index
    %get3A_46 = arith.constant 0 : index
    %get3A_47 = vector.load %arg5[%get3A_45, %get3A_46] : memref<2000x1xi32, #tpu.memory_space<vmem>>, vector<2000x1xi32>
    %iota3A = tpu.iota {dimensions = array<i32: 1>} : vector<2000x256xi32>
    %eq3A = vector.broadcast %get3A_47 : vector<2000x1xi32> to vector<2000x256xi32>
    %eq3A_48 = arith.cmpi eq, %eq3A, %iota3A : vector<2000x256xi32>
    %convert_element_type3A = arith.extui %eq3A_48 : vector<2000x256xi1> to vector<2000x256xi32>
    %convert_element_type3A_49 = arith.sitofp %convert_element_type3A : vector<2000x256xi32> to vector<2000x256xf32>
    %eq3A_50 = arith.constant 0 : i32
    %eq3A_51 = arith.cmpi eq, %arg0, %eq3A_50 : i32
    %convert_element_type3A_52 = arith.extui %eq3A_51 : i1 to i32
    %cond3A = arith.constant 0 : i32
    %cond3A_53 = arith.cmpi ne, %convert_element_type3A_52, %cond3A : i32
    scf.if %cond3A_53 {
      %broadcast_in_dim3A_77 = arith.constant 0.000000e+00 : f32
      %broadcast_in_dim3A_78 = vector.broadcast %broadcast_in_dim3A_77 : f32 to vector<256x128xf32>
      %swap3A_79 = arith.constant 0 : index
      %swap3A_80 = arith.constant 0 : index
      %swap3A_81 = vector.load %arg16[%swap3A_79, %swap3A_80] : memref<256x128xf32, #tpu.memory_space<vmem>>, vector<256x128xf32>
      tpu.vector_store %arg16[%swap3A_79, %swap3A_80], %broadcast_in_dim3A_78 {strides = array<i32>} : memref<256x128xf32, #tpu.memory_space<vmem>>, vector<256x128xf32>,
      %broadcast_in_dim3A_82 = arith.constant 0.000000e+00 : f32
      %broadcast_in_dim3A_83 = vector.broadcast %broadcast_in_dim3A_82 : f32 to vector<256x1xf32>
      %swap3A_84 = arith.constant 0 : index
      %swap3A_85 = arith.constant 0 : index
      %swap3A_86 = vector.load %arg17[%swap3A_84, %swap3A_85] : memref<256x1xf32, #tpu.memory_space<vmem>>, vector<256x1xf32>
      tpu.vector_store %arg17[%swap3A_84, %swap3A_85], %broadcast_in_dim3A_83 {strides = array<i32>} : memref<256x1xf32, #tpu.memory_space<vmem>>, vector<256x1xf32>,
    } else {
    }
    %get3A_54 = arith.constant 0 : index
    %get3A_55 = arith.constant 0 : index
    %get3A_56 = vector.load %arg16[%get3A_54, %get3A_55] : memref<256x128xf32, #tpu.memory_space<vmem>>, vector<256x128xf32>
    %dot_general3A_57 = arith.constant dense<0.000000e+00> : vector<256x128xf32>
    %dot_general3A_58 = tpu.matmul %convert_element_type3A_49, %add3A_44, %dot_general3A_57 {dimension_numbers = #tpu.dot_dimension_numbers<[0], [0], [1], [1], [0, 1, 1, 1], [], []>, transpose_lhs_hint = false} : vector<2000x256xf32>, vector<2000x128xf32>, vector<256x128xf32> -> vector<256x128xf32>
    %add3A_59 = arith.addf %get3A_56, %dot_general3A_58 : vector<256x128xf32>
    %swap3A = arith.constant 0 : index
    %swap3A_60 = arith.constant 0 : index
    %swap3A_61 = vector.load %arg16[%swap3A, %swap3A_60] : memref<256x128xf32, #tpu.memory_space<vmem>>, vector<256x128xf32>
    tpu.vector_store %arg16[%swap3A, %swap3A_60], %add3A_59 {strides = array<i32>} : memref<256x128xf32, #tpu.memory_space<vmem>>, vector<256x128xf32>,
    %get3A_62 = arith.constant 0 : index
    %get3A_63 = arith.constant 0 : index
    %get3A_64 = vector.load %arg17[%get3A_62, %get3A_63] : memref<256x1xf32, #tpu.memory_space<vmem>>, vector<256x1xf32>
    %broadcast_in_dim3A = arith.constant 1.000000e+00 : f32
    %broadcast_in_dim3A_65 = vector.broadcast %broadcast_in_dim3A : f32 to vector<2000x1xf32>
    %dot_general3A_66 = arith.constant dense<0.000000e+00> : vector<256x1xf32>
    %dot_general3A_67 = tpu.matmul %convert_element_type3A_49, %broadcast_in_dim3A_65, %dot_general3A_66 {dimension_numbers = #tpu.dot_dimension_numbers<[0], [0], [1], [1], [0, 1, 1, 1], [], []>, transpose_lhs_hint = false} : vector<2000x256xf32>, vector<2000x1xf32>, vector<256x1xf32> -> vector<256x1xf32>
    %add3A_68 = arith.addf %get3A_64, %dot_general3A_67 : vector<256x1xf32>
    %swap3A_69 = arith.constant 0 : index
    %swap3A_70 = arith.constant 0 : index
    %swap3A_71 = vector.load %arg17[%swap3A_69, %swap3A_70] : memref<256x1xf32, #tpu.memory_space<vmem>>, vector<256x1xf32>
    tpu.vector_store %arg17[%swap3A_69, %swap3A_70], %add3A_68 {strides = array<i32>} : memref<256x1xf32, #tpu.memory_space<vmem>>, vector<256x1xf32>,
    %eq3A_72 = arith.constant 4 : i32
    %eq3A_73 = arith.cmpi eq, %arg0, %eq3A_72 : i32
    %convert_element_type3A_74 = arith.extui %eq3A_73 : i1 to i32
    %cond3A_75 = arith.constant 0 : i32
    %cond3A_76 = arith.cmpi ne, %convert_element_type3A_74, %cond3A_75 : i32
    scf.if %cond3A_76 {
      %get3A_77 = arith.constant 0 : index
      %get3A_78 = arith.constant 0 : index
      %get3A_79 = vector.load %arg16[%get3A_77, %get3A_78] : memref<256x128xf32, #tpu.memory_space<vmem>>, vector<256x128xf32>
      %get3A_80 = arith.constant 0 : index
      %get3A_81 = arith.constant 0 : index
      %get3A_82 = vector.load %arg17[%get3A_80, %get3A_81] : memref<256x1xf32, #tpu.memory_space<vmem>>, vector<256x1xf32>
      %max3A_83 = arith.constant 1.000000e+00 : f32
      %max3A_84 = vector.broadcast %max3A_83 : f32 to vector<256x1xf32>
      %max3A_85 = arith.maximumf %get3A_82, %max3A_84 : vector<256x1xf32>
      %div3A = vector.broadcast %max3A_85 : vector<256x1xf32> to vector<256x128xf32>
      %div3A_86 = arith.divf %get3A_79, %div3A : vector<256x128xf32>
      %get3A_87 = arith.constant 0 : index
      %get3A_88 = arith.constant 0 : index
      %get3A_89 = vector.load %arg11[%get3A_87, %get3A_88] : memref<128x128xf32, #tpu.memory_space<vmem>>, vector<128x128xf32>
      %dot_general3A_90 = arith.constant dense<0.000000e+00> : vector<256x128xf32>
      %dot_general3A_91 = tpu.matmul %div3A_86, %get3A_89, %dot_general3A_90 {dimension_numbers = #tpu.dot_dimension_numbers<[1], [0], [0], [1], [0, 0, 1, 1], [], []>, transpose_lhs_hint = false} : vector<256x128xf32>, vector<128x128xf32>, vector<256x128xf32> -> vector<256x128xf32>
      %get3A_92 = arith.constant 0 : index
      %get3A_93 = arith.constant 0 : index
      %get3A_94 = vector.load %arg12[%get3A_92, %get3A_93] : memref<1x128xf32, #tpu.memory_space<vmem>>, vector<1x128xf32>
      %add3A_95 = vector.broadcast %get3A_94 : vector<1x128xf32> to vector<256x128xf32>
      %add3A_96 = arith.addf %dot_general3A_91, %add3A_95 : vector<256x128xf32>
      %max3A_97 = arith.constant 0.000000e+00 : f32
      %max3A_98 = vector.broadcast %max3A_97 : f32 to vector<256x128xf32>
      %max3A_99 = arith.maximumf %add3A_96, %max3A_98 : vector<256x128xf32>
      %abs3A_100 = math.absf %add3A_96 : vector<256x128xf32>
      %neg3A_101 = arith.constant 0.000000e+00 : f32
      %neg3A_102 = vector.broadcast %neg3A_101 : f32 to vector<256x128xf32>
      %neg3A_103 = arith.subf %neg3A_102, %abs3A_100 : vector<256x128xf32>
      %exp3A_104 = math.exp %neg3A_103 : vector<256x128xf32>
      %add3A_105 = arith.constant 1.000000e+00 : f32
      %add3A_106 = vector.broadcast %add3A_105 : f32 to vector<256x128xf32>
      %add3A_107 = arith.addf %add3A_106, %exp3A_104 : vector<256x128xf32>
      %log3A_108 = math.log %add3A_107 : vector<256x128xf32>
      %add3A_109 = arith.addf %max3A_99, %log3A_108 : vector<256x128xf32>
      %get3A_110 = arith.constant 0 : index
      %get3A_111 = arith.constant 0 : index
      %get3A_112 = vector.load %arg13[%get3A_110, %get3A_111] : memref<128x1xf32, #tpu.memory_space<vmem>>, vector<128x1xf32>
      %dot_general3A_113 = arith.constant dense<0.000000e+00> : vector<256x1xf32>
      %dot_general3A_114 = tpu.matmul %add3A_109, %get3A_112, %dot_general3A_113 {dimension_numbers = #tpu.dot_dimension_numbers<[1], [0], [0], [1], [0, 0, 1, 1], [], []>, transpose_lhs_hint = false} : vector<256x128xf32>, vector<128x1xf32>, vector<256x1xf32> -> vector<256x1xf32>
      %get3A_115 = arith.constant 0 : index
      %get3A_116 = arith.constant 0 : index
      %get3A_117 = vector.load %arg14[%get3A_115, %get3A_116] : memref<1x1xf32, #tpu.memory_space<vmem>>, vector<1x1xf32>
      %add3A_118 = vector.broadcast %get3A_117 : vector<1x1xf32> to vector<256x1xf32>
      %add3A_119 = arith.addf %dot_general3A_114, %add3A_118 : vector<256x1xf32>
      %swap3A_120 = arith.constant 0 : index
      %swap3A_121 = arith.constant 0 : index
      %swap3A_122 = vector.load %arg15[%swap3A_120, %swap3A_121] : memref<256x1xf32, #tpu.memory_space<vmem>>, vector<256x1xf32>
      tpu.vector_store %arg15[%swap3A_120, %swap3A_121], %add3A_119 {strides = array<i32>} : memref<256x1xf32, #tpu.memory_space<vmem>>, vector<256x1xf32>,
    } else {
    }
    return
  }
  func.func @transform_0(%arg0: i32) -> (i32, i32) {
    %c0_i32 = arith.constant 0 : i32
    %c0_i32_0 = arith.constant 0 : i32
    return %arg0, %c0_i32 : i32, i32
  }
  func.func @transform_1(%arg0: i32) -> (i32, i32) {
    %c0_i32 = arith.constant 0 : i32
    %c0_i32_0 = arith.constant 0 : i32
    return %arg0, %c0_i32 : i32, i32
  }
  func.func @transform_2(%arg0: i32) -> (i32, i32) {
    %c0_i32 = arith.constant 0 : i32
    %c0_i32_0 = arith.constant 0 : i32
    return %arg0, %c0_i32 : i32, i32
  }
  func.func @transform_3(%arg0: i32) -> (i32, i32) {
    %c0_i32 = arith.constant 0 : i32
    %c0_i32_0 = arith.constant 0 : i32
    return %arg0, %c0_i32 : i32, i32
  }
  func.func @transform_4(%arg0: i32) -> (i32, i32) {
    %c0_i32 = arith.constant 0 : i32
    %c0_i32_0 = arith.constant 0 : i32
    return %arg0, %c0_i32 : i32, i32
  }
  func.func @transform_5(%arg0: i32) -> (i32, i32) {
    %c0_i32 = arith.constant 0 : i32
    %c0_i32_0 = arith.constant 0 : i32
    %c0_i32_1 = arith.constant 0 : i32
    return %c0_i32, %c0_i32_0 : i32, i32
  }
  func.func @transform_6(%arg0: i32) -> (i32, i32) {
    %c0_i32 = arith.constant 0 : i32
    %c0_i32_0 = arith.constant 0 : i32
    %c0_i32_1 = arith.constant 0 : i32
    return %c0_i32, %c0_i32_0 : i32, i32
  }
  func.func @transform_7(%arg0: i32) -> (i32, i32) {
    %c0_i32 = arith.constant 0 : i32
    %c0_i32_0 = arith.constant 0 : i32
    %c0_i32_1 = arith.constant 0 : i32
    return %c0_i32, %c0_i32_0 : i32, i32
  }
  func.func @transform_8(%arg0: i32) -> (i32, i32) {
    %c0_i32 = arith.constant 0 : i32
    %c0_i32_0 = arith.constant 0 : i32
    %c0_i32_1 = arith.constant 0 : i32
    return %c0_i32, %c0_i32_0 : i32, i32
  }
  func.func @transform_9(%arg0: i32) -> (i32, i32) {
    %c0_i32 = arith.constant 0 : i32
    %c0_i32_0 = arith.constant 0 : i32
    %c0_i32_1 = arith.constant 0 : i32
    return %c0_i32, %c0_i32_0 : i32, i32
  }
  func.func @transform_10(%arg0: i32) -> (i32, i32) {
    %c0_i32 = arith.constant 0 : i32
    %c0_i32_0 = arith.constant 0 : i32
    %c0_i32_1 = arith.constant 0 : i32
    return %c0_i32, %c0_i32_0 : i32, i32
  }
  func.func @transform_11(%arg0: i32) -> (i32, i32) {
    %c0_i32 = arith.constant 0 : i32
    %c0_i32_0 = arith.constant 0 : i32
    %c0_i32_1 = arith.constant 0 : i32
    return %c0_i32, %c0_i32_0 : i32, i32
  }
  func.func @transform_12(%arg0: i32) -> (i32, i32) {
    %c0_i32 = arith.constant 0 : i32
    %c0_i32_0 = arith.constant 0 : i32
    %c0_i32_1 = arith.constant 0 : i32
    return %c0_i32, %c0_i32_0 : i32, i32
  }
  func.func @transform_13(%arg0: i32) -> (i32, i32) {
    %c0_i32 = arith.constant 0 : i32
    %c0_i32_0 = arith.constant 0 : i32
    %c0_i32_1 = arith.constant 0 : i32
    return %c0_i32, %c0_i32_0 : i32, i32
  }
  func.func @transform_14(%arg0: i32) -> (i32, i32) {
    %c0_i32 = arith.constant 0 : i32
    %c0_i32_0 = arith.constant 0 : i32
    %c0_i32_1 = arith.constant 0 : i32
    return %c0_i32, %c0_i32_0 : i32, i32
  }
}

</mosaic_0001>

<sc_bundles>
// kernel: kernel.17.cloned.1.call-start
scs
__scs_entry_jumppad:
0x0: {  	(pc) =	sbr.rel $0x88, $3  }
0x1: {  	(tag) =	ssettag $0x0;
	lr =	simm.s32 $0x1  }
0x2: {  	[smem:$0x3F8A] =	sst lr;
	_ =	strace $0xD0000000  }
0x3: {  	_ = 	snop  }
0x4: {  	_ = 	snop  }
0x5: {  	_ = 	snop  }
0x6: {  	_ = 	snop  }
0x7: {  	_ = 	snop  }
__scs_overlays_trampoline_lowered:
0x8: {  	[smem:$0x3F99] =	sst s0  }
0x9: {  	[smem:$0x3F9A] =	sst s1  }
0xa: {  	[smem:$0x3F9B] =	sst s2  }
0xb: {  	[smem:$0x3F9C] =	sst s3  }
0xc: {  	[smem:$0x3F9D] =	sst s4  }
0xd: {  	[smem:$0x3F9E] =	sst s5  }
0xe: {  	[smem:$0x3F9F] =	sst s6  }
0xf: {  	[smem:$0x3FA0] =	sst s7  }
0x10: {  	[smem:$0x3FA1] =	sst s8  }
0x11: {  	[smem:$0x3FA2] =	sst s9;
	s0 =	simm.s32 @!p0 $0x0  }
0x12: {  	s1 =	sld [smem:$0x3F88];
	s0 =	simm.s32 @p0 $0x1  }
0x13: {  	[smem:$0x3FA3] =	sst s0;
	s0 =	simm.s32 @!p1 $0x0  }
0x14: {  	s2 =	sld [smem:$0x3F87];
	s0 =	simm.s32 @p1 $0x1  }
0x15: {  	[smem:$0x3FA4] =	sst s0;
	s0 =	simm.s32 @!p2 $0x0  }
0x16: {  	s3 =	sld [smem:$0x3FDB];
	s0 =	simm.s32 @p2 $0x1  }
0x17: {  	s4 =	simm.s32 $0x1BF5;
	[smem:$0x3FA6] =	sst s0  }
0x18: {  	s0 =	sld [smem:$0x3F89];
	_ =	swait.ge [sflag:s4], $0x0  }
0x19: {  	s7 =	sld [smem:$0x3F8A]  }
0x1a: {  	s8 =	sadd.s32 $0xFFFFE003, lr  }
0x1b: {  	s9 =	sadd.s32 $0xFFFFFEF7, lr;
	s5 =	simm.s32 $0xFFFFFFFF;
	p2 =	slt.u32 s8, $0xFFFFF086  }
0x1c: {  	p1 =	slt.u32 s9, $0xF7A;
	s5 =	simm.s32 @!p2 $0x0  }
0x1d: {  	s5 =	simm.s32 @p1 $0x1;
	p0 =	seq.s32 s7, s2  }
0x1e: {  	s7 =	smul.u32 @!p0 $0xF7A, s2;
	p2 =	seq.s32 @!p0 s5, $0x0  }
0x1f: {  	s9 =	smul.u32 $0xF7A, s1;
	s8 =	simm.s32 @!p0 $0x1BF5;
	p2 =	por !p2, p0  }
0x20: {  	[sflag:s8] =	ssyncset.s32 @!p0 $0xFFFFF086;
	s6 =	sadd.s32 @!p0 s3, s7;
	s7 =	simm.s32 @!p0 $0x108  }
0x21: {  	s3 =	sadd.s32 s3, s9;
	s6 =	sadd.s32 @!p0 $0x88, s6;
	s7 =	simm.s32 @p2 $0x1082  }
0x22: {  	[simem:s7], [sflag:s8] =	dma.local @!p0 [hbm:s6], $0xF7A  }
0x23: {  	s9 =	sor.u32 $0xD0000000, s2;
	s6 =	simm.s32 $0x108;
	_ =	swait.ge @!p0 [sflag:s8], $0x0  }
0x24: {  	s3 =	sadd.s32 $0x88, s3;
	s6 =	simm.s32 @!p1 $0x1082;
	[sflag:s4] =	ssyncset.s32 $0xFFFFF086  }
0x25: {  	[simem:s6], [sflag:s4] =	dma.local [hbm:s3], $0xF7A  }
0x26: {  	[smem:$0x3F8A] =	sst s1;
	(tag) =	ssettag s2;
	_ =	strace s9  }
0x27: {  	s1 =	sld [smem:$0x3F9A]  }
0x28: {  	s2 =	sld [smem:$0x3F9B]  }
0x29: {  	s4 =	sld [smem:$0x3F9D]  }
0x2a: {  	p0 =	seq.s32 s5, $0x0;
	s5 =	sld [smem:$0x3F9E]  }
0x2b: {  	s6 =	sld [smem:$0x3F9F]  }
0x2c: {  	s7 =	sld [smem:$0x3FA0]  }
0x2d: {  	s3 =	simm.s32 $0x108;
	s8 =	sld [smem:$0x3FA1]  }
0x2e: {  	s3 =	simm.s32 @!p0 $0x1082;
	s9 =	sld [smem:$0x3FA2]  }
0x2f: {  	lr =	sadd.s32 s0, s3;
	s0 =	sld [smem:$0x3F99]  }
0x30: {  	s3 =	sld [smem:$0x3F9C]  }
0x31: {  	[smem:$0x3FA5] =	sst s10  }
0x32: {  	s10 =	sld [smem:$0x3FA3];
	_ =	sdelay $0x3  }
0x33: {  	p0 =	seq.s32 s10, $0x1;
	s10 =	sld [smem:$0x3FA5];
	_ =	sdelay $0x3  }
0x34: {  	[smem:$0x3FA5] =	sst s10  }
0x35: {  	s10 =	sld [smem:$0x3FA4];
	_ =	sdelay $0x3  }
0x36: {  	p1 =	seq.s32 s10, $0x1;
	s10 =	sld [smem:$0x3FA5];
	_ =	sdelay $0x3  }
0x37: {  	[smem:$0x3FA5] =	sst s10  }
0x38: {  	s10 =	sld [smem:$0x3FA6]  }
0x39: {  	_ = 	snop;
	(pc) =	sbr.ind lr, $3  }
0x3a: {  	_ = 	snop  }
0x3b: {  	_ = 	snop  }
0x3c: {  	p2 =	seq.s32 s10, $0x1;
	s10 =	sld [smem:$0x3FA5]  }
0x3d: {  	_ =	shalt  }
0x3e: {  	_ =	shalt  }
0x3f: {  	_ =	shalt  }
0x40: {  	_ =	shalt  }
0x41: {  	_ =	shalt  }
0x42: {  	_ =	shalt  }
0x43: {  	_ =	shalt  }
0x44: {  	_ =	shalt  }
0x45: {  	_ =	shalt  }
0x46: {  	_ =	shalt  }
0x47: {  	_ =	shalt  }
0x48: {  	_ =	shalt  }
0x49: {  	_ =	shalt  }
0x4a: {  	_ =	shalt  }
0x4b: {  	_ =	shalt  }
0x4c: {  	_ =	shalt  }
0x4d: {  	_ =	shalt  }
0x4e: {  	_ =	shalt  }
0x4f: {  	_ =	shalt  }
0x50: {  	_ =	shalt  }
0x51: {  	_ =	shalt  }
0x52: {  	_ =	shalt  }
0x53: {  	_ =	shalt  }
0x54: {  	_ =	shalt  }
0x55: {  	_ =	shalt  }
0x56: {  	_ =	shalt  }
0x57: {  	_ =	shalt  }
0x58: {  	_ =	shalt  }
0x59: {  	_ =	shalt  }
0x5a: {  	_ =	shalt  }
0x5b: {  	_ =	shalt  }
0x5c: {  	_ =	shalt  }
0x5d: {  	_ =	shalt  }
0x5e: {  	_ =	shalt  }
0x5f: {  	_ =	shalt  }
0x60: {  	_ =	shalt  }
0x61: {  	_ =	shalt  }
0x62: {  	_ =	shalt  }
0x63: {  	_ =	shalt  }
0x64: {  	_ =	shalt  }
0x65: {  	_ =	shalt  }
0x66: {  	_ =	shalt  }
0x67: {  	_ =	shalt  }
0x68: {  	_ =	shalt  }
0x69: {  	_ =	shalt  }
0x6a: {  	_ =	shalt  }
0x6b: {  	_ =	shalt  }
0x6c: {  	_ =	shalt  }
0x6d: {  	_ =	shalt  }
0x6e: {  	_ =	shalt  }
0x6f: {  	_ =	shalt  }
0x70: {  	_ =	shalt  }
0x71: {  	_ =	shalt  }
0x72: {  	_ =	shalt  }
0x73: {  	_ =	shalt  }
0x74: {  	_ =	shalt  }
0x75: {  	_ =	shalt  }
0x76: {  	_ =	shalt  }
0x77: {  	_ =	shalt  }
0x78: {  	_ =	shalt  }
0x79: {  	_ =	shalt  }
0x7a: {  	_ =	shalt  }
0x7b: {  	_ =	shalt  }
0x7c: {  	_ =	shalt  }
0x7d: {  	_ =	shalt  }
0x7e: {  	_ =	shalt  }
0x7f: {  	_ =	shalt  }
0x80: {  	_ =	shalt  }
0x81: {  	_ =	shalt  }
0x82: {  	_ =	shalt  }
0x83: {  	_ =	shalt  }
0x84: {  	_ =	shalt  }
0x85: {  	_ =	shalt  }
0x86: {  	_ =	shalt  }
0x87: {  	_ =	shalt  }
.Lfunc_end0:
.L_simem_size_0:
called_computation_lowered:
.L_overlay_start_0:
0x88: {  	s2 =	sld [smem:$0x3FD9]  }
0x89: {  	s3 =	sld [smem:$0x3FFE];
	_ =	sdelay $0x1  }
0x8a: {  	s1 =	srdreg.scid  }
0x8b: {  	s0 =	sand.u32 $0x1, s1  }
0x8c: {  	s16 =	sshll.u32 s0, $0xA;
	s2 =	sadd.s32 s3, s2  }
0x8d: {  	s2 =	sadd.s32 s2, s16  }
0x8e: {  	[smem:$0x3FB1] =	sst s2  }
0x8f: {  	_ = 	snop  }
0x90: {  	(tm) =	ssettm $0x1  }
0x91: {  	s17 =	sld [smem:$0x3FFB];
	_ =	sdelay $0x3  }
0x92: {  	_ =	strace s17  }
0x93: {  	s2 =	sld [smem:$0x3FFC];
	_ =	sdelay $0x3  }
0x94: {  	_ =	strace s2  }
0x95: {  	s2 =	sld [smem:$0x3FFD];
	_ =	sdelay $0x3  }
0x96: {  	_ =	strace s2  }
0x97: {  	_ =	strace $0x8FFFFFFF  }
0x98: {  	s18 =	sld [smem:$0x3FDB];
	_ =	sdelay $0x1  }
0x99: {  	s19 =	simm.s32 $_scs_section_size  }
0x9a: {  	s4 =	simm.s32 $_size__tile_overlayer_lowered;
	s5 =	simm.s32 $_tile_overlayer_lowered  }
0x9b: {  	s22 =	simm.s32 $0x1BFF;
	s21 =	sshll.u32 s5, $0x1;
	s2 =	sadd.s32 s19, s18  }
0x9c: {  	s6 =	simm.s32 $0x0;
	s20 =	sshll.u32 s4, $0x1;
	s4 =	sadd.s32 s21, s2  }
0x9d: {  	[timem:s6], [sflag:s22] =	dma.local [hbm:s4], s20  }
0x9e: {  	_ =	swait.ge [sflag:s22], s20  }
0x9f: {  	s3 =	ssub.s32 $0x0, s20;
	[sflag:s22] =	ssyncset.done $0x0  }
0xa0: {  	[sflag:s22] =	ssyncadd.s32 s3;
	_ =	sdelay $0x1  }
0xa1: {  	s23 =	simm.s32 $0x1B8B  }
0xa2: {  	_ =	swait.ge [sflag:s23], $0x1  }
0xa3: {  	[sflag:s23] =	ssyncset.done $0x0  }
0xa4: {  	s25 =	simm.s32 $0x1B8E;
	s24 =	sld [smem:$0x3FFE];
	[sflag:s23] =	ssyncadd.s32 $0xFFFFFFFF  }
0xa5: {  	s26 =	simm.s32 $execute0_lowered;
	[smem:$0x3FD2] =	sst s25  }
0xa6: {  	s4 =	sshll.u32 s26, $0x1;
	_ =	strace $0x80000046;
	[dreg:$0x1] =	wrdreg $0xFFFFFFFF  }
0xa7: {  	s28 =	simm.s32 $_size_execute0_lowered;
	s2 =	sadd.s32 s2, s4;
	[dreg:$0x0] =	wrdreg $0x0  }
0xa8: {  	s4 =	sshll.u32 s28, $0x1;
	[dreg:$0x2] =	wrdreg s2  }
0xa9: {  	[dreg:$0x3] =	wrdreg s4  }
0xaa: {  	[dreg:$0x4] =	wrdreg $0xC0  }
0xab: {  	_ =	task [dreg:s6], $0x5FFFF  }
0xac: {  	[dreg:$0x1] =	wrdreg $0xFFFFFFFF  }
0xad: {  	[dreg:$0x0] =	wrdreg $0x60  }
0xae: {  	[dreg:$0x2] =	wrdreg s24  }
0xaf: {  	[dreg:$0x3] =	wrdreg $0x128000  }
0xb0: {  	[dreg:$0x4] =	wrdreg $0x9  }
0xb1: {  	_ =	task.clear_ibuf [dreg:s6], $0x5FFFF;
	_ =	strace $0x90000046  }
0xb2: {  	s29 =	simm.s32 $0x9;
	_ =	strace $0x80000048  }
0xb3: {  	_ =	swait.ge [sflag:s29], $0x1  }
0xb4: {  	[sflag:s29] =	ssyncadd.s32 $0xFFFFFFFF  }
0xb5: {  	_ =	strace $0x90000048  }
0xb6: {  	_ =	sfence  }
0xb7: {  	s30 =	sld [smem:$0x0];
	_ =	sdelay $0x2  }
0xb8: {  	s31 =	sshll.u32 s1, $0xD;
	s1 =	sshrl.u32 s1, $0x2  }
0xb9: {  	s3 =	sand.u32 $0x4000, s31;
	s1 =	sadd.s32 s1, s30  }
0xba: {  	s0 =	sor.u32 s3, s0;
	s1 =	sshll.u32 s1, $0x11  }
0xbb: {  	s0 =	sor.u32 s1, s0  }
0xbc: {  	s0 =	sadd.s32 $0x8F2B, s0  }
0xbd: {  	[sflag:s0] =	ssyncadd.remote.s32 $0x1  }
0xbe: {  	_ =	sfence.sel $0xFFFF  }
0xbf: {  	[dreg:$0x0] =	wrdreg $0xFFFFFFFF;
	(pc) =	sbr.abs _section_cstart, $3  }
0xc0: {  	[dreg:$0x1] =	wrdreg $0xFFFFFFFF  }
0xc1: {  	_ =	task.clear_ibuf [dreg:s6], $0x2FFFF;
	_ =	strace $0x9FFFFFFF  }
0xc2: {  	(tm) =	ssettm $0x7FFFFFFF  }
0xc3: {  	_ =	shalt  }
tec
execute0_lowered:
.L_overlay_start_1:
0x0: {  	(tag) =	ssettag $0x1  }
0x1: {  	s0 =	stileid.u32  }
0x2: {  	s1 =	srdreg.scid;
	s5 =	rddreg [dreg:$0x0]  }
0x3: {  	s2 =	rddreg [dreg:$0x1];
	s1 =	sand.u32 $0x1, s1;
	s3 =	sshll.u32 s0, $0x1  }
0x4: {  	s4 =	smul.u32 $0x9C40, s0;
	s9 =	sadd.s32 $0x50000, s5;
	s10 =	sshll.u32 s0, $0x6  }
0x5: {  	s6 =	sor.u32 s1, s3;
	s3 =	simm.s32 $0x0;
	s25 =	sor.u32 $0x1C05, s10  }
0x6: {  	s7 =	smul.u32 $0x280, s6;
	[smem:$0x7FF] =	sst s3;
	s8 =	sshrl.u32 s4, $0x3  }
0x7: {  	s26 =	smul.u32 $0xA0000, s6;
	s4 =	sadd.s32 s4, s2;
	_ =	strace $0x80000047  }
0x8: {  	s8 =	sadd.s32 s8, s5;
	[dreg:$0x4] =	wrdreg s25;
	s4 =	sshrl.u32 s4, $0x3  }
0x9: {  	s7 =	sadd.s32 s7, s5;
	s8 =	sadd.s32 $0x3C600, s8;
	[dreg:$0x1b] =	wrdreg s4  }
0xa: {  	s6 =	smul.u32 $0x14000, s6;
	[dreg:$0x3] =	wrdreg s8;
	s0 =	sadd.s32 $0x10400, s7  }
0xb: {  	s10 =	sshrl.u32 s26, $0x3;
	s7 =	sadd.s32 $0xB400, s7;
	[dreg:$0x5] =	wrdreg s0  }
0xc: {  	s12 =	sadd.s32 $0x6000, s6;
	s26 =	sadd.s32 s9, s10;
	[dreg:$0x6] =	wrdreg s7  }
0xd: {  	s14 =	sadd.s32 $0xA000, s6;
	s19 =	sadd.s32 s9, s12;
	[dreg:$0x7] =	wrdreg s26  }
0xe: {  	s16 =	sadd.s32 $0xE000, s6;
	s21 =	sadd.s32 s9, s14;
	[dreg:$0xa] =	wrdreg s19  }
0xf: {  	s11 =	sadd.s32 $0x4000, s10;
	s23 =	sadd.s32 s9, s16;
	[dreg:$0xc] =	wrdreg s21  }
0x10: {  	s13 =	sadd.s32 $0x8000, s10;
	s18 =	sadd.s32 s9, s11;
	[dreg:$0xe] =	wrdreg s23  }
0x11: {  	s15 =	sadd.s32 $0xC000, s10;
	s20 =	sadd.s32 s9, s13;
	[dreg:$0x9] =	wrdreg s18  }
0x12: {  	s5 =	sadd.s32 $0x50008, s5;
	s22 =	sadd.s32 s9, s15;
	[dreg:$0xb] =	wrdreg s20  }
0x13: {  	s26 =	sadd.s32 s10, s5;
	[dreg:$0xd] =	wrdreg s22  }
0x14: {  	s8 =	sadd.s32 s11, s5;
	[dreg:$0x11] =	wrdreg s26  }
0x15: {  	s11 =	sadd.s32 s14, s5;
	[dreg:$0x13] =	wrdreg s8  }
0x16: {  	s19 =	simm.s32 $0x300;
	[dreg:$0x16] =	wrdreg s11  }
0x17: {  	s21 =	simm.s32 $0x400;
	[smem:$0x7C0] =	sst s19  }
0x18: {  	s23 =	simm.s32 $0x500;
	[smem:$0x7C2] =	sst s21  }
0x19: {  	s0 =	sor.u32 $0x2000, s6;
	s7 =	simm.s32 $0x880;
	[smem:$0x7C4] =	sst s23  }
0x1a: {  	s6 =	sadd.s32 $0x12000, s6;
	s17 =	sadd.s32 s9, s0;
	[smem:$0x7CB] =	sst s7  }
0x1b: {  	s25 =	sadd.s32 s9, s6;
	[dreg:$0x8] =	wrdreg s17  }
0x1c: {  	s0 =	sadd.s32 s0, s5;
	[dreg:$0x10] =	wrdreg s25  }
0x1d: {  	s18 =	simm.s32 $0x280;
	[dreg:$0x12] =	wrdreg s0  }
0x1e: {  	s20 =	simm.s32 $0x380;
	[dreg:$0x1f] =	wrdreg s18  }
0x1f: {  	s22 =	simm.s32 $0x480;
	[smem:$0x7C1] =	sst s20  }
0x20: {  	s26 =	simm.s32 $0x680;
	[smem:$0x7C3] =	sst s22  }
0x21: {  	s8 =	simm.s32 $0x900;
	[smem:$0x7C7] =	sst s26  }
0x22: {  	s11 =	simm.s32 $0xA80;
	[smem:$0x7CC] =	sst s8  }
0x23: {  	s19 =	simm.s32 $0xE80;
	[smem:$0x7CF] =	sst s11  }
0x24: {  	s21 =	simm.s32 $0xF80;
	[smem:$0x7D7] =	sst s19  }
0x25: {  	s23 =	simm.s32 $0x1080;
	[smem:$0x7D9] =	sst s21  }
0x26: {  	s7 =	simm.s32 $0x1480;
	[smem:$0x7DB] =	sst s23  }
0x27: {  	s17 =	sadd.s32 $0x10000, s10;
	s10 =	sadd.s32 s13, s5;
	[smem:$0x7E2] =	sst s7  }
0x28: {  	s13 =	sadd.s32 s16, s5;
	[dreg:$0x15] =	wrdreg s10  }
0x29: {  	s16 =	simm.s32 $0x180;
	[dreg:$0x18] =	wrdreg s13  }
0x2a: {  	s25 =	simm.s32 $0x600;
	[dreg:$0x1d] =	wrdreg s16  }
0x2b: {  	s0 =	simm.s32 $0x700;
	[smem:$0x7C6] =	sst s25  }
0x2c: {  	s18 =	simm.s32 $0xE00;
	[smem:$0x7C8] =	sst s0  }
0x2d: {  	s20 =	simm.s32 $0xF00;
	[smem:$0x7D6] =	sst s18  }
0x2e: {  	s22 =	simm.s32 $0x1000;
	[smem:$0x7D8] =	sst s20  }
0x2f: {  	s26 =	simm.s32 $0x1200;
	[smem:$0x7DA] =	sst s22  }
0x30: {  	s8 =	simm.s32 $0x1500;
	[smem:$0x7DE] =	sst s26  }
0x31: {  	s11 =	simm.s32 $0x1680;
	[smem:$0x7E3] =	sst s8  }
0x32: {  	s19 =	simm.s32 $0x1A80;
	[smem:$0x7E6] =	sst s11  }
0x33: {  	s21 =	simm.s32 $0x1B80;
	[smem:$0x7EE] =	sst s19  }
0x34: {  	s23 =	simm.s32 $0x1C80;
	[smem:$0x7F0] =	sst s21  }
0x35: {  	s7 =	simm.s32 $0x2000;
	[smem:$0x7F2] =	sst s23  }
0x36: {  	[smem:$0x7F9] =	sst s7  }
0x37: {  	s24 =	sadd.s32 s9, s17;
	s11 =	rddreg [dreg:$0x4]  }
0x38: {  	s9 =	sadd.s32 s12, s5;
	[dreg:$0xf] =	wrdreg s24  }
0x39: {  	s12 =	sadd.s32 s15, s5;
	[dreg:$0x14] =	wrdreg s9  }
0x3a: {  	s14 =	sadd.s32 s17, s5;
	[dreg:$0x17] =	wrdreg s12  }
0x3b: {  	s5 =	sadd.s32 s6, s5;
	[dreg:$0x19] =	wrdreg s14  }
0x3c: {  	s15 =	simm.s32 $0x100;
	[dreg:$0x1a] =	wrdreg s5  }
0x3d: {  	s17 =	simm.s32 $0x200;
	[dreg:$0x1c] =	wrdreg s15  }
0x3e: {  	s6 =	simm.s32 $0x800;
	[dreg:$0x1e] =	wrdreg s17  }
0x3f: {  	s10 =	simm.s32 $0xA00;
	[smem:$0x7CA] =	sst s6  }
0x40: {  	s13 =	simm.s32 $0xB80;
	[smem:$0x7CE] =	sst s10  }
0x41: {  	s16 =	simm.s32 $0xD00;
	[smem:$0x7D1] =	sst s13  }
0x42: {  	s25 =	simm.s32 $0x1180;
	[smem:$0x7D4] =	sst s16  }
0x43: {  	s0 =	simm.s32 $0x1280;
	[smem:$0x7DD] =	sst s25  }
0x44: {  	s18 =	simm.s32 $0x1A00;
	[smem:$0x7DF] =	sst s0  }
0x45: {  	s20 =	simm.s32 $0x1B00;
	[smem:$0x7ED] =	sst s18  }
0x46: {  	s22 =	simm.s32 $0x1C00;
	[smem:$0x7EF] =	sst s20  }
0x47: {  	s26 =	simm.s32 $0x1E00;
	[smem:$0x7F1] =	sst s22  }
0x48: {  	s8 =	simm.s32 $0x2080;
	[smem:$0x7F5] =	sst s26  }
0x49: {  	s24 =	simm.s32 $0x580;
	[smem:$0x7FA] =	sst s8  }
0x4a: {  	s5 =	simm.s32 $0x780;
	[smem:$0x7C5] =	sst s24  }
0x4b: {  	s9 =	simm.s32 $0x980;
	[smem:$0x7C9] =	sst s5  }
0x4c: {  	s12 =	simm.s32 $0xB00;
	[smem:$0x7CD] =	sst s9  }
0x4d: {  	s14 =	simm.s32 $0xC00;
	[smem:$0x7D0] =	sst s12  }
0x4e: {  	s15 =	simm.s32 $0xC80;
	[smem:$0x7D2] =	sst s14  }
0x4f: {  	s17 =	simm.s32 $0xD80;
	[smem:$0x7D3] =	sst s15  }
0x50: {  	s6 =	simm.s32 $0x1380;
	[smem:$0x7D5] =	sst s17  }
0x51: {  	s10 =	simm.s32 $0x1600;
	[smem:$0x7E1] =	sst s6  }
0x52: {  	s13 =	simm.s32 $0x1780;
	[smem:$0x7E5] =	sst s10  }
0x53: {  	s16 =	simm.s32 $0x1900;
	[smem:$0x7E8] =	sst s13  }
0x54: {  	s25 =	simm.s32 $0x1D80;
	[smem:$0x7EB] =	sst s16  }
0x55: {  	s0 =	simm.s32 $0x1E80;
	[smem:$0x7F4] =	sst s25  }
0x56: {  	[smem:$0x7F6] =	sst s0  }
0x57: {  	s10 =	rddreg [dreg:$0x1b]  }
0x58: {  	s24 =	simm.s32 $0x1100;
	s13 =	rddreg [dreg:$0x3]  }
0x59: {  	s5 =	simm.s32 $0x1300;
	[smem:$0x7DC] =	sst s24  }
0x5a: {  	s9 =	simm.s32 $0x1580;
	[smem:$0x7E0] =	sst s5  }
0x5b: {  	s12 =	simm.s32 $0x1700;
	[smem:$0x7E4] =	sst s9  }
0x5c: {  	s14 =	simm.s32 $0x1800;
	[smem:$0x7E7] =	sst s12  }
0x5d: {  	s15 =	simm.s32 $0x1880;
	[smem:$0x7E9] =	sst s14  }
0x5e: {  	s17 =	simm.s32 $0x1980;
	[smem:$0x7EA] =	sst s15  }
0x5f: {  	s6 =	simm.s32 $0x1F80;
	[smem:$0x7EC] =	sst s17  }
0x60: {  	s24 =	simm.s32 $0x1D00;
	[smem:$0x7F8] =	sst s6  }
0x61: {  	s5 =	simm.s32 $0x1F00;
	[smem:$0x7F3] =	sst s24  }
0x62: {  	s9 =	simm.s32 $0x2100;
	[smem:$0x7F7] =	sst s5  }
0x63: {  	s12 =	simm.s32 $0x2180;
	[smem:$0x7FB] =	sst s9  }
0x64: {  	s14 =	simm.s32 $0x2200;
	[smem:$0x7FC] =	sst s12  }
0x65: {  	s4 =	simm.s32 $0x5;
	[smem:$0x7FD] =	sst s14  }
0x66: {  	[spmem:s10], [sflag:s11] =	dma.local [hbm:s13], $0x1388  }
0x67: {  	_ =	swait.ge [sflag:s4], $0x1388  }
0x68: {  	[sflag:s4] =	ssyncset.done $0x0  }
0x69: {  	s15 =	rddreg [dreg:$0x5];
	[sflag:s4] =	ssyncadd.s32 $0xFFFFEC78  }
0x6a: {  	[tilespmem:s3], [sflag:$0x5] =	stream.linear.gather [hbm4b:s15+s3], $0x1400, $0x38;
	[tilespmem:$0x1C440] =	vst v63  }
0x6b: {  	_ =	swait.ge [sflag:s4], $0x1400  }
0x6c: {  	[sflag:s4] =	ssyncset.done $0x0  }
0x6d: {  	s5 =	simm.s32 $0x1400;
	s16 =	rddreg [dreg:$0x6];
	[sflag:s4] =	ssyncadd.s32 $0xFFFFEC00  }
0x6e: {  	[tilespmem:s5], [sflag:$0x5] =	stream.linear.gather [hbm4b:s16+s3], $0x1400, $0x38;
	[tilespmem:$0x1C440] =	vst v63  }
0x6f: {  	_ =	swait.ge [sflag:s4], $0x1400  }
0x70: {  	[sflag:s4] =	ssyncset.done $0x0  }
0x71: {  	[sflag:s4] =	ssyncadd.s32 $0xFFFFEC00  }
0x72: {  	s7 =	simm.s32 $0x2800;
	s6 =	simm.s32 $0x80;
	[bflag:$0x0] =	sbarrier.arrive $0xFFFF  }
0x73: {  	[tilespmem:s7], [sflag:$0x1] =	stream.indirect.gather [spmem:s2], $0x40, s3, s6, $0xb8;
	[tilespmem:$0x1C440] =	vst v63  }
0x74: {  	s8 =	simm.s32 $0x4800;
	s17 =	rddreg [dreg:$0x1c]  }
0x75: {  	[tilespmem:s8], [sflag:$0x1] =	stream.indirect.gather [spmem:s2], $0x40, s6, s6, $0xb8;
	[tilespmem:$0x1C440] =	vst v63  }
0x76: {  	s9 =	simm.s32 $0x6800;
	s18 =	rddreg [dreg:$0x1d]  }
0x77: {  	[tilespmem:s9], [sflag:$0x1] =	stream.indirect.gather [spmem:s2], $0x40, s17, s6, $0xb8;
	[tilespmem:$0x1C440] =	vst v63  }
0x78: {  	s10 =	simm.s32 $0x8800;
	s19 =	rddreg [dreg:$0x1e]  }
0x79: {  	[tilespmem:s10], [sflag:$0x1] =	stream.indirect.gather [spmem:s2], $0x40, s18, s6, $0xb8;
	[tilespmem:$0x1C440] =	vst v63  }
0x7a: {  	s11 =	simm.s32 $0xA800;
	s20 =	rddreg [dreg:$0x1f]  }
0x7b: {  	[tilespmem:s11], [sflag:$0x2] =	stream.indirect.gather [spmem:s2], $0x40, s19, s6, $0xb8;
	[tilespmem:$0x1C440] =	vst v63  }
0x7c: {  	s12 =	simm.s32 $0xC800;
	s21 =	sld [smem:$0x7C0]  }
0x7d: {  	[tilespmem:s12], [sflag:$0x2] =	stream.indirect.gather [spmem:s2], $0x40, s20, s6, $0xb8;
	[tilespmem:$0x1C440] =	vst v63  }
0x7e: {  	s13 =	simm.s32 $0xE800;
	s22 =	sld [smem:$0x7C1]  }
0x7f: {  	[tilespmem:s13], [sflag:$0x2] =	stream.indirect.gather [spmem:s2], $0x40, s21, s6, $0xb8;
	[tilespmem:$0x1C440] =	vst v63  }
0x80: {  	s14 =	simm.s32 $0x10800;
	s15 =	simm.s32 $0x1  }
0x81: {  	[tilespmem:s14], [sflag:$0x2] =	stream.indirect.gather [spmem:s2], $0x40, s22, s6, $0xb8;
	[tilespmem:$0x1C440] =	vst v63  }
0x82: {  	_ =	swait.ge [sflag:s15], $0x8000  }
0x83: {  	s16 =	simm.s32 $0x40;
	[sflag:s15] =	ssyncset.done $0x0  }
0x84: {  	s17 =	simm.s32 $0x3;
	s18 =	rddreg [dreg:$0x7];
	[sflag:s15] =	ssyncadd.s32 $0xFFFF8000  }
0x85: {  	[hbm4b:s18+s16] =	stream.strided.scatter [tilespmem:s7], [sflag:$0x3], $0x8000, s6, s16, $0x38;
	[tilespmem:$0x1C440] =	vst v63  }
0x86: {  	_ =	swait.ge [sflag:s17], $0x8000  }
0x87: {  	s23 =	sld [smem:$0x7C2]  }
0x88: {  	[sflag:s17] =	ssyncset.done $0x0  }
0x89: {  	s19 =	sld [smem:$0x7C3];
	[sflag:s17] =	ssyncadd.s32 $0xFFFF8000  }
0x8a: {  	[tilespmem:s7], [sflag:$0x1] =	stream.indirect.gather [spmem:s2], $0x40, s23, s6, $0xb8;
	[tilespmem:$0x1C440] =	vst v63  }
0x8b: {  	s24 =	sld [smem:$0x7C4]  }
0x8c: {  	[tilespmem:s8], [sflag:$0x1] =	stream.indirect.gather [spmem:s2], $0x40, s19, s6, $0xb8;
	[tilespmem:$0x1C440] =	vst v63  }
0x8d: {  	s25 =	sld [smem:$0x7C5]  }
0x8e: {  	[tilespmem:s9], [sflag:$0x1] =	stream.indirect.gather [spmem:s2], $0x40, s24, s6, $0xb8;
	[tilespmem:$0x1C440] =	vst v63  }
0x8f: {  	s18 =	simm.s32 $0x2  }
0x90: {  	[tilespmem:s10], [sflag:$0x1] =	stream.indirect.gather [spmem:s2], $0x40, s25, s6, $0xb8;
	[tilespmem:$0x1C440] =	vst v63  }
0x91: {  	_ =	swait.ge [sflag:s18], $0x8000  }
0x92: {  	[sflag:s18] =	ssyncset.done $0x0  }
0x93: {  	s19 =	simm.s32 $0x4;
	s20 =	rddreg [dreg:$0x8];
	[sflag:s18] =	ssyncadd.s32 $0xFFFF8000  }
0x94: {  	[hbm4b:s20+s16] =	stream.strided.scatter [tilespmem:s11], [sflag:$0x4], $0x8000, s6, s16, $0x38;
	[tilespmem:$0x1C440] =	vst v63  }
0x95: {  	_ =	swait.ge [sflag:s19], $0x8000  }
0x96: {  	s26 =	sld [smem:$0x7C6]  }
0x97: {  	[sflag:s19] =	ssyncset.done $0x0  }
0x98: {  	s21 =	sld [smem:$0x7C7];
	[sflag:s19] =	ssyncadd.s32 $0xFFFF8000  }
0x99: {  	[tilespmem:s11], [sflag:$0x2] =	stream.indirect.gather [spmem:s2], $0x40, s26, s6, $0xb8;
	[tilespmem:$0x1C440] =	vst v63  }
0x9a: {  	s0 =	sld [smem:$0x7C8]  }
0x9b: {  	[tilespmem:s12], [sflag:$0x2] =	stream.indirect.gather [spmem:s2], $0x40, s21, s6, $0xb8;
	[tilespmem:$0x1C440] =	vst v63  }
0x9c: {  	s22 =	sld [smem:$0x7C9]  }
0x9d: {  	[tilespmem:s13], [sflag:$0x2] =	stream.indirect.gather [spmem:s2], $0x40, s0, s6, $0xb8;
	[tilespmem:$0x1C440] =	vst v63  }
0x9e: {  	_ = 	snop  }
0x9f: {  	[tilespmem:s14], [sflag:$0x2] =	stream.indirect.gather [spmem:s2], $0x40, s22, s6, $0xb8;
	[tilespmem:$0x1C440] =	vst v63  }
0xa0: {  	_ =	swait.ge [sflag:s15], $0x8000  }
0xa1: {  	[sflag:s15] =	ssyncset.done $0x0  }
0xa2: {  	s23 =	rddreg [dreg:$0x9];
	[sflag:s15] =	ssyncadd.s32 $0xFFFF8000  }
0xa3: {  	[hbm4b:s23+s16] =	stream.strided.scatter [tilespmem:s7], [sflag:$0x3], $0x8000, s6, s16, $0x38;
	[tilespmem:$0x1C440] =	vst v63  }
0xa4: {  	_ =	swait.ge [sflag:s17], $0x8000  }
0xa5: {  	s24 =	sld [smem:$0x7CA]  }
0xa6: {  	[sflag:s17] =	ssyncset.done $0x0  }
0xa7: {  	s25 =	sld [smem:$0x7CB];
	[sflag:s17] =	ssyncadd.s32 $0xFFFF8000  }
0xa8: {  	[tilespmem:s7], [sflag:$0x1] =	stream.indirect.gather [spmem:s2], $0x40, s24, s6, $0xb8;
	[tilespmem:$0x1C440] =	vst v63  }
0xa9: {  	s26 =	sld [smem:$0x7CC]  }
0xaa: {  	[tilespmem:s8], [sflag:$0x1] =	stream.indirect.gather [spmem:s2], $0x40, s25, s6, $0xb8;
	[tilespmem:$0x1C440] =	vst v63  }
0xab: {  	s0 =	sld [smem:$0x7CD]  }
0xac: {  	[tilespmem:s9], [sflag:$0x1] =	stream.indirect.gather [spmem:s2], $0x40, s26, s6, $0xb8;
	[tilespmem:$0x1C440] =	vst v63  }
0xad: {  	_ = 	snop  }
0xae: {  	[tilespmem:s10], [sflag:$0x1] =	stream.indirect.gather [spmem:s2], $0x40, s0, s6, $0xb8;
	[tilespmem:$0x1C440] =	vst v63  }
0xaf: {  	_ =	swait.ge [sflag:s18], $0x8000  }
0xb0: {  	[sflag:s18] =	ssyncset.done $0x0  }
0xb1: {  	s22 =	rddreg [dreg:$0xa];
	[sflag:s18] =	ssyncadd.s32 $0xFFFF8000  }
0xb2: {  	[hbm4b:s22+s16] =	stream.strided.scatter [tilespmem:s11], [sflag:$0x4], $0x8000, s6, s16, $0x38;
	[tilespmem:$0x1C440] =	vst v63  }
0xb3: {  	_ =	swait.ge [sflag:s19], $0x8000  }
0xb4: {  	s23 =	sld [smem:$0x7CE]  }
0xb5: {  	[sflag:s19] =	ssyncset.done $0x0  }
0xb6: {  	s24 =	sld [smem:$0x7CF];
	[sflag:s19] =	ssyncadd.s32 $0xFFFF8000  }
0xb7: {  	[tilespmem:s11], [sflag:$0x2] =	stream.indirect.gather [spmem:s2], $0x40, s23, s6, $0xb8;
	[tilespmem:$0x1C440] =	vst v63  }
0xb8: {  	s25 =	sld [smem:$0x7D0]  }
0xb9: {  	[tilespmem:s12], [sflag:$0x2] =	stream.indirect.gather [spmem:s2], $0x40, s24, s6, $0xb8;
	[tilespmem:$0x1C440] =	vst v63  }
0xba: {  	s26 =	sld [smem:$0x7D1]  }
0xbb: {  	[tilespmem:s13], [sflag:$0x2] =	stream.indirect.gather [spmem:s2], $0x40, s25, s6, $0xb8;
	[tilespmem:$0x1C440] =	vst v63  }
0xbc: {  	_ = 	snop  }
0xbd: {  	[tilespmem:s14], [sflag:$0x2] =	stream.indirect.gather [spmem:s2], $0x40, s26, s6, $0xb8;
	[tilespmem:$0x1C440] =	vst v63  }
0xbe: {  	_ =	swait.ge [sflag:s15], $0x8000  }
0xbf: {  	[sflag:s15] =	ssyncset.done $0x0  }
0xc0: {  	s0 =	rddreg [dreg:$0xb];
	[sflag:s15] =	ssyncadd.s32 $0xFFFF8000  }
0xc1: {  	[hbm4b:s0+s16] =	stream.strided.scatter [tilespmem:s7], [sflag:$0x3], $0x8000, s6, s16, $0x38;
	[tilespmem:$0x1C440] =	vst v63  }
0xc2: {  	_ =	swait.ge [sflag:s17], $0x8000  }
0xc3: {  	s21 =	sld [smem:$0x7D2]  }
0xc4: {  	[sflag:s17] =	ssyncset.done $0x0  }
0xc5: {  	s22 =	sld [smem:$0x7D3];
	[sflag:s17] =	ssyncadd.s32 $0xFFFF8000  }
0xc6: {  	[tilespmem:s7], [sflag:$0x1] =	stream.indirect.gather [spmem:s2], $0x40, s21, s6, $0xb8;
	[tilespmem:$0x1C440] =	vst v63  }
0xc7: {  	s23 =	sld [smem:$0x7D4]  }
0xc8: {  	[tilespmem:s8], [sflag:$0x1] =	stream.indirect.gather [spmem:s2], $0x40, s22, s6, $0xb8;
	[tilespmem:$0x1C440] =	vst v63  }
0xc9: {  	s24 =	sld [smem:$0x7D5]  }
0xca: {  	[tilespmem:s9], [sflag:$0x1] =	stream.indirect.gather [spmem:s2], $0x40, s23, s6, $0xb8;
	[tilespmem:$0x1C440] =	vst v63  }
0xcb: {  	_ = 	snop  }
0xcc: {  	[tilespmem:s10], [sflag:$0x1] =	stream.indirect.gather [spmem:s2], $0x40, s24, s6, $0xb8;
	[tilespmem:$0x1C440] =	vst v63  }
0xcd: {  	_ =	swait.ge [sflag:s18], $0x8000  }
0xce: {  	[sflag:s18] =	ssyncset.done $0x0  }
0xcf: {  	s25 =	rddreg [dreg:$0xc];
	[sflag:s18] =	ssyncadd.s32 $0xFFFF8000  }
0xd0: {  	[hbm4b:s25+s16] =	stream.strided.scatter [tilespmem:s11], [sflag:$0x4], $0x8000, s6, s16, $0x38;
	[tilespmem:$0x1C440] =	vst v63  }
0xd1: {  	_ =	swait.ge [sflag:s19], $0x8000  }
0xd2: {  	s26 =	sld [smem:$0x7D6]  }
0xd3: {  	[sflag:s19] =	ssyncset.done $0x0  }
0xd4: {  	s0 =	sld [smem:$0x7D7];
	[sflag:s19] =	ssyncadd.s32 $0xFFFF8000  }
0xd5: {  	[tilespmem:s11], [sflag:$0x2] =	stream.indirect.gather [spmem:s2], $0x40, s26, s6, $0xb8;
	[tilespmem:$0x1C440] =	vst v63  }
0xd6: {  	s22 =	sld [smem:$0x7D8]  }
0xd7: {  	[tilespmem:s12], [sflag:$0x2] =	stream.indirect.gather [spmem:s2], $0x40, s0, s6, $0xb8;
	[tilespmem:$0x1C440] =	vst v63  }
0xd8: {  	s23 =	sld [smem:$0x7D9]  }
0xd9: {  	[tilespmem:s13], [sflag:$0x2] =	stream.indirect.gather [spmem:s2], $0x40, s22, s6, $0xb8;
	[tilespmem:$0x1C440] =	vst v63  }
0xda: {  	_ = 	snop  }
0xdb: {  	[tilespmem:s14], [sflag:$0x2] =	stream.indirect.gather [spmem:s2], $0x40, s23, s6, $0xb8;
	[tilespmem:$0x1C440] =	vst v63  }
0xdc: {  	_ =	swait.ge [sflag:s15], $0x8000  }
0xdd: {  	[sflag:s15] =	ssyncset.done $0x0  }
0xde: {  	s24 =	rddreg [dreg:$0xd];
	[sflag:s15] =	ssyncadd.s32 $0xFFFF8000  }
0xdf: {  	[hbm4b:s24+s16] =	stream.strided.scatter [tilespmem:s7], [sflag:$0x3], $0x8000, s6, s16, $0x38;
	[tilespmem:$0x1C440] =	vst v63  }
0xe0: {  	_ =	swait.ge [sflag:s17], $0x8000  }
0xe1: {  	s25 =	sld [smem:$0x7DA]  }
0xe2: {  	[sflag:s17] =	ssyncset.done $0x0  }
0xe3: {  	s26 =	sld [smem:$0x7DB];
	[sflag:s17] =	ssyncadd.s32 $0xFFFF8000  }
0xe4: {  	[tilespmem:s7], [sflag:$0x1] =	stream.indirect.gather [spmem:s2], $0x40, s25, s6, $0xb8;
	[tilespmem:$0x1C440] =	vst v63  }
0xe5: {  	s0 =	sld [smem:$0x7DC]  }
0xe6: {  	[tilespmem:s8], [sflag:$0x1] =	stream.indirect.gather [spmem:s2], $0x40, s26, s6, $0xb8;
	[tilespmem:$0x1C440] =	vst v63  }
0xe7: {  	s22 =	sld [smem:$0x7DD]  }
0xe8: {  	[tilespmem:s9], [sflag:$0x1] =	stream.indirect.gather [spmem:s2], $0x40, s0, s6, $0xb8;
	[tilespmem:$0x1C440] =	vst v63  }
0xe9: {  	_ = 	snop  }
0xea: {  	[tilespmem:s10], [sflag:$0x1] =	stream.indirect.gather [spmem:s2], $0x40, s22, s6, $0xb8;
	[tilespmem:$0x1C440] =	vst v63  }
0xeb: {  	_ =	swait.ge [sflag:s18], $0x8000  }
0xec: {  	[sflag:s18] =	ssyncset.done $0x0  }
0xed: {  	s23 =	rddreg [dreg:$0xe];
	[sflag:s18] =	ssyncadd.s32 $0xFFFF8000  }
0xee: {  	[hbm4b:s23+s16] =	stream.strided.scatter [tilespmem:s11], [sflag:$0x4], $0x8000, s6, s16, $0x38;
	[tilespmem:$0x1C440] =	vst v63  }
0xef: {  	_ =	swait.ge [sflag:s19], $0x8000  }
0xf0: {  	s24 =	sld [smem:$0x7DE]  }
0xf1: {  	[sflag:s19] =	ssyncset.done $0x0  }
0xf2: {  	s25 =	sld [smem:$0x7DF];
	[sflag:s19] =	ssyncadd.s32 $0xFFFF8000  }
0xf3: {  	[tilespmem:s11], [sflag:$0x2] =	stream.indirect.gather [spmem:s2], $0x40, s24, s6, $0xb8;
	[tilespmem:$0x1C440] =	vst v63  }
0xf4: {  	s26 =	sld [smem:$0x7E0]  }
0xf5: {  	[tilespmem:s12], [sflag:$0x2] =	stream.indirect.gather [spmem:s2], $0x40, s25, s6, $0xb8;
	[tilespmem:$0x1C440] =	vst v63  }
0xf6: {  	s0 =	sld [smem:$0x7E1]  }
0xf7: {  	[tilespmem:s13], [sflag:$0x2] =	stream.indirect.gather [spmem:s2], $0x40, s26, s6, $0xb8;
	[tilespmem:$0x1C440] =	vst v63  }
0xf8: {  	_ = 	snop  }
0xf9: {  	[tilespmem:s14], [sflag:$0x2] =	stream.indirect.gather [spmem:s2], $0x40, s0, s6, $0xb8;
	[tilespmem:$0x1C440] =	vst v63  }
0xfa: {  	_ =	swait.ge [sflag:s15], $0x8000  }
0xfb: {  	[sflag:s15] =	ssyncset.done $0x0  }
0xfc: {  	s21 =	rddreg [dreg:$0xf];
	[sflag:s15] =	ssyncadd.s32 $0xFFFF8000  }
0xfd: {  	[hbm4b:s21+s16] =	stream.strided.scatter [tilespmem:s7], [sflag:$0x3], $0x8000, s6, s16, $0x38;
	[tilespmem:$0x1C440] =	vst v63  }
0xfe: {  	_ =	swait.ge [sflag:s17], $0x8000  }
0xff: {  	[sflag:s17] =	ssyncset.done $0x0  }
0x100: {  	[sflag:s17] =	ssyncadd.s32 $0xFFFF8000  }
0x101: {  	_ =	swait.ge [sflag:s18], $0x8000  }
0x102: {  	[sflag:s18] =	ssyncset.done $0x0  }
0x103: {  	s22 =	rddreg [dreg:$0x10];
	[sflag:s18] =	ssyncadd.s32 $0xFFFF8000  }
0x104: {  	[hbm4b:s22+s16] =	stream.strided.scatter [tilespmem:s11], [sflag:$0x4], $0x8000, s6, s16, $0x38;
	[tilespmem:$0x1C440] =	vst v63  }
0x105: {  	_ =	swait.ge [sflag:s19], $0x8000  }
0x106: {  	[sflag:s19] =	ssyncset.done $0x0  }
0x107: {  	s23 =	sld [smem:$0x7E2];
	[sflag:s19] =	ssyncadd.s32 $0xFFFF8000  }
0x108: {  	[tilespmem:s7], [sflag:$0x1] =	stream.indirect.gather [spmem:s2], $0x40, s5, s6, $0xb8;
	[tilespmem:$0x1C440] =	vst v63  }
0x109: {  	s24 =	sld [smem:$0x7E3]  }
0x10a: {  	[tilespmem:s8], [sflag:$0x1] =	stream.indirect.gather [spmem:s2], $0x40, s23, s6, $0xb8;
	[tilespmem:$0x1C440] =	vst v63  }
0x10b: {  	s25 =	sld [smem:$0x7E4]  }
0x10c: {  	[tilespmem:s9], [sflag:$0x1] =	stream.indirect.gather [spmem:s2], $0x40, s24, s6, $0xb8;
	[tilespmem:$0x1C440] =	vst v63  }
0x10d: {  	s26 =	sld [smem:$0x7E5]  }
0x10e: {  	[tilespmem:s10], [sflag:$0x1] =	stream.indirect.gather [spmem:s2], $0x40, s25, s6, $0xb8;
	[tilespmem:$0x1C440] =	vst v63  }
0x10f: {  	s0 =	sld [smem:$0x7E6]  }
0x110: {  	[tilespmem:s11], [sflag:$0x2] =	stream.indirect.gather [spmem:s2], $0x40, s26, s6, $0xb8;
	[tilespmem:$0x1C440] =	vst v63  }
0x111: {  	s22 =	sld [smem:$0x7E7]  }
0x112: {  	[tilespmem:s12], [sflag:$0x2] =	stream.indirect.gather [spmem:s2], $0x40, s0, s6, $0xb8;
	[tilespmem:$0x1C440] =	vst v63  }
0x113: {  	s23 =	sld [smem:$0x7E8]  }
0x114: {  	[tilespmem:s13], [sflag:$0x2] =	stream.indirect.gather [spmem:s2], $0x40, s22, s6, $0xb8;
	[tilespmem:$0x1C440] =	vst v63  }
0x115: {  	_ = 	snop  }
0x116: {  	[tilespmem:s14], [sflag:$0x2] =	stream.indirect.gather [spmem:s2], $0x40, s23, s6, $0xb8;
	[tilespmem:$0x1C440] =	vst v63  }
0x117: {  	_ =	swait.ge [sflag:s15], $0x8000  }
0x118: {  	[sflag:s15] =	ssyncset.done $0x0  }
0x119: {  	s24 =	rddreg [dreg:$0x11];
	[sflag:s15] =	ssyncadd.s32 $0xFFFF8000  }
0x11a: {  	[hbm4b:s24+s16] =	stream.strided.scatter [tilespmem:s7], [sflag:$0x3], $0x8000, s6, s16, $0x38;
	[tilespmem:$0x1C440] =	vst v63  }
0x11b: {  	_ =	swait.ge [sflag:s17], $0x8000  }
0x11c: {  	s25 =	sld [smem:$0x7E9]  }
0x11d: {  	[sflag:s17] =	ssyncset.done $0x0  }
0x11e: {  	s26 =	sld [smem:$0x7EA];
	[sflag:s17] =	ssyncadd.s32 $0xFFFF8000  }
0x11f: {  	[tilespmem:s7], [sflag:$0x1] =	stream.indirect.gather [spmem:s2], $0x40, s25, s6, $0xb8;
	[tilespmem:$0x1C440] =	vst v63  }
0x120: {  	s0 =	sld [smem:$0x7EB]  }
0x121: {  	[tilespmem:s8], [sflag:$0x1] =	stream.indirect.gather [spmem:s2], $0x40, s26, s6, $0xb8;
	[tilespmem:$0x1C440] =	vst v63  }
0x122: {  	s22 =	sld [smem:$0x7EC]  }
0x123: {  	[tilespmem:s9], [sflag:$0x1] =	stream.indirect.gather [spmem:s2], $0x40, s0, s6, $0xb8;
	[tilespmem:$0x1C440] =	vst v63  }
0x124: {  	_ = 	snop  }
0x125: {  	[tilespmem:s10], [sflag:$0x1] =	stream.indirect.gather [spmem:s2], $0x40, s22, s6, $0xb8;
	[tilespmem:$0x1C440] =	vst v63  }
0x126: {  	_ =	swait.ge [sflag:s18], $0x8000  }
0x127: {  	[sflag:s18] =	ssyncset.done $0x0  }
0x128: {  	s23 =	rddreg [dreg:$0x12];
	[sflag:s18] =	ssyncadd.s32 $0xFFFF8000  }
0x129: {  	[hbm4b:s23+s16] =	stream.strided.scatter [tilespmem:s11], [sflag:$0x4], $0x8000, s6, s16, $0x38;
	[tilespmem:$0x1C440] =	vst v63  }
0x12a: {  	_ =	swait.ge [sflag:s19], $0x8000  }
0x12b: {  	s24 =	sld [smem:$0x7ED]  }
0x12c: {  	[sflag:s19] =	ssyncset.done $0x0  }
0x12d: {  	s25 =	sld [smem:$0x7EE];
	[sflag:s19] =	ssyncadd.s32 $0xFFFF8000  }
0x12e: {  	[tilespmem:s11], [sflag:$0x2] =	stream.indirect.gather [spmem:s2], $0x40, s24, s6, $0xb8;
	[tilespmem:$0x1C440] =	vst v63  }
0x12f: {  	s26 =	sld [smem:$0x7EF]  }
0x130: {  	[tilespmem:s12], [sflag:$0x2] =	stream.indirect.gather [spmem:s2], $0x40, s25, s6, $0xb8;
	[tilespmem:$0x1C440] =	vst v63  }
0x131: {  	s0 =	sld [smem:$0x7F0]  }
0x132: {  	[tilespmem:s13], [sflag:$0x2] =	stream.indirect.gather [spmem:s2], $0x40, s26, s6, $0xb8;
	[tilespmem:$0x1C440] =	vst v63  }
0x133: {  	_ = 	snop  }
0x134: {  	[tilespmem:s14], [sflag:$0x2] =	stream.indirect.gather [spmem:s2], $0x40, s0, s6, $0xb8;
	[tilespmem:$0x1C440] =	vst v63  }
0x135: {  	_ =	swait.ge [sflag:s15], $0x8000  }
0x136: {  	[sflag:s15] =	ssyncset.done $0x0  }
0x137: {  	s22 =	rddreg [dreg:$0x13];
	[sflag:s15] =	ssyncadd.s32 $0xFFFF8000  }
0x138: {  	[hbm4b:s22+s16] =	stream.strided.scatter [tilespmem:s7], [sflag:$0x3], $0x8000, s6, s16, $0x38;
	[tilespmem:$0x1C440] =	vst v63  }
0x139: {  	_ =	swait.ge [sflag:s17], $0x8000  }
0x13a: {  	s23 =	sld [smem:$0x7F1]  }
0x13b: {  	[sflag:s17] =	ssyncset.done $0x0  }
0x13c: {  	s24 =	sld [smem:$0x7F2];
	[sflag:s17] =	ssyncadd.s32 $0xFFFF8000  }
0x13d: {  	[tilespmem:s7], [sflag:$0x1] =	stream.indirect.gather [spmem:s2], $0x40, s23, s6, $0xb8;
	[tilespmem:$0x1C440] =	vst v63  }
0x13e: {  	s25 =	sld [smem:$0x7F3]  }
0x13f: {  	[tilespmem:s8], [sflag:$0x1] =	stream.indirect.gather [spmem:s2], $0x40, s24, s6, $0xb8;
	[tilespmem:$0x1C440] =	vst v63  }
0x140: {  	s26 =	sld [smem:$0x7F4]  }
0x141: {  	[tilespmem:s9], [sflag:$0x1] =	stream.indirect.gather [spmem:s2], $0x40, s25, s6, $0xb8;
	[tilespmem:$0x1C440] =	vst v63  }
0x142: {  	_ = 	snop  }
0x143: {  	[tilespmem:s10], [sflag:$0x1] =	stream.indirect.gather [spmem:s2], $0x40, s26, s6, $0xb8;
	[tilespmem:$0x1C440] =	vst v63  }
0x144: {  	_ =	swait.ge [sflag:s18], $0x8000  }
0x145: {  	[sflag:s18] =	ssyncset.done $0x0  }
0x146: {  	s0 =	rddreg [dreg:$0x14];
	[sflag:s18] =	ssyncadd.s32 $0xFFFF8000  }
0x147: {  	[hbm4b:s0+s16] =	stream.strided.scatter [tilespmem:s11], [sflag:$0x4], $0x8000, s6, s16, $0x38;
	[tilespmem:$0x1C440] =	vst v63  }
0x148: {  	_ =	swait.ge [sflag:s19], $0x8000  }
0x149: {  	s21 =	sld [smem:$0x7F5]  }
0x14a: {  	[sflag:s19] =	ssyncset.done $0x0  }
0x14b: {  	s22 =	sld [smem:$0x7F6];
	[sflag:s19] =	ssyncadd.s32 $0xFFFF8000  }
0x14c: {  	[tilespmem:s11], [sflag:$0x2] =	stream.indirect.gather [spmem:s2], $0x40, s21, s6, $0xb8;
	[tilespmem:$0x1C440] =	vst v63  }
0x14d: {  	s23 =	sld [smem:$0x7F7]  }
0x14e: {  	[tilespmem:s12], [sflag:$0x2] =	stream.indirect.gather [spmem:s2], $0x40, s22, s6, $0xb8;
	[tilespmem:$0x1C440] =	vst v63  }
0x14f: {  	s24 =	sld [smem:$0x7F8]  }
0x150: {  	[tilespmem:s13], [sflag:$0x2] =	stream.indirect.gather [spmem:s2], $0x40, s23, s6, $0xb8;
	[tilespmem:$0x1C440] =	vst v63  }
0x151: {  	_ = 	snop  }
0x152: {  	[tilespmem:s14], [sflag:$0x2] =	stream.indirect.gather [spmem:s2], $0x40, s24, s6, $0xb8;
	[tilespmem:$0x1C440] =	vst v63  }
0x153: {  	_ =	swait.ge [sflag:s15], $0x8000  }
0x154: {  	[sflag:s15] =	ssyncset.done $0x0  }
0x155: {  	s25 =	rddreg [dreg:$0x15];
	[sflag:s15] =	ssyncadd.s32 $0xFFFF8000  }
0x156: {  	[hbm4b:s25+s16] =	stream.strided.scatter [tilespmem:s7], [sflag:$0x3], $0x8000, s6, s16, $0x38;
	[tilespmem:$0x1C440] =	vst v63  }
0x157: {  	_ =	swait.ge [sflag:s17], $0x8000  }
0x158: {  	s26 =	sld [smem:$0x7F9]  }
0x159: {  	[sflag:s17] =	ssyncset.done $0x0  }
0x15a: {  	s0 =	sld [smem:$0x7FA];
	[sflag:s17] =	ssyncadd.s32 $0xFFFF8000  }
0x15b: {  	[tilespmem:s7], [sflag:$0x1] =	stream.indirect.gather [spmem:s2], $0x40, s26, s6, $0xb8;
	[tilespmem:$0x1C440] =	vst v63  }
0x15c: {  	s22 =	sld [smem:$0x7FB]  }
0x15d: {  	[tilespmem:s8], [sflag:$0x1] =	stream.indirect.gather [spmem:s2], $0x40, s0, s6, $0xb8;
	[tilespmem:$0x1C440] =	vst v63  }
0x15e: {  	s23 =	sld [smem:$0x7FC]  }
0x15f: {  	[tilespmem:s9], [sflag:$0x1] =	stream.indirect.gather [spmem:s2], $0x40, s22, s6, $0xb8;
	[tilespmem:$0x1C440] =	vst v63  }
0x160: {  	_ = 	snop  }
0x161: {  	[tilespmem:s10], [sflag:$0x1] =	stream.indirect.gather [spmem:s2], $0x40, s23, s6, $0xb8;
	[tilespmem:$0x1C440] =	vst v63  }
0x162: {  	_ =	swait.ge [sflag:s18], $0x8000  }
0x163: {  	[sflag:s18] =	ssyncset.done $0x0  }
0x164: {  	s24 =	rddreg [dreg:$0x16];
	[sflag:s18] =	ssyncadd.s32 $0xFFFF8000  }
0x165: {  	[hbm4b:s24+s16] =	stream.strided.scatter [tilespmem:s11], [sflag:$0x4], $0x8000, s6, s16, $0x38;
	[tilespmem:$0x1C440] =	vst v63  }
0x166: {  	_ =	swait.ge [sflag:s19], $0x8000  }
0x167: {  	s25 =	sld [smem:$0x7FD]  }
0x168: {  	[sflag:s19] =	ssyncset.done $0x0  }
0x169: {  	[sflag:s19] =	ssyncadd.s32 $0xFFFF8000  }
0x16a: {  	[tilespmem:s11], [sflag:$0x2] =	stream.indirect.gather [spmem:s2], $0x40, s25, s6, $0xb8;
	[tilespmem:$0x1C440] =	vst v63  }
0x16b: {  	s26 =	simm.s32 $0x2280  }
0x16c: {  	[tilespmem:s12], [sflag:$0x2] =	stream.indirect.gather [spmem:s2], $0x40, s26, s6, $0xb8;
	[tilespmem:$0x1C440] =	vst v63  }
0x16d: {  	s20 =	simm.s32 $0x2300  }
0x16e: {  	[tilespmem:s13], [sflag:$0x2] =	stream.indirect.gather [spmem:s2], $0x40, s20, s6, $0xb8;
	[tilespmem:$0x1C440] =	vst v63  }
0x16f: {  	s22 =	simm.s32 $0x2380  }
0x170: {  	[tilespmem:s14], [sflag:$0x2] =	stream.indirect.gather [spmem:s2], $0x40, s22, s6, $0xb8;
	[tilespmem:$0x1C440] =	vst v63  }
0x171: {  	_ =	swait.ge [sflag:s15], $0x8000  }
0x172: {  	[sflag:s15] =	ssyncset.done $0x0  }
0x173: {  	s23 =	rddreg [dreg:$0x17];
	[sflag:s15] =	ssyncadd.s32 $0xFFFF8000  }
0x174: {  	[hbm4b:s23+s16] =	stream.strided.scatter [tilespmem:s7], [sflag:$0x3], $0x8000, s6, s16, $0x38;
	[tilespmem:$0x1C440] =	vst v63  }
0x175: {  	_ =	swait.ge [sflag:s17], $0x8000  }
0x176: {  	[sflag:s17] =	ssyncset.done $0x0  }
0x177: {  	s23 =	simm.s32 $0x2400;
	[sflag:s17] =	ssyncadd.s32 $0xFFFF8000  }
0x178: {  	[tilespmem:s7], [sflag:$0x1] =	stream.indirect.gather [spmem:s2], $0x40, s23, s6, $0xb8;
	[tilespmem:$0x1C440] =	vst v63  }
0x179: {  	s24 =	simm.s32 $0x2480  }
0x17a: {  	[tilespmem:s8], [sflag:$0x1] =	stream.indirect.gather [spmem:s2], $0x40, s24, s6, $0xb8;
	[tilespmem:$0x1C440] =	vst v63  }
0x17b: {  	s25 =	simm.s32 $0x2500  }
0x17c: {  	[tilespmem:s9], [sflag:$0x1] =	stream.indirect.gather [spmem:s2], $0x40, s25, s6, $0xb8;
	[tilespmem:$0x1C440] =	vst v63  }
0x17d: {  	s26 =	simm.s32 $0x2580  }
0x17e: {  	[tilespmem:s10], [sflag:$0x1] =	stream.indirect.gather [spmem:s2], $0x40, s26, s6, $0xb8;
	[tilespmem:$0x1C440] =	vst v63  }
0x17f: {  	_ =	swait.ge [sflag:s18], $0x8000  }
0x180: {  	[sflag:s18] =	ssyncset.done $0x0  }
0x181: {  	s28 =	rddreg [dreg:$0x18];
	[sflag:s18] =	ssyncadd.s32 $0xFFFF8000  }
0x182: {  	[hbm4b:s28+s16] =	stream.strided.scatter [tilespmem:s11], [sflag:$0x4], $0x8000, s6, s16, $0x38;
	[tilespmem:$0x1C440] =	vst v63  }
0x183: {  	_ =	swait.ge [sflag:s19], $0x8000  }
0x184: {  	[sflag:s19] =	ssyncset.done $0x0  }
0x185: {  	s28 =	simm.s32 $0x2600;
	[sflag:s19] =	ssyncadd.s32 $0xFFFF8000  }
0x186: {  	[tilespmem:s11], [sflag:$0x2] =	stream.indirect.gather [spmem:s2], $0x40, s28, s6, $0xb8;
	[tilespmem:$0x1C440] =	vst v63  }
0x187: {  	s29 =	simm.s32 $0x2680  }
0x188: {  	[tilespmem:s12], [sflag:$0x2] =	stream.indirect.gather [spmem:s2], $0x40, s29, s6, $0xb8;
	[tilespmem:$0x1C440] =	vst v63  }
0x189: {  	s30 =	simm.s32 $0x2700  }
0x18a: {  	[tilespmem:s13], [sflag:$0x2] =	stream.indirect.gather [spmem:s2], $0x40, s30, s6, $0xb8;
	[tilespmem:$0x1C440] =	vst v63  }
0x18b: {  	s31 =	simm.s32 $0x2780  }
0x18c: {  	[tilespmem:s14], [sflag:$0x2] =	stream.indirect.gather [spmem:s2], $0x40, s31, s6, $0xb8;
	[tilespmem:$0x1C440] =	vst v63  }
0x18d: {  	s20 =	ssub.s32 $0x2, s1;
	_ =	swait.ge [sflag:s15], $0x8000  }
0x18e: {  	s1 =	sshrl.u32 s20, $0x1;
	[sflag:s15] =	ssyncset.done $0x0  }
0x18f: {  	s0 =	ssub.s32 s20, s1;
	s21 =	rddreg [dreg:$0x19];
	[sflag:s15] =	ssyncadd.s32 $0xFFFF8000  }
0x190: {  	[hbm4b:s21+s16] =	stream.strided.scatter [tilespmem:s7], [sflag:$0x3], $0x8000, s6, s16, $0x38;
	[tilespmem:$0x1C440] =	vst v63  }
0x191: {  	s0 =	smax.u32 s0, $0x1;
	_ =	swait.ge [sflag:s17], $0x8000  }
0x192: {  	p0 =	sne.s32 s0, $0x1;
	[sflag:s17] =	ssyncset.done $0x0  }
.Ltmp0:
0x193: {  	[sflag:s17] =	ssyncadd.s32 $0xFFFF8000;
	(pc) =	sbr.rel @!p0 .LBB2_2-.Ltmp0, $4  }
0x194: {  	_ =	swait.ge [sflag:s18], $0x8000  }
0x195: {  	[sflag:s18] =	ssyncset.done $0x0  }
0x196: {  	s1 =	sadd.s32 $0xFFFFFFFF, s0;
	s21 =	rddreg [dreg:$0x1a];
	[sflag:s18] =	ssyncadd.s32 $0xFFFF8000  }
0x197: {  	[hbm4b:s21+s16] =	stream.strided.scatter [tilespmem:s11], [sflag:$0x4], $0x8000, s6, s16, $0x38;
	[tilespmem:$0x1C440] =	vst v63  }
.LBB2_1:
0x198: {  	_ =	swait.ge [sflag:s19], $0x8000  }
0x199: {  	s0 =	rddreg [dreg:$0x1b]  }
0x19a: {  	[sflag:s19] =	ssyncset.done $0x0;
	s20 =	rddreg [dreg:$0x4]  }
0x19b: {  	s21 =	rddreg [dreg:$0x3];
	[sflag:s19] =	ssyncadd.s32 $0xFFFF8000  }
0x19c: {  	[spmem:s0], [sflag:s20] =	dma.local [hbm:s21], $0x1388  }
0x19d: {  	_ =	swait.ge [sflag:s4], $0x1388  }
0x19e: {  	[sflag:s4] =	ssyncset.done $0x0  }
0x19f: {  	s20 =	rddreg [dreg:$0x5];
	[sflag:s4] =	ssyncadd.s32 $0xFFFFEC78  }
0x1a0: {  	[tilespmem:s3], [sflag:$0x5] =	stream.linear.gather [hbm4b:s20+s3], $0x1400, $0x38;
	[tilespmem:$0x1C440] =	vst v63  }
0x1a1: {  	_ =	swait.ge [sflag:s4], $0x1400  }
0x1a2: {  	[sflag:s4] =	ssyncset.done $0x0  }
0x1a3: {  	s21 =	rddreg [dreg:$0x6];
	[sflag:s4] =	ssyncadd.s32 $0xFFFFEC00  }
0x1a4: {  	[tilespmem:s5], [sflag:$0x5] =	stream.linear.gather [hbm4b:s21+s3], $0x1400, $0x38;
	[tilespmem:$0x1C440] =	vst v63  }
0x1a5: {  	_ =	swait.ge [sflag:s4], $0x1400  }
0x1a6: {  	[sflag:s4] =	ssyncset.done $0x0  }
0x1a7: {  	[sflag:s4] =	ssyncadd.s32 $0xFFFFEC00  }
0x1a8: {  	[bflag:$0x0] =	sbarrier.arrive $0xFFFF  }
0x1a9: {  	[tilespmem:s7], [sflag:$0x1] =	stream.indirect.gather [spmem:s2], $0x40, s3, s6, $0xb8;
	[tilespmem:$0x1C440] =	vst v63  }
0x1aa: {  	s20 =	rddreg [dreg:$0x1c]  }
0x1ab: {  	[tilespmem:s8], [sflag:$0x1] =	stream.indirect.gather [spmem:s2], $0x40, s6, s6, $0xb8;
	[tilespmem:$0x1C440] =	vst v63  }
0x1ac: {  	s21 =	rddreg [dreg:$0x1d]  }
0x1ad: {  	[tilespmem:s9], [sflag:$0x1] =	stream.indirect.gather [spmem:s2], $0x40, s20, s6, $0xb8;
	[tilespmem:$0x1C440] =	vst v63  }
0x1ae: {  	s0 =	rddreg [dreg:$0x1e]  }
0x1af: {  	[tilespmem:s10], [sflag:$0x1] =	stream.indirect.gather [spmem:s2], $0x40, s21, s6, $0xb8;
	[tilespmem:$0x1C440] =	vst v63  }
0x1b0: {  	s21 =	rddreg [dreg:$0x1f]  }
0x1b1: {  	[tilespmem:s11], [sflag:$0x2] =	stream.indirect.gather [spmem:s2], $0x40, s0, s6, $0xb8;
	[tilespmem:$0x1C440] =	vst v63  }
0x1b2: {  	s0 =	sld [smem:$0x7C0]  }
0x1b3: {  	[tilespmem:s12], [sflag:$0x2] =	stream.indirect.gather [spmem:s2], $0x40, s21, s6, $0xb8;
	[tilespmem:$0x1C440] =	vst v63  }
0x1b4: {  	s21 =	sld [smem:$0x7C1]  }
0x1b5: {  	[tilespmem:s13], [sflag:$0x2] =	stream.indirect.gather [spmem:s2], $0x40, s0, s6, $0xb8;
	[tilespmem:$0x1C440] =	vst v63  }
0x1b6: {  	_ = 	snop  }
0x1b7: {  	[tilespmem:s14], [sflag:$0x2] =	stream.indirect.gather [spmem:s2], $0x40, s21, s6, $0xb8;
	[tilespmem:$0x1C440] =	vst v63  }
0x1b8: {  	_ =	swait.ge [sflag:s15], $0x8000  }
0x1b9: {  	[sflag:s15] =	ssyncset.done $0x0  }
0x1ba: {  	s21 =	rddreg [dreg:$0x7];
	[sflag:s15] =	ssyncadd.s32 $0xFFFF8000  }
0x1bb: {  	[hbm4b:s21+s16] =	stream.strided.scatter [tilespmem:s7], [sflag:$0x3], $0x8000, s6, s16, $0x38;
	[tilespmem:$0x1C440] =	vst v63  }
0x1bc: {  	_ =	swait.ge [sflag:s17], $0x8000  }
0x1bd: {  	s20 =	sld [smem:$0x7C2]  }
0x1be: {  	[sflag:s17] =	ssyncset.done $0x0  }
0x1bf: {  	s21 =	sld [smem:$0x7C3];
	[sflag:s17] =	ssyncadd.s32 $0xFFFF8000  }
0x1c0: {  	[tilespmem:s7], [sflag:$0x1] =	stream.indirect.gather [spmem:s2], $0x40, s20, s6, $0xb8;
	[tilespmem:$0x1C440] =	vst v63  }
0x1c1: {  	s0 =	sld [smem:$0x7C4]  }
0x1c2: {  	[tilespmem:s8], [sflag:$0x1] =	stream.indirect.gather [spmem:s2], $0x40, s21, s6, $0xb8;
	[tilespmem:$0x1C440] =	vst v63  }
0x1c3: {  	s21 =	sld [smem:$0x7C5]  }
0x1c4: {  	[tilespmem:s9], [sflag:$0x1] =	stream.indirect.gather [spmem:s2], $0x40, s0, s6, $0xb8;
	[tilespmem:$0x1C440] =	vst v63  }
0x1c5: {  	_ = 	snop  }
0x1c6: {  	[tilespmem:s10], [sflag:$0x1] =	stream.indirect.gather [spmem:s2], $0x40, s21, s6, $0xb8;
	[tilespmem:$0x1C440] =	vst v63  }
0x1c7: {  	_ =	swait.ge [sflag:s18], $0x8000  }
0x1c8: {  	[sflag:s18] =	ssyncset.done $0x0  }
0x1c9: {  	s21 =	rddreg [dreg:$0x8];
	[sflag:s18] =	ssyncadd.s32 $0xFFFF8000  }
0x1ca: {  	[hbm4b:s21+s16] =	stream.strided.scatter [tilespmem:s11], [sflag:$0x4], $0x8000, s6, s16, $0x38;
	[tilespmem:$0x1C440] =	vst v63  }
0x1cb: {  	_ =	swait.ge [sflag:s19], $0x8000  }
0x1cc: {  	s20 =	sld [smem:$0x7C6]  }
0x1cd: {  	[sflag:s19] =	ssyncset.done $0x0  }
0x1ce: {  	s21 =	sld [smem:$0x7C7];
	[sflag:s19] =	ssyncadd.s32 $0xFFFF8000  }
0x1cf: {  	[tilespmem:s11], [sflag:$0x2] =	stream.indirect.gather [spmem:s2], $0x40, s20, s6, $0xb8;
	[tilespmem:$0x1C440] =	vst v63  }
0x1d0: {  	s0 =	sld [smem:$0x7C8]  }
0x1d1: {  	[tilespmem:s12], [sflag:$0x2] =	stream.indirect.gather [spmem:s2], $0x40, s21, s6, $0xb8;
	[tilespmem:$0x1C440] =	vst v63  }
0x1d2: {  	s21 =	sld [smem:$0x7C9]  }
0x1d3: {  	[tilespmem:s13], [sflag:$0x2] =	stream.indirect.gather [spmem:s2], $0x40, s0, s6, $0xb8;
	[tilespmem:$0x1C440] =	vst v63  }
0x1d4: {  	_ = 	snop  }
0x1d5: {  	[tilespmem:s14], [sflag:$0x2] =	stream.indirect.gather [spmem:s2], $0x40, s21, s6, $0xb8;
	[tilespmem:$0x1C440] =	vst v63  }
0x1d6: {  	_ =	swait.ge [sflag:s15], $0x8000  }
0x1d7: {  	[sflag:s15] =	ssyncset.done $0x0  }
0x1d8: {  	s21 =	rddreg [dreg:$0x9];
	[sflag:s15] =	ssyncadd.s32 $0xFFFF8000  }
0x1d9: {  	[hbm4b:s21+s16] =	stream.strided.scatter [tilespmem:s7], [sflag:$0x3], $0x8000, s6, s16, $0x38;
	[tilespmem:$0x1C440] =	vst v63  }
0x1da: {  	_ =	swait.ge [sflag:s17], $0x8000  }
0x1db: {  	s20 =	sld [smem:$0x7CA]  }
0x1dc: {  	[sflag:s17] =	ssyncset.done $0x0  }
0x1dd: {  	s21 =	sld [smem:$0x7CB];
	[sflag:s17] =	ssyncadd.s32 $0xFFFF8000  }
0x1de: {  	[tilespmem:s7], [sflag:$0x1] =	stream.indirect.gather [spmem:s2], $0x40, s20, s6, $0xb8;
	[tilespmem:$0x1C440] =	vst v63  }
0x1df: {  	s0 =	sld [smem:$0x7CC]  }
0x1e0: {  	[tilespmem:s8], [sflag:$0x1] =	stream.indirect.gather [spmem:s2], $0x40, s21, s6, $0xb8;
	[tilespmem:$0x1C440] =	vst v63  }
0x1e1: {  	s21 =	sld [smem:$0x7CD]  }
0x1e2: {  	[tilespmem:s9], [sflag:$0x1] =	stream.indirect.gather [spmem:s2], $0x40, s0, s6, $0xb8;
	[tilespmem:$0x1C440] =	vst v63  }
0x1e3: {  	_ = 	snop  }
0x1e4: {  	[tilespmem:s10], [sflag:$0x1] =	stream.indirect.gather [spmem:s2], $0x40, s21, s6, $0xb8;
	[tilespmem:$0x1C440] =	vst v63  }
0x1e5: {  	_ =	swait.ge [sflag:s18], $0x8000  }
0x1e6: {  	[sflag:s18] =	ssyncset.done $0x0  }
0x1e7: {  	s21 =	rddreg [dreg:$0xa];
	[sflag:s18] =	ssyncadd.s32 $0xFFFF8000  }
0x1e8: {  	[hbm4b:s21+s16] =	stream.strided.scatter [tilespmem:s11], [sflag:$0x4], $0x8000, s6, s16, $0x38;
	[tilespmem:$0x1C440] =	vst v63  }
0x1e9: {  	_ =	swait.ge [sflag:s19], $0x8000  }
0x1ea: {  	s20 =	sld [smem:$0x7CE]  }
0x1eb: {  	[sflag:s19] =	ssyncset.done $0x0  }
0x1ec: {  	s21 =	sld [smem:$0x7CF];
	[sflag:s19] =	ssyncadd.s32 $0xFFFF8000  }
0x1ed: {  	[tilespmem:s11], [sflag:$0x2] =	stream.indirect.gather [spmem:s2], $0x40, s20, s6, $0xb8;
	[tilespmem:$0x1C440] =	vst v63  }
0x1ee: {  	s0 =	sld [smem:$0x7D0]  }
0x1ef: {  	[tilespmem:s12], [sflag:$0x2] =	stream.indirect.gather [spmem:s2], $0x40, s21, s6, $0xb8;
	[tilespmem:$0x1C440] =	vst v63  }
0x1f0: {  	s21 =	sld [smem:$0x7D1]  }
0x1f1: {  	[tilespmem:s13], [sflag:$0x2] =	stream.indirect.gather [spmem:s2], $0x40, s0, s6, $0xb8;
	[tilespmem:$0x1C440] =	vst v63  }
0x1f2: {  	_ = 	snop  }
0x1f3: {  	[tilespmem:s14], [sflag:$0x2] =	stream.indirect.gather [spmem:s2], $0x40, s21, s6, $0xb8;
	[tilespmem:$0x1C440] =	vst v63  }
0x1f4: {  	_ =	swait.ge [sflag:s15], $0x8000  }
0x1f5: {  	[sflag:s15] =	ssyncset.done $0x0  }
0x1f6: {  	s21 =	rddreg [dreg:$0xb];
	[sflag:s15] =	ssyncadd.s32 $0xFFFF8000  }
0x1f7: {  	[hbm4b:s21+s16] =	stream.strided.scatter [tilespmem:s7], [sflag:$0x3], $0x8000, s6, s16, $0x38;
	[tilespmem:$0x1C440] =	vst v63  }
0x1f8: {  	_ =	swait.ge [sflag:s17], $0x8000  }
0x1f9: {  	s20 =	sld [smem:$0x7D2]  }
0x1fa: {  	[sflag:s17] =	ssyncset.done $0x0  }
0x1fb: {  	s21 =	sld [smem:$0x7D3];
	[sflag:s17] =	ssyncadd.s32 $0xFFFF8000  }
0x1fc: {  	[tilespmem:s7], [sflag:$0x1] =	stream.indirect.gather [spmem:s2], $0x40, s20, s6, $0xb8;
	[tilespmem:$0x1C440] =	vst v63  }
0x1fd: {  	s0 =	sld [smem:$0x7D4]  }
0x1fe: {  	[tilespmem:s8], [sflag:$0x1] =	stream.indirect.gather [spmem:s2], $0x40, s21, s6, $0xb8;
	[tilespmem:$0x1C440] =	vst v63  }
0x1ff: {  	s21 =	sld [smem:$0x7D5]  }
0x200: {  	[tilespmem:s9], [sflag:$0x1] =	stream.indirect.gather [spmem:s2], $0x40, s0, s6, $0xb8;
	[tilespmem:$0x1C440] =	vst v63  }
0x201: {  	_ = 	snop  }
0x202: {  	[tilespmem:s10], [sflag:$0x1] =	stream.indirect.gather [spmem:s2], $0x40, s21, s6, $0xb8;
	[tilespmem:$0x1C440] =	vst v63  }
0x203: {  	_ =	swait.ge [sflag:s18], $0x8000  }
0x204: {  	[sflag:s18] =	ssyncset.done $0x0  }
0x205: {  	s21 =	rddreg [dreg:$0xc];
	[sflag:s18] =	ssyncadd.s32 $0xFFFF8000  }
0x206: {  	[hbm4b:s21+s16] =	stream.strided.scatter [tilespmem:s11], [sflag:$0x4], $0x8000, s6, s16, $0x38;
	[tilespmem:$0x1C440] =	vst v63  }
0x207: {  	_ =	swait.ge [sflag:s19], $0x8000  }
0x208: {  	s20 =	sld [smem:$0x7D6]  }
0x209: {  	[sflag:s19] =	ssyncset.done $0x0  }
0x20a: {  	s21 =	sld [smem:$0x7D7];
	[sflag:s19] =	ssyncadd.s32 $0xFFFF8000  }
0x20b: {  	[tilespmem:s11], [sflag:$0x2] =	stream.indirect.gather [spmem:s2], $0x40, s20, s6, $0xb8;
	[tilespmem:$0x1C440] =	vst v63  }
0x20c: {  	s0 =	sld [smem:$0x7D8]  }
0x20d: {  	[tilespmem:s12], [sflag:$0x2] =	stream.indirect.gather [spmem:s2], $0x40, s21, s6, $0xb8;
	[tilespmem:$0x1C440] =	vst v63  }
0x20e: {  	s21 =	sld [smem:$0x7D9]  }
0x20f: {  	[tilespmem:s13], [sflag:$0x2] =	stream.indirect.gather [spmem:s2], $0x40, s0, s6, $0xb8;
	[tilespmem:$0x1C440] =	vst v63  }
0x210: {  	_ = 	snop  }
0x211: {  	[tilespmem:s14], [sflag:$0x2] =	stream.indirect.gather [spmem:s2], $0x40, s21, s6, $0xb8;
	[tilespmem:$0x1C440] =	vst v63  }
0x212: {  	_ =	swait.ge [sflag:s15], $0x8000  }
0x213: {  	[sflag:s15] =	ssyncset.done $0x0  }
0x214: {  	s21 =	rddreg [dreg:$0xd];
	[sflag:s15] =	ssyncadd.s32 $0xFFFF8000  }
0x215: {  	[hbm4b:s21+s16] =	stream.strided.scatter [tilespmem:s7], [sflag:$0x3], $0x8000, s6, s16, $0x38;
	[tilespmem:$0x1C440] =	vst v63  }
0x216: {  	_ =	swait.ge [sflag:s17], $0x8000  }
0x217: {  	s20 =	sld [smem:$0x7DA]  }
0x218: {  	[sflag:s17] =	ssyncset.done $0x0  }
0x219: {  	s21 =	sld [smem:$0x7DB];
	[sflag:s17] =	ssyncadd.s32 $0xFFFF8000  }
0x21a: {  	[tilespmem:s7], [sflag:$0x1] =	stream.indirect.gather [spmem:s2], $0x40, s20, s6, $0xb8;
	[tilespmem:$0x1C440] =	vst v63  }
0x21b: {  	s0 =	sld [smem:$0x7DC]  }
0x21c: {  	[tilespmem:s8], [sflag:$0x1] =	stream.indirect.gather [spmem:s2], $0x40, s21, s6, $0xb8;
	[tilespmem:$0x1C440] =	vst v63  }
0x21d: {  	s21 =	sld [smem:$0x7DD]  }
0x21e: {  	[tilespmem:s9], [sflag:$0x1] =	stream.indirect.gather [spmem:s2], $0x40, s0, s6, $0xb8;
	[tilespmem:$0x1C440] =	vst v63  }
0x21f: {  	_ = 	snop  }
0x220: {  	[tilespmem:s10], [sflag:$0x1] =	stream.indirect.gather [spmem:s2], $0x40, s21, s6, $0xb8;
	[tilespmem:$0x1C440] =	vst v63  }
0x221: {  	_ =	swait.ge [sflag:s18], $0x8000  }
0x222: {  	[sflag:s18] =	ssyncset.done $0x0  }
0x223: {  	s21 =	rddreg [dreg:$0xe];
	[sflag:s18] =	ssyncadd.s32 $0xFFFF8000  }
0x224: {  	[hbm4b:s21+s16] =	stream.strided.scatter [tilespmem:s11], [sflag:$0x4], $0x8000, s6, s16, $0x38;
	[tilespmem:$0x1C440] =	vst v63  }
0x225: {  	_ =	swait.ge [sflag:s19], $0x8000  }
0x226: {  	s20 =	sld [smem:$0x7DE]  }
0x227: {  	[sflag:s19] =	ssyncset.done $0x0  }
0x228: {  	s21 =	sld [smem:$0x7DF];
	[sflag:s19] =	ssyncadd.s32 $0xFFFF8000  }
0x229: {  	[tilespmem:s11], [sflag:$0x2] =	stream.indirect.gather [spmem:s2], $0x40, s20, s6, $0xb8;
	[tilespmem:$0x1C440] =	vst v63  }
0x22a: {  	s0 =	sld [smem:$0x7E0]  }
0x22b: {  	[tilespmem:s12], [sflag:$0x2] =	stream.indirect.gather [spmem:s2], $0x40, s21, s6, $0xb8;
	[tilespmem:$0x1C440] =	vst v63  }
0x22c: {  	s21 =	sld [smem:$0x7E1]  }
0x22d: {  	[tilespmem:s13], [sflag:$0x2] =	stream.indirect.gather [spmem:s2], $0x40, s0, s6, $0xb8;
	[tilespmem:$0x1C440] =	vst v63  }
0x22e: {  	_ = 	snop  }
0x22f: {  	[tilespmem:s14], [sflag:$0x2] =	stream.indirect.gather [spmem:s2], $0x40, s21, s6, $0xb8;
	[tilespmem:$0x1C440] =	vst v63  }
0x230: {  	_ =	swait.ge [sflag:s15], $0x8000  }
0x231: {  	[sflag:s15] =	ssyncset.done $0x0  }
0x232: {  	s21 =	rddreg [dreg:$0xf];
	[sflag:s15] =	ssyncadd.s32 $0xFFFF8000  }
0x233: {  	[hbm4b:s21+s16] =	stream.strided.scatter [tilespmem:s7], [sflag:$0x3], $0x8000, s6, s16, $0x38;
	[tilespmem:$0x1C440] =	vst v63  }
0x234: {  	_ =	swait.ge [sflag:s17], $0x8000  }
0x235: {  	[sflag:s17] =	ssyncset.done $0x0  }
0x236: {  	[sflag:s17] =	ssyncadd.s32 $0xFFFF8000  }
0x237: {  	_ =	swait.ge [sflag:s18], $0x8000  }
0x238: {  	[sflag:s18] =	ssyncset.done $0x0  }
0x239: {  	s20 =	rddreg [dreg:$0x10];
	[sflag:s18] =	ssyncadd.s32 $0xFFFF8000  }
0x23a: {  	[hbm4b:s20+s16] =	stream.strided.scatter [tilespmem:s11], [sflag:$0x4], $0x8000, s6, s16, $0x38;
	[tilespmem:$0x1C440] =	vst v63  }
0x23b: {  	_ =	swait.ge [sflag:s19], $0x8000  }
0x23c: {  	[sflag:s19] =	ssyncset.done $0x0  }
0x23d: {  	s21 =	sld [smem:$0x7E2];
	[sflag:s19] =	ssyncadd.s32 $0xFFFF8000  }
0x23e: {  	[tilespmem:s7], [sflag:$0x1] =	stream.indirect.gather [spmem:s2], $0x40, s5, s6, $0xb8;
	[tilespmem:$0x1C440] =	vst v63  }
0x23f: {  	s20 =	sld [smem:$0x7E3]  }
0x240: {  	[tilespmem:s8], [sflag:$0x1] =	stream.indirect.gather [spmem:s2], $0x40, s21, s6, $0xb8;
	[tilespmem:$0x1C440] =	vst v63  }
0x241: {  	s21 =	sld [smem:$0x7E4]  }
0x242: {  	[tilespmem:s9], [sflag:$0x1] =	stream.indirect.gather [spmem:s2], $0x40, s20, s6, $0xb8;
	[tilespmem:$0x1C440] =	vst v63  }
0x243: {  	s20 =	sld [smem:$0x7E5]  }
0x244: {  	[tilespmem:s10], [sflag:$0x1] =	stream.indirect.gather [spmem:s2], $0x40, s21, s6, $0xb8;
	[tilespmem:$0x1C440] =	vst v63  }
0x245: {  	s21 =	sld [smem:$0x7E6]  }
0x246: {  	[tilespmem:s11], [sflag:$0x2] =	stream.indirect.gather [spmem:s2], $0x40, s20, s6, $0xb8;
	[tilespmem:$0x1C440] =	vst v63  }
0x247: {  	s20 =	sld [smem:$0x7E7]  }
0x248: {  	[tilespmem:s12], [sflag:$0x2] =	stream.indirect.gather [spmem:s2], $0x40, s21, s6, $0xb8;
	[tilespmem:$0x1C440] =	vst v63  }
0x249: {  	s21 =	sld [smem:$0x7E8]  }
0x24a: {  	[tilespmem:s13], [sflag:$0x2] =	stream.indirect.gather [spmem:s2], $0x40, s20, s6, $0xb8;
	[tilespmem:$0x1C440] =	vst v63  }
0x24b: {  	_ = 	snop  }
0x24c: {  	[tilespmem:s14], [sflag:$0x2] =	stream.indirect.gather [spmem:s2], $0x40, s21, s6, $0xb8;
	[tilespmem:$0x1C440] =	vst v63  }
0x24d: {  	_ =	swait.ge [sflag:s15], $0x8000  }
0x24e: {  	[sflag:s15] =	ssyncset.done $0x0  }
0x24f: {  	s21 =	rddreg [dreg:$0x11];
	[sflag:s15] =	ssyncadd.s32 $0xFFFF8000  }
0x250: {  	[hbm4b:s21+s16] =	stream.strided.scatter [tilespmem:s7], [sflag:$0x3], $0x8000, s6, s16, $0x38;
	[tilespmem:$0x1C440] =	vst v63  }
0x251: {  	_ =	swait.ge [sflag:s17], $0x8000  }
0x252: {  	s20 =	sld [smem:$0x7E9]  }
0x253: {  	[sflag:s17] =	ssyncset.done $0x0  }
0x254: {  	s21 =	sld [smem:$0x7EA];
	[sflag:s17] =	ssyncadd.s32 $0xFFFF8000  }
0x255: {  	[tilespmem:s7], [sflag:$0x1] =	stream.indirect.gather [spmem:s2], $0x40, s20, s6, $0xb8;
	[tilespmem:$0x1C440] =	vst v63  }
0x256: {  	s0 =	sld [smem:$0x7EB]  }
0x257: {  	[tilespmem:s8], [sflag:$0x1] =	stream.indirect.gather [spmem:s2], $0x40, s21, s6, $0xb8;
	[tilespmem:$0x1C440] =	vst v63  }
0x258: {  	s21 =	sld [smem:$0x7EC]  }
0x259: {  	[tilespmem:s9], [sflag:$0x1] =	stream.indirect.gather [spmem:s2], $0x40, s0, s6, $0xb8;
	[tilespmem:$0x1C440] =	vst v63  }
0x25a: {  	_ = 	snop  }
0x25b: {  	[tilespmem:s10], [sflag:$0x1] =	stream.indirect.gather [spmem:s2], $0x40, s21, s6, $0xb8;
	[tilespmem:$0x1C440] =	vst v63  }
0x25c: {  	_ =	swait.ge [sflag:s18], $0x8000  }
0x25d: {  	[sflag:s18] =	ssyncset.done $0x0  }
0x25e: {  	s21 =	rddreg [dreg:$0x12];
	[sflag:s18] =	ssyncadd.s32 $0xFFFF8000  }
0x25f: {  	[hbm4b:s21+s16] =	stream.strided.scatter [tilespmem:s11], [sflag:$0x4], $0x8000, s6, s16, $0x38;
	[tilespmem:$0x1C440] =	vst v63  }
0x260: {  	_ =	swait.ge [sflag:s19], $0x8000  }
0x261: {  	s20 =	sld [smem:$0x7ED]  }
0x262: {  	[sflag:s19] =	ssyncset.done $0x0  }
0x263: {  	s21 =	sld [smem:$0x7EE];
	[sflag:s19] =	ssyncadd.s32 $0xFFFF8000  }
0x264: {  	[tilespmem:s11], [sflag:$0x2] =	stream.indirect.gather [spmem:s2], $0x40, s20, s6, $0xb8;
	[tilespmem:$0x1C440] =	vst v63  }
0x265: {  	s0 =	sld [smem:$0x7EF]  }
0x266: {  	[tilespmem:s12], [sflag:$0x2] =	stream.indirect.gather [spmem:s2], $0x40, s21, s6, $0xb8;
	[tilespmem:$0x1C440] =	vst v63  }
0x267: {  	s21 =	sld [smem:$0x7F0]  }
0x268: {  	[tilespmem:s13], [sflag:$0x2] =	stream.indirect.gather [spmem:s2], $0x40, s0, s6, $0xb8;
	[tilespmem:$0x1C440] =	vst v63  }
0x269: {  	_ = 	snop  }
0x26a: {  	[tilespmem:s14], [sflag:$0x2] =	stream.indirect.gather [spmem:s2], $0x40, s21, s6, $0xb8;
	[tilespmem:$0x1C440] =	vst v63  }
0x26b: {  	_ =	swait.ge [sflag:s15], $0x8000  }
0x26c: {  	[sflag:s15] =	ssyncset.done $0x0  }
0x26d: {  	s21 =	rddreg [dreg:$0x13];
	[sflag:s15] =	ssyncadd.s32 $0xFFFF8000  }
0x26e: {  	[hbm4b:s21+s16] =	stream.strided.scatter [tilespmem:s7], [sflag:$0x3], $0x8000, s6, s16, $0x38;
	[tilespmem:$0x1C440] =	vst v63  }
0x26f: {  	_ =	swait.ge [sflag:s17], $0x8000  }
0x270: {  	s20 =	sld [smem:$0x7F1]  }
0x271: {  	[sflag:s17] =	ssyncset.done $0x0  }
0x272: {  	s21 =	sld [smem:$0x7F2];
	[sflag:s17] =	ssyncadd.s32 $0xFFFF8000  }
0x273: {  	[tilespmem:s7], [sflag:$0x1] =	stream.indirect.gather [spmem:s2], $0x40, s20, s6, $0xb8;
	[tilespmem:$0x1C440] =	vst v63  }
0x274: {  	s0 =	sld [smem:$0x7F3]  }
0x275: {  	[tilespmem:s8], [sflag:$0x1] =	stream.indirect.gather [spmem:s2], $0x40, s21, s6, $0xb8;
	[tilespmem:$0x1C440] =	vst v63  }
0x276: {  	s21 =	sld [smem:$0x7F4]  }
0x277: {  	[tilespmem:s9], [sflag:$0x1] =	stream.indirect.gather [spmem:s2], $0x40, s0, s6, $0xb8;
	[tilespmem:$0x1C440] =	vst v63  }
0x278: {  	_ = 	snop  }
0x279: {  	[tilespmem:s10], [sflag:$0x1] =	stream.indirect.gather [spmem:s2], $0x40, s21, s6, $0xb8;
	[tilespmem:$0x1C440] =	vst v63  }
0x27a: {  	_ =	swait.ge [sflag:s18], $0x8000  }
0x27b: {  	[sflag:s18] =	ssyncset.done $0x0  }
0x27c: {  	s21 =	rddreg [dreg:$0x14];
	[sflag:s18] =	ssyncadd.s32 $0xFFFF8000  }
0x27d: {  	[hbm4b:s21+s16] =	stream.strided.scatter [tilespmem:s11], [sflag:$0x4], $0x8000, s6, s16, $0x38;
	[tilespmem:$0x1C440] =	vst v63  }
0x27e: {  	_ =	swait.ge [sflag:s19], $0x8000  }
0x27f: {  	s20 =	sld [smem:$0x7F5]  }
0x280: {  	[sflag:s19] =	ssyncset.done $0x0  }
0x281: {  	s21 =	sld [smem:$0x7F6];
	[sflag:s19] =	ssyncadd.s32 $0xFFFF8000  }
0x282: {  	[tilespmem:s11], [sflag:$0x2] =	stream.indirect.gather [spmem:s2], $0x40, s20, s6, $0xb8;
	[tilespmem:$0x1C440] =	vst v63  }
0x283: {  	s0 =	sld [smem:$0x7F7]  }
0x284: {  	[tilespmem:s12], [sflag:$0x2] =	stream.indirect.gather [spmem:s2], $0x40, s21, s6, $0xb8;
	[tilespmem:$0x1C440] =	vst v63  }
0x285: {  	s21 =	sld [smem:$0x7F8]  }
0x286: {  	[tilespmem:s13], [sflag:$0x2] =	stream.indirect.gather [spmem:s2], $0x40, s0, s6, $0xb8;
	[tilespmem:$0x1C440] =	vst v63  }
0x287: {  	_ = 	snop  }
0x288: {  	[tilespmem:s14], [sflag:$0x2] =	stream.indirect.gather [spmem:s2], $0x40, s21, s6, $0xb8;
	[tilespmem:$0x1C440] =	vst v63  }
0x289: {  	_ =	swait.ge [sflag:s15], $0x8000  }
0x28a: {  	[sflag:s15] =	ssyncset.done $0x0  }
0x28b: {  	s21 =	rddreg [dreg:$0x15];
	[sflag:s15] =	ssyncadd.s32 $0xFFFF8000  }
0x28c: {  	[hbm4b:s21+s16] =	stream.strided.scatter [tilespmem:s7], [sflag:$0x3], $0x8000, s6, s16, $0x38;
	[tilespmem:$0x1C440] =	vst v63  }
0x28d: {  	_ =	swait.ge [sflag:s17], $0x8000  }
0x28e: {  	s20 =	sld [smem:$0x7F9]  }
0x28f: {  	[sflag:s17] =	ssyncset.done $0x0  }
0x290: {  	s21 =	sld [smem:$0x7FA];
	[sflag:s17] =	ssyncadd.s32 $0xFFFF8000  }
0x291: {  	[tilespmem:s7], [sflag:$0x1] =	stream.indirect.gather [spmem:s2], $0x40, s20, s6, $0xb8;
	[tilespmem:$0x1C440] =	vst v63  }
0x292: {  	s0 =	sld [smem:$0x7FB]  }
0x293: {  	[tilespmem:s8], [sflag:$0x1] =	stream.indirect.gather [spmem:s2], $0x40, s21, s6, $0xb8;
	[tilespmem:$0x1C440] =	vst v63  }
0x294: {  	s21 =	sld [smem:$0x7FC]  }
0x295: {  	[tilespmem:s9], [sflag:$0x1] =	stream.indirect.gather [spmem:s2], $0x40, s0, s6, $0xb8;
	[tilespmem:$0x1C440] =	vst v63  }
0x296: {  	_ = 	snop  }
0x297: {  	[tilespmem:s10], [sflag:$0x1] =	stream.indirect.gather [spmem:s2], $0x40, s21, s6, $0xb8;
	[tilespmem:$0x1C440] =	vst v63  }
0x298: {  	_ =	swait.ge [sflag:s18], $0x8000  }
0x299: {  	[sflag:s18] =	ssyncset.done $0x0  }
0x29a: {  	s20 =	rddreg [dreg:$0x16];
	[sflag:s18] =	ssyncadd.s32 $0xFFFF8000  }
0x29b: {  	[hbm4b:s20+s16] =	stream.strided.scatter [tilespmem:s11], [sflag:$0x4], $0x8000, s6, s16, $0x38;
	[tilespmem:$0x1C440] =	vst v63  }
0x29c: {  	_ =	swait.ge [sflag:s19], $0x8000  }
0x29d: {  	s21 =	sld [smem:$0x7FD]  }
0x29e: {  	[sflag:s19] =	ssyncset.done $0x0  }
0x29f: {  	[sflag:s19] =	ssyncadd.s32 $0xFFFF8000  }
0x2a0: {  	[tilespmem:s11], [sflag:$0x2] =	stream.indirect.gather [spmem:s2], $0x40, s21, s6, $0xb8;
	[tilespmem:$0x1C440] =	vst v63  }
0x2a1: {  	s20 =	simm.s32 $0x2280  }
0x2a2: {  	[tilespmem:s12], [sflag:$0x2] =	stream.indirect.gather [spmem:s2], $0x40, s20, s6, $0xb8;
	[tilespmem:$0x1C440] =	vst v63  }
0x2a3: {  	s21 =	simm.s32 $0x2300  }
0x2a4: {  	[tilespmem:s13], [sflag:$0x2] =	stream.indirect.gather [spmem:s2], $0x40, s21, s6, $0xb8;
	[tilespmem:$0x1C440] =	vst v63  }
0x2a5: {  	_ = 	snop  }
0x2a6: {  	[tilespmem:s14], [sflag:$0x2] =	stream.indirect.gather [spmem:s2], $0x40, s22, s6, $0xb8;
	[tilespmem:$0x1C440] =	vst v63  }
0x2a7: {  	_ =	swait.ge [sflag:s15], $0x8000  }
0x2a8: {  	[sflag:s15] =	ssyncset.done $0x0  }
0x2a9: {  	s20 =	rddreg [dreg:$0x17];
	[sflag:s15] =	ssyncadd.s32 $0xFFFF8000  }
0x2aa: {  	[hbm4b:s20+s16] =	stream.strided.scatter [tilespmem:s7], [sflag:$0x3], $0x8000, s6, s16, $0x38;
	[tilespmem:$0x1C440] =	vst v63  }
0x2ab: {  	_ =	swait.ge [sflag:s17], $0x8000  }
0x2ac: {  	[sflag:s17] =	ssyncset.done $0x0  }
0x2ad: {  	[sflag:s17] =	ssyncadd.s32 $0xFFFF8000  }
0x2ae: {  	[tilespmem:s7], [sflag:$0x1] =	stream.indirect.gather [spmem:s2], $0x40, s23, s6, $0xb8;
	[tilespmem:$0x1C440] =	vst v63  }
0x2af: {  	_ = 	snop  }
0x2b0: {  	[tilespmem:s8], [sflag:$0x1] =	stream.indirect.gather [spmem:s2], $0x40, s24, s6, $0xb8;
	[tilespmem:$0x1C440] =	vst v63  }
0x2b1: {  	_ = 	snop  }
0x2b2: {  	[tilespmem:s9], [sflag:$0x1] =	stream.indirect.gather [spmem:s2], $0x40, s25, s6, $0xb8;
	[tilespmem:$0x1C440] =	vst v63  }
0x2b3: {  	_ = 	snop  }
0x2b4: {  	[tilespmem:s10], [sflag:$0x1] =	stream.indirect.gather [spmem:s2], $0x40, s26, s6, $0xb8;
	[tilespmem:$0x1C440] =	vst v63  }
0x2b5: {  	_ =	swait.ge [sflag:s18], $0x8000  }
0x2b6: {  	[sflag:s18] =	ssyncset.done $0x0  }
0x2b7: {  	s21 =	rddreg [dreg:$0x18];
	[sflag:s18] =	ssyncadd.s32 $0xFFFF8000  }
0x2b8: {  	[hbm4b:s21+s16] =	stream.strided.scatter [tilespmem:s11], [sflag:$0x4], $0x8000, s6, s16, $0x38;
	[tilespmem:$0x1C440] =	vst v63  }
0x2b9: {  	_ =	swait.ge [sflag:s19], $0x8000  }
0x2ba: {  	[sflag:s19] =	ssyncset.done $0x0  }
0x2bb: {  	[sflag:s19] =	ssyncadd.s32 $0xFFFF8000  }
0x2bc: {  	[tilespmem:s11], [sflag:$0x2] =	stream.indirect.gather [spmem:s2], $0x40, s28, s6, $0xb8;
	[tilespmem:$0x1C440] =	vst v63  }
0x2bd: {  	_ = 	snop  }
0x2be: {  	[tilespmem:s12], [sflag:$0x2] =	stream.indirect.gather [spmem:s2], $0x40, s29, s6, $0xb8;
	[tilespmem:$0x1C440] =	vst v63  }
0x2bf: {  	_ = 	snop  }
0x2c0: {  	[tilespmem:s13], [sflag:$0x2] =	stream.indirect.gather [spmem:s2], $0x40, s30, s6, $0xb8;
	[tilespmem:$0x1C440] =	vst v63  }
0x2c1: {  	_ = 	snop  }
0x2c2: {  	[tilespmem:s14], [sflag:$0x2] =	stream.indirect.gather [spmem:s2], $0x40, s31, s6, $0xb8;
	[tilespmem:$0x1C440] =	vst v63  }
0x2c3: {  	_ =	swait.ge [sflag:s15], $0x8000  }
0x2c4: {  	[sflag:s15] =	ssyncset.done $0x0  }
0x2c5: {  	s20 =	rddreg [dreg:$0x19];
	[sflag:s15] =	ssyncadd.s32 $0xFFFF8000  }
0x2c6: {  	[hbm4b:s20+s16] =	stream.strided.scatter [tilespmem:s7], [sflag:$0x3], $0x8000, s6, s16, $0x38;
	[tilespmem:$0x1C440] =	vst v63  }
0x2c7: {  	_ =	swait.ge [sflag:s17], $0x8000  }
0x2c8: {  	p0 =	sne.s32 s1, $0x1;
	[sflag:s17] =	ssyncset.done $0x0  }
.Ltmp1:
0x2c9: {  	[sflag:s17] =	ssyncadd.s32 $0xFFFF8000;
	(pc) =	sbr.rel @p0 .LBB2_1-.Ltmp1, $4  }
0x2ca: {  	_ =	swait.ge [sflag:s18], $0x8000  }
0x2cb: {  	[sflag:s18] =	ssyncset.done $0x0  }
0x2cc: {  	s1 =	sadd.s32 $0xFFFFFFFF, s1;
	s21 =	rddreg [dreg:$0x1a];
	[sflag:s18] =	ssyncadd.s32 $0xFFFF8000  }
0x2cd: {  	[hbm4b:s21+s16] =	stream.strided.scatter [tilespmem:s11], [sflag:$0x4], $0x8000, s6, s16, $0x38;
	[tilespmem:$0x1C440] =	vst v63  }
.LBB2_2:
0x2ce: {  	_ =	swait.ge [sflag:s19], $0x8000  }
0x2cf: {  	[sflag:s19] =	ssyncset.done $0x0  }
0x2d0: {  	[sflag:s19] =	ssyncadd.s32 $0xFFFF8000  }
0x2d1: {  	_ =	sfence.sel $0x180000  }
0x2d2: {  	[bflag:$0x0] =	sbarrier.arrive $0xFFFF  }
0x2d3: {  	_ =	strace $0x90000047  }
0x2d4: {  	s0 =	stileid.u32;
	[bflag:$0x2] =	sbarrier.arrive $0xFFFF  }
0x2d5: {  	p0 =	sne.s32 s0, $0x0;
	s0 =	rddreg [dreg:$0x2]  }
0x2d6: {  	s0 =	sadd.s32 @!p0 $0x100000, s0  }
0x2d7: {  	[sflag:s0] =	ssyncadd.tile.s32 @!p0 $0x1;
	_ =	shalt  }
.Lfunc_end2:
_tile_overlayer_lowered:
.L_overlay_start_2:
0x2d8: {  	(tag) =	ssettag $0x2  }
0x2d9: {  	s0 =	rddreg [dreg:$0x0];
	s2 =	stileid.u32  }
0x2da: {  	s1 =	rddreg [dreg:$0x1];
	p0 =	sne.s32 s2, $0x0  }
0x2db: {  	s3 =	rddreg [dreg:$0x2];
	[bflag:$0x3] =	sbarrier.arrive $0xFFFF;
	s2 =	simm.s32 @!p0 $0x1C05  }
0x2dc: {  	[timem:s3], [sflag:s2] =	dma.local @!p0 [hbm:s0], s1  }
0x2dd: {  	s0 =	simm.s32 @!p0 $0x5  }
0x2de: {  	_ =	swait.ge @!p0 [sflag:s0], s1  }
0x2df: {  	s1 =	ssub.s32 @!p0 $0x0, s1;
	[sflag:s0] =	ssyncset.done @!p0 $0x0  }
0x2e0: {  	[sflag:s0] =	ssyncadd.s32 @!p0 s1  }
0x2e1: {  	[bflag:$0x3] =	sbarrier.arrive $0xFFFF  }
0x2e2: {  	_ =	shalt  }

// kernel: kernel.20.cloned.1.call-start
scs
__scs_entry_jumppad:
0x0: {  	(pc) =	sbr.rel $0x88, $3  }
0x1: {  	(tag) =	ssettag $0x0;
	lr =	simm.s32 $0x1  }
0x2: {  	[smem:$0x3F8A] =	sst lr;
	_ =	strace $0xD0000000  }
0x3: {  	_ = 	snop  }
0x4: {  	_ = 	snop  }
0x5: {  	_ = 	snop  }
0x6: {  	_ = 	snop  }
0x7: {  	_ = 	snop  }
__scs_overlays_trampoline_lowered:
0x8: {  	[smem:$0x3F99] =	sst s0  }
0x9: {  	[smem:$0x3F9A] =	sst s1  }
0xa: {  	[smem:$0x3F9B] =	sst s2  }
0xb: {  	[smem:$0x3F9C] =	sst s3  }
0xc: {  	[smem:$0x3F9D] =	sst s4  }
0xd: {  	[smem:$0x3F9E] =	sst s5  }
0xe: {  	[smem:$0x3F9F] =	sst s6  }
0xf: {  	[smem:$0x3FA0] =	sst s7  }
0x10: {  	[smem:$0x3FA1] =	sst s8  }
0x11: {  	[smem:$0x3FA2] =	sst s9;
	s0 =	simm.s32 @!p0 $0x0  }
0x12: {  	s1 =	sld [smem:$0x3F88];
	s0 =	simm.s32 @p0 $0x1  }
0x13: {  	[smem:$0x3FA3] =	sst s0;
	s0 =	simm.s32 @!p1 $0x0  }
0x14: {  	s2 =	sld [smem:$0x3F87];
	s0 =	simm.s32 @p1 $0x1  }
0x15: {  	[smem:$0x3FA4] =	sst s0;
	s0 =	simm.s32 @!p2 $0x0  }
0x16: {  	s3 =	sld [smem:$0x3FDB];
	s0 =	simm.s32 @p2 $0x1  }
0x17: {  	s4 =	simm.s32 $0x1BF5;
	[smem:$0x3FA6] =	sst s0  }
0x18: {  	s0 =	sld [smem:$0x3F89];
	_ =	swait.ge [sflag:s4], $0x0  }
0x19: {  	s7 =	sld [smem:$0x3F8A]  }
0x1a: {  	s8 =	sadd.s32 $0xFFFFE003, lr  }
0x1b: {  	s9 =	sadd.s32 $0xFFFFFEF7, lr;
	s5 =	simm.s32 $0xFFFFFFFF;
	p2 =	slt.u32 s8, $0xFFFFF086  }
0x1c: {  	p1 =	slt.u32 s9, $0xF7A;
	s5 =	simm.s32 @!p2 $0x0  }
0x1d: {  	s5 =	simm.s32 @p1 $0x1;
	p0 =	seq.s32 s7, s2  }
0x1e: {  	s7 =	smul.u32 @!p0 $0xF7A, s2;
	p2 =	seq.s32 @!p0 s5, $0x0  }
0x1f: {  	s9 =	smul.u32 $0xF7A, s1;
	s8 =	simm.s32 @!p0 $0x1BF5;
	p2 =	por !p2, p0  }
0x20: {  	[sflag:s8] =	ssyncset.s32 @!p0 $0xFFFFF086;
	s6 =	sadd.s32 @!p0 s3, s7;
	s7 =	simm.s32 @!p0 $0x108  }
0x21: {  	s3 =	sadd.s32 s3, s9;
	s6 =	sadd.s32 @!p0 $0x88, s6;
	s7 =	simm.s32 @p2 $0x1082  }
0x22: {  	[simem:s7], [sflag:s8] =	dma.local @!p0 [hbm:s6], $0xF7A  }
0x23: {  	s9 =	sor.u32 $0xD0000000, s2;
	s6 =	simm.s32 $0x108;
	_ =	swait.ge @!p0 [sflag:s8], $0x0  }
0x24: {  	s3 =	sadd.s32 $0x88, s3;
	s6 =	simm.s32 @!p1 $0x1082;
	[sflag:s4] =	ssyncset.s32 $0xFFFFF086  }
0x25: {  	[simem:s6], [sflag:s4] =	dma.local [hbm:s3], $0xF7A  }
0x26: {  	[smem:$0x3F8A] =	sst s1;
	(tag) =	ssettag s2;
	_ =	strace s9  }
0x27: {  	s1 =	sld [smem:$0x3F9A]  }
0x28: {  	s2 =	sld [smem:$0x3F9B]  }
0x29: {  	s4 =	sld [smem:$0x3F9D]  }
0x2a: {  	p0 =	seq.s32 s5, $0x0;
	s5 =	sld [smem:$0x3F9E]  }
0x2b: {  	s6 =	sld [smem:$0x3F9F]  }
0x2c: {  	s7 =	sld [smem:$0x3FA0]  }
0x2d: {  	s3 =	simm.s32 $0x108;
	s8 =	sld [smem:$0x3FA1]  }
0x2e: {  	s3 =	simm.s32 @!p0 $0x1082;
	s9 =	sld [smem:$0x3FA2]  }
0x2f: {  	lr =	sadd.s32 s0, s3;
	s0 =	sld [smem:$0x3F99]  }
0x30: {  	s3 =	sld [smem:$0x3F9C]  }
0x31: {  	[smem:$0x3FA5] =	sst s10  }
0x32: {  	s10 =	sld [smem:$0x3FA3];
	_ =	sdelay $0x3  }
0x33: {  	p0 =	seq.s32 s10, $0x1;
	s10 =	sld [smem:$0x3FA5];
	_ =	sdelay $0x3  }
0x34: {  	[smem:$0x3FA5] =	sst s10  }
0x35: {  	s10 =	sld [smem:$0x3FA4];
	_ =	sdelay $0x3  }
0x36: {  	p1 =	seq.s32 s10, $0x1;
	s10 =	sld [smem:$0x3FA5];
	_ =	sdelay $0x3  }
0x37: {  	[smem:$0x3FA5] =	sst s10  }
0x38: {  	s10 =	sld [smem:$0x3FA6]  }
0x39: {  	_ = 	snop;
	(pc) =	sbr.ind lr, $3  }
0x3a: {  	_ = 	snop  }
0x3b: {  	_ = 	snop  }
0x3c: {  	p2 =	seq.s32 s10, $0x1;
	s10 =	sld [smem:$0x3FA5]  }
0x3d: {  	_ =	shalt  }
0x3e: {  	_ =	shalt  }
0x3f: {  	_ =	shalt  }
0x40: {  	_ =	shalt  }
0x41: {  	_ =	shalt  }
0x42: {  	_ =	shalt  }
0x43: {  	_ =	shalt  }
0x44: {  	_ =	shalt  }
0x45: {  	_ =	shalt  }
0x46: {  	_ =	shalt  }
0x47: {  	_ =	shalt  }
0x48: {  	_ =	shalt  }
0x49: {  	_ =	shalt  }
0x4a: {  	_ =	shalt  }
0x4b: {  	_ =	shalt  }
0x4c: {  	_ =	shalt  }
0x4d: {  	_ =	shalt  }
0x4e: {  	_ =	shalt  }
0x4f: {  	_ =	shalt  }
0x50: {  	_ =	shalt  }
0x51: {  	_ =	shalt  }
0x52: {  	_ =	shalt  }
0x53: {  	_ =	shalt  }
0x54: {  	_ =	shalt  }
0x55: {  	_ =	shalt  }
0x56: {  	_ =	shalt  }
0x57: {  	_ =	shalt  }
0x58: {  	_ =	shalt  }
0x59: {  	_ =	shalt  }
0x5a: {  	_ =	shalt  }
0x5b: {  	_ =	shalt  }
0x5c: {  	_ =	shalt  }
0x5d: {  	_ =	shalt  }
0x5e: {  	_ =	shalt  }
0x5f: {  	_ =	shalt  }
0x60: {  	_ =	shalt  }
0x61: {  	_ =	shalt  }
0x62: {  	_ =	shalt  }
0x63: {  	_ =	shalt  }
0x64: {  	_ =	shalt  }
0x65: {  	_ =	shalt  }
0x66: {  	_ =	shalt  }
0x67: {  	_ =	shalt  }
0x68: {  	_ =	shalt  }
0x69: {  	_ =	shalt  }
0x6a: {  	_ =	shalt  }
0x6b: {  	_ =	shalt  }
0x6c: {  	_ =	shalt  }
0x6d: {  	_ =	shalt  }
0x6e: {  	_ =	shalt  }
0x6f: {  	_ =	shalt  }
0x70: {  	_ =	shalt  }
0x71: {  	_ =	shalt  }
0x72: {  	_ =	shalt  }
0x73: {  	_ =	shalt  }
0x74: {  	_ =	shalt  }
0x75: {  	_ =	shalt  }
0x76: {  	_ =	shalt  }
0x77: {  	_ =	shalt  }
0x78: {  	_ =	shalt  }
0x79: {  	_ =	shalt  }
0x7a: {  	_ =	shalt  }
0x7b: {  	_ =	shalt  }
0x7c: {  	_ =	shalt  }
0x7d: {  	_ =	shalt  }
0x7e: {  	_ =	shalt  }
0x7f: {  	_ =	shalt  }
0x80: {  	_ =	shalt  }
0x81: {  	_ =	shalt  }
0x82: {  	_ =	shalt  }
0x83: {  	_ =	shalt  }
0x84: {  	_ =	shalt  }
0x85: {  	_ =	shalt  }
0x86: {  	_ =	shalt  }
0x87: {  	_ =	shalt  }
.Lfunc_end0:
.L_simem_size_0:
called_computation.1_lowered:
.L_overlay_start_0:
0x88: {  	s2 =	sld [smem:$0x3FD9]  }
0x89: {  	s3 =	sld [smem:$0x3FFE];
	_ =	sdelay $0x1  }
0x8a: {  	s1 =	srdreg.scid  }
0x8b: {  	s0 =	sand.u32 $0x1, s1  }
0x8c: {  	s16 =	sshll.u32 s0, $0xA;
	s2 =	sadd.s32 s3, s2  }
0x8d: {  	s2 =	sadd.s32 s2, s16  }
0x8e: {  	[smem:$0x3FB1] =	sst s2  }
0x8f: {  	_ = 	snop  }
0x90: {  	(tm) =	ssettm $0x1  }
0x91: {  	s17 =	sld [smem:$0x3FFB];
	_ =	sdelay $0x3  }
0x92: {  	_ =	strace s17  }
0x93: {  	s2 =	sld [smem:$0x3FFC];
	_ =	sdelay $0x3  }
0x94: {  	_ =	strace s2  }
0x95: {  	s2 =	sld [smem:$0x3FFD];
	_ =	sdelay $0x3  }
0x96: {  	_ =	strace s2  }
0x97: {  	_ =	strace $0x8FFFFFFF  }
0x98: {  	s18 =	sld [smem:$0x3FDB];
	_ =	sdelay $0x1  }
0x99: {  	s19 =	simm.s32 $_scs_section_size  }
0x9a: {  	s4 =	simm.s32 $_size__tile_overlayer_lowered;
	s5 =	simm.s32 $_tile_overlayer_lowered  }
0x9b: {  	s22 =	simm.s32 $0x1BFF;
	s21 =	sshll.u32 s5, $0x1;
	s2 =	sadd.s32 s19, s18  }
0x9c: {  	s6 =	simm.s32 $0x0;
	s20 =	sshll.u32 s4, $0x1;
	s4 =	sadd.s32 s21, s2  }
0x9d: {  	[timem:s6], [sflag:s22] =	dma.local [hbm:s4], s20  }
0x9e: {  	_ =	swait.ge [sflag:s22], s20  }
0x9f: {  	s3 =	ssub.s32 $0x0, s20;
	[sflag:s22] =	ssyncset.done $0x0  }
0xa0: {  	[sflag:s22] =	ssyncadd.s32 s3;
	_ =	sdelay $0x1  }
0xa1: {  	s23 =	simm.s32 $0x1B8B  }
0xa2: {  	_ =	swait.ge [sflag:s23], $0x1  }
0xa3: {  	[sflag:s23] =	ssyncset.done $0x0  }
0xa4: {  	s25 =	simm.s32 $0x1B8E;
	s24 =	sld [smem:$0x3FFE];
	[sflag:s23] =	ssyncadd.s32 $0xFFFFFFFF  }
0xa5: {  	s26 =	simm.s32 $execute0_lowered;
	[smem:$0x3FD2] =	sst s25  }
0xa6: {  	s4 =	sshll.u32 s26, $0x1;
	_ =	strace $0x80000049;
	[dreg:$0x1] =	wrdreg $0xFFFFFFFF  }
0xa7: {  	s28 =	simm.s32 $_size_execute0_lowered;
	s2 =	sadd.s32 s2, s4;
	[dreg:$0x0] =	wrdreg $0x0  }
0xa8: {  	s4 =	sshll.u32 s28, $0x1;
	[dreg:$0x2] =	wrdreg s2  }
0xa9: {  	[dreg:$0x3] =	wrdreg s4  }
0xaa: {  	[dreg:$0x4] =	wrdreg $0xC0  }
0xab: {  	_ =	task [dreg:s6], $0x5FFFF  }
0xac: {  	[dreg:$0x1] =	wrdreg $0xFFFFFFFF  }
0xad: {  	[dreg:$0x0] =	wrdreg $0x60  }
0xae: {  	[dreg:$0x2] =	wrdreg s24  }
0xaf: {  	[dreg:$0x3] =	wrdreg $0x128000  }
0xb0: {  	[dreg:$0x4] =	wrdreg $0x9  }
0xb1: {  	_ =	task.clear_ibuf [dreg:s6], $0x5FFFF;
	_ =	strace $0x90000049  }
0xb2: {  	s29 =	simm.s32 $0x9;
	_ =	strace $0x8000004B  }
0xb3: {  	_ =	swait.ge [sflag:s29], $0x1  }
0xb4: {  	[sflag:s29] =	ssyncadd.s32 $0xFFFFFFFF  }
0xb5: {  	_ =	strace $0x9000004B  }
0xb6: {  	_ =	sfence  }
0xb7: {  	s30 =	sld [smem:$0x0];
	_ =	sdelay $0x2  }
0xb8: {  	s31 =	sshll.u32 s1, $0xD;
	s1 =	sshrl.u32 s1, $0x2  }
0xb9: {  	s3 =	sand.u32 $0x4000, s31;
	s1 =	sadd.s32 s1, s30  }
0xba: {  	s0 =	sor.u32 s3, s0;
	s1 =	sshll.u32 s1, $0x11  }
0xbb: {  	s0 =	sor.u32 s1, s0  }
0xbc: {  	s0 =	sadd.s32 $0x8F2B, s0  }
0xbd: {  	[sflag:s0] =	ssyncadd.remote.s32 $0x1  }
0xbe: {  	_ =	sfence.sel $0xFFFF  }
0xbf: {  	[dreg:$0x0] =	wrdreg $0xFFFFFFFF;
	(pc) =	sbr.abs _section_cstart, $3  }
0xc0: {  	[dreg:$0x1] =	wrdreg $0xFFFFFFFF  }
0xc1: {  	_ =	task.clear_ibuf [dreg:s6], $0x2FFFF;
	_ =	strace $0x9FFFFFFF  }
0xc2: {  	(tm) =	ssettm $0x7FFFFFFF  }
0xc3: {  	_ =	shalt  }
tec
execute0_lowered:
.L_overlay_start_1:
0x0: {  	(tag) =	ssettag $0x1  }
0x1: {  	s0 =	stileid.u32  }
0x2: {  	s1 =	srdreg.scid;
	s5 =	rddreg [dreg:$0x0]  }
0x3: {  	s2 =	rddreg [dreg:$0x1];
	s1 =	sand.u32 $0x1, s1;
	s3 =	sshll.u32 s0, $0x1  }
0x4: {  	s4 =	smul.u32 $0x9C40, s0;
	s9 =	sadd.s32 $0x2D4600, s5;
	s10 =	sshll.u32 s0, $0x6  }
0x5: {  	s6 =	sor.u32 s1, s3;
	s3 =	simm.s32 $0x0;
	s25 =	sor.u32 $0x1C05, s10  }
0x6: {  	s7 =	smul.u32 $0x280, s6;
	[smem:$0x7FF] =	sst s3;
	s8 =	sshrl.u32 s4, $0x3  }
0x7: {  	s26 =	smul.u32 $0xA0000, s6;
	s4 =	sadd.s32 s4, s2;
	_ =	strace $0x8000004A  }
0x8: {  	s8 =	sadd.s32 s8, s5;
	[dreg:$0x4] =	wrdreg s25;
	s4 =	sshrl.u32 s4, $0x3  }
0x9: {  	s7 =	sadd.s32 s7, s5;
	s8 =	sadd.s32 $0x63800, s8;
	[dreg:$0x1b] =	wrdreg s4  }
0xa: {  	s6 =	smul.u32 $0x14000, s6;
	[dreg:$0x3] =	wrdreg s8;
	s0 =	sadd.s32 $0x10400, s7  }
0xb: {  	s10 =	sshrl.u32 s26, $0x3;
	s7 =	sadd.s32 $0xB400, s7;
	[dreg:$0x5] =	wrdreg s0  }
0xc: {  	s12 =	sadd.s32 $0x6000, s6;
	s26 =	sadd.s32 s9, s10;
	[dreg:$0x6] =	wrdreg s7  }
0xd: {  	s14 =	sadd.s32 $0xA000, s6;
	s19 =	sadd.s32 s9, s12;
	[dreg:$0x7] =	wrdreg s26  }
0xe: {  	s16 =	sadd.s32 $0xE000, s6;
	s21 =	sadd.s32 s9, s14;
	[dreg:$0xa] =	wrdreg s19  }
0xf: {  	s11 =	sadd.s32 $0x4000, s10;
	s23 =	sadd.s32 s9, s16;
	[dreg:$0xc] =	wrdreg s21  }
0x10: {  	s13 =	sadd.s32 $0x8000, s10;
	s18 =	sadd.s32 s9, s11;
	[dreg:$0xe] =	wrdreg s23  }
0x11: {  	s15 =	sadd.s32 $0xC000, s10;
	s20 =	sadd.s32 s9, s13;
	[dreg:$0x9] =	wrdreg s18  }
0x12: {  	s5 =	sadd.s32 $0x2D4608, s5;
	s22 =	sadd.s32 s9, s15;
	[dreg:$0xb] =	wrdreg s20  }
0x13: {  	s26 =	sadd.s32 s10, s5;
	[dreg:$0xd] =	wrdreg s22  }
0x14: {  	s8 =	sadd.s32 s11, s5;
	[dreg:$0x11] =	wrdreg s26  }
0x15: {  	s11 =	sadd.s32 s14, s5;
	[dreg:$0x13] =	wrdreg s8  }
0x16: {  	s19 =	simm.s32 $0x300;
	[dreg:$0x16] =	wrdreg s11  }
0x17: {  	s21 =	simm.s32 $0x400;
	[smem:$0x7C0] =	sst s19  }
0x18: {  	s23 =	simm.s32 $0x500;
	[smem:$0x7C2] =	sst s21  }
0x19: {  	s0 =	sor.u32 $0x2000, s6;
	s7 =	simm.s32 $0x880;
	[smem:$0x7C4] =	sst s23  }
0x1a: {  	s6 =	sadd.s32 $0x12000, s6;
	s17 =	sadd.s32 s9, s0;
	[smem:$0x7CB] =	sst s7  }
0x1b: {  	s25 =	sadd.s32 s9, s6;
	[dreg:$0x8] =	wrdreg s17  }
0x1c: {  	s0 =	sadd.s32 s0, s5;
	[dreg:$0x10] =	wrdreg s25  }
0x1d: {  	s18 =	simm.s32 $0x280;
	[dreg:$0x12] =	wrdreg s0  }
0x1e: {  	s20 =	simm.s32 $0x380;
	[dreg:$0x1f] =	wrdreg s18  }
0x1f: {  	s22 =	simm.s32 $0x480;
	[smem:$0x7C1] =	sst s20  }
0x20: {  	s26 =	simm.s32 $0x680;
	[smem:$0x7C3] =	sst s22  }
0x21: {  	s8 =	simm.s32 $0x900;
	[smem:$0x7C7] =	sst s26  }
0x22: {  	s11 =	simm.s32 $0xA80;
	[smem:$0x7CC] =	sst s8  }
0x23: {  	s19 =	simm.s32 $0xE80;
	[smem:$0x7CF] =	sst s11  }
0x24: {  	s21 =	simm.s32 $0xF80;
	[smem:$0x7D7] =	sst s19  }
0x25: {  	s23 =	simm.s32 $0x1080;
	[smem:$0x7D9] =	sst s21  }
0x26: {  	s7 =	simm.s32 $0x1480;
	[smem:$0x7DB] =	sst s23  }
0x27: {  	s17 =	sadd.s32 $0x10000, s10;
	s10 =	sadd.s32 s13, s5;
	[smem:$0x7E2] =	sst s7  }
0x28: {  	s13 =	sadd.s32 s16, s5;
	[dreg:$0x15] =	wrdreg s10  }
0x29: {  	s16 =	simm.s32 $0x180;
	[dreg:$0x18] =	wrdreg s13  }
0x2a: {  	s25 =	simm.s32 $0x600;
	[dreg:$0x1d] =	wrdreg s16  }
0x2b: {  	s0 =	simm.s32 $0x700;
	[smem:$0x7C6] =	sst s25  }
0x2c: {  	s18 =	simm.s32 $0xE00;
	[smem:$0x7C8] =	sst s0  }
0x2d: {  	s20 =	simm.s32 $0xF00;
	[smem:$0x7D6] =	sst s18  }
0x2e: {  	s22 =	simm.s32 $0x1000;
	[smem:$0x7D8] =	sst s20  }
0x2f: {  	s26 =	simm.s32 $0x1200;
	[smem:$0x7DA] =	sst s22  }
0x30: {  	s8 =	simm.s32 $0x1500;
	[smem:$0x7DE] =	sst s26  }
0x31: {  	s11 =	simm.s32 $0x1680;
	[smem:$0x7E3] =	sst s8  }
0x32: {  	s19 =	simm.s32 $0x1A80;
	[smem:$0x7E6] =	sst s11  }
0x33: {  	s21 =	simm.s32 $0x1B80;
	[smem:$0x7EE] =	sst s19  }
0x34: {  	s23 =	simm.s32 $0x1C80;
	[smem:$0x7F0] =	sst s21  }
0x35: {  	s7 =	simm.s32 $0x2000;
	[smem:$0x7F2] =	sst s23  }
0x36: {  	[smem:$0x7F9] =	sst s7  }
0x37: {  	s24 =	sadd.s32 s9, s17;
	s11 =	rddreg [dreg:$0x4]  }
0x38: {  	s9 =	sadd.s32 s12, s5;
	[dreg:$0xf] =	wrdreg s24  }
0x39: {  	s12 =	sadd.s32 s15, s5;
	[dreg:$0x14] =	wrdreg s9  }
0x3a: {  	s14 =	sadd.s32 s17, s5;
	[dreg:$0x17] =	wrdreg s12  }
0x3b: {  	s5 =	sadd.s32 s6, s5;
	[dreg:$0x19] =	wrdreg s14  }
0x3c: {  	s15 =	simm.s32 $0x100;
	[dreg:$0x1a] =	wrdreg s5  }
0x3d: {  	s17 =	simm.s32 $0x200;
	[dreg:$0x1c] =	wrdreg s15  }
0x3e: {  	s6 =	simm.s32 $0x800;
	[dreg:$0x1e] =	wrdreg s17  }
0x3f: {  	s10 =	simm.s32 $0xA00;
	[smem:$0x7CA] =	sst s6  }
0x40: {  	s13 =	simm.s32 $0xB80;
	[smem:$0x7CE] =	sst s10  }
0x41: {  	s16 =	simm.s32 $0xD00;
	[smem:$0x7D1] =	sst s13  }
0x42: {  	s25 =	simm.s32 $0x1180;
	[smem:$0x7D4] =	sst s16  }
0x43: {  	s0 =	simm.s32 $0x1280;
	[smem:$0x7DD] =	sst s25  }
0x44: {  	s18 =	simm.s32 $0x1A00;
	[smem:$0x7DF] =	sst s0  }
0x45: {  	s20 =	simm.s32 $0x1B00;
	[smem:$0x7ED] =	sst s18  }
0x46: {  	s22 =	simm.s32 $0x1C00;
	[smem:$0x7EF] =	sst s20  }
0x47: {  	s26 =	simm.s32 $0x1E00;
	[smem:$0x7F1] =	sst s22  }
0x48: {  	s8 =	simm.s32 $0x2080;
	[smem:$0x7F5] =	sst s26  }
0x49: {  	s24 =	simm.s32 $0x580;
	[smem:$0x7FA] =	sst s8  }
0x4a: {  	s5 =	simm.s32 $0x780;
	[smem:$0x7C5] =	sst s24  }
0x4b: {  	s9 =	simm.s32 $0x980;
	[smem:$0x7C9] =	sst s5  }
0x4c: {  	s12 =	simm.s32 $0xB00;
	[smem:$0x7CD] =	sst s9  }
0x4d: {  	s14 =	simm.s32 $0xC00;
	[smem:$0x7D0] =	sst s12  }
0x4e: {  	s15 =	simm.s32 $0xC80;
	[smem:$0x7D2] =	sst s14  }
0x4f: {  	s17 =	simm.s32 $0xD80;
	[smem:$0x7D3] =	sst s15  }
0x50: {  	s6 =	simm.s32 $0x1380;
	[smem:$0x7D5] =	sst s17  }
0x51: {  	s10 =	simm.s32 $0x1600;
	[smem:$0x7E1] =	sst s6  }
0x52: {  	s13 =	simm.s32 $0x1780;
	[smem:$0x7E5] =	sst s10  }
0x53: {  	s16 =	simm.s32 $0x1900;
	[smem:$0x7E8] =	sst s13  }
0x54: {  	s25 =	simm.s32 $0x1D80;
	[smem:$0x7EB] =	sst s16  }
0x55: {  	s0 =	simm.s32 $0x1E80;
	[smem:$0x7F4] =	sst s25  }
0x56: {  	[smem:$0x7F6] =	sst s0  }
0x57: {  	s10 =	rddreg [dreg:$0x1b]  }
0x58: {  	s24 =	simm.s32 $0x1100;
	s13 =	rddreg [dreg:$0x3]  }
0x59: {  	s5 =	simm.s32 $0x1300;
	[smem:$0x7DC] =	sst s24  }
0x5a: {  	s9 =	simm.s32 $0x1580;
	[smem:$0x7E0] =	sst s5  }
0x5b: {  	s12 =	simm.s32 $0x1700;
	[smem:$0x7E4] =	sst s9  }
0x5c: {  	s14 =	simm.s32 $0x1800;
	[smem:$0x7E7] =	sst s12  }
0x5d: {  	s15 =	simm.s32 $0x1880;
	[smem:$0x7E9] =	sst s14  }
0x5e: {  	s17 =	simm.s32 $0x1980;
	[smem:$0x7EA] =	sst s15  }
0x5f: {  	s6 =	simm.s32 $0x1F80;
	[smem:$0x7EC] =	sst s17  }
0x60: {  	s24 =	simm.s32 $0x1D00;
	[smem:$0x7F8] =	sst s6  }
0x61: {  	s5 =	simm.s32 $0x1F00;
	[smem:$0x7F3] =	sst s24  }
0x62: {  	s9 =	simm.s32 $0x2100;
	[smem:$0x7F7] =	sst s5  }
0x63: {  	s12 =	simm.s32 $0x2180;
	[smem:$0x7FB] =	sst s9  }
0x64: {  	s14 =	simm.s32 $0x2200;
	[smem:$0x7FC] =	sst s12  }
0x65: {  	s4 =	simm.s32 $0x5;
	[smem:$0x7FD] =	sst s14  }
0x66: {  	[spmem:s10], [sflag:s11] =	dma.local [hbm:s13], $0x1388  }
0x67: {  	_ =	swait.ge [sflag:s4], $0x1388  }
0x68: {  	[sflag:s4] =	ssyncset.done $0x0  }
0x69: {  	s15 =	rddreg [dreg:$0x5];
	[sflag:s4] =	ssyncadd.s32 $0xFFFFEC78  }
0x6a: {  	[tilespmem:s3], [sflag:$0x5] =	stream.linear.gather [hbm4b:s15+s3], $0x1400, $0x38;
	[tilespmem:$0x1C440] =	vst v63  }
0x6b: {  	_ =	swait.ge [sflag:s4], $0x1400  }
0x6c: {  	[sflag:s4] =	ssyncset.done $0x0  }
0x6d: {  	s5 =	simm.s32 $0x1400;
	s16 =	rddreg [dreg:$0x6];
	[sflag:s4] =	ssyncadd.s32 $0xFFFFEC00  }
0x6e: {  	[tilespmem:s5], [sflag:$0x5] =	stream.linear.gather [hbm4b:s16+s3], $0x1400, $0x38;
	[tilespmem:$0x1C440] =	vst v63  }
0x6f: {  	_ =	swait.ge [sflag:s4], $0x1400  }
0x70: {  	[sflag:s4] =	ssyncset.done $0x0  }
0x71: {  	[sflag:s4] =	ssyncadd.s32 $0xFFFFEC00  }
0x72: {  	s7 =	simm.s32 $0x2800;
	s6 =	simm.s32 $0x80;
	[bflag:$0x0] =	sbarrier.arrive $0xFFFF  }
0x73: {  	[tilespmem:s7], [sflag:$0x1] =	stream.indirect.gather [spmem:s2], $0x40, s3, s6, $0xb8;
	[tilespmem:$0x1C440] =	vst v63  }
0x74: {  	s8 =	simm.s32 $0x4800;
	s17 =	rddreg [dreg:$0x1c]  }
0x75: {  	[tilespmem:s8], [sflag:$0x1] =	stream.indirect.gather [spmem:s2], $0x40, s6, s6, $0xb8;
	[tilespmem:$0x1C440] =	vst v63  }
0x76: {  	s9 =	simm.s32 $0x6800;
	s18 =	rddreg [dreg:$0x1d]  }
0x77: {  	[tilespmem:s9], [sflag:$0x1] =	stream.indirect.gather [spmem:s2], $0x40, s17, s6, $0xb8;
	[tilespmem:$0x1C440] =	vst v63  }
0x78: {  	s10 =	simm.s32 $0x8800;
	s19 =	rddreg [dreg:$0x1e]  }
0x79: {  	[tilespmem:s10], [sflag:$0x1] =	stream.indirect.gather [spmem:s2], $0x40, s18, s6, $0xb8;
	[tilespmem:$0x1C440] =	vst v63  }
0x7a: {  	s11 =	simm.s32 $0xA800;
	s20 =	rddreg [dreg:$0x1f]  }
0x7b: {  	[tilespmem:s11], [sflag:$0x2] =	stream.indirect.gather [spmem:s2], $0x40, s19, s6, $0xb8;
	[tilespmem:$0x1C440] =	vst v63  }
0x7c: {  	s12 =	simm.s32 $0xC800;
	s21 =	sld [smem:$0x7C0]  }
0x7d: {  	[tilespmem:s12], [sflag:$0x2] =	stream.indirect.gather [spmem:s2], $0x40, s20, s6, $0xb8;
	[tilespmem:$0x1C440] =	vst v63  }
0x7e: {  	s13 =	simm.s32 $0xE800;
	s22 =	sld [smem:$0x7C1]  }
0x7f: {  	[tilespmem:s13], [sflag:$0x2] =	stream.indirect.gather [spmem:s2], $0x40, s21, s6, $0xb8;
	[tilespmem:$0x1C440] =	vst v63  }
0x80: {  	s14 =	simm.s32 $0x10800;
	s15 =	simm.s32 $0x1  }
0x81: {  	[tilespmem:s14], [sflag:$0x2] =	stream.indirect.gather [spmem:s2], $0x40, s22, s6, $0xb8;
	[tilespmem:$0x1C440] =	vst v63  }
0x82: {  	_ =	swait.ge [sflag:s15], $0x8000  }
0x83: {  	s16 =	simm.s32 $0x40;
	[sflag:s15] =	ssyncset.done $0x0  }
0x84: {  	s17 =	simm.s32 $0x3;
	s18 =	rddreg [dreg:$0x7];
	[sflag:s15] =	ssyncadd.s32 $0xFFFF8000  }
0x85: {  	[hbm4b:s18+s16] =	stream.strided.scatter [tilespmem:s7], [sflag:$0x3], $0x8000, s6, s16, $0x38;
	[tilespmem:$0x1C440] =	vst v63  }
0x86: {  	_ =	swait.ge [sflag:s17], $0x8000  }
0x87: {  	s23 =	sld [smem:$0x7C2]  }
0x88: {  	[sflag:s17] =	ssyncset.done $0x0  }
0x89: {  	s19 =	sld [smem:$0x7C3];
	[sflag:s17] =	ssyncadd.s32 $0xFFFF8000  }
0x8a: {  	[tilespmem:s7], [sflag:$0x1] =	stream.indirect.gather [spmem:s2], $0x40, s23, s6, $0xb8;
	[tilespmem:$0x1C440] =	vst v63  }
0x8b: {  	s24 =	sld [smem:$0x7C4]  }
0x8c: {  	[tilespmem:s8], [sflag:$0x1] =	stream.indirect.gather [spmem:s2], $0x40, s19, s6, $0xb8;
	[tilespmem:$0x1C440] =	vst v63  }
0x8d: {  	s25 =	sld [smem:$0x7C5]  }
0x8e: {  	[tilespmem:s9], [sflag:$0x1] =	stream.indirect.gather [spmem:s2], $0x40, s24, s6, $0xb8;
	[tilespmem:$0x1C440] =	vst v63  }
0x8f: {  	s18 =	simm.s32 $0x2  }
0x90: {  	[tilespmem:s10], [sflag:$0x1] =	stream.indirect.gather [spmem:s2], $0x40, s25, s6, $0xb8;
	[tilespmem:$0x1C440] =	vst v63  }
0x91: {  	_ =	swait.ge [sflag:s18], $0x8000  }
0x92: {  	[sflag:s18] =	ssyncset.done $0x0  }
0x93: {  	s19 =	simm.s32 $0x4;
	s20 =	rddreg [dreg:$0x8];
	[sflag:s18] =	ssyncadd.s32 $0xFFFF8000  }
0x94: {  	[hbm4b:s20+s16] =	stream.strided.scatter [tilespmem:s11], [sflag:$0x4], $0x8000, s6, s16, $0x38;
	[tilespmem:$0x1C440] =	vst v63  }
0x95: {  	_ =	swait.ge [sflag:s19], $0x8000  }
0x96: {  	s26 =	sld [smem:$0x7C6]  }
0x97: {  	[sflag:s19] =	ssyncset.done $0x0  }
0x98: {  	s21 =	sld [smem:$0x7C7];
	[sflag:s19] =	ssyncadd.s32 $0xFFFF8000  }
0x99: {  	[tilespmem:s11], [sflag:$0x2] =	stream.indirect.gather [spmem:s2], $0x40, s26, s6, $0xb8;
	[tilespmem:$0x1C440] =	vst v63  }
0x9a: {  	s0 =	sld [smem:$0x7C8]  }
0x9b: {  	[tilespmem:s12], [sflag:$0x2] =	stream.indirect.gather [spmem:s2], $0x40, s21, s6, $0xb8;
	[tilespmem:$0x1C440] =	vst v63  }
0x9c: {  	s22 =	sld [smem:$0x7C9]  }
0x9d: {  	[tilespmem:s13], [sflag:$0x2] =	stream.indirect.gather [spmem:s2], $0x40, s0, s6, $0xb8;
	[tilespmem:$0x1C440] =	vst v63  }
0x9e: {  	_ = 	snop  }
0x9f: {  	[tilespmem:s14], [sflag:$0x2] =	stream.indirect.gather [spmem:s2], $0x40, s22, s6, $0xb8;
	[tilespmem:$0x1C440] =	vst v63  }
0xa0: {  	_ =	swait.ge [sflag:s15], $0x8000  }
0xa1: {  	[sflag:s15] =	ssyncset.done $0x0  }
0xa2: {  	s23 =	rddreg [dreg:$0x9];
	[sflag:s15] =	ssyncadd.s32 $0xFFFF8000  }
0xa3: {  	[hbm4b:s23+s16] =	stream.strided.scatter [tilespmem:s7], [sflag:$0x3], $0x8000, s6, s16, $0x38;
	[tilespmem:$0x1C440] =	vst v63  }
0xa4: {  	_ =	swait.ge [sflag:s17], $0x8000  }
0xa5: {  	s24 =	sld [smem:$0x7CA]  }
0xa6: {  	[sflag:s17] =	ssyncset.done $0x0  }
0xa7: {  	s25 =	sld [smem:$0x7CB];
	[sflag:s17] =	ssyncadd.s32 $0xFFFF8000  }
0xa8: {  	[tilespmem:s7], [sflag:$0x1] =	stream.indirect.gather [spmem:s2], $0x40, s24, s6, $0xb8;
	[tilespmem:$0x1C440] =	vst v63  }
0xa9: {  	s26 =	sld [smem:$0x7CC]  }
0xaa: {  	[tilespmem:s8], [sflag:$0x1] =	stream.indirect.gather [spmem:s2], $0x40, s25, s6, $0xb8;
	[tilespmem:$0x1C440] =	vst v63  }
0xab: {  	s0 =	sld [smem:$0x7CD]  }
0xac: {  	[tilespmem:s9], [sflag:$0x1] =	stream.indirect.gather [spmem:s2], $0x40, s26, s6, $0xb8;
	[tilespmem:$0x1C440] =	vst v63  }
0xad: {  	_ = 	snop  }
0xae: {  	[tilespmem:s10], [sflag:$0x1] =	stream.indirect.gather [spmem:s2], $0x40, s0, s6, $0xb8;
	[tilespmem:$0x1C440] =	vst v63  }
0xaf: {  	_ =	swait.ge [sflag:s18], $0x8000  }
0xb0: {  	[sflag:s18] =	ssyncset.done $0x0  }
0xb1: {  	s22 =	rddreg [dreg:$0xa];
	[sflag:s18] =	ssyncadd.s32 $0xFFFF8000  }
0xb2: {  	[hbm4b:s22+s16] =	stream.strided.scatter [tilespmem:s11], [sflag:$0x4], $0x8000, s6, s16, $0x38;
	[tilespmem:$0x1C440] =	vst v63  }
0xb3: {  	_ =	swait.ge [sflag:s19], $0x8000  }
0xb4: {  	s23 =	sld [smem:$0x7CE]  }
0xb5: {  	[sflag:s19] =	ssyncset.done $0x0  }
0xb6: {  	s24 =	sld [smem:$0x7CF];
	[sflag:s19] =	ssyncadd.s32 $0xFFFF8000  }
0xb7: {  	[tilespmem:s11], [sflag:$0x2] =	stream.indirect.gather [spmem:s2], $0x40, s23, s6, $0xb8;
	[tilespmem:$0x1C440] =	vst v63  }
0xb8: {  	s25 =	sld [smem:$0x7D0]  }
0xb9: {  	[tilespmem:s12], [sflag:$0x2] =	stream.indirect.gather [spmem:s2], $0x40, s24, s6, $0xb8;
	[tilespmem:$0x1C440] =	vst v63  }
0xba: {  	s26 =	sld [smem:$0x7D1]  }
0xbb: {  	[tilespmem:s13], [sflag:$0x2] =	stream.indirect.gather [spmem:s2], $0x40, s25, s6, $0xb8;
	[tilespmem:$0x1C440] =	vst v63  }
0xbc: {  	_ = 	snop  }
0xbd: {  	[tilespmem:s14], [sflag:$0x2] =	stream.indirect.gather [spmem:s2], $0x40, s26, s6, $0xb8;
	[tilespmem:$0x1C440] =	vst v63  }
0xbe: {  	_ =	swait.ge [sflag:s15], $0x8000  }
0xbf: {  	[sflag:s15] =	ssyncset.done $0x0  }
0xc0: {  	s0 =	rddreg [dreg:$0xb];
	[sflag:s15] =	ssyncadd.s32 $0xFFFF8000  }
0xc1: {  	[hbm4b:s0+s16] =	stream.strided.scatter [tilespmem:s7], [sflag:$0x3], $0x8000, s6, s16, $0x38;
	[tilespmem:$0x1C440] =	vst v63  }
0xc2: {  	_ =	swait.ge [sflag:s17], $0x8000  }
0xc3: {  	s21 =	sld [smem:$0x7D2]  }
0xc4: {  	[sflag:s17] =	ssyncset.done $0x0  }
0xc5: {  	s22 =	sld [smem:$0x7D3];
	[sflag:s17] =	ssyncadd.s32 $0xFFFF8000  }
0xc6: {  	[tilespmem:s7], [sflag:$0x1] =	stream.indirect.gather [spmem:s2], $0x40, s21, s6, $0xb8;
	[tilespmem:$0x1C440] =	vst v63  }
0xc7: {  	s23 =	sld [smem:$0x7D4]  }
0xc8: {  	[tilespmem:s8], [sflag:$0x1] =	stream.indirect.gather [spmem:s2], $0x40, s22, s6, $0xb8;
	[tilespmem:$0x1C440] =	vst v63  }
0xc9: {  	s24 =	sld [smem:$0x7D5]  }
0xca: {  	[tilespmem:s9], [sflag:$0x1] =	stream.indirect.gather [spmem:s2], $0x40, s23, s6, $0xb8;
	[tilespmem:$0x1C440] =	vst v63  }
0xcb: {  	_ = 	snop  }
0xcc: {  	[tilespmem:s10], [sflag:$0x1] =	stream.indirect.gather [spmem:s2], $0x40, s24, s6, $0xb8;
	[tilespmem:$0x1C440] =	vst v63  }
0xcd: {  	_ =	swait.ge [sflag:s18], $0x8000  }
0xce: {  	[sflag:s18] =	ssyncset.done $0x0  }
0xcf: {  	s25 =	rddreg [dreg:$0xc];
	[sflag:s18] =	ssyncadd.s32 $0xFFFF8000  }
0xd0: {  	[hbm4b:s25+s16] =	stream.strided.scatter [tilespmem:s11], [sflag:$0x4], $0x8000, s6, s16, $0x38;
	[tilespmem:$0x1C440] =	vst v63  }
0xd1: {  	_ =	swait.ge [sflag:s19], $0x8000  }
0xd2: {  	s26 =	sld [smem:$0x7D6]  }
0xd3: {  	[sflag:s19] =	ssyncset.done $0x0  }
0xd4: {  	s0 =	sld [smem:$0x7D7];
	[sflag:s19] =	ssyncadd.s32 $0xFFFF8000  }
0xd5: {  	[tilespmem:s11], [sflag:$0x2] =	stream.indirect.gather [spmem:s2], $0x40, s26, s6, $0xb8;
	[tilespmem:$0x1C440] =	vst v63  }
0xd6: {  	s22 =	sld [smem:$0x7D8]  }
0xd7: {  	[tilespmem:s12], [sflag:$0x2] =	stream.indirect.gather [spmem:s2], $0x40, s0, s6, $0xb8;
	[tilespmem:$0x1C440] =	vst v63  }
0xd8: {  	s23 =	sld [smem:$0x7D9]  }
0xd9: {  	[tilespmem:s13], [sflag:$0x2] =	stream.indirect.gather [spmem:s2], $0x40, s22, s6, $0xb8;
	[tilespmem:$0x1C440] =	vst v63  }
0xda: {  	_ = 	snop  }
0xdb: {  	[tilespmem:s14], [sflag:$0x2] =	stream.indirect.gather [spmem:s2], $0x40, s23, s6, $0xb8;
	[tilespmem:$0x1C440] =	vst v63  }
0xdc: {  	_ =	swait.ge [sflag:s15], $0x8000  }
0xdd: {  	[sflag:s15] =	ssyncset.done $0x0  }
0xde: {  	s24 =	rddreg [dreg:$0xd];
	[sflag:s15] =	ssyncadd.s32 $0xFFFF8000  }
0xdf: {  	[hbm4b:s24+s16] =	stream.strided.scatter [tilespmem:s7], [sflag:$0x3], $0x8000, s6, s16, $0x38;
	[tilespmem:$0x1C440] =	vst v63  }
0xe0: {  	_ =	swait.ge [sflag:s17], $0x8000  }
0xe1: {  	s25 =	sld [smem:$0x7DA]  }
0xe2: {  	[sflag:s17] =	ssyncset.done $0x0  }
0xe3: {  	s26 =	sld [smem:$0x7DB];
	[sflag:s17] =	ssyncadd.s32 $0xFFFF8000  }
0xe4: {  	[tilespmem:s7], [sflag:$0x1] =	stream.indirect.gather [spmem:s2], $0x40, s25, s6, $0xb8;
	[tilespmem:$0x1C440] =	vst v63  }
0xe5: {  	s0 =	sld [smem:$0x7DC]  }
0xe6: {  	[tilespmem:s8], [sflag:$0x1] =	stream.indirect.gather [spmem:s2], $0x40, s26, s6, $0xb8;
	[tilespmem:$0x1C440] =	vst v63  }
0xe7: {  	s22 =	sld [smem:$0x7DD]  }
0xe8: {  	[tilespmem:s9], [sflag:$0x1] =	stream.indirect.gather [spmem:s2], $0x40, s0, s6, $0xb8;
	[tilespmem:$0x1C440] =	vst v63  }
0xe9: {  	_ = 	snop  }
0xea: {  	[tilespmem:s10], [sflag:$0x1] =	stream.indirect.gather [spmem:s2], $0x40, s22, s6, $0xb8;
	[tilespmem:$0x1C440] =	vst v63  }
0xeb: {  	_ =	swait.ge [sflag:s18], $0x8000  }
0xec: {  	[sflag:s18] =	ssyncset.done $0x0  }
0xed: {  	s23 =	rddreg [dreg:$0xe];
	[sflag:s18] =	ssyncadd.s32 $0xFFFF8000  }
0xee: {  	[hbm4b:s23+s16] =	stream.strided.scatter [tilespmem:s11], [sflag:$0x4], $0x8000, s6, s16, $0x38;
	[tilespmem:$0x1C440] =	vst v63  }
0xef: {  	_ =	swait.ge [sflag:s19], $0x8000  }
0xf0: {  	s24 =	sld [smem:$0x7DE]  }
0xf1: {  	[sflag:s19] =	ssyncset.done $0x0  }
0xf2: {  	s25 =	sld [smem:$0x7DF];
	[sflag:s19] =	ssyncadd.s32 $0xFFFF8000  }
0xf3: {  	[tilespmem:s11], [sflag:$0x2] =	stream.indirect.gather [spmem:s2], $0x40, s24, s6, $0xb8;
	[tilespmem:$0x1C440] =	vst v63  }
0xf4: {  	s26 =	sld [smem:$0x7E0]  }
0xf5: {  	[tilespmem:s12], [sflag:$0x2] =	stream.indirect.gather [spmem:s2], $0x40, s25, s6, $0xb8;
	[tilespmem:$0x1C440] =	vst v63  }
0xf6: {  	s0 =	sld [smem:$0x7E1]  }
0xf7: {  	[tilespmem:s13], [sflag:$0x2] =	stream.indirect.gather [spmem:s2], $0x40, s26, s6, $0xb8;
	[tilespmem:$0x1C440] =	vst v63  }
0xf8: {  	_ = 	snop  }
0xf9: {  	[tilespmem:s14], [sflag:$0x2] =	stream.indirect.gather [spmem:s2], $0x40, s0, s6, $0xb8;
	[tilespmem:$0x1C440] =	vst v63  }
0xfa: {  	_ =	swait.ge [sflag:s15], $0x8000  }
0xfb: {  	[sflag:s15] =	ssyncset.done $0x0  }
0xfc: {  	s21 =	rddreg [dreg:$0xf];
	[sflag:s15] =	ssyncadd.s32 $0xFFFF8000  }
0xfd: {  	[hbm4b:s21+s16] =	stream.strided.scatter [tilespmem:s7], [sflag:$0x3], $0x8000, s6, s16, $0x38;
	[tilespmem:$0x1C440] =	vst v63  }
0xfe: {  	_ =	swait.ge [sflag:s17], $0x8000  }
0xff: {  	[sflag:s17] =	ssyncset.done $0x0  }
0x100: {  	[sflag:s17] =	ssyncadd.s32 $0xFFFF8000  }
0x101: {  	_ =	swait.ge [sflag:s18], $0x8000  }
0x102: {  	[sflag:s18] =	ssyncset.done $0x0  }
0x103: {  	s22 =	rddreg [dreg:$0x10];
	[sflag:s18] =	ssyncadd.s32 $0xFFFF8000  }
0x104: {  	[hbm4b:s22+s16] =	stream.strided.scatter [tilespmem:s11], [sflag:$0x4], $0x8000, s6, s16, $0x38;
	[tilespmem:$0x1C440] =	vst v63  }
0x105: {  	_ =	swait.ge [sflag:s19], $0x8000  }
0x106: {  	[sflag:s19] =	ssyncset.done $0x0  }
0x107: {  	s23 =	sld [smem:$0x7E2];
	[sflag:s19] =	ssyncadd.s32 $0xFFFF8000  }
0x108: {  	[tilespmem:s7], [sflag:$0x1] =	stream.indirect.gather [spmem:s2], $0x40, s5, s6, $0xb8;
	[tilespmem:$0x1C440] =	vst v63  }
0x109: {  	s24 =	sld [smem:$0x7E3]  }
0x10a: {  	[tilespmem:s8], [sflag:$0x1] =	stream.indirect.gather [spmem:s2], $0x40, s23, s6, $0xb8;
	[tilespmem:$0x1C440] =	vst v63  }
0x10b: {  	s25 =	sld [smem:$0x7E4]  }
0x10c: {  	[tilespmem:s9], [sflag:$0x1] =	stream.indirect.gather [spmem:s2], $0x40, s24, s6, $0xb8;
	[tilespmem:$0x1C440] =	vst v63  }
0x10d: {  	s26 =	sld [smem:$0x7E5]  }
0x10e: {  	[tilespmem:s10], [sflag:$0x1] =	stream.indirect.gather [spmem:s2], $0x40, s25, s6, $0xb8;
	[tilespmem:$0x1C440] =	vst v63  }
0x10f: {  	s0 =	sld [smem:$0x7E6]  }
0x110: {  	[tilespmem:s11], [sflag:$0x2] =	stream.indirect.gather [spmem:s2], $0x40, s26, s6, $0xb8;
	[tilespmem:$0x1C440] =	vst v63  }
0x111: {  	s22 =	sld [smem:$0x7E7]  }
0x112: {  	[tilespmem:s12], [sflag:$0x2] =	stream.indirect.gather [spmem:s2], $0x40, s0, s6, $0xb8;
	[tilespmem:$0x1C440] =	vst v63  }
0x113: {  	s23 =	sld [smem:$0x7E8]  }
0x114: {  	[tilespmem:s13], [sflag:$0x2] =	stream.indirect.gather [spmem:s2], $0x40, s22, s6, $0xb8;
	[tilespmem:$0x1C440] =	vst v63  }
0x115: {  	_ = 	snop  }
0x116: {  	[tilespmem:s14], [sflag:$0x2] =	stream.indirect.gather [spmem:s2], $0x40, s23, s6, $0xb8;
	[tilespmem:$0x1C440] =	vst v63  }
0x117: {  	_ =	swait.ge [sflag:s15], $0x8000  }
0x118: {  	[sflag:s15] =	ssyncset.done $0x0  }
0x119: {  	s24 =	rddreg [dreg:$0x11];
	[sflag:s15] =	ssyncadd.s32 $0xFFFF8000  }
0x11a: {  	[hbm4b:s24+s16] =	stream.strided.scatter [tilespmem:s7], [sflag:$0x3], $0x8000, s6, s16, $0x38;
	[tilespmem:$0x1C440] =	vst v63  }
0x11b: {  	_ =	swait.ge [sflag:s17], $0x8000  }
0x11c: {  	s25 =	sld [smem:$0x7E9]  }
0x11d: {  	[sflag:s17] =	ssyncset.done $0x0  }
0x11e: {  	s26 =	sld [smem:$0x7EA];
	[sflag:s17] =	ssyncadd.s32 $0xFFFF8000  }
0x11f: {  	[tilespmem:s7], [sflag:$0x1] =	stream.indirect.gather [spmem:s2], $0x40, s25, s6, $0xb8;
	[tilespmem:$0x1C440] =	vst v63  }
0x120: {  	s0 =	sld [smem:$0x7EB]  }
0x121: {  	[tilespmem:s8], [sflag:$0x1] =	stream.indirect.gather [spmem:s2], $0x40, s26, s6, $0xb8;
	[tilespmem:$0x1C440] =	vst v63  }
0x122: {  	s22 =	sld [smem:$0x7EC]  }
0x123: {  	[tilespmem:s9], [sflag:$0x1] =	stream.indirect.gather [spmem:s2], $0x40, s0, s6, $0xb8;
	[tilespmem:$0x1C440] =	vst v63  }
0x124: {  	_ = 	snop  }
0x125: {  	[tilespmem:s10], [sflag:$0x1] =	stream.indirect.gather [spmem:s2], $0x40, s22, s6, $0xb8;
	[tilespmem:$0x1C440] =	vst v63  }
0x126: {  	_ =	swait.ge [sflag:s18], $0x8000  }
0x127: {  	[sflag:s18] =	ssyncset.done $0x0  }
0x128: {  	s23 =	rddreg [dreg:$0x12];
	[sflag:s18] =	ssyncadd.s32 $0xFFFF8000  }
0x129: {  	[hbm4b:s23+s16] =	stream.strided.scatter [tilespmem:s11], [sflag:$0x4], $0x8000, s6, s16, $0x38;
	[tilespmem:$0x1C440] =	vst v63  }
0x12a: {  	_ =	swait.ge [sflag:s19], $0x8000  }
0x12b: {  	s24 =	sld [smem:$0x7ED]  }
0x12c: {  	[sflag:s19] =	ssyncset.done $0x0  }
0x12d: {  	s25 =	sld [smem:$0x7EE];
	[sflag:s19] =	ssyncadd.s32 $0xFFFF8000  }
0x12e: {  	[tilespmem:s11], [sflag:$0x2] =	stream.indirect.gather [spmem:s2], $0x40, s24, s6, $0xb8;
	[tilespmem:$0x1C440] =	vst v63  }
0x12f: {  	s26 =	sld [smem:$0x7EF]  }
0x130: {  	[tilespmem:s12], [sflag:$0x2] =	stream.indirect.gather [spmem:s2], $0x40, s25, s6, $0xb8;
	[tilespmem:$0x1C440] =	vst v63  }
0x131: {  	s0 =	sld [smem:$0x7F0]  }
0x132: {  	[tilespmem:s13], [sflag:$0x2] =	stream.indirect.gather [spmem:s2], $0x40, s26, s6, $0xb8;
	[tilespmem:$0x1C440] =	vst v63  }
0x133: {  	_ = 	snop  }
0x134: {  	[tilespmem:s14], [sflag:$0x2] =	stream.indirect.gather [spmem:s2], $0x40, s0, s6, $0xb8;
	[tilespmem:$0x1C440] =	vst v63  }
0x135: {  	_ =	swait.ge [sflag:s15], $0x8000  }
0x136: {  	[sflag:s15] =	ssyncset.done $0x0  }
0x137: {  	s22 =	rddreg [dreg:$0x13];
	[sflag:s15] =	ssyncadd.s32 $0xFFFF8000  }
0x138: {  	[hbm4b:s22+s16] =	stream.strided.scatter [tilespmem:s7], [sflag:$0x3], $0x8000, s6, s16, $0x38;
	[tilespmem:$0x1C440] =	vst v63  }
0x139: {  	_ =	swait.ge [sflag:s17], $0x8000  }
0x13a: {  	s23 =	sld [smem:$0x7F1]  }
0x13b: {  	[sflag:s17] =	ssyncset.done $0x0  }
0x13c: {  	s24 =	sld [smem:$0x7F2];
	[sflag:s17] =	ssyncadd.s32 $0xFFFF8000  }
0x13d: {  	[tilespmem:s7], [sflag:$0x1] =	stream.indirect.gather [spmem:s2], $0x40, s23, s6, $0xb8;
	[tilespmem:$0x1C440] =	vst v63  }
0x13e: {  	s25 =	sld [smem:$0x7F3]  }
0x13f: {  	[tilespmem:s8], [sflag:$0x1] =	stream.indirect.gather [spmem:s2], $0x40, s24, s6, $0xb8;
	[tilespmem:$0x1C440] =	vst v63  }
0x140: {  	s26 =	sld [smem:$0x7F4]  }
0x141: {  	[tilespmem:s9], [sflag:$0x1] =	stream.indirect.gather [spmem:s2], $0x40, s25, s6, $0xb8;
	[tilespmem:$0x1C440] =	vst v63  }
0x142: {  	_ = 	snop  }
0x143: {  	[tilespmem:s10], [sflag:$0x1] =	stream.indirect.gather [spmem:s2], $0x40, s26, s6, $0xb8;
	[tilespmem:$0x1C440] =	vst v63  }
0x144: {  	_ =	swait.ge [sflag:s18], $0x8000  }
0x145: {  	[sflag:s18] =	ssyncset.done $0x0  }
0x146: {  	s0 =	rddreg [dreg:$0x14];
	[sflag:s18] =	ssyncadd.s32 $0xFFFF8000  }
0x147: {  	[hbm4b:s0+s16] =	stream.strided.scatter [tilespmem:s11], [sflag:$0x4], $0x8000, s6, s16, $0x38;
	[tilespmem:$0x1C440] =	vst v63  }
0x148: {  	_ =	swait.ge [sflag:s19], $0x8000  }
0x149: {  	s21 =	sld [smem:$0x7F5]  }
0x14a: {  	[sflag:s19] =	ssyncset.done $0x0  }
0x14b: {  	s22 =	sld [smem:$0x7F6];
	[sflag:s19] =	ssyncadd.s32 $0xFFFF8000  }
0x14c: {  	[tilespmem:s11], [sflag:$0x2] =	stream.indirect.gather [spmem:s2], $0x40, s21, s6, $0xb8;
	[tilespmem:$0x1C440] =	vst v63  }
0x14d: {  	s23 =	sld [smem:$0x7F7]  }
0x14e: {  	[tilespmem:s12], [sflag:$0x2] =	stream.indirect.gather [spmem:s2], $0x40, s22, s6, $0xb8;
	[tilespmem:$0x1C440] =	vst v63  }
0x14f: {  	s24 =	sld [smem:$0x7F8]  }
0x150: {  	[tilespmem:s13], [sflag:$0x2] =	stream.indirect.gather [spmem:s2], $0x40, s23, s6, $0xb8;
	[tilespmem:$0x1C440] =	vst v63  }
0x151: {  	_ = 	snop  }
0x152: {  	[tilespmem:s14], [sflag:$0x2] =	stream.indirect.gather [spmem:s2], $0x40, s24, s6, $0xb8;
	[tilespmem:$0x1C440] =	vst v63  }
0x153: {  	_ =	swait.ge [sflag:s15], $0x8000  }
0x154: {  	[sflag:s15] =	ssyncset.done $0x0  }
0x155: {  	s25 =	rddreg [dreg:$0x15];
	[sflag:s15] =	ssyncadd.s32 $0xFFFF8000  }
0x156: {  	[hbm4b:s25+s16] =	stream.strided.scatter [tilespmem:s7], [sflag:$0x3], $0x8000, s6, s16, $0x38;
	[tilespmem:$0x1C440] =	vst v63  }
0x157: {  	_ =	swait.ge [sflag:s17], $0x8000  }
0x158: {  	s26 =	sld [smem:$0x7F9]  }
0x159: {  	[sflag:s17] =	ssyncset.done $0x0  }
0x15a: {  	s0 =	sld [smem:$0x7FA];
	[sflag:s17] =	ssyncadd.s32 $0xFFFF8000  }
0x15b: {  	[tilespmem:s7], [sflag:$0x1] =	stream.indirect.gather [spmem:s2], $0x40, s26, s6, $0xb8;
	[tilespmem:$0x1C440] =	vst v63  }
0x15c: {  	s22 =	sld [smem:$0x7FB]  }
0x15d: {  	[tilespmem:s8], [sflag:$0x1] =	stream.indirect.gather [spmem:s2], $0x40, s0, s6, $0xb8;
	[tilespmem:$0x1C440] =	vst v63  }
0x15e: {  	s23 =	sld [smem:$0x7FC]  }
0x15f: {  	[tilespmem:s9], [sflag:$0x1] =	stream.indirect.gather [spmem:s2], $0x40, s22, s6, $0xb8;
	[tilespmem:$0x1C440] =	vst v63  }
0x160: {  	_ = 	snop  }
0x161: {  	[tilespmem:s10], [sflag:$0x1] =	stream.indirect.gather [spmem:s2], $0x40, s23, s6, $0xb8;
	[tilespmem:$0x1C440] =	vst v63  }
0x162: {  	_ =	swait.ge [sflag:s18], $0x8000  }
0x163: {  	[sflag:s18] =	ssyncset.done $0x0  }
0x164: {  	s24 =	rddreg [dreg:$0x16];
	[sflag:s18] =	ssyncadd.s32 $0xFFFF8000  }
0x165: {  	[hbm4b:s24+s16] =	stream.strided.scatter [tilespmem:s11], [sflag:$0x4], $0x8000, s6, s16, $0x38;
	[tilespmem:$0x1C440] =	vst v63  }
0x166: {  	_ =	swait.ge [sflag:s19], $0x8000  }
0x167: {  	s25 =	sld [smem:$0x7FD]  }
0x168: {  	[sflag:s19] =	ssyncset.done $0x0  }
0x169: {  	[sflag:s19] =	ssyncadd.s32 $0xFFFF8000  }
0x16a: {  	[tilespmem:s11], [sflag:$0x2] =	stream.indirect.gather [spmem:s2], $0x40, s25, s6, $0xb8;
	[tilespmem:$0x1C440] =	vst v63  }
0x16b: {  	s26 =	simm.s32 $0x2280  }
0x16c: {  	[tilespmem:s12], [sflag:$0x2] =	stream.indirect.gather [spmem:s2], $0x40, s26, s6, $0xb8;
	[tilespmem:$0x1C440] =	vst v63  }
0x16d: {  	s20 =	simm.s32 $0x2300  }
0x16e: {  	[tilespmem:s13], [sflag:$0x2] =	stream.indirect.gather [spmem:s2], $0x40, s20, s6, $0xb8;
	[tilespmem:$0x1C440] =	vst v63  }
0x16f: {  	s22 =	simm.s32 $0x2380  }
0x170: {  	[tilespmem:s14], [sflag:$0x2] =	stream.indirect.gather [spmem:s2], $0x40, s22, s6, $0xb8;
	[tilespmem:$0x1C440] =	vst v63  }
0x171: {  	_ =	swait.ge [sflag:s15], $0x8000  }
0x172: {  	[sflag:s15] =	ssyncset.done $0x0  }
0x173: {  	s23 =	rddreg [dreg:$0x17];
	[sflag:s15] =	ssyncadd.s32 $0xFFFF8000  }
0x174: {  	[hbm4b:s23+s16] =	stream.strided.scatter [tilespmem:s7], [sflag:$0x3], $0x8000, s6, s16, $0x38;
	[tilespmem:$0x1C440] =	vst v63  }
0x175: {  	_ =	swait.ge [sflag:s17], $0x8000  }
0x176: {  	[sflag:s17] =	ssyncset.done $0x0  }
0x177: {  	s23 =	simm.s32 $0x2400;
	[sflag:s17] =	ssyncadd.s32 $0xFFFF8000  }
0x178: {  	[tilespmem:s7], [sflag:$0x1] =	stream.indirect.gather [spmem:s2], $0x40, s23, s6, $0xb8;
	[tilespmem:$0x1C440] =	vst v63  }
0x179: {  	s24 =	simm.s32 $0x2480  }
0x17a: {  	[tilespmem:s8], [sflag:$0x1] =	stream.indirect.gather [spmem:s2], $0x40, s24, s6, $0xb8;
	[tilespmem:$0x1C440] =	vst v63  }
0x17b: {  	s25 =	simm.s32 $0x2500  }
0x17c: {  	[tilespmem:s9], [sflag:$0x1] =	stream.indirect.gather [spmem:s2], $0x40, s25, s6, $0xb8;
	[tilespmem:$0x1C440] =	vst v63  }
0x17d: {  	s26 =	simm.s32 $0x2580  }
0x17e: {  	[tilespmem:s10], [sflag:$0x1] =	stream.indirect.gather [spmem:s2], $0x40, s26, s6, $0xb8;
	[tilespmem:$0x1C440] =	vst v63  }
0x17f: {  	_ =	swait.ge [sflag:s18], $0x8000  }
0x180: {  	[sflag:s18] =	ssyncset.done $0x0  }
0x181: {  	s28 =	rddreg [dreg:$0x18];
	[sflag:s18] =	ssyncadd.s32 $0xFFFF8000  }
0x182: {  	[hbm4b:s28+s16] =	stream.strided.scatter [tilespmem:s11], [sflag:$0x4], $0x8000, s6, s16, $0x38;
	[tilespmem:$0x1C440] =	vst v63  }
0x183: {  	_ =	swait.ge [sflag:s19], $0x8000  }
0x184: {  	[sflag:s19] =	ssyncset.done $0x0  }
0x185: {  	s28 =	simm.s32 $0x2600;
	[sflag:s19] =	ssyncadd.s32 $0xFFFF8000  }
0x186: {  	[tilespmem:s11], [sflag:$0x2] =	stream.indirect.gather [spmem:s2], $0x40, s28, s6, $0xb8;
	[tilespmem:$0x1C440] =	vst v63  }
0x187: {  	s29 =	simm.s32 $0x2680  }
0x188: {  	[tilespmem:s12], [sflag:$0x2] =	stream.indirect.gather [spmem:s2], $0x40, s29, s6, $0xb8;
	[tilespmem:$0x1C440] =	vst v63  }
0x189: {  	s30 =	simm.s32 $0x2700  }
0x18a: {  	[tilespmem:s13], [sflag:$0x2] =	stream.indirect.gather [spmem:s2], $0x40, s30, s6, $0xb8;
	[tilespmem:$0x1C440] =	vst v63  }
0x18b: {  	s31 =	simm.s32 $0x2780  }
0x18c: {  	[tilespmem:s14], [sflag:$0x2] =	stream.indirect.gather [spmem:s2], $0x40, s31, s6, $0xb8;
	[tilespmem:$0x1C440] =	vst v63  }
0x18d: {  	s20 =	ssub.s32 $0x2, s1;
	_ =	swait.ge [sflag:s15], $0x8000  }
0x18e: {  	s1 =	sshrl.u32 s20, $0x1;
	[sflag:s15] =	ssyncset.done $0x0  }
0x18f: {  	s0 =	ssub.s32 s20, s1;
	s21 =	rddreg [dreg:$0x19];
	[sflag:s15] =	ssyncadd.s32 $0xFFFF8000  }
0x190: {  	[hbm4b:s21+s16] =	stream.strided.scatter [tilespmem:s7], [sflag:$0x3], $0x8000, s6, s16, $0x38;
	[tilespmem:$0x1C440] =	vst v63  }
0x191: {  	s0 =	smax.u32 s0, $0x1;
	_ =	swait.ge [sflag:s17], $0x8000  }
0x192: {  	p0 =	sne.s32 s0, $0x1;
	[sflag:s17] =	ssyncset.done $0x0  }
.Ltmp0:
0x193: {  	[sflag:s17] =	ssyncadd.s32 $0xFFFF8000;
	(pc) =	sbr.rel @!p0 .LBB2_2-.Ltmp0, $4  }
0x194: {  	_ =	swait.ge [sflag:s18], $0x8000  }
0x195: {  	[sflag:s18] =	ssyncset.done $0x0  }
0x196: {  	s1 =	sadd.s32 $0xFFFFFFFF, s0;
	s21 =	rddreg [dreg:$0x1a];
	[sflag:s18] =	ssyncadd.s32 $0xFFFF8000  }
0x197: {  	[hbm4b:s21+s16] =	stream.strided.scatter [tilespmem:s11], [sflag:$0x4], $0x8000, s6, s16, $0x38;
	[tilespmem:$0x1C440] =	vst v63  }
.LBB2_1:
0x198: {  	_ =	swait.ge [sflag:s19], $0x8000  }
0x199: {  	s0 =	rddreg [dreg:$0x1b]  }
0x19a: {  	[sflag:s19] =	ssyncset.done $0x0;
	s20 =	rddreg [dreg:$0x4]  }
0x19b: {  	s21 =	rddreg [dreg:$0x3];
	[sflag:s19] =	ssyncadd.s32 $0xFFFF8000  }
0x19c: {  	[spmem:s0], [sflag:s20] =	dma.local [hbm:s21], $0x1388  }
0x19d: {  	_ =	swait.ge [sflag:s4], $0x1388  }
0x19e: {  	[sflag:s4] =	ssyncset.done $0x0  }
0x19f: {  	s20 =	rddreg [dreg:$0x5];
	[sflag:s4] =	ssyncadd.s32 $0xFFFFEC78  }
0x1a0: {  	[tilespmem:s3], [sflag:$0x5] =	stream.linear.gather [hbm4b:s20+s3], $0x1400, $0x38;
	[tilespmem:$0x1C440] =	vst v63  }
0x1a1: {  	_ =	swait.ge [sflag:s4], $0x1400  }
0x1a2: {  	[sflag:s4] =	ssyncset.done $0x0  }
0x1a3: {  	s21 =	rddreg [dreg:$0x6];
	[sflag:s4] =	ssyncadd.s32 $0xFFFFEC00  }
0x1a4: {  	[tilespmem:s5], [sflag:$0x5] =	stream.linear.gather [hbm4b:s21+s3], $0x1400, $0x38;
	[tilespmem:$0x1C440] =	vst v63  }
0x1a5: {  	_ =	swait.ge [sflag:s4], $0x1400  }
0x1a6: {  	[sflag:s4] =	ssyncset.done $0x0  }
0x1a7: {  	[sflag:s4] =	ssyncadd.s32 $0xFFFFEC00  }
0x1a8: {  	[bflag:$0x0] =	sbarrier.arrive $0xFFFF  }
0x1a9: {  	[tilespmem:s7], [sflag:$0x1] =	stream.indirect.gather [spmem:s2], $0x40, s3, s6, $0xb8;
	[tilespmem:$0x1C440] =	vst v63  }
0x1aa: {  	s20 =	rddreg [dreg:$0x1c]  }
0x1ab: {  	[tilespmem:s8], [sflag:$0x1] =	stream.indirect.gather [spmem:s2], $0x40, s6, s6, $0xb8;
	[tilespmem:$0x1C440] =	vst v63  }
0x1ac: {  	s21 =	rddreg [dreg:$0x1d]  }
0x1ad: {  	[tilespmem:s9], [sflag:$0x1] =	stream.indirect.gather [spmem:s2], $0x40, s20, s6, $0xb8;
	[tilespmem:$0x1C440] =	vst v63  }
0x1ae: {  	s0 =	rddreg [dreg:$0x1e]  }
0x1af: {  	[tilespmem:s10], [sflag:$0x1] =	stream.indirect.gather [spmem:s2], $0x40, s21, s6, $0xb8;
	[tilespmem:$0x1C440] =	vst v63  }
0x1b0: {  	s21 =	rddreg [dreg:$0x1f]  }
0x1b1: {  	[tilespmem:s11], [sflag:$0x2] =	stream.indirect.gather [spmem:s2], $0x40, s0, s6, $0xb8;
	[tilespmem:$0x1C440] =	vst v63  }
0x1b2: {  	s0 =	sld [smem:$0x7C0]  }
0x1b3: {  	[tilespmem:s12], [sflag:$0x2] =	stream.indirect.gather [spmem:s2], $0x40, s21, s6, $0xb8;
	[tilespmem:$0x1C440] =	vst v63  }
0x1b4: {  	s21 =	sld [smem:$0x7C1]  }
0x1b5: {  	[tilespmem:s13], [sflag:$0x2] =	stream.indirect.gather [spmem:s2], $0x40, s0, s6, $0xb8;
	[tilespmem:$0x1C440] =	vst v63  }
0x1b6: {  	_ = 	snop  }
0x1b7: {  	[tilespmem:s14], [sflag:$0x2] =	stream.indirect.gather [spmem:s2], $0x40, s21, s6, $0xb8;
	[tilespmem:$0x1C440] =	vst v63  }
0x1b8: {  	_ =	swait.ge [sflag:s15], $0x8000  }
0x1b9: {  	[sflag:s15] =	ssyncset.done $0x0  }
0x1ba: {  	s21 =	rddreg [dreg:$0x7];
	[sflag:s15] =	ssyncadd.s32 $0xFFFF8000  }
0x1bb: {  	[hbm4b:s21+s16] =	stream.strided.scatter [tilespmem:s7], [sflag:$0x3], $0x8000, s6, s16, $0x38;
	[tilespmem:$0x1C440] =	vst v63  }
0x1bc: {  	_ =	swait.ge [sflag:s17], $0x8000  }
0x1bd: {  	s20 =	sld [smem:$0x7C2]  }
0x1be: {  	[sflag:s17] =	ssyncset.done $0x0  }
0x1bf: {  	s21 =	sld [smem:$0x7C3];
	[sflag:s17] =	ssyncadd.s32 $0xFFFF8000  }
0x1c0: {  	[tilespmem:s7], [sflag:$0x1] =	stream.indirect.gather [spmem:s2], $0x40, s20, s6, $0xb8;
	[tilespmem:$0x1C440] =	vst v63  }
0x1c1: {  	s0 =	sld [smem:$0x7C4]  }
0x1c2: {  	[tilespmem:s8], [sflag:$0x1] =	stream.indirect.gather [spmem:s2], $0x40, s21, s6, $0xb8;
	[tilespmem:$0x1C440] =	vst v63  }
0x1c3: {  	s21 =	sld [smem:$0x7C5]  }
0x1c4: {  	[tilespmem:s9], [sflag:$0x1] =	stream.indirect.gather [spmem:s2], $0x40, s0, s6, $0xb8;
	[tilespmem:$0x1C440] =	vst v63  }
0x1c5: {  	_ = 	snop  }
0x1c6: {  	[tilespmem:s10], [sflag:$0x1] =	stream.indirect.gather [spmem:s2], $0x40, s21, s6, $0xb8;
	[tilespmem:$0x1C440] =	vst v63  }
0x1c7: {  	_ =	swait.ge [sflag:s18], $0x8000  }
0x1c8: {  	[sflag:s18] =	ssyncset.done $0x0  }
0x1c9: {  	s21 =	rddreg [dreg:$0x8];
	[sflag:s18] =	ssyncadd.s32 $0xFFFF8000  }
0x1ca: {  	[hbm4b:s21+s16] =	stream.strided.scatter [tilespmem:s11], [sflag:$0x4], $0x8000, s6, s16, $0x38;
	[tilespmem:$0x1C440] =	vst v63  }
0x1cb: {  	_ =	swait.ge [sflag:s19], $0x8000  }
0x1cc: {  	s20 =	sld [smem:$0x7C6]  }
0x1cd: {  	[sflag:s19] =	ssyncset.done $0x0  }
0x1ce: {  	s21 =	sld [smem:$0x7C7];
	[sflag:s19] =	ssyncadd.s32 $0xFFFF8000  }
0x1cf: {  	[tilespmem:s11], [sflag:$0x2] =	stream.indirect.gather [spmem:s2], $0x40, s20, s6, $0xb8;
	[tilespmem:$0x1C440] =	vst v63  }
0x1d0: {  	s0 =	sld [smem:$0x7C8]  }
0x1d1: {  	[tilespmem:s12], [sflag:$0x2] =	stream.indirect.gather [spmem:s2], $0x40, s21, s6, $0xb8;
	[tilespmem:$0x1C440] =	vst v63  }
0x1d2: {  	s21 =	sld [smem:$0x7C9]  }
0x1d3: {  	[tilespmem:s13], [sflag:$0x2] =	stream.indirect.gather [spmem:s2], $0x40, s0, s6, $0xb8;
	[tilespmem:$0x1C440] =	vst v63  }
0x1d4: {  	_ = 	snop  }
0x1d5: {  	[tilespmem:s14], [sflag:$0x2] =	stream.indirect.gather [spmem:s2], $0x40, s21, s6, $0xb8;
	[tilespmem:$0x1C440] =	vst v63  }
0x1d6: {  	_ =	swait.ge [sflag:s15], $0x8000  }
0x1d7: {  	[sflag:s15] =	ssyncset.done $0x0  }
0x1d8: {  	s21 =	rddreg [dreg:$0x9];
	[sflag:s15] =	ssyncadd.s32 $0xFFFF8000  }
0x1d9: {  	[hbm4b:s21+s16] =	stream.strided.scatter [tilespmem:s7], [sflag:$0x3], $0x8000, s6, s16, $0x38;
	[tilespmem:$0x1C440] =	vst v63  }
0x1da: {  	_ =	swait.ge [sflag:s17], $0x8000  }
0x1db: {  	s20 =	sld [smem:$0x7CA]  }
0x1dc: {  	[sflag:s17] =	ssyncset.done $0x0  }
0x1dd: {  	s21 =	sld [smem:$0x7CB];
	[sflag:s17] =	ssyncadd.s32 $0xFFFF8000  }
0x1de: {  	[tilespmem:s7], [sflag:$0x1] =	stream.indirect.gather [spmem:s2], $0x40, s20, s6, $0xb8;
	[tilespmem:$0x1C440] =	vst v63  }
0x1df: {  	s0 =	sld [smem:$0x7CC]  }
0x1e0: {  	[tilespmem:s8], [sflag:$0x1] =	stream.indirect.gather [spmem:s2], $0x40, s21, s6, $0xb8;
	[tilespmem:$0x1C440] =	vst v63  }
0x1e1: {  	s21 =	sld [smem:$0x7CD]  }
0x1e2: {  	[tilespmem:s9], [sflag:$0x1] =	stream.indirect.gather [spmem:s2], $0x40, s0, s6, $0xb8;
	[tilespmem:$0x1C440] =	vst v63  }
0x1e3: {  	_ = 	snop  }
0x1e4: {  	[tilespmem:s10], [sflag:$0x1] =	stream.indirect.gather [spmem:s2], $0x40, s21, s6, $0xb8;
	[tilespmem:$0x1C440] =	vst v63  }
0x1e5: {  	_ =	swait.ge [sflag:s18], $0x8000  }
0x1e6: {  	[sflag:s18] =	ssyncset.done $0x0  }
0x1e7: {  	s21 =	rddreg [dreg:$0xa];
	[sflag:s18] =	ssyncadd.s32 $0xFFFF8000  }
0x1e8: {  	[hbm4b:s21+s16] =	stream.strided.scatter [tilespmem:s11], [sflag:$0x4], $0x8000, s6, s16, $0x38;
	[tilespmem:$0x1C440] =	vst v63  }
0x1e9: {  	_ =	swait.ge [sflag:s19], $0x8000  }
0x1ea: {  	s20 =	sld [smem:$0x7CE]  }
0x1eb: {  	[sflag:s19] =	ssyncset.done $0x0  }
0x1ec: {  	s21 =	sld [smem:$0x7CF];
	[sflag:s19] =	ssyncadd.s32 $0xFFFF8000  }
0x1ed: {  	[tilespmem:s11], [sflag:$0x2] =	stream.indirect.gather [spmem:s2], $0x40, s20, s6, $0xb8;
	[tilespmem:$0x1C440] =	vst v63  }
0x1ee: {  	s0 =	sld [smem:$0x7D0]  }
0x1ef: {  	[tilespmem:s12], [sflag:$0x2] =	stream.indirect.gather [spmem:s2], $0x40, s21, s6, $0xb8;
	[tilespmem:$0x1C440] =	vst v63  }
0x1f0: {  	s21 =	sld [smem:$0x7D1]  }
0x1f1: {  	[tilespmem:s13], [sflag:$0x2] =	stream.indirect.gather [spmem:s2], $0x40, s0, s6, $0xb8;
	[tilespmem:$0x1C440] =	vst v63  }
0x1f2: {  	_ = 	snop  }
0x1f3: {  	[tilespmem:s14], [sflag:$0x2] =	stream.indirect.gather [spmem:s2], $0x40, s21, s6, $0xb8;
	[tilespmem:$0x1C440] =	vst v63  }
0x1f4: {  	_ =	swait.ge [sflag:s15], $0x8000  }
0x1f5: {  	[sflag:s15] =	ssyncset.done $0x0  }
0x1f6: {  	s21 =	rddreg [dreg:$0xb];
	[sflag:s15] =	ssyncadd.s32 $0xFFFF8000  }
0x1f7: {  	[hbm4b:s21+s16] =	stream.strided.scatter [tilespmem:s7], [sflag:$0x3], $0x8000, s6, s16, $0x38;
	[tilespmem:$0x1C440] =	vst v63  }
0x1f8: {  	_ =	swait.ge [sflag:s17], $0x8000  }
0x1f9: {  	s20 =	sld [smem:$0x7D2]  }
0x1fa: {  	[sflag:s17] =	ssyncset.done $0x0  }
0x1fb: {  	s21 =	sld [smem:$0x7D3];
	[sflag:s17] =	ssyncadd.s32 $0xFFFF8000  }
0x1fc: {  	[tilespmem:s7], [sflag:$0x1] =	stream.indirect.gather [spmem:s2], $0x40, s20, s6, $0xb8;
	[tilespmem:$0x1C440] =	vst v63  }
0x1fd: {  	s0 =	sld [smem:$0x7D4]  }
0x1fe: {  	[tilespmem:s8], [sflag:$0x1] =	stream.indirect.gather [spmem:s2], $0x40, s21, s6, $0xb8;
	[tilespmem:$0x1C440] =	vst v63  }
0x1ff: {  	s21 =	sld [smem:$0x7D5]  }
0x200: {  	[tilespmem:s9], [sflag:$0x1] =	stream.indirect.gather [spmem:s2], $0x40, s0, s6, $0xb8;
	[tilespmem:$0x1C440] =	vst v63  }
0x201: {  	_ = 	snop  }
0x202: {  	[tilespmem:s10], [sflag:$0x1] =	stream.indirect.gather [spmem:s2], $0x40, s21, s6, $0xb8;
	[tilespmem:$0x1C440] =	vst v63  }
0x203: {  	_ =	swait.ge [sflag:s18], $0x8000  }
0x204: {  	[sflag:s18] =	ssyncset.done $0x0  }
0x205: {  	s21 =	rddreg [dreg:$0xc];
	[sflag:s18] =	ssyncadd.s32 $0xFFFF8000  }
0x206: {  	[hbm4b:s21+s16] =	stream.strided.scatter [tilespmem:s11], [sflag:$0x4], $0x8000, s6, s16, $0x38;
	[tilespmem:$0x1C440] =	vst v63  }
0x207: {  	_ =	swait.ge [sflag:s19], $0x8000  }
0x208: {  	s20 =	sld [smem:$0x7D6]  }
0x209: {  	[sflag:s19] =	ssyncset.done $0x0  }
0x20a: {  	s21 =	sld [smem:$0x7D7];
	[sflag:s19] =	ssyncadd.s32 $0xFFFF8000  }
0x20b: {  	[tilespmem:s11], [sflag:$0x2] =	stream.indirect.gather [spmem:s2], $0x40, s20, s6, $0xb8;
	[tilespmem:$0x1C440] =	vst v63  }
0x20c: {  	s0 =	sld [smem:$0x7D8]  }
0x20d: {  	[tilespmem:s12], [sflag:$0x2] =	stream.indirect.gather [spmem:s2], $0x40, s21, s6, $0xb8;
	[tilespmem:$0x1C440] =	vst v63  }
0x20e: {  	s21 =	sld [smem:$0x7D9]  }
0x20f: {  	[tilespmem:s13], [sflag:$0x2] =	stream.indirect.gather [spmem:s2], $0x40, s0, s6, $0xb8;
	[tilespmem:$0x1C440] =	vst v63  }
0x210: {  	_ = 	snop  }
0x211: {  	[tilespmem:s14], [sflag:$0x2] =	stream.indirect.gather [spmem:s2], $0x40, s21, s6, $0xb8;
	[tilespmem:$0x1C440] =	vst v63  }
0x212: {  	_ =	swait.ge [sflag:s15], $0x8000  }
0x213: {  	[sflag:s15] =	ssyncset.done $0x0  }
0x214: {  	s21 =	rddreg [dreg:$0xd];
	[sflag:s15] =	ssyncadd.s32 $0xFFFF8000  }
0x215: {  	[hbm4b:s21+s16] =	stream.strided.scatter [tilespmem:s7], [sflag:$0x3], $0x8000, s6, s16, $0x38;
	[tilespmem:$0x1C440] =	vst v63  }
0x216: {  	_ =	swait.ge [sflag:s17], $0x8000  }
0x217: {  	s20 =	sld [smem:$0x7DA]  }
0x218: {  	[sflag:s17] =	ssyncset.done $0x0  }
0x219: {  	s21 =	sld [smem:$0x7DB];
	[sflag:s17] =	ssyncadd.s32 $0xFFFF8000  }
0x21a: {  	[tilespmem:s7], [sflag:$0x1] =	stream.indirect.gather [spmem:s2], $0x40, s20, s6, $0xb8;
	[tilespmem:$0x1C440] =	vst v63  }
0x21b: {  	s0 =	sld [smem:$0x7DC]  }
0x21c: {  	[tilespmem:s8], [sflag:$0x1] =	stream.indirect.gather [spmem:s2], $0x40, s21, s6, $0xb8;
	[tilespmem:$0x1C440] =	vst v63  }
0x21d: {  	s21 =	sld [smem:$0x7DD]  }
0x21e: {  	[tilespmem:s9], [sflag:$0x1] =	stream.indirect.gather [spmem:s2], $0x40, s0, s6, $0xb8;
	[tilespmem:$0x1C440] =	vst v63  }
0x21f: {  	_ = 	snop  }
0x220: {  	[tilespmem:s10], [sflag:$0x1] =	stream.indirect.gather [spmem:s2], $0x40, s21, s6, $0xb8;
	[tilespmem:$0x1C440] =	vst v63  }
0x221: {  	_ =	swait.ge [sflag:s18], $0x8000  }
0x222: {  	[sflag:s18] =	ssyncset.done $0x0  }
0x223: {  	s21 =	rddreg [dreg:$0xe];
	[sflag:s18] =	ssyncadd.s32 $0xFFFF8000  }
0x224: {  	[hbm4b:s21+s16] =	stream.strided.scatter [tilespmem:s11], [sflag:$0x4], $0x8000, s6, s16, $0x38;
	[tilespmem:$0x1C440] =	vst v63  }
0x225: {  	_ =	swait.ge [sflag:s19], $0x8000  }
0x226: {  	s20 =	sld [smem:$0x7DE]  }
0x227: {  	[sflag:s19] =	ssyncset.done $0x0  }
0x228: {  	s21 =	sld [smem:$0x7DF];
	[sflag:s19] =	ssyncadd.s32 $0xFFFF8000  }
0x229: {  	[tilespmem:s11], [sflag:$0x2] =	stream.indirect.gather [spmem:s2], $0x40, s20, s6, $0xb8;
	[tilespmem:$0x1C440] =	vst v63  }
0x22a: {  	s0 =	sld [smem:$0x7E0]  }
0x22b: {  	[tilespmem:s12], [sflag:$0x2] =	stream.indirect.gather [spmem:s2], $0x40, s21, s6, $0xb8;
	[tilespmem:$0x1C440] =	vst v63  }
0x22c: {  	s21 =	sld [smem:$0x7E1]  }
0x22d: {  	[tilespmem:s13], [sflag:$0x2] =	stream.indirect.gather [spmem:s2], $0x40, s0, s6, $0xb8;
	[tilespmem:$0x1C440] =	vst v63  }
0x22e: {  	_ = 	snop  }
0x22f: {  	[tilespmem:s14], [sflag:$0x2] =	stream.indirect.gather [spmem:s2], $0x40, s21, s6, $0xb8;
	[tilespmem:$0x1C440] =	vst v63  }
0x230: {  	_ =	swait.ge [sflag:s15], $0x8000  }
0x231: {  	[sflag:s15] =	ssyncset.done $0x0  }
0x232: {  	s21 =	rddreg [dreg:$0xf];
	[sflag:s15] =	ssyncadd.s32 $0xFFFF8000  }
0x233: {  	[hbm4b:s21+s16] =	stream.strided.scatter [tilespmem:s7], [sflag:$0x3], $0x8000, s6, s16, $0x38;
	[tilespmem:$0x1C440] =	vst v63  }
0x234: {  	_ =	swait.ge [sflag:s17], $0x8000  }
0x235: {  	[sflag:s17] =	ssyncset.done $0x0  }
0x236: {  	[sflag:s17] =	ssyncadd.s32 $0xFFFF8000  }
0x237: {  	_ =	swait.ge [sflag:s18], $0x8000  }
0x238: {  	[sflag:s18] =	ssyncset.done $0x0  }
0x239: {  	s20 =	rddreg [dreg:$0x10];
	[sflag:s18] =	ssyncadd.s32 $0xFFFF8000  }
0x23a: {  	[hbm4b:s20+s16] =	stream.strided.scatter [tilespmem:s11], [sflag:$0x4], $0x8000, s6, s16, $0x38;
	[tilespmem:$0x1C440] =	vst v63  }
0x23b: {  	_ =	swait.ge [sflag:s19], $0x8000  }
0x23c: {  	[sflag:s19] =	ssyncset.done $0x0  }
0x23d: {  	s21 =	sld [smem:$0x7E2];
	[sflag:s19] =	ssyncadd.s32 $0xFFFF8000  }
0x23e: {  	[tilespmem:s7], [sflag:$0x1] =	stream.indirect.gather [spmem:s2], $0x40, s5, s6, $0xb8;
	[tilespmem:$0x1C440] =	vst v63  }
0x23f: {  	s20 =	sld [smem:$0x7E3]  }
0x240: {  	[tilespmem:s8], [sflag:$0x1] =	stream.indirect.gather [spmem:s2], $0x40, s21, s6, $0xb8;
	[tilespmem:$0x1C440] =	vst v63  }
0x241: {  	s21 =	sld [smem:$0x7E4]  }
0x242: {  	[tilespmem:s9], [sflag:$0x1] =	stream.indirect.gather [spmem:s2], $0x40, s20, s6, $0xb8;
	[tilespmem:$0x1C440] =	vst v63  }
0x243: {  	s20 =	sld [smem:$0x7E5]  }
0x244: {  	[tilespmem:s10], [sflag:$0x1] =	stream.indirect.gather [spmem:s2], $0x40, s21, s6, $0xb8;
	[tilespmem:$0x1C440] =	vst v63  }
0x245: {  	s21 =	sld [smem:$0x7E6]  }
0x246: {  	[tilespmem:s11], [sflag:$0x2] =	stream.indirect.gather [spmem:s2], $0x40, s20, s6, $0xb8;
	[tilespmem:$0x1C440] =	vst v63  }
0x247: {  	s20 =	sld [smem:$0x7E7]  }
0x248: {  	[tilespmem:s12], [sflag:$0x2] =	stream.indirect.gather [spmem:s2], $0x40, s21, s6, $0xb8;
	[tilespmem:$0x1C440] =	vst v63  }
0x249: {  	s21 =	sld [smem:$0x7E8]  }
0x24a: {  	[tilespmem:s13], [sflag:$0x2] =	stream.indirect.gather [spmem:s2], $0x40, s20, s6, $0xb8;
	[tilespmem:$0x1C440] =	vst v63  }
0x24b: {  	_ = 	snop  }
0x24c: {  	[tilespmem:s14], [sflag:$0x2] =	stream.indirect.gather [spmem:s2], $0x40, s21, s6, $0xb8;
	[tilespmem:$0x1C440] =	vst v63  }
0x24d: {  	_ =	swait.ge [sflag:s15], $0x8000  }
0x24e: {  	[sflag:s15] =	ssyncset.done $0x0  }
0x24f: {  	s21 =	rddreg [dreg:$0x11];
	[sflag:s15] =	ssyncadd.s32 $0xFFFF8000  }
0x250: {  	[hbm4b:s21+s16] =	stream.strided.scatter [tilespmem:s7], [sflag:$0x3], $0x8000, s6, s16, $0x38;
	[tilespmem:$0x1C440] =	vst v63  }
0x251: {  	_ =	swait.ge [sflag:s17], $0x8000  }
0x252: {  	s20 =	sld [smem:$0x7E9]  }
0x253: {  	[sflag:s17] =	ssyncset.done $0x0  }
0x254: {  	s21 =	sld [smem:$0x7EA];
	[sflag:s17] =	ssyncadd.s32 $0xFFFF8000  }
0x255: {  	[tilespmem:s7], [sflag:$0x1] =	stream.indirect.gather [spmem:s2], $0x40, s20, s6, $0xb8;
	[tilespmem:$0x1C440] =	vst v63  }
0x256: {  	s0 =	sld [smem:$0x7EB]  }
0x257: {  	[tilespmem:s8], [sflag:$0x1] =	stream.indirect.gather [spmem:s2], $0x40, s21, s6, $0xb8;
	[tilespmem:$0x1C440] =	vst v63  }
0x258: {  	s21 =	sld [smem:$0x7EC]  }
0x259: {  	[tilespmem:s9], [sflag:$0x1] =	stream.indirect.gather [spmem:s2], $0x40, s0, s6, $0xb8;
	[tilespmem:$0x1C440] =	vst v63  }
0x25a: {  	_ = 	snop  }
0x25b: {  	[tilespmem:s10], [sflag:$0x1] =	stream.indirect.gather [spmem:s2], $0x40, s21, s6, $0xb8;
	[tilespmem:$0x1C440] =	vst v63  }
0x25c: {  	_ =	swait.ge [sflag:s18], $0x8000  }
0x25d: {  	[sflag:s18] =	ssyncset.done $0x0  }
0x25e: {  	s21 =	rddreg [dreg:$0x12];
	[sflag:s18] =	ssyncadd.s32 $0xFFFF8000  }
0x25f: {  	[hbm4b:s21+s16] =	stream.strided.scatter [tilespmem:s11], [sflag:$0x4], $0x8000, s6, s16, $0x38;
	[tilespmem:$0x1C440] =	vst v63  }
0x260: {  	_ =	swait.ge [sflag:s19], $0x8000  }
0x261: {  	s20 =	sld [smem:$0x7ED]  }
0x262: {  	[sflag:s19] =	ssyncset.done $0x0  }
0x263: {  	s21 =	sld [smem:$0x7EE];
	[sflag:s19] =	ssyncadd.s32 $0xFFFF8000  }
0x264: {  	[tilespmem:s11], [sflag:$0x2] =	stream.indirect.gather [spmem:s2], $0x40, s20, s6, $0xb8;
	[tilespmem:$0x1C440] =	vst v63  }
0x265: {  	s0 =	sld [smem:$0x7EF]  }
0x266: {  	[tilespmem:s12], [sflag:$0x2] =	stream.indirect.gather [spmem:s2], $0x40, s21, s6, $0xb8;
	[tilespmem:$0x1C440] =	vst v63  }
0x267: {  	s21 =	sld [smem:$0x7F0]  }
0x268: {  	[tilespmem:s13], [sflag:$0x2] =	stream.indirect.gather [spmem:s2], $0x40, s0, s6, $0xb8;
	[tilespmem:$0x1C440] =	vst v63  }
0x269: {  	_ = 	snop  }
0x26a: {  	[tilespmem:s14], [sflag:$0x2] =	stream.indirect.gather [spmem:s2], $0x40, s21, s6, $0xb8;
	[tilespmem:$0x1C440] =	vst v63  }
0x26b: {  	_ =	swait.ge [sflag:s15], $0x8000  }
0x26c: {  	[sflag:s15] =	ssyncset.done $0x0  }
0x26d: {  	s21 =	rddreg [dreg:$0x13];
	[sflag:s15] =	ssyncadd.s32 $0xFFFF8000  }
0x26e: {  	[hbm4b:s21+s16] =	stream.strided.scatter [tilespmem:s7], [sflag:$0x3], $0x8000, s6, s16, $0x38;
	[tilespmem:$0x1C440] =	vst v63  }
0x26f: {  	_ =	swait.ge [sflag:s17], $0x8000  }
0x270: {  	s20 =	sld [smem:$0x7F1]  }
0x271: {  	[sflag:s17] =	ssyncset.done $0x0  }
0x272: {  	s21 =	sld [smem:$0x7F2];
	[sflag:s17] =	ssyncadd.s32 $0xFFFF8000  }
0x273: {  	[tilespmem:s7], [sflag:$0x1] =	stream.indirect.gather [spmem:s2], $0x40, s20, s6, $0xb8;
	[tilespmem:$0x1C440] =	vst v63  }
0x274: {  	s0 =	sld [smem:$0x7F3]  }
0x275: {  	[tilespmem:s8], [sflag:$0x1] =	stream.indirect.gather [spmem:s2], $0x40, s21, s6, $0xb8;
	[tilespmem:$0x1C440] =	vst v63  }
0x276: {  	s21 =	sld [smem:$0x7F4]  }
0x277: {  	[tilespmem:s9], [sflag:$0x1] =	stream.indirect.gather [spmem:s2], $0x40, s0, s6, $0xb8;
	[tilespmem:$0x1C440] =	vst v63  }
0x278: {  	_ = 	snop  }
0x279: {  	[tilespmem:s10], [sflag:$0x1] =	stream.indirect.gather [spmem:s2], $0x40, s21, s6, $0xb8;
	[tilespmem:$0x1C440] =	vst v63  }
0x27a: {  	_ =	swait.ge [sflag:s18], $0x8000  }
0x27b: {  	[sflag:s18] =	ssyncset.done $0x0  }
0x27c: {  	s21 =	rddreg [dreg:$0x14];
	[sflag:s18] =	ssyncadd.s32 $0xFFFF8000  }
0x27d: {  	[hbm4b:s21+s16] =	stream.strided.scatter [tilespmem:s11], [sflag:$0x4], $0x8000, s6, s16, $0x38;
	[tilespmem:$0x1C440] =	vst v63  }
0x27e: {  	_ =	swait.ge [sflag:s19], $0x8000  }
0x27f: {  	s20 =	sld [smem:$0x7F5]  }
0x280: {  	[sflag:s19] =	ssyncset.done $0x0  }
0x281: {  	s21 =	sld [smem:$0x7F6];
	[sflag:s19] =	ssyncadd.s32 $0xFFFF8000  }
0x282: {  	[tilespmem:s11], [sflag:$0x2] =	stream.indirect.gather [spmem:s2], $0x40, s20, s6, $0xb8;
	[tilespmem:$0x1C440] =	vst v63  }
0x283: {  	s0 =	sld [smem:$0x7F7]  }
0x284: {  	[tilespmem:s12], [sflag:$0x2] =	stream.indirect.gather [spmem:s2], $0x40, s21, s6, $0xb8;
	[tilespmem:$0x1C440] =	vst v63  }
0x285: {  	s21 =	sld [smem:$0x7F8]  }
0x286: {  	[tilespmem:s13], [sflag:$0x2] =	stream.indirect.gather [spmem:s2], $0x40, s0, s6, $0xb8;
	[tilespmem:$0x1C440] =	vst v63  }
0x287: {  	_ = 	snop  }
0x288: {  	[tilespmem:s14], [sflag:$0x2] =	stream.indirect.gather [spmem:s2], $0x40, s21, s6, $0xb8;
	[tilespmem:$0x1C440] =	vst v63  }
0x289: {  	_ =	swait.ge [sflag:s15], $0x8000  }
0x28a: {  	[sflag:s15] =	ssyncset.done $0x0  }
0x28b: {  	s21 =	rddreg [dreg:$0x15];
	[sflag:s15] =	ssyncadd.s32 $0xFFFF8000  }
0x28c: {  	[hbm4b:s21+s16] =	stream.strided.scatter [tilespmem:s7], [sflag:$0x3], $0x8000, s6, s16, $0x38;
	[tilespmem:$0x1C440] =	vst v63  }
0x28d: {  	_ =	swait.ge [sflag:s17], $0x8000  }
0x28e: {  	s20 =	sld [smem:$0x7F9]  }
0x28f: {  	[sflag:s17] =	ssyncset.done $0x0  }
0x290: {  	s21 =	sld [smem:$0x7FA];
	[sflag:s17] =	ssyncadd.s32 $0xFFFF8000  }
0x291: {  	[tilespmem:s7], [sflag:$0x1] =	stream.indirect.gather [spmem:s2], $0x40, s20, s6, $0xb8;
	[tilespmem:$0x1C440] =	vst v63  }
0x292: {  	s0 =	sld [smem:$0x7FB]  }
0x293: {  	[tilespmem:s8], [sflag:$0x1] =	stream.indirect.gather [spmem:s2], $0x40, s21, s6, $0xb8;
	[tilespmem:$0x1C440] =	vst v63  }
0x294: {  	s21 =	sld [smem:$0x7FC]  }
0x295: {  	[tilespmem:s9], [sflag:$0x1] =	stream.indirect.gather [spmem:s2], $0x40, s0, s6, $0xb8;
	[tilespmem:$0x1C440] =	vst v63  }
0x296: {  	_ = 	snop  }
0x297: {  	[tilespmem:s10], [sflag:$0x1] =	stream.indirect.gather [spmem:s2], $0x40, s21, s6, $0xb8;
	[tilespmem:$0x1C440] =	vst v63  }
0x298: {  	_ =	swait.ge [sflag:s18], $0x8000  }
0x299: {  	[sflag:s18] =	ssyncset.done $0x0  }
0x29a: {  	s20 =	rddreg [dreg:$0x16];
	[sflag:s18] =	ssyncadd.s32 $0xFFFF8000  }
0x29b: {  	[hbm4b:s20+s16] =	stream.strided.scatter [tilespmem:s11], [sflag:$0x4], $0x8000, s6, s16, $0x38;
	[tilespmem:$0x1C440] =	vst v63  }
0x29c: {  	_ =	swait.ge [sflag:s19], $0x8000  }
0x29d: {  	s21 =	sld [smem:$0x7FD]  }
0x29e: {  	[sflag:s19] =	ssyncset.done $0x0  }
0x29f: {  	[sflag:s19] =	ssyncadd.s32 $0xFFFF8000  }
0x2a0: {  	[tilespmem:s11], [sflag:$0x2] =	stream.indirect.gather [spmem:s2], $0x40, s21, s6, $0xb8;
	[tilespmem:$0x1C440] =	vst v63  }
0x2a1: {  	s20 =	simm.s32 $0x2280  }
0x2a2: {  	[tilespmem:s12], [sflag:$0x2] =	stream.indirect.gather [spmem:s2], $0x40, s20, s6, $0xb8;
	[tilespmem:$0x1C440] =	vst v63  }
0x2a3: {  	s21 =	simm.s32 $0x2300  }
0x2a4: {  	[tilespmem:s13], [sflag:$0x2] =	stream.indirect.gather [spmem:s2], $0x40, s21, s6, $0xb8;
	[tilespmem:$0x1C440] =	vst v63  }
0x2a5: {  	_ = 	snop  }
0x2a6: {  	[tilespmem:s14], [sflag:$0x2] =	stream.indirect.gather [spmem:s2], $0x40, s22, s6, $0xb8;
	[tilespmem:$0x1C440] =	vst v63  }
0x2a7: {  	_ =	swait.ge [sflag:s15], $0x8000  }
0x2a8: {  	[sflag:s15] =	ssyncset.done $0x0  }
0x2a9: {  	s20 =	rddreg [dreg:$0x17];
	[sflag:s15] =	ssyncadd.s32 $0xFFFF8000  }
0x2aa: {  	[hbm4b:s20+s16] =	stream.strided.scatter [tilespmem:s7], [sflag:$0x3], $0x8000, s6, s16, $0x38;
	[tilespmem:$0x1C440] =	vst v63  }
0x2ab: {  	_ =	swait.ge [sflag:s17], $0x8000  }
0x2ac: {  	[sflag:s17] =	ssyncset.done $0x0  }
0x2ad: {  	[sflag:s17] =	ssyncadd.s32 $0xFFFF8000  }
0x2ae: {  	[tilespmem:s7], [sflag:$0x1] =	stream.indirect.gather [spmem:s2], $0x40, s23, s6, $0xb8;
	[tilespmem:$0x1C440] =	vst v63  }
0x2af: {  	_ = 	snop  }
0x2b0: {  	[tilespmem:s8], [sflag:$0x1] =	stream.indirect.gather [spmem:s2], $0x40, s24, s6, $0xb8;
	[tilespmem:$0x1C440] =	vst v63  }
0x2b1: {  	_ = 	snop  }
0x2b2: {  	[tilespmem:s9], [sflag:$0x1] =	stream.indirect.gather [spmem:s2], $0x40, s25, s6, $0xb8;
	[tilespmem:$0x1C440] =	vst v63  }
0x2b3: {  	_ = 	snop  }
0x2b4: {  	[tilespmem:s10], [sflag:$0x1] =	stream.indirect.gather [spmem:s2], $0x40, s26, s6, $0xb8;
	[tilespmem:$0x1C440] =	vst v63  }
0x2b5: {  	_ =	swait.ge [sflag:s18], $0x8000  }
0x2b6: {  	[sflag:s18] =	ssyncset.done $0x0  }
0x2b7: {  	s21 =	rddreg [dreg:$0x18];
	[sflag:s18] =	ssyncadd.s32 $0xFFFF8000  }
0x2b8: {  	[hbm4b:s21+s16] =	stream.strided.scatter [tilespmem:s11], [sflag:$0x4], $0x8000, s6, s16, $0x38;
	[tilespmem:$0x1C440] =	vst v63  }
0x2b9: {  	_ =	swait.ge [sflag:s19], $0x8000  }
0x2ba: {  	[sflag:s19] =	ssyncset.done $0x0  }
0x2bb: {  	[sflag:s19] =	ssyncadd.s32 $0xFFFF8000  }
0x2bc: {  	[tilespmem:s11], [sflag:$0x2] =	stream.indirect.gather [spmem:s2], $0x40, s28, s6, $0xb8;
	[tilespmem:$0x1C440] =	vst v63  }
0x2bd: {  	_ = 	snop  }
0x2be: {  	[tilespmem:s12], [sflag:$0x2] =	stream.indirect.gather [spmem:s2], $0x40, s29, s6, $0xb8;
	[tilespmem:$0x1C440] =	vst v63  }
0x2bf: {  	_ = 	snop  }
0x2c0: {  	[tilespmem:s13], [sflag:$0x2] =	stream.indirect.gather [spmem:s2], $0x40, s30, s6, $0xb8;
	[tilespmem:$0x1C440] =	vst v63  }
0x2c1: {  	_ = 	snop  }
0x2c2: {  	[tilespmem:s14], [sflag:$0x2] =	stream.indirect.gather [spmem:s2], $0x40, s31, s6, $0xb8;
	[tilespmem:$0x1C440] =	vst v63  }
0x2c3: {  	_ =	swait.ge [sflag:s15], $0x8000  }
0x2c4: {  	[sflag:s15] =	ssyncset.done $0x0  }
0x2c5: {  	s20 =	rddreg [dreg:$0x19];
	[sflag:s15] =	ssyncadd.s32 $0xFFFF8000  }
0x2c6: {  	[hbm4b:s20+s16] =	stream.strided.scatter [tilespmem:s7], [sflag:$0x3], $0x8000, s6, s16, $0x38;
	[tilespmem:$0x1C440] =	vst v63  }
0x2c7: {  	_ =	swait.ge [sflag:s17], $0x8000  }
0x2c8: {  	p0 =	sne.s32 s1, $0x1;
	[sflag:s17] =	ssyncset.done $0x0  }
.Ltmp1:
0x2c9: {  	[sflag:s17] =	ssyncadd.s32 $0xFFFF8000;
	(pc) =	sbr.rel @p0 .LBB2_1-.Ltmp1, $4  }
0x2ca: {  	_ =	swait.ge [sflag:s18], $0x8000  }
0x2cb: {  	[sflag:s18] =	ssyncset.done $0x0  }
0x2cc: {  	s1 =	sadd.s32 $0xFFFFFFFF, s1;
	s21 =	rddreg [dreg:$0x1a];
	[sflag:s18] =	ssyncadd.s32 $0xFFFF8000  }
0x2cd: {  	[hbm4b:s21+s16] =	stream.strided.scatter [tilespmem:s11], [sflag:$0x4], $0x8000, s6, s16, $0x38;
	[tilespmem:$0x1C440] =	vst v63  }
.LBB2_2:
0x2ce: {  	_ =	swait.ge [sflag:s19], $0x8000  }
0x2cf: {  	[sflag:s19] =	ssyncset.done $0x0  }
0x2d0: {  	[sflag:s19] =	ssyncadd.s32 $0xFFFF8000  }
0x2d1: {  	_ =	sfence.sel $0x180000  }
0x2d2: {  	[bflag:$0x0] =	sbarrier.arrive $0xFFFF  }
0x2d3: {  	_ =	strace $0x9000004A  }
0x2d4: {  	s0 =	stileid.u32;
	[bflag:$0x2] =	sbarrier.arrive $0xFFFF  }
0x2d5: {  	p0 =	sne.s32 s0, $0x0;
	s0 =	rddreg [dreg:$0x2]  }
0x2d6: {  	s0 =	sadd.s32 @!p0 $0x100000, s0  }
0x2d7: {  	[sflag:s0] =	ssyncadd.tile.s32 @!p0 $0x1;
	_ =	shalt  }
.Lfunc_end2:
_tile_overlayer_lowered:
.L_overlay_start_2:
0x2d8: {  	(tag) =	ssettag $0x2  }
0x2d9: {  	s0 =	rddreg [dreg:$0x0];
	s2 =	stileid.u32  }
0x2da: {  	s1 =	rddreg [dreg:$0x1];
	p0 =	sne.s32 s2, $0x0  }
0x2db: {  	s3 =	rddreg [dreg:$0x2];
	[bflag:$0x3] =	sbarrier.arrive $0xFFFF;
	s2 =	simm.s32 @!p0 $0x1C05  }
0x2dc: {  	[timem:s3], [sflag:s2] =	dma.local @!p0 [hbm:s0], s1  }
0x2dd: {  	s0 =	simm.s32 @!p0 $0x5  }
0x2de: {  	_ =	swait.ge @!p0 [sflag:s0], s1  }
0x2df: {  	s1 =	ssub.s32 @!p0 $0x0, s1;
	[sflag:s0] =	ssyncset.done @!p0 $0x0  }
0x2e0: {  	[sflag:s0] =	ssyncadd.s32 @!p0 s1  }
0x2e1: {  	[bflag:$0x3] =	sbarrier.arrive $0xFFFF  }
0x2e2: {  	_ =	shalt  }

// kernel: kernel.23.cloned.1.call-start
scs
__scs_entry_jumppad:
0x0: {  	(pc) =	sbr.rel $0x88, $3  }
0x1: {  	(tag) =	ssettag $0x0;
	lr =	simm.s32 $0x1  }
0x2: {  	[smem:$0x3F8A] =	sst lr;
	_ =	strace $0xD0000000  }
0x3: {  	_ = 	snop  }
0x4: {  	_ = 	snop  }
0x5: {  	_ = 	snop  }
0x6: {  	_ = 	snop  }
0x7: {  	_ = 	snop  }
__scs_overlays_trampoline_lowered:
0x8: {  	[smem:$0x3F99] =	sst s0  }
0x9: {  	[smem:$0x3F9A] =	sst s1  }
0xa: {  	[smem:$0x3F9B] =	sst s2  }
0xb: {  	[smem:$0x3F9C] =	sst s3  }
0xc: {  	[smem:$0x3F9D] =	sst s4  }
0xd: {  	[smem:$0x3F9E] =	sst s5  }
0xe: {  	[smem:$0x3F9F] =	sst s6  }
0xf: {  	[smem:$0x3FA0] =	sst s7  }
0x10: {  	[smem:$0x3FA1] =	sst s8  }
0x11: {  	[smem:$0x3FA2] =	sst s9;
	s0 =	simm.s32 @!p0 $0x0  }
0x12: {  	s1 =	sld [smem:$0x3F88];
	s0 =	simm.s32 @p0 $0x1  }
0x13: {  	[smem:$0x3FA3] =	sst s0;
	s0 =	simm.s32 @!p1 $0x0  }
0x14: {  	s2 =	sld [smem:$0x3F87];
	s0 =	simm.s32 @p1 $0x1  }
0x15: {  	[smem:$0x3FA4] =	sst s0;
	s0 =	simm.s32 @!p2 $0x0  }
0x16: {  	s3 =	sld [smem:$0x3FDB];
	s0 =	simm.s32 @p2 $0x1  }
0x17: {  	s4 =	simm.s32 $0x1BF5;
	[smem:$0x3FA6] =	sst s0  }
0x18: {  	s0 =	sld [smem:$0x3F89];
	_ =	swait.ge [sflag:s4], $0x0  }
0x19: {  	s7 =	sld [smem:$0x3F8A]  }
0x1a: {  	s8 =	sadd.s32 $0xFFFFE003, lr  }
0x1b: {  	s9 =	sadd.s32 $0xFFFFFEF7, lr;
	s5 =	simm.s32 $0xFFFFFFFF;
	p2 =	slt.u32 s8, $0xFFFFF086  }
0x1c: {  	p1 =	slt.u32 s9, $0xF7A;
	s5 =	simm.s32 @!p2 $0x0  }
0x1d: {  	s5 =	simm.s32 @p1 $0x1;
	p0 =	seq.s32 s7, s2  }
0x1e: {  	s7 =	smul.u32 @!p0 $0xF7A, s2;
	p2 =	seq.s32 @!p0 s5, $0x0  }
0x1f: {  	s9 =	smul.u32 $0xF7A, s1;
	s8 =	simm.s32 @!p0 $0x1BF5;
	p2 =	por !p2, p0  }
0x20: {  	[sflag:s8] =	ssyncset.s32 @!p0 $0xFFFFF086;
	s6 =	sadd.s32 @!p0 s3, s7;
	s7 =	simm.s32 @!p0 $0x108  }
0x21: {  	s3 =	sadd.s32 s3, s9;
	s6 =	sadd.s32 @!p0 $0x88, s6;
	s7 =	simm.s32 @p2 $0x1082  }
0x22: {  	[simem:s7], [sflag:s8] =	dma.local @!p0 [hbm:s6], $0xF7A  }
0x23: {  	s9 =	sor.u32 $0xD0000000, s2;
	s6 =	simm.s32 $0x108;
	_ =	swait.ge @!p0 [sflag:s8], $0x0  }
0x24: {  	s3 =	sadd.s32 $0x88, s3;
	s6 =	simm.s32 @!p1 $0x1082;
	[sflag:s4] =	ssyncset.s32 $0xFFFFF086  }
0x25: {  	[simem:s6], [sflag:s4] =	dma.local [hbm:s3], $0xF7A  }
0x26: {  	[smem:$0x3F8A] =	sst s1;
	(tag) =	ssettag s2;
	_ =	strace s9  }
0x27: {  	s1 =	sld [smem:$0x3F9A]  }
0x28: {  	s2 =	sld [smem:$0x3F9B]  }
0x29: {  	s4 =	sld [smem:$0x3F9D]  }
0x2a: {  	p0 =	seq.s32 s5, $0x0;
	s5 =	sld [smem:$0x3F9E]  }
0x2b: {  	s6 =	sld [smem:$0x3F9F]  }
0x2c: {  	s7 =	sld [smem:$0x3FA0]  }
0x2d: {  	s3 =	simm.s32 $0x108;
	s8 =	sld [smem:$0x3FA1]  }
0x2e: {  	s3 =	simm.s32 @!p0 $0x1082;
	s9 =	sld [smem:$0x3FA2]  }
0x2f: {  	lr =	sadd.s32 s0, s3;
	s0 =	sld [smem:$0x3F99]  }
0x30: {  	s3 =	sld [smem:$0x3F9C]  }
0x31: {  	[smem:$0x3FA5] =	sst s10  }
0x32: {  	s10 =	sld [smem:$0x3FA3];
	_ =	sdelay $0x3  }
0x33: {  	p0 =	seq.s32 s10, $0x1;
	s10 =	sld [smem:$0x3FA5];
	_ =	sdelay $0x3  }
0x34: {  	[smem:$0x3FA5] =	sst s10  }
0x35: {  	s10 =	sld [smem:$0x3FA4];
	_ =	sdelay $0x3  }
0x36: {  	p1 =	seq.s32 s10, $0x1;
	s10 =	sld [smem:$0x3FA5];
	_ =	sdelay $0x3  }
0x37: {  	[smem:$0x3FA5] =	sst s10  }
0x38: {  	s10 =	sld [smem:$0x3FA6]  }
0x39: {  	_ = 	snop;
	(pc) =	sbr.ind lr, $3  }
0x3a: {  	_ = 	snop  }
0x3b: {  	_ = 	snop  }
0x3c: {  	p2 =	seq.s32 s10, $0x1;
	s10 =	sld [smem:$0x3FA5]  }
0x3d: {  	_ =	shalt  }
0x3e: {  	_ =	shalt  }
0x3f: {  	_ =	shalt  }
0x40: {  	_ =	shalt  }
0x41: {  	_ =	shalt  }
0x42: {  	_ =	shalt  }
0x43: {  	_ =	shalt  }
0x44: {  	_ =	shalt  }
0x45: {  	_ =	shalt  }
0x46: {  	_ =	shalt  }
0x47: {  	_ =	shalt  }
0x48: {  	_ =	shalt  }
0x49: {  	_ =	shalt  }
0x4a: {  	_ =	shalt  }
0x4b: {  	_ =	shalt  }
0x4c: {  	_ =	shalt  }
0x4d: {  	_ =	shalt  }
0x4e: {  	_ =	shalt  }
0x4f: {  	_ =	shalt  }
0x50: {  	_ =	shalt  }
0x51: {  	_ =	shalt  }
0x52: {  	_ =	shalt  }
0x53: {  	_ =	shalt  }
0x54: {  	_ =	shalt  }
0x55: {  	_ =	shalt  }
0x56: {  	_ =	shalt  }
0x57: {  	_ =	shalt  }
0x58: {  	_ =	shalt  }
0x59: {  	_ =	shalt  }
0x5a: {  	_ =	shalt  }
0x5b: {  	_ =	shalt  }
0x5c: {  	_ =	shalt  }
0x5d: {  	_ =	shalt  }
0x5e: {  	_ =	shalt  }
0x5f: {  	_ =	shalt  }
0x60: {  	_ =	shalt  }
0x61: {  	_ =	shalt  }
0x62: {  	_ =	shalt  }
0x63: {  	_ =	shalt  }
0x64: {  	_ =	shalt  }
0x65: {  	_ =	shalt  }
0x66: {  	_ =	shalt  }
0x67: {  	_ =	shalt  }
0x68: {  	_ =	shalt  }
0x69: {  	_ =	shalt  }
0x6a: {  	_ =	shalt  }
0x6b: {  	_ =	shalt  }
0x6c: {  	_ =	shalt  }
0x6d: {  	_ =	shalt  }
0x6e: {  	_ =	shalt  }
0x6f: {  	_ =	shalt  }
0x70: {  	_ =	shalt  }
0x71: {  	_ =	shalt  }
0x72: {  	_ =	shalt  }
0x73: {  	_ =	shalt  }
0x74: {  	_ =	shalt  }
0x75: {  	_ =	shalt  }
0x76: {  	_ =	shalt  }
0x77: {  	_ =	shalt  }
0x78: {  	_ =	shalt  }
0x79: {  	_ =	shalt  }
0x7a: {  	_ =	shalt  }
0x7b: {  	_ =	shalt  }
0x7c: {  	_ =	shalt  }
0x7d: {  	_ =	shalt  }
0x7e: {  	_ =	shalt  }
0x7f: {  	_ =	shalt  }
0x80: {  	_ =	shalt  }
0x81: {  	_ =	shalt  }
0x82: {  	_ =	shalt  }
0x83: {  	_ =	shalt  }
0x84: {  	_ =	shalt  }
0x85: {  	_ =	shalt  }
0x86: {  	_ =	shalt  }
0x87: {  	_ =	shalt  }
.Lfunc_end0:
.L_simem_size_0:
called_computation.2_lowered:
.L_overlay_start_0:
0x88: {  	s2 =	sld [smem:$0x3FD9]  }
0x89: {  	s3 =	sld [smem:$0x3FFE];
	_ =	sdelay $0x1  }
0x8a: {  	s1 =	srdreg.scid  }
0x8b: {  	s0 =	sand.u32 $0x1, s1  }
0x8c: {  	s16 =	sshll.u32 s0, $0xA;
	s2 =	sadd.s32 s3, s2  }
0x8d: {  	s2 =	sadd.s32 s2, s16  }
0x8e: {  	[smem:$0x3FB1] =	sst s2  }
0x8f: {  	_ = 	snop  }
0x90: {  	(tm) =	ssettm $0x1  }
0x91: {  	s17 =	sld [smem:$0x3FFB];
	_ =	sdelay $0x3  }
0x92: {  	_ =	strace s17  }
0x93: {  	s2 =	sld [smem:$0x3FFC];
	_ =	sdelay $0x3  }
0x94: {  	_ =	strace s2  }
0x95: {  	s2 =	sld [smem:$0x3FFD];
	_ =	sdelay $0x3  }
0x96: {  	_ =	strace s2  }
0x97: {  	_ =	strace $0x8FFFFFFF  }
0x98: {  	s18 =	sld [smem:$0x3FDB];
	_ =	sdelay $0x1  }
0x99: {  	s19 =	simm.s32 $_scs_section_size  }
0x9a: {  	s4 =	simm.s32 $_size__tile_overlayer_lowered;
	s5 =	simm.s32 $_tile_overlayer_lowered  }
0x9b: {  	s22 =	simm.s32 $0x1BFF;
	s21 =	sshll.u32 s5, $0x1;
	s2 =	sadd.s32 s19, s18  }
0x9c: {  	s6 =	simm.s32 $0x0;
	s20 =	sshll.u32 s4, $0x1;
	s4 =	sadd.s32 s21, s2  }
0x9d: {  	[timem:s6], [sflag:s22] =	dma.local [hbm:s4], s20  }
0x9e: {  	_ =	swait.ge [sflag:s22], s20  }
0x9f: {  	s3 =	ssub.s32 $0x0, s20;
	[sflag:s22] =	ssyncset.done $0x0  }
0xa0: {  	[sflag:s22] =	ssyncadd.s32 s3;
	_ =	sdelay $0x1  }
0xa1: {  	s23 =	simm.s32 $0x1B8B  }
0xa2: {  	_ =	swait.ge [sflag:s23], $0x1  }
0xa3: {  	[sflag:s23] =	ssyncset.done $0x0  }
0xa4: {  	s25 =	simm.s32 $0x1B8E;
	s24 =	sld [smem:$0x3FFE];
	[sflag:s23] =	ssyncadd.s32 $0xFFFFFFFF  }
0xa5: {  	s26 =	simm.s32 $execute0_lowered;
	[smem:$0x3FD2] =	sst s25  }
0xa6: {  	s4 =	sshll.u32 s26, $0x1;
	_ =	strace $0x8000004C;
	[dreg:$0x1] =	wrdreg $0xFFFFFFFF  }
0xa7: {  	s28 =	simm.s32 $_size_execute0_lowered;
	s2 =	sadd.s32 s2, s4;
	[dreg:$0x0] =	wrdreg $0x0  }
0xa8: {  	s4 =	sshll.u32 s28, $0x1;
	[dreg:$0x2] =	wrdreg s2  }
0xa9: {  	[dreg:$0x3] =	wrdreg s4  }
0xaa: {  	[dreg:$0x4] =	wrdreg $0xC0  }
0xab: {  	_ =	task [dreg:s6], $0x5FFFF  }
0xac: {  	[dreg:$0x1] =	wrdreg $0xFFFFFFFF  }
0xad: {  	[dreg:$0x0] =	wrdreg $0x60  }
0xae: {  	[dreg:$0x2] =	wrdreg s24  }
0xaf: {  	[dreg:$0x3] =	wrdreg $0x128000  }
0xb0: {  	[dreg:$0x4] =	wrdreg $0x9  }
0xb1: {  	_ =	task.clear_ibuf [dreg:s6], $0x5FFFF;
	_ =	strace $0x9000004C  }
0xb2: {  	s29 =	simm.s32 $0x9;
	_ =	strace $0x8000004E  }
0xb3: {  	_ =	swait.ge [sflag:s29], $0x1  }
0xb4: {  	[sflag:s29] =	ssyncadd.s32 $0xFFFFFFFF  }
0xb5: {  	_ =	strace $0x9000004E  }
0xb6: {  	_ =	sfence  }
0xb7: {  	s30 =	sld [smem:$0x0];
	_ =	sdelay $0x2  }
0xb8: {  	s31 =	sshll.u32 s1, $0xD;
	s1 =	sshrl.u32 s1, $0x2  }
0xb9: {  	s3 =	sand.u32 $0x4000, s31;
	s1 =	sadd.s32 s1, s30  }
0xba: {  	s0 =	sor.u32 s3, s0;
	s1 =	sshll.u32 s1, $0x11  }
0xbb: {  	s0 =	sor.u32 s1, s0  }
0xbc: {  	s0 =	sadd.s32 $0x8F2B, s0  }
0xbd: {  	[sflag:s0] =	ssyncadd.remote.s32 $0x1  }
0xbe: {  	_ =	sfence.sel $0xFFFF  }
0xbf: {  	[dreg:$0x0] =	wrdreg $0xFFFFFFFF;
	(pc) =	sbr.abs _section_cstart, $3  }
0xc0: {  	[dreg:$0x1] =	wrdreg $0xFFFFFFFF  }
0xc1: {  	_ =	task.clear_ibuf [dreg:s6], $0x2FFFF;
	_ =	strace $0x9FFFFFFF  }
0xc2: {  	(tm) =	ssettm $0x7FFFFFFF  }
0xc3: {  	_ =	shalt  }
tec
execute0_lowered:
.L_overlay_start_1:
0x0: {  	(tag) =	ssettag $0x1  }
0x1: {  	s0 =	stileid.u32  }
0x2: {  	s1 =	srdreg.scid;
	s5 =	rddreg [dreg:$0x0]  }
0x3: {  	s2 =	rddreg [dreg:$0x1];
	s1 =	sand.u32 $0x1, s1;
	s3 =	sshll.u32 s0, $0x1  }
0x4: {  	s4 =	smul.u32 $0x9C40, s0;
	s9 =	sadd.s32 $0x2D4600, s5;
	s10 =	sshll.u32 s0, $0x6  }
0x5: {  	s6 =	sor.u32 s1, s3;
	s3 =	simm.s32 $0x0;
	s25 =	sor.u32 $0x1C05, s10  }
0x6: {  	s7 =	smul.u32 $0x280, s6;
	[smem:$0x7FF] =	sst s3;
	s8 =	sshrl.u32 s4, $0x3  }
0x7: {  	s26 =	smul.u32 $0xA0000, s6;
	s4 =	sadd.s32 s4, s2;
	_ =	strace $0x8000004D  }
0x8: {  	s8 =	sadd.s32 s8, s5;
	[dreg:$0x4] =	wrdreg s25;
	s4 =	sshrl.u32 s4, $0x3  }
0x9: {  	s7 =	sadd.s32 s7, s5;
	s8 =	sadd.s32 $0x8AA00, s8;
	[dreg:$0x1b] =	wrdreg s4  }
0xa: {  	s6 =	smul.u32 $0x14000, s6;
	[dreg:$0x3] =	wrdreg s8;
	s0 =	sadd.s32 $0x10400, s7  }
0xb: {  	s10 =	sshrl.u32 s26, $0x3;
	s7 =	sadd.s32 $0xB400, s7;
	[dreg:$0x5] =	wrdreg s0  }
0xc: {  	s12 =	sadd.s32 $0x6000, s6;
	s26 =	sadd.s32 s9, s10;
	[dreg:$0x6] =	wrdreg s7  }
0xd: {  	s14 =	sadd.s32 $0xA000, s6;
	s19 =	sadd.s32 s9, s12;
	[dreg:$0x7] =	wrdreg s26  }
0xe: {  	s16 =	sadd.s32 $0xE000, s6;
	s21 =	sadd.s32 s9, s14;
	[dreg:$0xa] =	wrdreg s19  }
0xf: {  	s11 =	sadd.s32 $0x4000, s10;
	s23 =	sadd.s32 s9, s16;
	[dreg:$0xc] =	wrdreg s21  }
0x10: {  	s13 =	sadd.s32 $0x8000, s10;
	s18 =	sadd.s32 s9, s11;
	[dreg:$0xe] =	wrdreg s23  }
0x11: {  	s15 =	sadd.s32 $0xC000, s10;
	s20 =	sadd.s32 s9, s13;
	[dreg:$0x9] =	wrdreg s18  }
0x12: {  	s5 =	sadd.s32 $0x2D4608, s5;
	s22 =	sadd.s32 s9, s15;
	[dreg:$0xb] =	wrdreg s20  }
0x13: {  	s26 =	sadd.s32 s10, s5;
	[dreg:$0xd] =	wrdreg s22  }
0x14: {  	s8 =	sadd.s32 s11, s5;
	[dreg:$0x11] =	wrdreg s26  }
0x15: {  	s11 =	sadd.s32 s14, s5;
	[dreg:$0x13] =	wrdreg s8  }
0x16: {  	s19 =	simm.s32 $0x300;
	[dreg:$0x16] =	wrdreg s11  }
0x17: {  	s21 =	simm.s32 $0x400;
	[smem:$0x7C0] =	sst s19  }
0x18: {  	s23 =	simm.s32 $0x500;
	[smem:$0x7C2] =	sst s21  }
0x19: {  	s0 =	sor.u32 $0x2000, s6;
	s7 =	simm.s32 $0x880;
	[smem:$0x7C4] =	sst s23  }
0x1a: {  	s6 =	sadd.s32 $0x12000, s6;
	s17 =	sadd.s32 s9, s0;
	[smem:$0x7CB] =	sst s7  }
0x1b: {  	s25 =	sadd.s32 s9, s6;
	[dreg:$0x8] =	wrdreg s17  }
0x1c: {  	s0 =	sadd.s32 s0, s5;
	[dreg:$0x10] =	wrdreg s25  }
0x1d: {  	s18 =	simm.s32 $0x280;
	[dreg:$0x12] =	wrdreg s0  }
0x1e: {  	s20 =	simm.s32 $0x380;
	[dreg:$0x1f] =	wrdreg s18  }
0x1f: {  	s22 =	simm.s32 $0x480;
	[smem:$0x7C1] =	sst s20  }
0x20: {  	s26 =	simm.s32 $0x680;
	[smem:$0x7C3] =	sst s22  }
0x21: {  	s8 =	simm.s32 $0x900;
	[smem:$0x7C7] =	sst s26  }
0x22: {  	s11 =	simm.s32 $0xA80;
	[smem:$0x7CC] =	sst s8  }
0x23: {  	s19 =	simm.s32 $0xE80;
	[smem:$0x7CF] =	sst s11  }
0x24: {  	s21 =	simm.s32 $0xF80;
	[smem:$0x7D7] =	sst s19  }
0x25: {  	s23 =	simm.s32 $0x1080;
	[smem:$0x7D9] =	sst s21  }
0x26: {  	s7 =	simm.s32 $0x1480;
	[smem:$0x7DB] =	sst s23  }
0x27: {  	s17 =	sadd.s32 $0x10000, s10;
	s10 =	sadd.s32 s13, s5;
	[smem:$0x7E2] =	sst s7  }
0x28: {  	s13 =	sadd.s32 s16, s5;
	[dreg:$0x15] =	wrdreg s10  }
0x29: {  	s16 =	simm.s32 $0x180;
	[dreg:$0x18] =	wrdreg s13  }
0x2a: {  	s25 =	simm.s32 $0x600;
	[dreg:$0x1d] =	wrdreg s16  }
0x2b: {  	s0 =	simm.s32 $0x700;
	[smem:$0x7C6] =	sst s25  }
0x2c: {  	s18 =	simm.s32 $0xE00;
	[smem:$0x7C8] =	sst s0  }
0x2d: {  	s20 =	simm.s32 $0xF00;
	[smem:$0x7D6] =	sst s18  }
0x2e: {  	s22 =	simm.s32 $0x1000;
	[smem:$0x7D8] =	sst s20  }
0x2f: {  	s26 =	simm.s32 $0x1200;
	[smem:$0x7DA] =	sst s22  }
0x30: {  	s8 =	simm.s32 $0x1500;
	[smem:$0x7DE] =	sst s26  }
0x31: {  	s11 =	simm.s32 $0x1680;
	[smem:$0x7E3] =	sst s8  }
0x32: {  	s19 =	simm.s32 $0x1A80;
	[smem:$0x7E6] =	sst s11  }
0x33: {  	s21 =	simm.s32 $0x1B80;
	[smem:$0x7EE] =	sst s19  }
0x34: {  	s23 =	simm.s32 $0x1C80;
	[smem:$0x7F0] =	sst s21  }
0x35: {  	s7 =	simm.s32 $0x2000;
	[smem:$0x7F2] =	sst s23  }
0x36: {  	[smem:$0x7F9] =	sst s7  }
0x37: {  	s24 =	sadd.s32 s9, s17;
	s11 =	rddreg [dreg:$0x4]  }
0x38: {  	s9 =	sadd.s32 s12, s5;
	[dreg:$0xf] =	wrdreg s24  }
0x39: {  	s12 =	sadd.s32 s15, s5;
	[dreg:$0x14] =	wrdreg s9  }
0x3a: {  	s14 =	sadd.s32 s17, s5;
	[dreg:$0x17] =	wrdreg s12  }
0x3b: {  	s5 =	sadd.s32 s6, s5;
	[dreg:$0x19] =	wrdreg s14  }
0x3c: {  	s15 =	simm.s32 $0x100;
	[dreg:$0x1a] =	wrdreg s5  }
0x3d: {  	s17 =	simm.s32 $0x200;
	[dreg:$0x1c] =	wrdreg s15  }
0x3e: {  	s6 =	simm.s32 $0x800;
	[dreg:$0x1e] =	wrdreg s17  }
0x3f: {  	s10 =	simm.s32 $0xA00;
	[smem:$0x7CA] =	sst s6  }
0x40: {  	s13 =	simm.s32 $0xB80;
	[smem:$0x7CE] =	sst s10  }
0x41: {  	s16 =	simm.s32 $0xD00;
	[smem:$0x7D1] =	sst s13  }
0x42: {  	s25 =	simm.s32 $0x1180;
	[smem:$0x7D4] =	sst s16  }
0x43: {  	s0 =	simm.s32 $0x1280;
	[smem:$0x7DD] =	sst s25  }
0x44: {  	s18 =	simm.s32 $0x1A00;
	[smem:$0x7DF] =	sst s0  }
0x45: {  	s20 =	simm.s32 $0x1B00;
	[smem:$0x7ED] =	sst s18  }
0x46: {  	s22 =	simm.s32 $0x1C00;
	[smem:$0x7EF] =	sst s20  }
0x47: {  	s26 =	simm.s32 $0x1E00;
	[smem:$0x7F1] =	sst s22  }
0x48: {  	s8 =	simm.s32 $0x2080;
	[smem:$0x7F5] =	sst s26  }
0x49: {  	s24 =	simm.s32 $0x580;
	[smem:$0x7FA] =	sst s8  }
0x4a: {  	s5 =	simm.s32 $0x780;
	[smem:$0x7C5] =	sst s24  }
0x4b: {  	s9 =	simm.s32 $0x980;
	[smem:$0x7C9] =	sst s5  }
0x4c: {  	s12 =	simm.s32 $0xB00;
	[smem:$0x7CD] =	sst s9  }
0x4d: {  	s14 =	simm.s32 $0xC00;
	[smem:$0x7D0] =	sst s12  }
0x4e: {  	s15 =	simm.s32 $0xC80;
	[smem:$0x7D2] =	sst s14  }
0x4f: {  	s17 =	simm.s32 $0xD80;
	[smem:$0x7D3] =	sst s15  }
0x50: {  	s6 =	simm.s32 $0x1380;
	[smem:$0x7D5] =	sst s17  }
0x51: {  	s10 =	simm.s32 $0x1600;
	[smem:$0x7E1] =	sst s6  }
0x52: {  	s13 =	simm.s32 $0x1780;
	[smem:$0x7E5] =	sst s10  }
0x53: {  	s16 =	simm.s32 $0x1900;
	[smem:$0x7E8] =	sst s13  }
0x54: {  	s25 =	simm.s32 $0x1D80;
	[smem:$0x7EB] =	sst s16  }
0x55: {  	s0 =	simm.s32 $0x1E80;
	[smem:$0x7F4] =	sst s25  }
0x56: {  	[smem:$0x7F6] =	sst s0  }
0x57: {  	s10 =	rddreg [dreg:$0x1b]  }
0x58: {  	s24 =	simm.s32 $0x1100;
	s13 =	rddreg [dreg:$0x3]  }
0x59: {  	s5 =	simm.s32 $0x1300;
	[smem:$0x7DC] =	sst s24  }
0x5a: {  	s9 =	simm.s32 $0x1580;
	[smem:$0x7E0] =	sst s5  }
0x5b: {  	s12 =	simm.s32 $0x1700;
	[smem:$0x7E4] =	sst s9  }
0x5c: {  	s14 =	simm.s32 $0x1800;
	[smem:$0x7E7] =	sst s12  }
0x5d: {  	s15 =	simm.s32 $0x1880;
	[smem:$0x7E9] =	sst s14  }
0x5e: {  	s17 =	simm.s32 $0x1980;
	[smem:$0x7EA] =	sst s15  }
0x5f: {  	s6 =	simm.s32 $0x1F80;
	[smem:$0x7EC] =	sst s17  }
0x60: {  	s24 =	simm.s32 $0x1D00;
	[smem:$0x7F8] =	sst s6  }
0x61: {  	s5 =	simm.s32 $0x1F00;
	[smem:$0x7F3] =	sst s24  }
0x62: {  	s9 =	simm.s32 $0x2100;
	[smem:$0x7F7] =	sst s5  }
0x63: {  	s12 =	simm.s32 $0x2180;
	[smem:$0x7FB] =	sst s9  }
0x64: {  	s14 =	simm.s32 $0x2200;
	[smem:$0x7FC] =	sst s12  }
0x65: {  	s4 =	simm.s32 $0x5;
	[smem:$0x7FD] =	sst s14  }
0x66: {  	[spmem:s10], [sflag:s11] =	dma.local [hbm:s13], $0x1388  }
0x67: {  	_ =	swait.ge [sflag:s4], $0x1388  }
0x68: {  	[sflag:s4] =	ssyncset.done $0x0  }
0x69: {  	s15 =	rddreg [dreg:$0x5];
	[sflag:s4] =	ssyncadd.s32 $0xFFFFEC78  }
0x6a: {  	[tilespmem:s3], [sflag:$0x5] =	stream.linear.gather [hbm4b:s15+s3], $0x1400, $0x38;
	[tilespmem:$0x1C440] =	vst v63  }
0x6b: {  	_ =	swait.ge [sflag:s4], $0x1400  }
0x6c: {  	[sflag:s4] =	ssyncset.done $0x0  }
0x6d: {  	s5 =	simm.s32 $0x1400;
	s16 =	rddreg [dreg:$0x6];
	[sflag:s4] =	ssyncadd.s32 $0xFFFFEC00  }
0x6e: {  	[tilespmem:s5], [sflag:$0x5] =	stream.linear.gather [hbm4b:s16+s3], $0x1400, $0x38;
	[tilespmem:$0x1C440] =	vst v63  }
0x6f: {  	_ =	swait.ge [sflag:s4], $0x1400  }
0x70: {  	[sflag:s4] =	ssyncset.done $0x0  }
0x71: {  	[sflag:s4] =	ssyncadd.s32 $0xFFFFEC00  }
0x72: {  	s7 =	simm.s32 $0x2800;
	s6 =	simm.s32 $0x80;
	[bflag:$0x0] =	sbarrier.arrive $0xFFFF  }
0x73: {  	[tilespmem:s7], [sflag:$0x1] =	stream.indirect.gather [spmem:s2], $0x40, s3, s6, $0xb8;
	[tilespmem:$0x1C440] =	vst v63  }
0x74: {  	s8 =	simm.s32 $0x4800;
	s17 =	rddreg [dreg:$0x1c]  }
0x75: {  	[tilespmem:s8], [sflag:$0x1] =	stream.indirect.gather [spmem:s2], $0x40, s6, s6, $0xb8;
	[tilespmem:$0x1C440] =	vst v63  }
0x76: {  	s9 =	simm.s32 $0x6800;
	s18 =	rddreg [dreg:$0x1d]  }
0x77: {  	[tilespmem:s9], [sflag:$0x1] =	stream.indirect.gather [spmem:s2], $0x40, s17, s6, $0xb8;
	[tilespmem:$0x1C440] =	vst v63  }
0x78: {  	s10 =	simm.s32 $0x8800;
	s19 =	rddreg [dreg:$0x1e]  }
0x79: {  	[tilespmem:s10], [sflag:$0x1] =	stream.indirect.gather [spmem:s2], $0x40, s18, s6, $0xb8;
	[tilespmem:$0x1C440] =	vst v63  }
0x7a: {  	s11 =	simm.s32 $0xA800;
	s20 =	rddreg [dreg:$0x1f]  }
0x7b: {  	[tilespmem:s11], [sflag:$0x2] =	stream.indirect.gather [spmem:s2], $0x40, s19, s6, $0xb8;
	[tilespmem:$0x1C440] =	vst v63  }
0x7c: {  	s12 =	simm.s32 $0xC800;
	s21 =	sld [smem:$0x7C0]  }
0x7d: {  	[tilespmem:s12], [sflag:$0x2] =	stream.indirect.gather [spmem:s2], $0x40, s20, s6, $0xb8;
	[tilespmem:$0x1C440] =	vst v63  }
0x7e: {  	s13 =	simm.s32 $0xE800;
	s22 =	sld [smem:$0x7C1]  }
0x7f: {  	[tilespmem:s13], [sflag:$0x2] =	stream.indirect.gather [spmem:s2], $0x40, s21, s6, $0xb8;
	[tilespmem:$0x1C440] =	vst v63  }
0x80: {  	s14 =	simm.s32 $0x10800;
	s15 =	simm.s32 $0x1  }
0x81: {  	[tilespmem:s14], [sflag:$0x2] =	stream.indirect.gather [spmem:s2], $0x40, s22, s6, $0xb8;
	[tilespmem:$0x1C440] =	vst v63  }
0x82: {  	_ =	swait.ge [sflag:s15], $0x8000  }
0x83: {  	s16 =	simm.s32 $0x40;
	[sflag:s15] =	ssyncset.done $0x0  }
0x84: {  	s17 =	simm.s32 $0x3;
	s18 =	rddreg [dreg:$0x7];
	[sflag:s15] =	ssyncadd.s32 $0xFFFF8000  }
0x85: {  	[hbm4b:s18+s16] =	stream.strided.scatter [tilespmem:s7], [sflag:$0x3], $0x8000, s6, s16, $0x38;
	[tilespmem:$0x1C440] =	vst v63  }
0x86: {  	_ =	swait.ge [sflag:s17], $0x8000  }
0x87: {  	s23 =	sld [smem:$0x7C2]  }
0x88: {  	[sflag:s17] =	ssyncset.done $0x0  }
0x89: {  	s19 =	sld [smem:$0x7C3];
	[sflag:s17] =	ssyncadd.s32 $0xFFFF8000  }
0x8a: {  	[tilespmem:s7], [sflag:$0x1] =	stream.indirect.gather [spmem:s2], $0x40, s23, s6, $0xb8;
	[tilespmem:$0x1C440] =	vst v63  }
0x8b: {  	s24 =	sld [smem:$0x7C4]  }
0x8c: {  	[tilespmem:s8], [sflag:$0x1] =	stream.indirect.gather [spmem:s2], $0x40, s19, s6, $0xb8;
	[tilespmem:$0x1C440] =	vst v63  }
0x8d: {  	s25 =	sld [smem:$0x7C5]  }
0x8e: {  	[tilespmem:s9], [sflag:$0x1] =	stream.indirect.gather [spmem:s2], $0x40, s24, s6, $0xb8;
	[tilespmem:$0x1C440] =	vst v63  }
0x8f: {  	s18 =	simm.s32 $0x2  }
0x90: {  	[tilespmem:s10], [sflag:$0x1] =	stream.indirect.gather [spmem:s2], $0x40, s25, s6, $0xb8;
	[tilespmem:$0x1C440] =	vst v63  }
0x91: {  	_ =	swait.ge [sflag:s18], $0x8000  }
0x92: {  	[sflag:s18] =	ssyncset.done $0x0  }
0x93: {  	s19 =	simm.s32 $0x4;
	s20 =	rddreg [dreg:$0x8];
	[sflag:s18] =	ssyncadd.s32 $0xFFFF8000  }
0x94: {  	[hbm4b:s20+s16] =	stream.strided.scatter [tilespmem:s11], [sflag:$0x4], $0x8000, s6, s16, $0x38;
	[tilespmem:$0x1C440] =	vst v63  }
0x95: {  	_ =	swait.ge [sflag:s19], $0x8000  }
0x96: {  	s26 =	sld [smem:$0x7C6]  }
0x97: {  	[sflag:s19] =	ssyncset.done $0x0  }
0x98: {  	s21 =	sld [smem:$0x7C7];
	[sflag:s19] =	ssyncadd.s32 $0xFFFF8000  }
0x99: {  	[tilespmem:s11], [sflag:$0x2] =	stream.indirect.gather [spmem:s2], $0x40, s26, s6, $0xb8;
	[tilespmem:$0x1C440] =	vst v63  }
0x9a: {  	s0 =	sld [smem:$0x7C8]  }
0x9b: {  	[tilespmem:s12], [sflag:$0x2] =	stream.indirect.gather [spmem:s2], $0x40, s21, s6, $0xb8;
	[tilespmem:$0x1C440] =	vst v63  }
0x9c: {  	s22 =	sld [smem:$0x7C9]  }
0x9d: {  	[tilespmem:s13], [sflag:$0x2] =	stream.indirect.gather [spmem:s2], $0x40, s0, s6, $0xb8;
	[tilespmem:$0x1C440] =	vst v63  }
0x9e: {  	_ = 	snop  }
0x9f: {  	[tilespmem:s14], [sflag:$0x2] =	stream.indirect.gather [spmem:s2], $0x40, s22, s6, $0xb8;
	[tilespmem:$0x1C440] =	vst v63  }
0xa0: {  	_ =	swait.ge [sflag:s15], $0x8000  }
0xa1: {  	[sflag:s15] =	ssyncset.done $0x0  }
0xa2: {  	s23 =	rddreg [dreg:$0x9];
	[sflag:s15] =	ssyncadd.s32 $0xFFFF8000  }
0xa3: {  	[hbm4b:s23+s16] =	stream.strided.scatter [tilespmem:s7], [sflag:$0x3], $0x8000, s6, s16, $0x38;
	[tilespmem:$0x1C440] =	vst v63  }
0xa4: {  	_ =	swait.ge [sflag:s17], $0x8000  }
0xa5: {  	s24 =	sld [smem:$0x7CA]  }
0xa6: {  	[sflag:s17] =	ssyncset.done $0x0  }
0xa7: {  	s25 =	sld [smem:$0x7CB];
	[sflag:s17] =	ssyncadd.s32 $0xFFFF8000  }
0xa8: {  	[tilespmem:s7], [sflag:$0x1] =	stream.indirect.gather [spmem:s2], $0x40, s24, s6, $0xb8;
	[tilespmem:$0x1C440] =	vst v63  }
0xa9: {  	s26 =	sld [smem:$0x7CC]  }
0xaa: {  	[tilespmem:s8], [sflag:$0x1] =	stream.indirect.gather [spmem:s2], $0x40, s25, s6, $0xb8;
	[tilespmem:$0x1C440] =	vst v63  }
0xab: {  	s0 =	sld [smem:$0x7CD]  }
0xac: {  	[tilespmem:s9], [sflag:$0x1] =	stream.indirect.gather [spmem:s2], $0x40, s26, s6, $0xb8;
	[tilespmem:$0x1C440] =	vst v63  }
0xad: {  	_ = 	snop  }
0xae: {  	[tilespmem:s10], [sflag:$0x1] =	stream.indirect.gather [spmem:s2], $0x40, s0, s6, $0xb8;
	[tilespmem:$0x1C440] =	vst v63  }
0xaf: {  	_ =	swait.ge [sflag:s18], $0x8000  }
0xb0: {  	[sflag:s18] =	ssyncset.done $0x0  }
0xb1: {  	s22 =	rddreg [dreg:$0xa];
	[sflag:s18] =	ssyncadd.s32 $0xFFFF8000  }
0xb2: {  	[hbm4b:s22+s16] =	stream.strided.scatter [tilespmem:s11], [sflag:$0x4], $0x8000, s6, s16, $0x38;
	[tilespmem:$0x1C440] =	vst v63  }
0xb3: {  	_ =	swait.ge [sflag:s19], $0x8000  }
0xb4: {  	s23 =	sld [smem:$0x7CE]  }
0xb5: {  	[sflag:s19] =	ssyncset.done $0x0  }
0xb6: {  	s24 =	sld [smem:$0x7CF];
	[sflag:s19] =	ssyncadd.s32 $0xFFFF8000  }
0xb7: {  	[tilespmem:s11], [sflag:$0x2] =	stream.indirect.gather [spmem:s2], $0x40, s23, s6, $0xb8;
	[tilespmem:$0x1C440] =	vst v63  }
0xb8: {  	s25 =	sld [smem:$0x7D0]  }
0xb9: {  	[tilespmem:s12], [sflag:$0x2] =	stream.indirect.gather [spmem:s2], $0x40, s24, s6, $0xb8;
	[tilespmem:$0x1C440] =	vst v63  }
0xba: {  	s26 =	sld [smem:$0x7D1]  }
0xbb: {  	[tilespmem:s13], [sflag:$0x2] =	stream.indirect.gather [spmem:s2], $0x40, s25, s6, $0xb8;
	[tilespmem:$0x1C440] =	vst v63  }
0xbc: {  	_ = 	snop  }
0xbd: {  	[tilespmem:s14], [sflag:$0x2] =	stream.indirect.gather [spmem:s2], $0x40, s26, s6, $0xb8;
	[tilespmem:$0x1C440] =	vst v63  }
0xbe: {  	_ =	swait.ge [sflag:s15], $0x8000  }
0xbf: {  	[sflag:s15] =	ssyncset.done $0x0  }
0xc0: {  	s0 =	rddreg [dreg:$0xb];
	[sflag:s15] =	ssyncadd.s32 $0xFFFF8000  }
0xc1: {  	[hbm4b:s0+s16] =	stream.strided.scatter [tilespmem:s7], [sflag:$0x3], $0x8000, s6, s16, $0x38;
	[tilespmem:$0x1C440] =	vst v63  }
0xc2: {  	_ =	swait.ge [sflag:s17], $0x8000  }
0xc3: {  	s21 =	sld [smem:$0x7D2]  }
0xc4: {  	[sflag:s17] =	ssyncset.done $0x0  }
0xc5: {  	s22 =	sld [smem:$0x7D3];
	[sflag:s17] =	ssyncadd.s32 $0xFFFF8000  }
0xc6: {  	[tilespmem:s7], [sflag:$0x1] =	stream.indirect.gather [spmem:s2], $0x40, s21, s6, $0xb8;
	[tilespmem:$0x1C440] =	vst v63  }
0xc7: {  	s23 =	sld [smem:$0x7D4]  }
0xc8: {  	[tilespmem:s8], [sflag:$0x1] =	stream.indirect.gather [spmem:s2], $0x40, s22, s6, $0xb8;
	[tilespmem:$0x1C440] =	vst v63  }
0xc9: {  	s24 =	sld [smem:$0x7D5]  }
0xca: {  	[tilespmem:s9], [sflag:$0x1] =	stream.indirect.gather [spmem:s2], $0x40, s23, s6, $0xb8;
	[tilespmem:$0x1C440] =	vst v63  }
0xcb: {  	_ = 	snop  }
0xcc: {  	[tilespmem:s10], [sflag:$0x1] =	stream.indirect.gather [spmem:s2], $0x40, s24, s6, $0xb8;
	[tilespmem:$0x1C440] =	vst v63  }
0xcd: {  	_ =	swait.ge [sflag:s18], $0x8000  }
0xce: {  	[sflag:s18] =	ssyncset.done $0x0  }
0xcf: {  	s25 =	rddreg [dreg:$0xc];
	[sflag:s18] =	ssyncadd.s32 $0xFFFF8000  }
0xd0: {  	[hbm4b:s25+s16] =	stream.strided.scatter [tilespmem:s11], [sflag:$0x4], $0x8000, s6, s16, $0x38;
	[tilespmem:$0x1C440] =	vst v63  }
0xd1: {  	_ =	swait.ge [sflag:s19], $0x8000  }
0xd2: {  	s26 =	sld [smem:$0x7D6]  }
0xd3: {  	[sflag:s19] =	ssyncset.done $0x0  }
0xd4: {  	s0 =	sld [smem:$0x7D7];
	[sflag:s19] =	ssyncadd.s32 $0xFFFF8000  }
0xd5: {  	[tilespmem:s11], [sflag:$0x2] =	stream.indirect.gather [spmem:s2], $0x40, s26, s6, $0xb8;
	[tilespmem:$0x1C440] =	vst v63  }
0xd6: {  	s22 =	sld [smem:$0x7D8]  }
0xd7: {  	[tilespmem:s12], [sflag:$0x2] =	stream.indirect.gather [spmem:s2], $0x40, s0, s6, $0xb8;
	[tilespmem:$0x1C440] =	vst v63  }
0xd8: {  	s23 =	sld [smem:$0x7D9]  }
0xd9: {  	[tilespmem:s13], [sflag:$0x2] =	stream.indirect.gather [spmem:s2], $0x40, s22, s6, $0xb8;
	[tilespmem:$0x1C440] =	vst v63  }
0xda: {  	_ = 	snop  }
0xdb: {  	[tilespmem:s14], [sflag:$0x2] =	stream.indirect.gather [spmem:s2], $0x40, s23, s6, $0xb8;
	[tilespmem:$0x1C440] =	vst v63  }
0xdc: {  	_ =	swait.ge [sflag:s15], $0x8000  }
0xdd: {  	[sflag:s15] =	ssyncset.done $0x0  }
0xde: {  	s24 =	rddreg [dreg:$0xd];
	[sflag:s15] =	ssyncadd.s32 $0xFFFF8000  }
0xdf: {  	[hbm4b:s24+s16] =	stream.strided.scatter [tilespmem:s7], [sflag:$0x3], $0x8000, s6, s16, $0x38;
	[tilespmem:$0x1C440] =	vst v63  }
0xe0: {  	_ =	swait.ge [sflag:s17], $0x8000  }
0xe1: {  	s25 =	sld [smem:$0x7DA]  }
0xe2: {  	[sflag:s17] =	ssyncset.done $0x0  }
0xe3: {  	s26 =	sld [smem:$0x7DB];
	[sflag:s17] =	ssyncadd.s32 $0xFFFF8000  }
0xe4: {  	[tilespmem:s7], [sflag:$0x1] =	stream.indirect.gather [spmem:s2], $0x40, s25, s6, $0xb8;
	[tilespmem:$0x1C440] =	vst v63  }
0xe5: {  	s0 =	sld [smem:$0x7DC]  }
0xe6: {  	[tilespmem:s8], [sflag:$0x1] =	stream.indirect.gather [spmem:s2], $0x40, s26, s6, $0xb8;
	[tilespmem:$0x1C440] =	vst v63  }
0xe7: {  	s22 =	sld [smem:$0x7DD]  }
0xe8: {  	[tilespmem:s9], [sflag:$0x1] =	stream.indirect.gather [spmem:s2], $0x40, s0, s6, $0xb8;
	[tilespmem:$0x1C440] =	vst v63  }
0xe9: {  	_ = 	snop  }
0xea: {  	[tilespmem:s10], [sflag:$0x1] =	stream.indirect.gather [spmem:s2], $0x40, s22, s6, $0xb8;
	[tilespmem:$0x1C440] =	vst v63  }
0xeb: {  	_ =	swait.ge [sflag:s18], $0x8000  }
0xec: {  	[sflag:s18] =	ssyncset.done $0x0  }
0xed: {  	s23 =	rddreg [dreg:$0xe];
	[sflag:s18] =	ssyncadd.s32 $0xFFFF8000  }
0xee: {  	[hbm4b:s23+s16] =	stream.strided.scatter [tilespmem:s11], [sflag:$0x4], $0x8000, s6, s16, $0x38;
	[tilespmem:$0x1C440] =	vst v63  }
0xef: {  	_ =	swait.ge [sflag:s19], $0x8000  }
0xf0: {  	s24 =	sld [smem:$0x7DE]  }
0xf1: {  	[sflag:s19] =	ssyncset.done $0x0  }
0xf2: {  	s25 =	sld [smem:$0x7DF];
	[sflag:s19] =	ssyncadd.s32 $0xFFFF8000  }
0xf3: {  	[tilespmem:s11], [sflag:$0x2] =	stream.indirect.gather [spmem:s2], $0x40, s24, s6, $0xb8;
	[tilespmem:$0x1C440] =	vst v63  }
0xf4: {  	s26 =	sld [smem:$0x7E0]  }
0xf5: {  	[tilespmem:s12], [sflag:$0x2] =	stream.indirect.gather [spmem:s2], $0x40, s25, s6, $0xb8;
	[tilespmem:$0x1C440] =	vst v63  }
0xf6: {  	s0 =	sld [smem:$0x7E1]  }
0xf7: {  	[tilespmem:s13], [sflag:$0x2] =	stream.indirect.gather [spmem:s2], $0x40, s26, s6, $0xb8;
	[tilespmem:$0x1C440] =	vst v63  }
0xf8: {  	_ = 	snop  }
0xf9: {  	[tilespmem:s14], [sflag:$0x2] =	stream.indirect.gather [spmem:s2], $0x40, s0, s6, $0xb8;
	[tilespmem:$0x1C440] =	vst v63  }
0xfa: {  	_ =	swait.ge [sflag:s15], $0x8000  }
0xfb: {  	[sflag:s15] =	ssyncset.done $0x0  }
0xfc: {  	s21 =	rddreg [dreg:$0xf];
	[sflag:s15] =	ssyncadd.s32 $0xFFFF8000  }
0xfd: {  	[hbm4b:s21+s16] =	stream.strided.scatter [tilespmem:s7], [sflag:$0x3], $0x8000, s6, s16, $0x38;
	[tilespmem:$0x1C440] =	vst v63  }
0xfe: {  	_ =	swait.ge [sflag:s17], $0x8000  }
0xff: {  	[sflag:s17] =	ssyncset.done $0x0  }
0x100: {  	[sflag:s17] =	ssyncadd.s32 $0xFFFF8000  }
0x101: {  	_ =	swait.ge [sflag:s18], $0x8000  }
0x102: {  	[sflag:s18] =	ssyncset.done $0x0  }
0x103: {  	s22 =	rddreg [dreg:$0x10];
	[sflag:s18] =	ssyncadd.s32 $0xFFFF8000  }
0x104: {  	[hbm4b:s22+s16] =	stream.strided.scatter [tilespmem:s11], [sflag:$0x4], $0x8000, s6, s16, $0x38;
	[tilespmem:$0x1C440] =	vst v63  }
0x105: {  	_ =	swait.ge [sflag:s19], $0x8000  }
0x106: {  	[sflag:s19] =	ssyncset.done $0x0  }
0x107: {  	s23 =	sld [smem:$0x7E2];
	[sflag:s19] =	ssyncadd.s32 $0xFFFF8000  }
0x108: {  	[tilespmem:s7], [sflag:$0x1] =	stream.indirect.gather [spmem:s2], $0x40, s5, s6, $0xb8;
	[tilespmem:$0x1C440] =	vst v63  }
0x109: {  	s24 =	sld [smem:$0x7E3]  }
0x10a: {  	[tilespmem:s8], [sflag:$0x1] =	stream.indirect.gather [spmem:s2], $0x40, s23, s6, $0xb8;
	[tilespmem:$0x1C440] =	vst v63  }
0x10b: {  	s25 =	sld [smem:$0x7E4]  }
0x10c: {  	[tilespmem:s9], [sflag:$0x1] =	stream.indirect.gather [spmem:s2], $0x40, s24, s6, $0xb8;
	[tilespmem:$0x1C440] =	vst v63  }
0x10d: {  	s26 =	sld [smem:$0x7E5]  }
0x10e: {  	[tilespmem:s10], [sflag:$0x1] =	stream.indirect.gather [spmem:s2], $0x40, s25, s6, $0xb8;
	[tilespmem:$0x1C440] =	vst v63  }
0x10f: {  	s0 =	sld [smem:$0x7E6]  }
0x110: {  	[tilespmem:s11], [sflag:$0x2] =	stream.indirect.gather [spmem:s2], $0x40, s26, s6, $0xb8;
	[tilespmem:$0x1C440] =	vst v63  }
0x111: {  	s22 =	sld [smem:$0x7E7]  }
0x112: {  	[tilespmem:s12], [sflag:$0x2] =	stream.indirect.gather [spmem:s2], $0x40, s0, s6, $0xb8;
	[tilespmem:$0x1C440] =	vst v63  }
0x113: {  	s23 =	sld [smem:$0x7E8]  }
0x114: {  	[tilespmem:s13], [sflag:$0x2] =	stream.indirect.gather [spmem:s2], $0x40, s22, s6, $0xb8;
	[tilespmem:$0x1C440] =	vst v63  }
0x115: {  	_ = 	snop  }
0x116: {  	[tilespmem:s14], [sflag:$0x2] =	stream.indirect.gather [spmem:s2], $0x40, s23, s6, $0xb8;
	[tilespmem:$0x1C440] =	vst v63  }
0x117: {  	_ =	swait.ge [sflag:s15], $0x8000  }
0x118: {  	[sflag:s15] =	ssyncset.done $0x0  }
0x119: {  	s24 =	rddreg [dreg:$0x11];
	[sflag:s15] =	ssyncadd.s32 $0xFFFF8000  }
0x11a: {  	[hbm4b:s24+s16] =	stream.strided.scatter [tilespmem:s7], [sflag:$0x3], $0x8000, s6, s16, $0x38;
	[tilespmem:$0x1C440] =	vst v63  }
0x11b: {  	_ =	swait.ge [sflag:s17], $0x8000  }
0x11c: {  	s25 =	sld [smem:$0x7E9]  }
0x11d: {  	[sflag:s17] =	ssyncset.done $0x0  }
0x11e: {  	s26 =	sld [smem:$0x7EA];
	[sflag:s17] =	ssyncadd.s32 $0xFFFF8000  }
0x11f: {  	[tilespmem:s7], [sflag:$0x1] =	stream.indirect.gather [spmem:s2], $0x40, s25, s6, $0xb8;
	[tilespmem:$0x1C440] =	vst v63  }
0x120: {  	s0 =	sld [smem:$0x7EB]  }
0x121: {  	[tilespmem:s8], [sflag:$0x1] =	stream.indirect.gather [spmem:s2], $0x40, s26, s6, $0xb8;
	[tilespmem:$0x1C440] =	vst v63  }
0x122: {  	s22 =	sld [smem:$0x7EC]  }
0x123: {  	[tilespmem:s9], [sflag:$0x1] =	stream.indirect.gather [spmem:s2], $0x40, s0, s6, $0xb8;
	[tilespmem:$0x1C440] =	vst v63  }
0x124: {  	_ = 	snop  }
0x125: {  	[tilespmem:s10], [sflag:$0x1] =	stream.indirect.gather [spmem:s2], $0x40, s22, s6, $0xb8;
	[tilespmem:$0x1C440] =	vst v63  }
0x126: {  	_ =	swait.ge [sflag:s18], $0x8000  }
0x127: {  	[sflag:s18] =	ssyncset.done $0x0  }
0x128: {  	s23 =	rddreg [dreg:$0x12];
	[sflag:s18] =	ssyncadd.s32 $0xFFFF8000  }
0x129: {  	[hbm4b:s23+s16] =	stream.strided.scatter [tilespmem:s11], [sflag:$0x4], $0x8000, s6, s16, $0x38;
	[tilespmem:$0x1C440] =	vst v63  }
0x12a: {  	_ =	swait.ge [sflag:s19], $0x8000  }
0x12b: {  	s24 =	sld [smem:$0x7ED]  }
0x12c: {  	[sflag:s19] =	ssyncset.done $0x0  }
0x12d: {  	s25 =	sld [smem:$0x7EE];
	[sflag:s19] =	ssyncadd.s32 $0xFFFF8000  }
0x12e: {  	[tilespmem:s11], [sflag:$0x2] =	stream.indirect.gather [spmem:s2], $0x40, s24, s6, $0xb8;
	[tilespmem:$0x1C440] =	vst v63  }
0x12f: {  	s26 =	sld [smem:$0x7EF]  }
0x130: {  	[tilespmem:s12], [sflag:$0x2] =	stream.indirect.gather [spmem:s2], $0x40, s25, s6, $0xb8;
	[tilespmem:$0x1C440] =	vst v63  }
0x131: {  	s0 =	sld [smem:$0x7F0]  }
0x132: {  	[tilespmem:s13], [sflag:$0x2] =	stream.indirect.gather [spmem:s2], $0x40, s26, s6, $0xb8;
	[tilespmem:$0x1C440] =	vst v63  }
0x133: {  	_ = 	snop  }
0x134: {  	[tilespmem:s14], [sflag:$0x2] =	stream.indirect.gather [spmem:s2], $0x40, s0, s6, $0xb8;
	[tilespmem:$0x1C440] =	vst v63  }
0x135: {  	_ =	swait.ge [sflag:s15], $0x8000  }
0x136: {  	[sflag:s15] =	ssyncset.done $0x0  }
0x137: {  	s22 =	rddreg [dreg:$0x13];
	[sflag:s15] =	ssyncadd.s32 $0xFFFF8000  }
0x138: {  	[hbm4b:s22+s16] =	stream.strided.scatter [tilespmem:s7], [sflag:$0x3], $0x8000, s6, s16, $0x38;
	[tilespmem:$0x1C440] =	vst v63  }
0x139: {  	_ =	swait.ge [sflag:s17], $0x8000  }
0x13a: {  	s23 =	sld [smem:$0x7F1]  }
0x13b: {  	[sflag:s17] =	ssyncset.done $0x0  }
0x13c: {  	s24 =	sld [smem:$0x7F2];
	[sflag:s17] =	ssyncadd.s32 $0xFFFF8000  }
0x13d: {  	[tilespmem:s7], [sflag:$0x1] =	stream.indirect.gather [spmem:s2], $0x40, s23, s6, $0xb8;
	[tilespmem:$0x1C440] =	vst v63  }
0x13e: {  	s25 =	sld [smem:$0x7F3]  }
0x13f: {  	[tilespmem:s8], [sflag:$0x1] =	stream.indirect.gather [spmem:s2], $0x40, s24, s6, $0xb8;
	[tilespmem:$0x1C440] =	vst v63  }
0x140: {  	s26 =	sld [smem:$0x7F4]  }
0x141: {  	[tilespmem:s9], [sflag:$0x1] =	stream.indirect.gather [spmem:s2], $0x40, s25, s6, $0xb8;
	[tilespmem:$0x1C440] =	vst v63  }
0x142: {  	_ = 	snop  }
0x143: {  	[tilespmem:s10], [sflag:$0x1] =	stream.indirect.gather [spmem:s2], $0x40, s26, s6, $0xb8;
	[tilespmem:$0x1C440] =	vst v63  }
0x144: {  	_ =	swait.ge [sflag:s18], $0x8000  }
0x145: {  	[sflag:s18] =	ssyncset.done $0x0  }
0x146: {  	s0 =	rddreg [dreg:$0x14];
	[sflag:s18] =	ssyncadd.s32 $0xFFFF8000  }
0x147: {  	[hbm4b:s0+s16] =	stream.strided.scatter [tilespmem:s11], [sflag:$0x4], $0x8000, s6, s16, $0x38;
	[tilespmem:$0x1C440] =	vst v63  }
0x148: {  	_ =	swait.ge [sflag:s19], $0x8000  }
0x149: {  	s21 =	sld [smem:$0x7F5]  }
0x14a: {  	[sflag:s19] =	ssyncset.done $0x0  }
0x14b: {  	s22 =	sld [smem:$0x7F6];
	[sflag:s19] =	ssyncadd.s32 $0xFFFF8000  }
0x14c: {  	[tilespmem:s11], [sflag:$0x2] =	stream.indirect.gather [spmem:s2], $0x40, s21, s6, $0xb8;
	[tilespmem:$0x1C440] =	vst v63  }
0x14d: {  	s23 =	sld [smem:$0x7F7]  }
0x14e: {  	[tilespmem:s12], [sflag:$0x2] =	stream.indirect.gather [spmem:s2], $0x40, s22, s6, $0xb8;
	[tilespmem:$0x1C440] =	vst v63  }
0x14f: {  	s24 =	sld [smem:$0x7F8]  }
0x150: {  	[tilespmem:s13], [sflag:$0x2] =	stream.indirect.gather [spmem:s2], $0x40, s23, s6, $0xb8;
	[tilespmem:$0x1C440] =	vst v63  }
0x151: {  	_ = 	snop  }
0x152: {  	[tilespmem:s14], [sflag:$0x2] =	stream.indirect.gather [spmem:s2], $0x40, s24, s6, $0xb8;
	[tilespmem:$0x1C440] =	vst v63  }
0x153: {  	_ =	swait.ge [sflag:s15], $0x8000  }
0x154: {  	[sflag:s15] =	ssyncset.done $0x0  }
0x155: {  	s25 =	rddreg [dreg:$0x15];
	[sflag:s15] =	ssyncadd.s32 $0xFFFF8000  }
0x156: {  	[hbm4b:s25+s16] =	stream.strided.scatter [tilespmem:s7], [sflag:$0x3], $0x8000, s6, s16, $0x38;
	[tilespmem:$0x1C440] =	vst v63  }
0x157: {  	_ =	swait.ge [sflag:s17], $0x8000  }
0x158: {  	s26 =	sld [smem:$0x7F9]  }
0x159: {  	[sflag:s17] =	ssyncset.done $0x0  }
0x15a: {  	s0 =	sld [smem:$0x7FA];
	[sflag:s17] =	ssyncadd.s32 $0xFFFF8000  }
0x15b: {  	[tilespmem:s7], [sflag:$0x1] =	stream.indirect.gather [spmem:s2], $0x40, s26, s6, $0xb8;
	[tilespmem:$0x1C440] =	vst v63  }
0x15c: {  	s22 =	sld [smem:$0x7FB]  }
0x15d: {  	[tilespmem:s8], [sflag:$0x1] =	stream.indirect.gather [spmem:s2], $0x40, s0, s6, $0xb8;
	[tilespmem:$0x1C440] =	vst v63  }
0x15e: {  	s23 =	sld [smem:$0x7FC]  }
0x15f: {  	[tilespmem:s9], [sflag:$0x1] =	stream.indirect.gather [spmem:s2], $0x40, s22, s6, $0xb8;
	[tilespmem:$0x1C440] =	vst v63  }
0x160: {  	_ = 	snop  }
0x161: {  	[tilespmem:s10], [sflag:$0x1] =	stream.indirect.gather [spmem:s2], $0x40, s23, s6, $0xb8;
	[tilespmem:$0x1C440] =	vst v63  }
0x162: {  	_ =	swait.ge [sflag:s18], $0x8000  }
0x163: {  	[sflag:s18] =	ssyncset.done $0x0  }
0x164: {  	s24 =	rddreg [dreg:$0x16];
	[sflag:s18] =	ssyncadd.s32 $0xFFFF8000  }
0x165: {  	[hbm4b:s24+s16] =	stream.strided.scatter [tilespmem:s11], [sflag:$0x4], $0x8000, s6, s16, $0x38;
	[tilespmem:$0x1C440] =	vst v63  }
0x166: {  	_ =	swait.ge [sflag:s19], $0x8000  }
0x167: {  	s25 =	sld [smem:$0x7FD]  }
0x168: {  	[sflag:s19] =	ssyncset.done $0x0  }
0x169: {  	[sflag:s19] =	ssyncadd.s32 $0xFFFF8000  }
0x16a: {  	[tilespmem:s11], [sflag:$0x2] =	stream.indirect.gather [spmem:s2], $0x40, s25, s6, $0xb8;
	[tilespmem:$0x1C440] =	vst v63  }
0x16b: {  	s26 =	simm.s32 $0x2280  }
0x16c: {  	[tilespmem:s12], [sflag:$0x2] =	stream.indirect.gather [spmem:s2], $0x40, s26, s6, $0xb8;
	[tilespmem:$0x1C440] =	vst v63  }
0x16d: {  	s20 =	simm.s32 $0x2300  }
0x16e: {  	[tilespmem:s13], [sflag:$0x2] =	stream.indirect.gather [spmem:s2], $0x40, s20, s6, $0xb8;
	[tilespmem:$0x1C440] =	vst v63  }
0x16f: {  	s22 =	simm.s32 $0x2380  }
0x170: {  	[tilespmem:s14], [sflag:$0x2] =	stream.indirect.gather [spmem:s2], $0x40, s22, s6, $0xb8;
	[tilespmem:$0x1C440] =	vst v63  }
0x171: {  	_ =	swait.ge [sflag:s15], $0x8000  }
0x172: {  	[sflag:s15] =	ssyncset.done $0x0  }
0x173: {  	s23 =	rddreg [dreg:$0x17];
	[sflag:s15] =	ssyncadd.s32 $0xFFFF8000  }
0x174: {  	[hbm4b:s23+s16] =	stream.strided.scatter [tilespmem:s7], [sflag:$0x3], $0x8000, s6, s16, $0x38;
	[tilespmem:$0x1C440] =	vst v63  }
0x175: {  	_ =	swait.ge [sflag:s17], $0x8000  }
0x176: {  	[sflag:s17] =	ssyncset.done $0x0  }
0x177: {  	s23 =	simm.s32 $0x2400;
	[sflag:s17] =	ssyncadd.s32 $0xFFFF8000  }
0x178: {  	[tilespmem:s7], [sflag:$0x1] =	stream.indirect.gather [spmem:s2], $0x40, s23, s6, $0xb8;
	[tilespmem:$0x1C440] =	vst v63  }
0x179: {  	s24 =	simm.s32 $0x2480  }
0x17a: {  	[tilespmem:s8], [sflag:$0x1] =	stream.indirect.gather [spmem:s2], $0x40, s24, s6, $0xb8;
	[tilespmem:$0x1C440] =	vst v63  }
0x17b: {  	s25 =	simm.s32 $0x2500  }
0x17c: {  	[tilespmem:s9], [sflag:$0x1] =	stream.indirect.gather [spmem:s2], $0x40, s25, s6, $0xb8;
	[tilespmem:$0x1C440] =	vst v63  }
0x17d: {  	s26 =	simm.s32 $0x2580  }
0x17e: {  	[tilespmem:s10], [sflag:$0x1] =	stream.indirect.gather [spmem:s2], $0x40, s26, s6, $0xb8;
	[tilespmem:$0x1C440] =	vst v63  }
0x17f: {  	_ =	swait.ge [sflag:s18], $0x8000  }
0x180: {  	[sflag:s18] =	ssyncset.done $0x0  }
0x181: {  	s28 =	rddreg [dreg:$0x18];
	[sflag:s18] =	ssyncadd.s32 $0xFFFF8000  }
0x182: {  	[hbm4b:s28+s16] =	stream.strided.scatter [tilespmem:s11], [sflag:$0x4], $0x8000, s6, s16, $0x38;
	[tilespmem:$0x1C440] =	vst v63  }
0x183: {  	_ =	swait.ge [sflag:s19], $0x8000  }
0x184: {  	[sflag:s19] =	ssyncset.done $0x0  }
0x185: {  	s28 =	simm.s32 $0x2600;
	[sflag:s19] =	ssyncadd.s32 $0xFFFF8000  }
0x186: {  	[tilespmem:s11], [sflag:$0x2] =	stream.indirect.gather [spmem:s2], $0x40, s28, s6, $0xb8;
	[tilespmem:$0x1C440] =	vst v63  }
0x187: {  	s29 =	simm.s32 $0x2680  }
0x188: {  	[tilespmem:s12], [sflag:$0x2] =	stream.indirect.gather [spmem:s2], $0x40, s29, s6, $0xb8;
	[tilespmem:$0x1C440] =	vst v63  }
0x189: {  	s30 =	simm.s32 $0x2700  }
0x18a: {  	[tilespmem:s13], [sflag:$0x2] =	stream.indirect.gather [spmem:s2], $0x40, s30, s6, $0xb8;
	[tilespmem:$0x1C440] =	vst v63  }
0x18b: {  	s31 =	simm.s32 $0x2780  }
0x18c: {  	[tilespmem:s14], [sflag:$0x2] =	stream.indirect.gather [spmem:s2], $0x40, s31, s6, $0xb8;
	[tilespmem:$0x1C440] =	vst v63  }
0x18d: {  	s20 =	ssub.s32 $0x2, s1;
	_ =	swait.ge [sflag:s15], $0x8000  }
0x18e: {  	s1 =	sshrl.u32 s20, $0x1;
	[sflag:s15] =	ssyncset.done $0x0  }
0x18f: {  	s0 =	ssub.s32 s20, s1;
	s21 =	rddreg [dreg:$0x19];
	[sflag:s15] =	ssyncadd.s32 $0xFFFF8000  }
0x190: {  	[hbm4b:s21+s16] =	stream.strided.scatter [tilespmem:s7], [sflag:$0x3], $0x8000, s6, s16, $0x38;
	[tilespmem:$0x1C440] =	vst v63  }
0x191: {  	s0 =	smax.u32 s0, $0x1;
	_ =	swait.ge [sflag:s17], $0x8000  }
0x192: {  	p0 =	sne.s32 s0, $0x1;
	[sflag:s17] =	ssyncset.done $0x0  }
.Ltmp0:
0x193: {  	[sflag:s17] =	ssyncadd.s32 $0xFFFF8000;
	(pc) =	sbr.rel @!p0 .LBB2_2-.Ltmp0, $4  }
0x194: {  	_ =	swait.ge [sflag:s18], $0x8000  }
0x195: {  	[sflag:s18] =	ssyncset.done $0x0  }
0x196: {  	s1 =	sadd.s32 $0xFFFFFFFF, s0;
	s21 =	rddreg [dreg:$0x1a];
	[sflag:s18] =	ssyncadd.s32 $0xFFFF8000  }
0x197: {  	[hbm4b:s21+s16] =	stream.strided.scatter [tilespmem:s11], [sflag:$0x4], $0x8000, s6, s16, $0x38;
	[tilespmem:$0x1C440] =	vst v63  }
.LBB2_1:
0x198: {  	_ =	swait.ge [sflag:s19], $0x8000  }
0x199: {  	s0 =	rddreg [dreg:$0x1b]  }
0x19a: {  	[sflag:s19] =	ssyncset.done $0x0;
	s20 =	rddreg [dreg:$0x4]  }
0x19b: {  	s21 =	rddreg [dreg:$0x3];
	[sflag:s19] =	ssyncadd.s32 $0xFFFF8000  }
0x19c: {  	[spmem:s0], [sflag:s20] =	dma.local [hbm:s21], $0x1388  }
0x19d: {  	_ =	swait.ge [sflag:s4], $0x1388  }
0x19e: {  	[sflag:s4] =	ssyncset.done $0x0  }
0x19f: {  	s20 =	rddreg [dreg:$0x5];
	[sflag:s4] =	ssyncadd.s32 $0xFFFFEC78  }
0x1a0: {  	[tilespmem:s3], [sflag:$0x5] =	stream.linear.gather [hbm4b:s20+s3], $0x1400, $0x38;
	[tilespmem:$0x1C440] =	vst v63  }
0x1a1: {  	_ =	swait.ge [sflag:s4], $0x1400  }
0x1a2: {  	[sflag:s4] =	ssyncset.done $0x0  }
0x1a3: {  	s21 =	rddreg [dreg:$0x6];
	[sflag:s4] =	ssyncadd.s32 $0xFFFFEC00  }
0x1a4: {  	[tilespmem:s5], [sflag:$0x5] =	stream.linear.gather [hbm4b:s21+s3], $0x1400, $0x38;
	[tilespmem:$0x1C440] =	vst v63  }
0x1a5: {  	_ =	swait.ge [sflag:s4], $0x1400  }
0x1a6: {  	[sflag:s4] =	ssyncset.done $0x0  }
0x1a7: {  	[sflag:s4] =	ssyncadd.s32 $0xFFFFEC00  }
0x1a8: {  	[bflag:$0x0] =	sbarrier.arrive $0xFFFF  }
0x1a9: {  	[tilespmem:s7], [sflag:$0x1] =	stream.indirect.gather [spmem:s2], $0x40, s3, s6, $0xb8;
	[tilespmem:$0x1C440] =	vst v63  }
0x1aa: {  	s20 =	rddreg [dreg:$0x1c]  }
0x1ab: {  	[tilespmem:s8], [sflag:$0x1] =	stream.indirect.gather [spmem:s2], $0x40, s6, s6, $0xb8;
	[tilespmem:$0x1C440] =	vst v63  }
0x1ac: {  	s21 =	rddreg [dreg:$0x1d]  }
0x1ad: {  	[tilespmem:s9], [sflag:$0x1] =	stream.indirect.gather [spmem:s2], $0x40, s20, s6, $0xb8;
	[tilespmem:$0x1C440] =	vst v63  }
0x1ae: {  	s0 =	rddreg [dreg:$0x1e]  }
0x1af: {  	[tilespmem:s10], [sflag:$0x1] =	stream.indirect.gather [spmem:s2], $0x40, s21, s6, $0xb8;
	[tilespmem:$0x1C440] =	vst v63  }
0x1b0: {  	s21 =	rddreg [dreg:$0x1f]  }
0x1b1: {  	[tilespmem:s11], [sflag:$0x2] =	stream.indirect.gather [spmem:s2], $0x40, s0, s6, $0xb8;
	[tilespmem:$0x1C440] =	vst v63  }
0x1b2: {  	s0 =	sld [smem:$0x7C0]  }
0x1b3: {  	[tilespmem:s12], [sflag:$0x2] =	stream.indirect.gather [spmem:s2], $0x40, s21, s6, $0xb8;
	[tilespmem:$0x1C440] =	vst v63  }
0x1b4: {  	s21 =	sld [smem:$0x7C1]  }
0x1b5: {  	[tilespmem:s13], [sflag:$0x2] =	stream.indirect.gather [spmem:s2], $0x40, s0, s6, $0xb8;
	[tilespmem:$0x1C440] =	vst v63  }
0x1b6: {  	_ = 	snop  }
0x1b7: {  	[tilespmem:s14], [sflag:$0x2] =	stream.indirect.gather [spmem:s2], $0x40, s21, s6, $0xb8;
	[tilespmem:$0x1C440] =	vst v63  }
0x1b8: {  	_ =	swait.ge [sflag:s15], $0x8000  }
0x1b9: {  	[sflag:s15] =	ssyncset.done $0x0  }
0x1ba: {  	s21 =	rddreg [dreg:$0x7];
	[sflag:s15] =	ssyncadd.s32 $0xFFFF8000  }
0x1bb: {  	[hbm4b:s21+s16] =	stream.strided.scatter [tilespmem:s7], [sflag:$0x3], $0x8000, s6, s16, $0x38;
	[tilespmem:$0x1C440] =	vst v63  }
0x1bc: {  	_ =	swait.ge [sflag:s17], $0x8000  }
0x1bd: {  	s20 =	sld [smem:$0x7C2]  }
0x1be: {  	[sflag:s17] =	ssyncset.done $0x0  }
0x1bf: {  	s21 =	sld [smem:$0x7C3];
	[sflag:s17] =	ssyncadd.s32 $0xFFFF8000  }
0x1c0: {  	[tilespmem:s7], [sflag:$0x1] =	stream.indirect.gather [spmem:s2], $0x40, s20, s6, $0xb8;
	[tilespmem:$0x1C440] =	vst v63  }
0x1c1: {  	s0 =	sld [smem:$0x7C4]  }
0x1c2: {  	[tilespmem:s8], [sflag:$0x1] =	stream.indirect.gather [spmem:s2], $0x40, s21, s6, $0xb8;
	[tilespmem:$0x1C440] =	vst v63  }
0x1c3: {  	s21 =	sld [smem:$0x7C5]  }
0x1c4: {  	[tilespmem:s9], [sflag:$0x1] =	stream.indirect.gather [spmem:s2], $0x40, s0, s6, $0xb8;
	[tilespmem:$0x1C440] =	vst v63  }
0x1c5: {  	_ = 	snop  }
0x1c6: {  	[tilespmem:s10], [sflag:$0x1] =	stream.indirect.gather [spmem:s2], $0x40, s21, s6, $0xb8;
	[tilespmem:$0x1C440] =	vst v63  }
0x1c7: {  	_ =	swait.ge [sflag:s18], $0x8000  }
0x1c8: {  	[sflag:s18] =	ssyncset.done $0x0  }
0x1c9: {  	s21 =	rddreg [dreg:$0x8];
	[sflag:s18] =	ssyncadd.s32 $0xFFFF8000  }
0x1ca: {  	[hbm4b:s21+s16] =	stream.strided.scatter [tilespmem:s11], [sflag:$0x4], $0x8000, s6, s16, $0x38;
	[tilespmem:$0x1C440] =	vst v63  }
0x1cb: {  	_ =	swait.ge [sflag:s19], $0x8000  }
0x1cc: {  	s20 =	sld [smem:$0x7C6]  }
0x1cd: {  	[sflag:s19] =	ssyncset.done $0x0  }
0x1ce: {  	s21 =	sld [smem:$0x7C7];
	[sflag:s19] =	ssyncadd.s32 $0xFFFF8000  }
0x1cf: {  	[tilespmem:s11], [sflag:$0x2] =	stream.indirect.gather [spmem:s2], $0x40, s20, s6, $0xb8;
	[tilespmem:$0x1C440] =	vst v63  }
0x1d0: {  	s0 =	sld [smem:$0x7C8]  }
0x1d1: {  	[tilespmem:s12], [sflag:$0x2] =	stream.indirect.gather [spmem:s2], $0x40, s21, s6, $0xb8;
	[tilespmem:$0x1C440] =	vst v63  }
0x1d2: {  	s21 =	sld [smem:$0x7C9]  }
0x1d3: {  	[tilespmem:s13], [sflag:$0x2] =	stream.indirect.gather [spmem:s2], $0x40, s0, s6, $0xb8;
	[tilespmem:$0x1C440] =	vst v63  }
0x1d4: {  	_ = 	snop  }
0x1d5: {  	[tilespmem:s14], [sflag:$0x2] =	stream.indirect.gather [spmem:s2], $0x40, s21, s6, $0xb8;
	[tilespmem:$0x1C440] =	vst v63  }
0x1d6: {  	_ =	swait.ge [sflag:s15], $0x8000  }
0x1d7: {  	[sflag:s15] =	ssyncset.done $0x0  }
0x1d8: {  	s21 =	rddreg [dreg:$0x9];
	[sflag:s15] =	ssyncadd.s32 $0xFFFF8000  }
0x1d9: {  	[hbm4b:s21+s16] =	stream.strided.scatter [tilespmem:s7], [sflag:$0x3], $0x8000, s6, s16, $0x38;
	[tilespmem:$0x1C440] =	vst v63  }
0x1da: {  	_ =	swait.ge [sflag:s17], $0x8000  }
0x1db: {  	s20 =	sld [smem:$0x7CA]  }
0x1dc: {  	[sflag:s17] =	ssyncset.done $0x0  }
0x1dd: {  	s21 =	sld [smem:$0x7CB];
	[sflag:s17] =	ssyncadd.s32 $0xFFFF8000  }
0x1de: {  	[tilespmem:s7], [sflag:$0x1] =	stream.indirect.gather [spmem:s2], $0x40, s20, s6, $0xb8;
	[tilespmem:$0x1C440] =	vst v63  }
0x1df: {  	s0 =	sld [smem:$0x7CC]  }
0x1e0: {  	[tilespmem:s8], [sflag:$0x1] =	stream.indirect.gather [spmem:s2], $0x40, s21, s6, $0xb8;
	[tilespmem:$0x1C440] =	vst v63  }
0x1e1: {  	s21 =	sld [smem:$0x7CD]  }
0x1e2: {  	[tilespmem:s9], [sflag:$0x1] =	stream.indirect.gather [spmem:s2], $0x40, s0, s6, $0xb8;
	[tilespmem:$0x1C440] =	vst v63  }
0x1e3: {  	_ = 	snop  }
0x1e4: {  	[tilespmem:s10], [sflag:$0x1] =	stream.indirect.gather [spmem:s2], $0x40, s21, s6, $0xb8;
	[tilespmem:$0x1C440] =	vst v63  }
0x1e5: {  	_ =	swait.ge [sflag:s18], $0x8000  }
0x1e6: {  	[sflag:s18] =	ssyncset.done $0x0  }
0x1e7: {  	s21 =	rddreg [dreg:$0xa];
	[sflag:s18] =	ssyncadd.s32 $0xFFFF8000  }
0x1e8: {  	[hbm4b:s21+s16] =	stream.strided.scatter [tilespmem:s11], [sflag:$0x4], $0x8000, s6, s16, $0x38;
	[tilespmem:$0x1C440] =	vst v63  }
0x1e9: {  	_ =	swait.ge [sflag:s19], $0x8000  }
0x1ea: {  	s20 =	sld [smem:$0x7CE]  }
0x1eb: {  	[sflag:s19] =	ssyncset.done $0x0  }
0x1ec: {  	s21 =	sld [smem:$0x7CF];
	[sflag:s19] =	ssyncadd.s32 $0xFFFF8000  }
0x1ed: {  	[tilespmem:s11], [sflag:$0x2] =	stream.indirect.gather [spmem:s2], $0x40, s20, s6, $0xb8;
	[tilespmem:$0x1C440] =	vst v63  }
0x1ee: {  	s0 =	sld [smem:$0x7D0]  }
0x1ef: {  	[tilespmem:s12], [sflag:$0x2] =	stream.indirect.gather [spmem:s2], $0x40, s21, s6, $0xb8;
	[tilespmem:$0x1C440] =	vst v63  }
0x1f0: {  	s21 =	sld [smem:$0x7D1]  }
0x1f1: {  	[tilespmem:s13], [sflag:$0x2] =	stream.indirect.gather [spmem:s2], $0x40, s0, s6, $0xb8;
	[tilespmem:$0x1C440] =	vst v63  }
0x1f2: {  	_ = 	snop  }
0x1f3: {  	[tilespmem:s14], [sflag:$0x2] =	stream.indirect.gather [spmem:s2], $0x40, s21, s6, $0xb8;
	[tilespmem:$0x1C440] =	vst v63  }
0x1f4: {  	_ =	swait.ge [sflag:s15], $0x8000  }
0x1f5: {  	[sflag:s15] =	ssyncset.done $0x0  }
0x1f6: {  	s21 =	rddreg [dreg:$0xb];
	[sflag:s15] =	ssyncadd.s32 $0xFFFF8000  }
0x1f7: {  	[hbm4b:s21+s16] =	stream.strided.scatter [tilespmem:s7], [sflag:$0x3], $0x8000, s6, s16, $0x38;
	[tilespmem:$0x1C440] =	vst v63  }
0x1f8: {  	_ =	swait.ge [sflag:s17], $0x8000  }
0x1f9: {  	s20 =	sld [smem:$0x7D2]  }
0x1fa: {  	[sflag:s17] =	ssyncset.done $0x0  }
0x1fb: {  	s21 =	sld [smem:$0x7D3];
	[sflag:s17] =	ssyncadd.s32 $0xFFFF8000  }
0x1fc: {  	[tilespmem:s7], [sflag:$0x1] =	stream.indirect.gather [spmem:s2], $0x40, s20, s6, $0xb8;
	[tilespmem:$0x1C440] =	vst v63  }
0x1fd: {  	s0 =	sld [smem:$0x7D4]  }
0x1fe: {  	[tilespmem:s8], [sflag:$0x1] =	stream.indirect.gather [spmem:s2], $0x40, s21, s6, $0xb8;
	[tilespmem:$0x1C440] =	vst v63  }
0x1ff: {  	s21 =	sld [smem:$0x7D5]  }
0x200: {  	[tilespmem:s9], [sflag:$0x1] =	stream.indirect.gather [spmem:s2], $0x40, s0, s6, $0xb8;
	[tilespmem:$0x1C440] =	vst v63  }
0x201: {  	_ = 	snop  }
0x202: {  	[tilespmem:s10], [sflag:$0x1] =	stream.indirect.gather [spmem:s2], $0x40, s21, s6, $0xb8;
	[tilespmem:$0x1C440] =	vst v63  }
0x203: {  	_ =	swait.ge [sflag:s18], $0x8000  }
0x204: {  	[sflag:s18] =	ssyncset.done $0x0  }
0x205: {  	s21 =	rddreg [dreg:$0xc];
	[sflag:s18] =	ssyncadd.s32 $0xFFFF8000  }
0x206: {  	[hbm4b:s21+s16] =	stream.strided.scatter [tilespmem:s11], [sflag:$0x4], $0x8000, s6, s16, $0x38;
	[tilespmem:$0x1C440] =	vst v63  }
0x207: {  	_ =	swait.ge [sflag:s19], $0x8000  }
0x208: {  	s20 =	sld [smem:$0x7D6]  }
0x209: {  	[sflag:s19] =	ssyncset.done $0x0  }
0x20a: {  	s21 =	sld [smem:$0x7D7];
	[sflag:s19] =	ssyncadd.s32 $0xFFFF8000  }
0x20b: {  	[tilespmem:s11], [sflag:$0x2] =	stream.indirect.gather [spmem:s2], $0x40, s20, s6, $0xb8;
	[tilespmem:$0x1C440] =	vst v63  }
0x20c: {  	s0 =	sld [smem:$0x7D8]  }
0x20d: {  	[tilespmem:s12], [sflag:$0x2] =	stream.indirect.gather [spmem:s2], $0x40, s21, s6, $0xb8;
	[tilespmem:$0x1C440] =	vst v63  }
0x20e: {  	s21 =	sld [smem:$0x7D9]  }
0x20f: {  	[tilespmem:s13], [sflag:$0x2] =	stream.indirect.gather [spmem:s2], $0x40, s0, s6, $0xb8;
	[tilespmem:$0x1C440] =	vst v63  }
0x210: {  	_ = 	snop  }
0x211: {  	[tilespmem:s14], [sflag:$0x2] =	stream.indirect.gather [spmem:s2], $0x40, s21, s6, $0xb8;
	[tilespmem:$0x1C440] =	vst v63  }
0x212: {  	_ =	swait.ge [sflag:s15], $0x8000  }
0x213: {  	[sflag:s15] =	ssyncset.done $0x0  }
0x214: {  	s21 =	rddreg [dreg:$0xd];
	[sflag:s15] =	ssyncadd.s32 $0xFFFF8000  }
0x215: {  	[hbm4b:s21+s16] =	stream.strided.scatter [tilespmem:s7], [sflag:$0x3], $0x8000, s6, s16, $0x38;
	[tilespmem:$0x1C440] =	vst v63  }
0x216: {  	_ =	swait.ge [sflag:s17], $0x8000  }
0x217: {  	s20 =	sld [smem:$0x7DA]  }
0x218: {  	[sflag:s17] =	ssyncset.done $0x0  }
0x219: {  	s21 =	sld [smem:$0x7DB];
	[sflag:s17] =	ssyncadd.s32 $0xFFFF8000  }
0x21a: {  	[tilespmem:s7], [sflag:$0x1] =	stream.indirect.gather [spmem:s2], $0x40, s20, s6, $0xb8;
	[tilespmem:$0x1C440] =	vst v63  }
0x21b: {  	s0 =	sld [smem:$0x7DC]  }
0x21c: {  	[tilespmem:s8], [sflag:$0x1] =	stream.indirect.gather [spmem:s2], $0x40, s21, s6, $0xb8;
	[tilespmem:$0x1C440] =	vst v63  }
0x21d: {  	s21 =	sld [smem:$0x7DD]  }
0x21e: {  	[tilespmem:s9], [sflag:$0x1] =	stream.indirect.gather [spmem:s2], $0x40, s0, s6, $0xb8;
	[tilespmem:$0x1C440] =	vst v63  }
0x21f: {  	_ = 	snop  }
0x220: {  	[tilespmem:s10], [sflag:$0x1] =	stream.indirect.gather [spmem:s2], $0x40, s21, s6, $0xb8;
	[tilespmem:$0x1C440] =	vst v63  }
0x221: {  	_ =	swait.ge [sflag:s18], $0x8000  }
0x222: {  	[sflag:s18] =	ssyncset.done $0x0  }
0x223: {  	s21 =	rddreg [dreg:$0xe];
	[sflag:s18] =	ssyncadd.s32 $0xFFFF8000  }
0x224: {  	[hbm4b:s21+s16] =	stream.strided.scatter [tilespmem:s11], [sflag:$0x4], $0x8000, s6, s16, $0x38;
	[tilespmem:$0x1C440] =	vst v63  }
0x225: {  	_ =	swait.ge [sflag:s19], $0x8000  }
0x226: {  	s20 =	sld [smem:$0x7DE]  }
0x227: {  	[sflag:s19] =	ssyncset.done $0x0  }
0x228: {  	s21 =	sld [smem:$0x7DF];
	[sflag:s19] =	ssyncadd.s32 $0xFFFF8000  }
0x229: {  	[tilespmem:s11], [sflag:$0x2] =	stream.indirect.gather [spmem:s2], $0x40, s20, s6, $0xb8;
	[tilespmem:$0x1C440] =	vst v63  }
0x22a: {  	s0 =	sld [smem:$0x7E0]  }
0x22b: {  	[tilespmem:s12], [sflag:$0x2] =	stream.indirect.gather [spmem:s2], $0x40, s21, s6, $0xb8;
	[tilespmem:$0x1C440] =	vst v63  }
0x22c: {  	s21 =	sld [smem:$0x7E1]  }
0x22d: {  	[tilespmem:s13], [sflag:$0x2] =	stream.indirect.gather [spmem:s2], $0x40, s0, s6, $0xb8;
	[tilespmem:$0x1C440] =	vst v63  }
0x22e: {  	_ = 	snop  }
0x22f: {  	[tilespmem:s14], [sflag:$0x2] =	stream.indirect.gather [spmem:s2], $0x40, s21, s6, $0xb8;
	[tilespmem:$0x1C440] =	vst v63  }
0x230: {  	_ =	swait.ge [sflag:s15], $0x8000  }
0x231: {  	[sflag:s15] =	ssyncset.done $0x0  }
0x232: {  	s21 =	rddreg [dreg:$0xf];
	[sflag:s15] =	ssyncadd.s32 $0xFFFF8000  }
0x233: {  	[hbm4b:s21+s16] =	stream.strided.scatter [tilespmem:s7], [sflag:$0x3], $0x8000, s6, s16, $0x38;
	[tilespmem:$0x1C440] =	vst v63  }
0x234: {  	_ =	swait.ge [sflag:s17], $0x8000  }
0x235: {  	[sflag:s17] =	ssyncset.done $0x0  }
0x236: {  	[sflag:s17] =	ssyncadd.s32 $0xFFFF8000  }
0x237: {  	_ =	swait.ge [sflag:s18], $0x8000  }
0x238: {  	[sflag:s18] =	ssyncset.done $0x0  }
0x239: {  	s20 =	rddreg [dreg:$0x10];
	[sflag:s18] =	ssyncadd.s32 $0xFFFF8000  }
0x23a: {  	[hbm4b:s20+s16] =	stream.strided.scatter [tilespmem:s11], [sflag:$0x4], $0x8000, s6, s16, $0x38;
	[tilespmem:$0x1C440] =	vst v63  }
0x23b: {  	_ =	swait.ge [sflag:s19], $0x8000  }
0x23c: {  	[sflag:s19] =	ssyncset.done $0x0  }
0x23d: {  	s21 =	sld [smem:$0x7E2];
	[sflag:s19] =	ssyncadd.s32 $0xFFFF8000  }
0x23e: {  	[tilespmem:s7], [sflag:$0x1] =	stream.indirect.gather [spmem:s2], $0x40, s5, s6, $0xb8;
	[tilespmem:$0x1C440] =	vst v63  }
0x23f: {  	s20 =	sld [smem:$0x7E3]  }
0x240: {  	[tilespmem:s8], [sflag:$0x1] =	stream.indirect.gather [spmem:s2], $0x40, s21, s6, $0xb8;
	[tilespmem:$0x1C440] =	vst v63  }
0x241: {  	s21 =	sld [smem:$0x7E4]  }
0x242: {  	[tilespmem:s9], [sflag:$0x1] =	stream.indirect.gather [spmem:s2], $0x40, s20, s6, $0xb8;
	[tilespmem:$0x1C440] =	vst v63  }
0x243: {  	s20 =	sld [smem:$0x7E5]  }
0x244: {  	[tilespmem:s10], [sflag:$0x1] =	stream.indirect.gather [spmem:s2], $0x40, s21, s6, $0xb8;
	[tilespmem:$0x1C440] =	vst v63  }
0x245: {  	s21 =	sld [smem:$0x7E6]  }
0x246: {  	[tilespmem:s11], [sflag:$0x2] =	stream.indirect.gather [spmem:s2], $0x40, s20, s6, $0xb8;
	[tilespmem:$0x1C440] =	vst v63  }
0x247: {  	s20 =	sld [smem:$0x7E7]  }
0x248: {  	[tilespmem:s12], [sflag:$0x2] =	stream.indirect.gather [spmem:s2], $0x40, s21, s6, $0xb8;
	[tilespmem:$0x1C440] =	vst v63  }
0x249: {  	s21 =	sld [smem:$0x7E8]  }
0x24a: {  	[tilespmem:s13], [sflag:$0x2] =	stream.indirect.gather [spmem:s2], $0x40, s20, s6, $0xb8;
	[tilespmem:$0x1C440] =	vst v63  }
0x24b: {  	_ = 	snop  }
0x24c: {  	[tilespmem:s14], [sflag:$0x2] =	stream.indirect.gather [spmem:s2], $0x40, s21, s6, $0xb8;
	[tilespmem:$0x1C440] =	vst v63  }
0x24d: {  	_ =	swait.ge [sflag:s15], $0x8000  }
0x24e: {  	[sflag:s15] =	ssyncset.done $0x0  }
0x24f: {  	s21 =	rddreg [dreg:$0x11];
	[sflag:s15] =	ssyncadd.s32 $0xFFFF8000  }
0x250: {  	[hbm4b:s21+s16] =	stream.strided.scatter [tilespmem:s7], [sflag:$0x3], $0x8000, s6, s16, $0x38;
	[tilespmem:$0x1C440] =	vst v63  }
0x251: {  	_ =	swait.ge [sflag:s17], $0x8000  }
0x252: {  	s20 =	sld [smem:$0x7E9]  }
0x253: {  	[sflag:s17] =	ssyncset.done $0x0  }
0x254: {  	s21 =	sld [smem:$0x7EA];
	[sflag:s17] =	ssyncadd.s32 $0xFFFF8000  }
0x255: {  	[tilespmem:s7], [sflag:$0x1] =	stream.indirect.gather [spmem:s2], $0x40, s20, s6, $0xb8;
	[tilespmem:$0x1C440] =	vst v63  }
0x256: {  	s0 =	sld [smem:$0x7EB]  }
0x257: {  	[tilespmem:s8], [sflag:$0x1] =	stream.indirect.gather [spmem:s2], $0x40, s21, s6, $0xb8;
	[tilespmem:$0x1C440] =	vst v63  }
0x258: {  	s21 =	sld [smem:$0x7EC]  }
0x259: {  	[tilespmem:s9], [sflag:$0x1] =	stream.indirect.gather [spmem:s2], $0x40, s0, s6, $0xb8;
	[tilespmem:$0x1C440] =	vst v63  }
0x25a: {  	_ = 	snop  }
0x25b: {  	[tilespmem:s10], [sflag:$0x1] =	stream.indirect.gather [spmem:s2], $0x40, s21, s6, $0xb8;
	[tilespmem:$0x1C440] =	vst v63  }
0x25c: {  	_ =	swait.ge [sflag:s18], $0x8000  }
0x25d: {  	[sflag:s18] =	ssyncset.done $0x0  }
0x25e: {  	s21 =	rddreg [dreg:$0x12];
	[sflag:s18] =	ssyncadd.s32 $0xFFFF8000  }
0x25f: {  	[hbm4b:s21+s16] =	stream.strided.scatter [tilespmem:s11], [sflag:$0x4], $0x8000, s6, s16, $0x38;
	[tilespmem:$0x1C440] =	vst v63  }
0x260: {  	_ =	swait.ge [sflag:s19], $0x8000  }
0x261: {  	s20 =	sld [smem:$0x7ED]  }
0x262: {  	[sflag:s19] =	ssyncset.done $0x0  }
0x263: {  	s21 =	sld [smem:$0x7EE];
	[sflag:s19] =	ssyncadd.s32 $0xFFFF8000  }
0x264: {  	[tilespmem:s11], [sflag:$0x2] =	stream.indirect.gather [spmem:s2], $0x40, s20, s6, $0xb8;
	[tilespmem:$0x1C440] =	vst v63  }
0x265: {  	s0 =	sld [smem:$0x7EF]  }
0x266: {  	[tilespmem:s12], [sflag:$0x2] =	stream.indirect.gather [spmem:s2], $0x40, s21, s6, $0xb8;
	[tilespmem:$0x1C440] =	vst v63  }
0x267: {  	s21 =	sld [smem:$0x7F0]  }
0x268: {  	[tilespmem:s13], [sflag:$0x2] =	stream.indirect.gather [spmem:s2], $0x40, s0, s6, $0xb8;
	[tilespmem:$0x1C440] =	vst v63  }
0x269: {  	_ = 	snop  }
0x26a: {  	[tilespmem:s14], [sflag:$0x2] =	stream.indirect.gather [spmem:s2], $0x40, s21, s6, $0xb8;
	[tilespmem:$0x1C440] =	vst v63  }
0x26b: {  	_ =	swait.ge [sflag:s15], $0x8000  }
0x26c: {  	[sflag:s15] =	ssyncset.done $0x0  }
0x26d: {  	s21 =	rddreg [dreg:$0x13];
	[sflag:s15] =	ssyncadd.s32 $0xFFFF8000  }
0x26e: {  	[hbm4b:s21+s16] =	stream.strided.scatter [tilespmem:s7], [sflag:$0x3], $0x8000, s6, s16, $0x38;
	[tilespmem:$0x1C440] =	vst v63  }
0x26f: {  	_ =	swait.ge [sflag:s17], $0x8000  }
0x270: {  	s20 =	sld [smem:$0x7F1]  }
0x271: {  	[sflag:s17] =	ssyncset.done $0x0  }
0x272: {  	s21 =	sld [smem:$0x7F2];
	[sflag:s17] =	ssyncadd.s32 $0xFFFF8000  }
0x273: {  	[tilespmem:s7], [sflag:$0x1] =	stream.indirect.gather [spmem:s2], $0x40, s20, s6, $0xb8;
	[tilespmem:$0x1C440] =	vst v63  }
0x274: {  	s0 =	sld [smem:$0x7F3]  }
0x275: {  	[tilespmem:s8], [sflag:$0x1] =	stream.indirect.gather [spmem:s2], $0x40, s21, s6, $0xb8;
	[tilespmem:$0x1C440] =	vst v63  }
0x276: {  	s21 =	sld [smem:$0x7F4]  }
0x277: {  	[tilespmem:s9], [sflag:$0x1] =	stream.indirect.gather [spmem:s2], $0x40, s0, s6, $0xb8;
	[tilespmem:$0x1C440] =	vst v63  }
0x278: {  	_ = 	snop  }
0x279: {  	[tilespmem:s10], [sflag:$0x1] =	stream.indirect.gather [spmem:s2], $0x40, s21, s6, $0xb8;
	[tilespmem:$0x1C440] =	vst v63  }
0x27a: {  	_ =	swait.ge [sflag:s18], $0x8000  }
0x27b: {  	[sflag:s18] =	ssyncset.done $0x0  }
0x27c: {  	s21 =	rddreg [dreg:$0x14];
	[sflag:s18] =	ssyncadd.s32 $0xFFFF8000  }
0x27d: {  	[hbm4b:s21+s16] =	stream.strided.scatter [tilespmem:s11], [sflag:$0x4], $0x8000, s6, s16, $0x38;
	[tilespmem:$0x1C440] =	vst v63  }
0x27e: {  	_ =	swait.ge [sflag:s19], $0x8000  }
0x27f: {  	s20 =	sld [smem:$0x7F5]  }
0x280: {  	[sflag:s19] =	ssyncset.done $0x0  }
0x281: {  	s21 =	sld [smem:$0x7F6];
	[sflag:s19] =	ssyncadd.s32 $0xFFFF8000  }
0x282: {  	[tilespmem:s11], [sflag:$0x2] =	stream.indirect.gather [spmem:s2], $0x40, s20, s6, $0xb8;
	[tilespmem:$0x1C440] =	vst v63  }
0x283: {  	s0 =	sld [smem:$0x7F7]  }
0x284: {  	[tilespmem:s12], [sflag:$0x2] =	stream.indirect.gather [spmem:s2], $0x40, s21, s6, $0xb8;
	[tilespmem:$0x1C440] =	vst v63  }
0x285: {  	s21 =	sld [smem:$0x7F8]  }
0x286: {  	[tilespmem:s13], [sflag:$0x2] =	stream.indirect.gather [spmem:s2], $0x40, s0, s6, $0xb8;
	[tilespmem:$0x1C440] =	vst v63  }
0x287: {  	_ = 	snop  }
0x288: {  	[tilespmem:s14], [sflag:$0x2] =	stream.indirect.gather [spmem:s2], $0x40, s21, s6, $0xb8;
	[tilespmem:$0x1C440] =	vst v63  }
0x289: {  	_ =	swait.ge [sflag:s15], $0x8000  }
0x28a: {  	[sflag:s15] =	ssyncset.done $0x0  }
0x28b: {  	s21 =	rddreg [dreg:$0x15];
	[sflag:s15] =	ssyncadd.s32 $0xFFFF8000  }
0x28c: {  	[hbm4b:s21+s16] =	stream.strided.scatter [tilespmem:s7], [sflag:$0x3], $0x8000, s6, s16, $0x38;
	[tilespmem:$0x1C440] =	vst v63  }
0x28d: {  	_ =	swait.ge [sflag:s17], $0x8000  }
0x28e: {  	s20 =	sld [smem:$0x7F9]  }
0x28f: {  	[sflag:s17] =	ssyncset.done $0x0  }
0x290: {  	s21 =	sld [smem:$0x7FA];
	[sflag:s17] =	ssyncadd.s32 $0xFFFF8000  }
0x291: {  	[tilespmem:s7], [sflag:$0x1] =	stream.indirect.gather [spmem:s2], $0x40, s20, s6, $0xb8;
	[tilespmem:$0x1C440] =	vst v63  }
0x292: {  	s0 =	sld [smem:$0x7FB]  }
0x293: {  	[tilespmem:s8], [sflag:$0x1] =	stream.indirect.gather [spmem:s2], $0x40, s21, s6, $0xb8;
	[tilespmem:$0x1C440] =	vst v63  }
0x294: {  	s21 =	sld [smem:$0x7FC]  }
0x295: {  	[tilespmem:s9], [sflag:$0x1] =	stream.indirect.gather [spmem:s2], $0x40, s0, s6, $0xb8;
	[tilespmem:$0x1C440] =	vst v63  }
0x296: {  	_ = 	snop  }
0x297: {  	[tilespmem:s10], [sflag:$0x1] =	stream.indirect.gather [spmem:s2], $0x40, s21, s6, $0xb8;
	[tilespmem:$0x1C440] =	vst v63  }
0x298: {  	_ =	swait.ge [sflag:s18], $0x8000  }
0x299: {  	[sflag:s18] =	ssyncset.done $0x0  }
0x29a: {  	s20 =	rddreg [dreg:$0x16];
	[sflag:s18] =	ssyncadd.s32 $0xFFFF8000  }
0x29b: {  	[hbm4b:s20+s16] =	stream.strided.scatter [tilespmem:s11], [sflag:$0x4], $0x8000, s6, s16, $0x38;
	[tilespmem:$0x1C440] =	vst v63  }
0x29c: {  	_ =	swait.ge [sflag:s19], $0x8000  }
0x29d: {  	s21 =	sld [smem:$0x7FD]  }
0x29e: {  	[sflag:s19] =	ssyncset.done $0x0  }
0x29f: {  	[sflag:s19] =	ssyncadd.s32 $0xFFFF8000  }
0x2a0: {  	[tilespmem:s11], [sflag:$0x2] =	stream.indirect.gather [spmem:s2], $0x40, s21, s6, $0xb8;
	[tilespmem:$0x1C440] =	vst v63  }
0x2a1: {  	s20 =	simm.s32 $0x2280  }
0x2a2: {  	[tilespmem:s12], [sflag:$0x2] =	stream.indirect.gather [spmem:s2], $0x40, s20, s6, $0xb8;
	[tilespmem:$0x1C440] =	vst v63  }
0x2a3: {  	s21 =	simm.s32 $0x2300  }
0x2a4: {  	[tilespmem:s13], [sflag:$0x2] =	stream.indirect.gather [spmem:s2], $0x40, s21, s6, $0xb8;
	[tilespmem:$0x1C440] =	vst v63  }
0x2a5: {  	_ = 	snop  }
0x2a6: {  	[tilespmem:s14], [sflag:$0x2] =	stream.indirect.gather [spmem:s2], $0x40, s22, s6, $0xb8;
	[tilespmem:$0x1C440] =	vst v63  }
0x2a7: {  	_ =	swait.ge [sflag:s15], $0x8000  }
0x2a8: {  	[sflag:s15] =	ssyncset.done $0x0  }
0x2a9: {  	s20 =	rddreg [dreg:$0x17];
	[sflag:s15] =	ssyncadd.s32 $0xFFFF8000  }
0x2aa: {  	[hbm4b:s20+s16] =	stream.strided.scatter [tilespmem:s7], [sflag:$0x3], $0x8000, s6, s16, $0x38;
	[tilespmem:$0x1C440] =	vst v63  }
0x2ab: {  	_ =	swait.ge [sflag:s17], $0x8000  }
0x2ac: {  	[sflag:s17] =	ssyncset.done $0x0  }
0x2ad: {  	[sflag:s17] =	ssyncadd.s32 $0xFFFF8000  }
0x2ae: {  	[tilespmem:s7], [sflag:$0x1] =	stream.indirect.gather [spmem:s2], $0x40, s23, s6, $0xb8;
	[tilespmem:$0x1C440] =	vst v63  }
0x2af: {  	_ = 	snop  }
0x2b0: {  	[tilespmem:s8], [sflag:$0x1] =	stream.indirect.gather [spmem:s2], $0x40, s24, s6, $0xb8;
	[tilespmem:$0x1C440] =	vst v63  }
0x2b1: {  	_ = 	snop  }
0x2b2: {  	[tilespmem:s9], [sflag:$0x1] =	stream.indirect.gather [spmem:s2], $0x40, s25, s6, $0xb8;
	[tilespmem:$0x1C440] =	vst v63  }
0x2b3: {  	_ = 	snop  }
0x2b4: {  	[tilespmem:s10], [sflag:$0x1] =	stream.indirect.gather [spmem:s2], $0x40, s26, s6, $0xb8;
	[tilespmem:$0x1C440] =	vst v63  }
0x2b5: {  	_ =	swait.ge [sflag:s18], $0x8000  }
0x2b6: {  	[sflag:s18] =	ssyncset.done $0x0  }
0x2b7: {  	s21 =	rddreg [dreg:$0x18];
	[sflag:s18] =	ssyncadd.s32 $0xFFFF8000  }
0x2b8: {  	[hbm4b:s21+s16] =	stream.strided.scatter [tilespmem:s11], [sflag:$0x4], $0x8000, s6, s16, $0x38;
	[tilespmem:$0x1C440] =	vst v63  }
0x2b9: {  	_ =	swait.ge [sflag:s19], $0x8000  }
0x2ba: {  	[sflag:s19] =	ssyncset.done $0x0  }
0x2bb: {  	[sflag:s19] =	ssyncadd.s32 $0xFFFF8000  }
0x2bc: {  	[tilespmem:s11], [sflag:$0x2] =	stream.indirect.gather [spmem:s2], $0x40, s28, s6, $0xb8;
	[tilespmem:$0x1C440] =	vst v63  }
0x2bd: {  	_ = 	snop  }
0x2be: {  	[tilespmem:s12], [sflag:$0x2] =	stream.indirect.gather [spmem:s2], $0x40, s29, s6, $0xb8;
	[tilespmem:$0x1C440] =	vst v63  }
0x2bf: {  	_ = 	snop  }
0x2c0: {  	[tilespmem:s13], [sflag:$0x2] =	stream.indirect.gather [spmem:s2], $0x40, s30, s6, $0xb8;
	[tilespmem:$0x1C440] =	vst v63  }
0x2c1: {  	_ = 	snop  }
0x2c2: {  	[tilespmem:s14], [sflag:$0x2] =	stream.indirect.gather [spmem:s2], $0x40, s31, s6, $0xb8;
	[tilespmem:$0x1C440] =	vst v63  }
0x2c3: {  	_ =	swait.ge [sflag:s15], $0x8000  }
0x2c4: {  	[sflag:s15] =	ssyncset.done $0x0  }
0x2c5: {  	s20 =	rddreg [dreg:$0x19];
	[sflag:s15] =	ssyncadd.s32 $0xFFFF8000  }
0x2c6: {  	[hbm4b:s20+s16] =	stream.strided.scatter [tilespmem:s7], [sflag:$0x3], $0x8000, s6, s16, $0x38;
	[tilespmem:$0x1C440] =	vst v63  }
0x2c7: {  	_ =	swait.ge [sflag:s17], $0x8000  }
0x2c8: {  	p0 =	sne.s32 s1, $0x1;
	[sflag:s17] =	ssyncset.done $0x0  }
.Ltmp1:
0x2c9: {  	[sflag:s17] =	ssyncadd.s32 $0xFFFF8000;
	(pc) =	sbr.rel @p0 .LBB2_1-.Ltmp1, $4  }
0x2ca: {  	_ =	swait.ge [sflag:s18], $0x8000  }
0x2cb: {  	[sflag:s18] =	ssyncset.done $0x0  }
0x2cc: {  	s1 =	sadd.s32 $0xFFFFFFFF, s1;
	s21 =	rddreg [dreg:$0x1a];
	[sflag:s18] =	ssyncadd.s32 $0xFFFF8000  }
0x2cd: {  	[hbm4b:s21+s16] =	stream.strided.scatter [tilespmem:s11], [sflag:$0x4], $0x8000, s6, s16, $0x38;
	[tilespmem:$0x1C440] =	vst v63  }
.LBB2_2:
0x2ce: {  	_ =	swait.ge [sflag:s19], $0x8000  }
0x2cf: {  	[sflag:s19] =	ssyncset.done $0x0  }
0x2d0: {  	[sflag:s19] =	ssyncadd.s32 $0xFFFF8000  }
0x2d1: {  	_ =	sfence.sel $0x180000  }
0x2d2: {  	[bflag:$0x0] =	sbarrier.arrive $0xFFFF  }
0x2d3: {  	_ =	strace $0x9000004D  }
0x2d4: {  	s0 =	stileid.u32;
	[bflag:$0x2] =	sbarrier.arrive $0xFFFF  }
0x2d5: {  	p0 =	sne.s32 s0, $0x0;
	s0 =	rddreg [dreg:$0x2]  }
0x2d6: {  	s0 =	sadd.s32 @!p0 $0x100000, s0  }
0x2d7: {  	[sflag:s0] =	ssyncadd.tile.s32 @!p0 $0x1;
	_ =	shalt  }
.Lfunc_end2:
_tile_overlayer_lowered:
.L_overlay_start_2:
0x2d8: {  	(tag) =	ssettag $0x2  }
0x2d9: {  	s0 =	rddreg [dreg:$0x0];
	s2 =	stileid.u32  }
0x2da: {  	s1 =	rddreg [dreg:$0x1];
	p0 =	sne.s32 s2, $0x0  }
0x2db: {  	s3 =	rddreg [dreg:$0x2];
	[bflag:$0x3] =	sbarrier.arrive $0xFFFF;
	s2 =	simm.s32 @!p0 $0x1C05  }
0x2dc: {  	[timem:s3], [sflag:s2] =	dma.local @!p0 [hbm:s0], s1  }
0x2dd: {  	s0 =	simm.s32 @!p0 $0x5  }
0x2de: {  	_ =	swait.ge @!p0 [sflag:s0], s1  }
0x2df: {  	s1 =	ssub.s32 @!p0 $0x0, s1;
	[sflag:s0] =	ssyncset.done @!p0 $0x0  }
0x2e0: {  	[sflag:s0] =	ssyncadd.s32 @!p0 s1  }
0x2e1: {  	[bflag:$0x3] =	sbarrier.arrive $0xFFFF  }
0x2e2: {  	_ =	shalt  }

</sc_bundles>
